<compile_context>
chip_gen: v7x
topology: tpu7x:2x2x1
jax: 0.10.2.dev20260603
libtpu: 0.0.44.dev20260713+nightly
codegen_flags: <defaults>
</compile_context>

<pallas_src>
import functools

import jax
import jax.numpy as jnp
from jax import lax
from jax.experimental import pallas as pl
from jax.experimental.pallas import tpu as pltpu
from jax.experimental.pallas import tpu_sc as plsc

NC = 2
NS = 16
NW = NC * NS
SUB = 80
KSUB = 5
MACRO = KSUB * SUB
F = 16
NP = 51200

_mesh = functools.partial(
    plsc.VectorSubcoreMesh, core_axis_name="c", subcore_axis_name="s")
_SC_PARAMS = pltpu.CompilerParams(use_tc_tiling_on_sc=False)


def _lrelu(v, s):
  return jnp.where(v >= 0, v, s * v)


def _vperm(x, idx):
  dnums = lax.GatherDimensionNumbers(
      offset_dims=(), collapsed_slice_dims=(0,), start_index_map=(0,))
  return lax.gather(x, idx[:, None], dnums, (1,),
                    mode=lax.GatherScatterMode.PROMISE_IN_BOUNDS)


def _sc_gat_layer(xl, xr, src3, dst3, att_t, cons):
  NB = src3.shape[0]
  RPT = NP // NS

  NIT = NB // NW
  assert NB % NW == 0

  @functools.partial(
      pl.kernel,
      out_type=jax.ShapeDtypeStruct((NC, 2, NP, F), jnp.float32),
      mesh=_mesh(),
      scratch_types=[
          pltpu.VMEM((KSUB, SUB), jnp.int32),
          pltpu.VMEM((2, KSUB, SUB), jnp.int32),
          pltpu.VMEM((2, MACRO), jnp.float32),
          pltpu.VMEM((2, MACRO), jnp.float32),
          pltpu.VMEM((2, MACRO, F), jnp.float32),
          pltpu.VMEM((2, MACRO, F), jnp.float32),
          pltpu.VMEM((8, F), jnp.float32),
          pltpu.VMEM_SHARED((NP, F), jnp.float32),
          pltpu.VMEM_SHARED((NP, F), jnp.float32),
          pltpu.SemaphoreType.DMA,
          pltpu.SemaphoreType.DMA,
      ],
      compiler_params=_SC_PARAMS,
  )
  def k(xl_h, xr_h, src_h, dst_h, att_h, cons_h, out_h,
        sidx, didx, a0v, a1v, lrows, rrows, consv, accn, accd, gsem, ssem):
    cid = lax.axis_index("c")
    sid = lax.axis_index("s")
    wid = sid * NC + cid

    pltpu.sync_copy(cons_h, consv)
    we0 = consv[0, :]
    we1 = consv[1, :]
    atf = consv[2, :]
    lane = lax.iota(jnp.int32, 16)
    perms = [lane ^ d for d in (1, 2, 4)]

    def zb(i, carry):
      lrows[0, i, :] = jnp.zeros((F,), jnp.float32)
      return carry

    lax.fori_loop(0, MACRO, zb, 0)

    def zcopy(i, carry):
      sl = pl.ds((sid * (RPT // MACRO) + i) * MACRO, MACRO)
      pltpu.sync_copy(lrows.at[0], accn.at[sl])
      pltpu.sync_copy(lrows.at[0], accd.at[sl])
      return carry

    lax.fori_loop(0, RPT // MACRO, zcopy, 0)
    plsc.subcore_barrier()

    def fire(blkb, r):
      base = blkb * MACRO
      pltpu.sync_copy(src_h.at[blkb], sidx)
      pltpu.sync_copy(dst_h.at[blkb], didx.at[r])
      pltpu.async_copy(att_h.at[0, pl.ds(base, MACRO)], a0v.at[r], gsem)
      pltpu.async_copy(att_h.at[1, pl.ds(base, MACRO)], a1v.at[r], gsem)
      for q in range(KSUB):
        pltpu.async_copy(
            xl_h.at[sidx.at[q]], lrows.at[r, pl.ds(q * SUB, SUB)], gsem)
        pltpu.async_copy(
            xr_h.at[didx.at[r, q]], rrows.at[r, pl.ds(q * SUB, SUB)], gsem)

    def drain_g():
      pltpu.make_async_copy(att_h.at[0, pl.ds(0, MACRO)], a0v.at[0],
                            gsem).wait()
      pltpu.make_async_copy(att_h.at[1, pl.ds(0, MACRO)], a1v.at[0],
                            gsem).wait()
      for q in range(2 * KSUB):
        pltpu.make_async_copy(xl_h.at[sidx.at[0]],
                              lrows.at[0, pl.ds(0, SUB)], gsem).wait()

    def drain_s():
      for q in range(2 * KSUB):
        pltpu.make_async_copy(lrows.at[0, pl.ds(0, SUB)],
                              accn.at[didx.at[0, 0]], ssem).wait()

    fire(wid, 0)

    def body(j, carry):
      p = j % 2
      drain_g()

      @pl.when(j > 0)
      def _():
        drain_s()

      @pl.when(j + 1 < NIT)
      def _():
        fire(wid + (j + 1) * NW, 1 - p)

      @plsc.parallel_loop(0, MACRO, unroll=4)
      def inner(e):
        g16 = (e // 16) * 16
        bidx = jnp.full((16,), e % 16, dtype=jnp.int32)
        a0 = _vperm(a0v[p, pl.ds(g16, 16)], bidx)
        a1 = _vperm(a1v[p, pl.ds(g16, 16)], bidx)
        lrow = lrows[p, e, :]
        v = lrow + rrows[p, e, :] + a0 * we0 + a1 * we1
        m = jnp.maximum(v, 0.2 * v)
        t = m * atf
        for pp in perms:
          t = t + _vperm(t, pp)
        t = jnp.clip(t, -60.0, 60.0)
        ev = jnp.exp(t)
        lrows[p, e, :] = lrow * ev
        rrows[p, e, :] = ev

      for q in range(KSUB):
        pltpu.async_copy(lrows.at[p, pl.ds(q * SUB, SUB)],
                         accn.at[didx.at[p, q]], ssem, add=True)
        pltpu.async_copy(rrows.at[p, pl.ds(q * SUB, SUB)],
                         accd.at[didx.at[p, q]], ssem, add=True)
      return carry

    lax.fori_loop(0, NIT, body, 0)
    drain_s()
    plsc.subcore_barrier()
    sl = pl.ds(sid * RPT, RPT)
    pltpu.sync_copy(accn.at[sl], out_h.at[cid, 0, sl])
    pltpu.sync_copy(accd.at[sl], out_h.at[cid, 1, sl])

  return k(xl, xr, src3, dst3, att_t, cons)




def _dot(a, b):
  return jnp.dot(a, b, preferred_element_type=jnp.float32)


def _tc_node_prep(x8, w1, b1, w2, b2, wl, wr):
  BLK = 1024
  G = NP // BLK

  def body(x_r, w1_r, b1_r, w2_r, b2_r, wl_r, wr_r, ol_r, or_r):
    h = _lrelu(_dot(x_r[...], w1_r[...]) + b1_r[...], 0.1)
    h = _lrelu(_dot(h, w2_r[...]) + b2_r[...], 0.1)
    ol_r[...] = _dot(h, wl_r[...])
    or_r[...] = _dot(h, wr_r[...])

  full = lambda a: pl.BlockSpec(a.shape, lambda i: (0, 0))
  return pl.pallas_call(
      body,
      grid=(G,),
      in_specs=[pl.BlockSpec((BLK, 8), lambda i: (i, 0)),
                full(w1), full(b1), full(w2), full(b2), full(wl), full(wr)],
      out_specs=[pl.BlockSpec((BLK, F), lambda i: (i, 0))] * 2,
      out_shape=[jax.ShapeDtypeStruct((NP, F), jnp.float32)] * 2,
  )(x8, w1, b1, w2, b2, wl, wr)


def _tc_combine(n0, n1, d0, d1, bg, wl, wr):
  BLK = 1024
  G = NP // BLK

  def body(n0_r, n1_r, d0_r, d1_r, bg_r, wl_r, wr_r, ol_r, or_r):
    h = (n0_r[...] + n1_r[...]) / (d0_r[...] + d1_r[...] + 1e-16) + bg_r[...]
    h = jnp.where(h > 0, h, jnp.exp(jnp.minimum(h, 0.0)) - 1.0)
    ol_r[...] = _dot(h, wl_r[...])
    or_r[...] = _dot(h, wr_r[...])

  full = lambda a: pl.BlockSpec(a.shape, lambda i: (0, 0))
  blk = pl.BlockSpec((BLK, F), lambda i: (i, 0))
  return pl.pallas_call(
      body,
      grid=(G,),
      in_specs=[blk, blk, blk, blk, full(bg), full(wl), full(wr)],
      out_specs=[pl.BlockSpec((BLK, F), lambda i: (i, 0))] * 2,
      out_shape=[jax.ShapeDtypeStruct((NP, F), jnp.float32)] * 2,
  )(n0, n1, d0, d1, bg, wl, wr)


def _tc_node_sum(n0, n1, d0, d1, bg, n_valid):
  BLK = 1024
  G = NP // BLK

  def body(n0_r, n1_r, d0_r, d1_r, bg_r, o_r):
    i = pl.program_id(0)
    h = (n0_r[...] + n1_r[...]) / (d0_r[...] + d1_r[...] + 1e-16) + bg_r[...]
    rid = i * BLK + lax.broadcasted_iota(jnp.int32, (BLK, F), 0)
    h = jnp.where(rid < n_valid, h, 0.0)
    part = jnp.sum(h, axis=0, keepdims=True)

    @pl.when(i == 0)
    def _():
      o_r[...] = jnp.zeros((1, F), jnp.float32)

    o_r[...] += part

  full = lambda a: pl.BlockSpec(a.shape, lambda i: (0, 0))
  blk = pl.BlockSpec((BLK, F), lambda i: (i, 0))
  return pl.pallas_call(
      body,
      grid=(G,),
      in_specs=[blk, blk, blk, blk, full(bg)],
      out_specs=pl.BlockSpec((1, F), lambda i: (0, 0)),
      out_shape=jax.ShapeDtypeStruct((1, F), jnp.float32),
  )(n0, n1, d0, d1, bg)


def _tc_head(g, meta, wp1, bp1, wp2, bp2, wm, bm, wf1, bf1, wf2, bf2, wf3, bf3):
  args = (g, meta, wp1, bp1, wp2, bp2, wm, bm, wf1, bf1, wf2, bf2, wf3, bf3)

  def body(g_r, mt_r, wp1_r, bp1_r, wp2_r, bp2_r, wm_r, bm_r,
           wf1_r, bf1_r, wf2_r, bf2_r, wf3_r, bf3_r, o_r):
    gg = jnp.maximum(_dot(g_r[...], wp1_r[...]) + bp1_r[...], 0.0)
    gg = _dot(gg, wp2_r[...]) + bp2_r[...]
    mm = jnp.maximum(_dot(mt_r[...], wm_r[...]) + bm_r[...], 0.0)
    z = jnp.concatenate([gg, mm], axis=1)
    z = _lrelu(_dot(z, wf1_r[...]) + bf1_r[...], 0.1)
    z = _lrelu(_dot(z, wf2_r[...]) + bf2_r[...], 0.1)
    z = _dot(z, wf3_r[...]) + bf3_r[...]
    zmax = jnp.max(z, axis=1, keepdims=True)
    e = jnp.exp(z - zmax)
    o_r[...] = e / jnp.sum(e, axis=1, keepdims=True)

  full = lambda a: pl.BlockSpec(a.shape, lambda i: tuple(0 for _ in a.shape))
  return pl.pallas_call(
      body,
      grid=(1,),
      in_specs=[full(a) for a in args],
      out_specs=pl.BlockSpec((1, 3), lambda i: (0, 0)),
      out_shape=jax.ShapeDtypeStruct((1, 3), jnp.float32),
  )(*args)


def kernel(x, edge_index, edge_attr, meta_data, W1, b1, W2, b2,
           Wl1, Wr1, We1, att1, bg1, Wl2, Wr2, We2, att2, bg2,
           Wp1, bp1, Wp2, bp2, Wm, bm, Wf1, bf1, Wf2, bf2, Wf3, bf3):
  N = x.shape[0]
  E = edge_index.shape[1]

  x8 = jnp.pad(x.astype(jnp.float32), ((0, NP - N), (0, 8 - x.shape[1])))
  w1p = jnp.pad(W1, ((0, 8 - W1.shape[0]), (0, 0)))
  src3 = edge_index[0].astype(jnp.int32).reshape(E // MACRO, KSUB, SUB)
  dst3 = edge_index[1].astype(jnp.int32).reshape(E // MACRO, KSUB, SUB)
  zpad = jnp.zeros((5, F), jnp.float32)
  cons1 = jnp.concatenate([We1, att1.reshape(1, F), zpad], axis=0)
  cons2 = jnp.concatenate([We2, att2.reshape(1, F), zpad], axis=0)
  r2 = lambda v: v.reshape(1, -1)

  att_t = edge_attr.T
  xl1, xr1 = _tc_node_prep(x8, w1p, r2(b1), W2, r2(b2), Wl1, Wr1)
  part1 = _sc_gat_layer(xl1, xr1, src3, dst3, att_t, cons1)
  xl2, xr2 = _tc_combine(part1[0, 0], part1[1, 0], part1[0, 1], part1[1, 1],
                         r2(bg1), Wl2, Wr2)
  part2 = _sc_gat_layer(xl2, xr2, src3, dst3, att_t, cons2)
  g = _tc_node_sum(part2[0, 0], part2[1, 0], part2[0, 1], part2[1, 1],
                   r2(bg2), N)
  return _tc_head(g, meta_data.reshape(1, -1), Wp1, r2(bp1), Wp2, r2(bp2),
                  Wm, r2(bm), Wf1, r2(bf1), Wf2, r2(bf2), Wf3, r2(bf3))

# --- scband reference (transcript-rebuilt; emitter-appended) ---
"""Pipeline reference for scband-sports-gnn-2001454760227 (READ-ONLY COPY).

The authoritative reference and input builder live on the scoring server;
editing this copy changes nothing except your own understanding.
"""

import jax, jax.numpy as jnp
import numpy as np

HEADS = 2
OUT = 8

def _gatv2(x, edge_index, edge_attr, Wl, Wr, We, att, bias):
    src = edge_index[0]
    dst = edge_index[1]
    N = x.shape[0]
    xl = (x @ Wl).reshape(N, HEADS, OUT)
    xr = (x @ Wr).reshape(N, HEADS, OUT)
    ee = (edge_attr @ We).reshape(-1, HEADS, OUT)
    m = jax.nn.leaky_relu(xl[src] + xr[dst] + ee, 0.2)
    logits = (m * att[None, :, :]).sum(-1)
    lmax = jax.lax.stop_gradient(jax.ops.segment_max(logits, dst, num_segments=N))
    lmax = jnp.where(jnp.isfinite(lmax), lmax, 0.0)
    ex = jnp.exp(logits - lmax[dst])
    denom = jax.ops.segment_sum(ex, dst, num_segments=N)
    alpha = ex / (denom[dst] + 1e-16)
    out = jax.ops.segment_sum(xl[src] * alpha[:, :, None], dst, num_segments=N)
    return out.reshape(N, HEADS * OUT) + bias

def setup_inputs(seed: int = 0):
    key = jax.random.key(seed)
    ks = jax.random.split(key, 40)
    N = 50000
    E = 1600000
    def lin(k, fi, fo):
        return (jax.random.normal(k, (fi, fo), jnp.float32) / np.sqrt(fi)).astype(jnp.float32)
    inp = {}
    inp['x'] = jax.random.normal(ks[0], (N, 3), jnp.float32)
    inp['edge_index'] = jax.random.randint(ks[1], (2, E), 0, N)
    inp['edge_attr'] = jax.random.normal(ks[2], (E, 2), jnp.float32)
    inp['meta_data'] = jax.random.normal(ks[3], (6,), jnp.float32)
    inp['W1'] = lin(ks[4], 3, 8); inp['b1'] = jnp.zeros((8,), jnp.float32)
    inp['W2'] = lin(ks[5], 8, 8); inp['b2'] = jnp.zeros((8,), jnp.float32)
    inp['Wl1'] = lin(ks[6], 8, 16); inp['Wr1'] = lin(ks[7], 8, 16)
    inp['We1'] = lin(ks[8], 2, 16)
    inp['att1'] = lin(ks[9], HEADS, OUT); inp['bg1'] = jnp.zeros((16,), jnp.float32)
    inp['Wl2'] = lin(ks[10], 16, 16); inp['Wr2'] = lin(ks[11], 16, 16)
    inp['We2'] = lin(ks[12], 2, 16)
    inp['att2'] = lin(ks[13], HEADS, OUT); inp['bg2'] = jnp.zeros((16,), jnp.float32)
    inp['Wp1'] = lin(ks[14], 16, 64); inp['bp1'] = jnp.zeros((64,), jnp.float32)
    inp['Wp2'] = lin(ks[15], 64, 16); inp['bp2'] = jnp.zeros((16,), jnp.float32)
    inp['Wm'] = lin(ks[16], 6, 8); inp['bm'] = jnp.zeros((8,), jnp.float32)
    inp['Wf1'] = lin(ks[17], 24, 24); inp['bf1'] = jnp.zeros((24,), jnp.float32)
    inp['Wf2'] = lin(ks[18], 24, 8); inp['bf2'] = jnp.zeros((8,), jnp.float32)
    inp['Wf3'] = lin(ks[19], 8, 3); inp['bf3'] = jnp.zeros((3,), jnp.float32)
    return inp

def reference(x, edge_index, edge_attr, meta_data, W1, b1, W2, b2, Wl1, Wr1, We1, att1, bg1, Wl2, Wr2, We2, att2, bg2, Wp1, bp1, Wp2, bp2, Wm, bm, Wf1, bf1, Wf2, bf2, Wf3, bf3):
    h = jax.nn.leaky_relu(x @ W1 + b1, 0.1)
    h = jax.nn.leaky_relu(h @ W2 + b2, 0.1)
    h = jax.nn.elu(_gatv2(h, edge_index, edge_attr, Wl1, Wr1, We1, att1, bg1))
    h = _gatv2(h, edge_index, edge_attr, Wl2, Wr2, We2, att2, bg2)
    g = h.sum(axis=0)
    g = jax.nn.relu(g @ Wp1 + bp1)
    g = g @ Wp2 + bp2
    m = jax.nn.relu(meta_data @ Wm + bm)
    z = jnp.concatenate([g, m], axis=0)
    z = jax.nn.leaky_relu(z @ Wf1 + bf1, 0.1)
    z = jax.nn.leaky_relu(z @ Wf2 + bf2, 0.1)
    z = z @ Wf3 + bf3
    return jax.nn.softmax(z[None, :], axis=1)

if __name__ == "__main__":
    import jax
    _d = setup_inputs()
    print(jax.jit(kernel)(*tuple(_d.values())))

</pallas_src>

<mosaic_0001>
#map = affine_map<(d0, d1) -> (0, 0)>
#map1 = affine_map<(d0, d1) -> (0, 0, 0)>
#map2 = affine_map<(d0, d1) -> (0, 0, 0, 0)>
module attributes {stable_mosaic.version = 14 : i64} {
  func.func @k(%arg0: i32, %arg1: i32, %arg2: memref<51200x16xf32, #tpu.memory_space<hbm>>, %arg3: memref<51200x16xf32, #tpu.memory_space<hbm>>, %arg4: memref<4000x5x80xi32, #tpu.memory_space<hbm>>, %arg5: memref<4000x5x80xi32, #tpu.memory_space<hbm>>, %arg6: memref<2x1600000xf32, #tpu.memory_space<hbm>>, %arg7: memref<8x16xf32, #tpu.memory_space<hbm>>, %arg8: memref<2x2x51200x16xf32, #tpu.memory_space<hbm>>, %arg9: memref<5x80xi32, #tpu.memory_space<vmem>>, %arg10: memref<2x5x80xi32, #tpu.memory_space<vmem>>, %arg11: memref<2x400xf32, #tpu.memory_space<vmem>>, %arg12: memref<2x400xf32, #tpu.memory_space<vmem>>, %arg13: memref<2x400x16xf32, #tpu.memory_space<vmem>>, %arg14: memref<2x400x16xf32, #tpu.memory_space<vmem>>, %arg15: memref<8x16xf32, #tpu.memory_space<vmem>>, %arg16: memref<51200x16xf32, #tpu.memory_space<vmem_shared>>, %arg17: memref<51200x16xf32, #tpu.memory_space<vmem_shared>>, %arg18: memref<!tpu.dma_semaphore, #tpu.memory_space<semaphore_mem>>, %arg19: memref<!tpu.dma_semaphore, #tpu.memory_space<semaphore_mem>>) attributes {dimension_semantics = [#tpu.dimension_semantics<core_parallel>, #tpu.dimension_semantics<subcore_parallel>], iteration_bounds = array<i64: 2, 16>, scalar_prefetch = 0 : i64, scratch_operands = 11 : i64, tpu.core_type = #tpu.core_type<sc_vector_subcore>, window_params = [{transform_indices = #map}, {transform_indices = #map}, {transform_indices = #map1}, {transform_indices = #map1}, {transform_indices = #map}, {transform_indices = #map}, {transform_indices = #map2}]} {
    %mul3A = arith.constant 2 : i32
    %mul3A_0 = arith.muli %arg1, %mul3A : i32
    %add3A = arith.addi %mul3A_0, %arg0 : i32
    "tpu.region"() ({
      %run_scoped3A_324 = tpu.sem_alloc : memref<!tpu.dma_semaphore, #tpu.memory_space<semaphore_mem>>
      tpu.enqueue_dma source(%arg7 : memref<8x16xf32, #tpu.memory_space<hbm>>) target(%arg15 : memref<8x16xf32, #tpu.memory_space<vmem>>) target_semaphore(%run_scoped3A_324 : memref<!tpu.dma_semaphore, #tpu.memory_space<semaphore_mem>>)
      tpu.wait_dma2 semaphore(%run_scoped3A_324 : memref<!tpu.dma_semaphore, #tpu.memory_space<semaphore_mem>>) src(%arg7 : memref<8x16xf32, #tpu.memory_space<hbm>>) dst(%arg15 : memref<8x16xf32, #tpu.memory_space<vmem>>)
      tpu.yield
    }) : () -> ()
    %get3A = arith.constant 0 : i32
    %get3A_1 = arith.index_cast %get3A : i32 to index
    %get3A_2 = arith.constant 0 : index
    %get3A_3 = tpu.vector_load %arg15[%get3A_1, %get3A_2] {strides = array<i32>} : memref<8x16xf32, #tpu.memory_space<vmem>>, vector<1x16xf32>,
    %get3A_4 = vector.shape_cast %get3A_3 : vector<1x16xf32> to vector<16xf32>
    %get3A_5 = arith.constant 1 : i32
    %get3A_6 = arith.index_cast %get3A_5 : i32 to index
    %get3A_7 = arith.constant 0 : index
    %get3A_8 = tpu.vector_load %arg15[%get3A_6, %get3A_7] {strides = array<i32>} : memref<8x16xf32, #tpu.memory_space<vmem>>, vector<1x16xf32>,
    %get3A_9 = vector.shape_cast %get3A_8 : vector<1x16xf32> to vector<16xf32>
    %get3A_10 = arith.constant 2 : i32
    %get3A_11 = arith.index_cast %get3A_10 : i32 to index
    %get3A_12 = arith.constant 0 : index
    %get3A_13 = tpu.vector_load %arg15[%get3A_11, %get3A_12] {strides = array<i32>} : memref<8x16xf32, #tpu.memory_space<vmem>>, vector<1x16xf32>,
    %get3A_14 = vector.shape_cast %get3A_13 : vector<1x16xf32> to vector<16xf32>
    %iota3A = tpu.iota {dimensions = array<i32: 0>} : vector<16xi32>
    %xor3A = arith.constant 1 : i32
    %xor3A_15 = vector.broadcast %xor3A : i32 to vector<16xi32>
    %xor3A_16 = arith.xori %iota3A, %xor3A_15 : vector<16xi32>
    %xor3A_17 = arith.constant 2 : i32
    %xor3A_18 = vector.broadcast %xor3A_17 : i32 to vector<16xi32>
    %xor3A_19 = arith.xori %iota3A, %xor3A_18 : vector<16xi32>
    %xor3A_20 = arith.constant 4 : i32
    %xor3A_21 = vector.broadcast %xor3A_20 : i32 to vector<16xi32>
    %xor3A_22 = arith.xori %iota3A, %xor3A_21 : vector<16xi32>
    %scan3A = arith.constant 0 : i32
    %scan3A_23 = arith.constant 0 : i32
    %scan3A_24 = arith.constant 400 : i32
    %scan3A_25 = arith.addi %scan3A_23, %scan3A_24 : i32
    %scan3A_26 = arith.constant 1 : i32
    scf.for %scan3A_324 = %scan3A_23 to %scan3A_25 step %scan3A_26  : i32 {
      %broadcast_in_dim3A = arith.constant 0.000000e+00 : f32
      %broadcast_in_dim3A_325 = vector.broadcast %broadcast_in_dim3A : f32 to vector<16xf32>
      %swap3A = arith.constant 0 : i32
      %swap3A_326 = arith.index_cast %swap3A : i32 to index
      %swap3A_327 = arith.index_cast %scan3A_324 : i32 to index
      %swap3A_328 = arith.constant 0 : index
      %swap3A_329 = tpu.vector_load %arg13[%swap3A_326, %swap3A_327, %swap3A_328] {strides = array<i32>} : memref<2x400x16xf32, #tpu.memory_space<vmem>>, vector<1x1x16xf32>,
      %swap3A_330 = vector.shape_cast %swap3A_329 : vector<1x1x16xf32> to vector<16xf32>
      %swap3A_331 = vector.shape_cast %broadcast_in_dim3A_325 : vector<16xf32> to vector<1x1x16xf32>
      tpu.vector_store %arg13[%swap3A_326, %swap3A_327, %swap3A_328], %swap3A_331 {strides = array<i32>} : memref<2x400x16xf32, #tpu.memory_space<vmem>>, vector<1x1x16xf32>,
    }
    %scan3A_27 = arith.constant 400 : i32
    %scan3A_28 = arith.constant 0 : i32
    %scan3A_29 = arith.constant 0 : i32
    %scan3A_30 = arith.constant 8 : i32
    %scan3A_31 = arith.addi %scan3A_29, %scan3A_30 : i32
    %scan3A_32 = arith.constant 1 : i32
    scf.for %scan3A_324 = %scan3A_29 to %scan3A_31 step %scan3A_32  : i32 {
      %mul3A_325 = arith.constant 8 : i32
      %mul3A_326 = arith.muli %arg1, %mul3A_325 : i32
      %add3A_327 = arith.addi %mul3A_326, %scan3A_324 : i32
      %mul3A_328 = arith.constant 400 : i32
      %mul3A_329 = arith.muli %add3A_327, %mul3A_328 : i32
      %run_scoped3A_330 = arith.constant 0 : i32
      "tpu.region"() ({
        %run_scoped3A_332 = tpu.sem_alloc : memref<!tpu.dma_semaphore, #tpu.memory_space<semaphore_mem>>
        %dma_start3A_333 = arith.constant 0 : i32
        %dma_start3A_334 = arith.constant 0 : i32
        %dma_start3A_335 = tpu.memref_slice %arg13[%run_scoped3A_330, %dma_start3A_333, %dma_start3A_334] : memref<2x400x16xf32, #tpu.memory_space<vmem>> -> memref<1x400x16xf32, #tpu.memory_space<vmem>>
        %dma_start3A_336 = tpu.memref_squeeze %dma_start3A_335 : memref<1x400x16xf32, #tpu.memory_space<vmem>> -> memref<400x16xf32, #tpu.memory_space<vmem>>
        %dma_start3A_337 = arith.constant 0 : i32
        %dma_start3A_338 = tpu.memref_slice %arg16[%mul3A_329, %dma_start3A_337] : memref<51200x16xf32, #tpu.memory_space<vmem_shared>> -> memref<400x16xf32, #tpu.memory_space<vmem_shared>>
        %dma_start3A_339 = arith.constant 0 : i32
        %dma_start3A_340 = tpu.memref_slice %arg16[%mul3A_329, %dma_start3A_339] : memref<51200x16xf32, #tpu.memory_space<vmem_shared>> -> memref<400x16xf32, #tpu.memory_space<vmem_shared>>
        %dma_start3A_341 = arith.constant 0 : i32
        %dma_start3A_342 = arith.constant 0 : i32
        %dma_start3A_343 = tpu.memref_slice %arg13[%run_scoped3A_330, %dma_start3A_341, %dma_start3A_342] : memref<2x400x16xf32, #tpu.memory_space<vmem>> -> memref<1x400x16xf32, #tpu.memory_space<vmem>>
        %dma_start3A_344 = tpu.memref_squeeze %dma_start3A_343 : memref<1x400x16xf32, #tpu.memory_space<vmem>> -> memref<400x16xf32, #tpu.memory_space<vmem>>
        tpu.enqueue_dma source(%dma_start3A_344 : memref<400x16xf32, #tpu.memory_space<vmem>>) target(%dma_start3A_340 : memref<400x16xf32, #tpu.memory_space<vmem_shared>>) target_semaphore(%run_scoped3A_332 : memref<!tpu.dma_semaphore, #tpu.memory_space<semaphore_mem>>)
        %dma_wait3A_345 = arith.constant 0 : i32
        %dma_wait3A_346 = arith.constant 0 : i32
        %dma_wait3A_347 = tpu.memref_slice %arg13[%run_scoped3A_330, %dma_wait3A_345, %dma_wait3A_346] : memref<2x400x16xf32, #tpu.memory_space<vmem>> -> memref<1x400x16xf32, #tpu.memory_space<vmem>>
        %dma_wait3A_348 = tpu.memref_squeeze %dma_wait3A_347 : memref<1x400x16xf32, #tpu.memory_space<vmem>> -> memref<400x16xf32, #tpu.memory_space<vmem>>
        %dma_wait3A_349 = arith.constant 0 : i32
        %dma_wait3A_350 = tpu.memref_slice %arg16[%mul3A_329, %dma_wait3A_349] : memref<51200x16xf32, #tpu.memory_space<vmem_shared>> -> memref<400x16xf32, #tpu.memory_space<vmem_shared>>
        %dma_wait3A_351 = arith.constant 0 : i32
        %dma_wait3A_352 = tpu.memref_slice %arg16[%mul3A_329, %dma_wait3A_351] : memref<51200x16xf32, #tpu.memory_space<vmem_shared>> -> memref<400x16xf32, #tpu.memory_space<vmem_shared>>
        %dma_wait3A_353 = arith.constant 0 : i32
        %dma_wait3A_354 = arith.constant 0 : i32
        %dma_wait3A_355 = tpu.memref_slice %arg13[%run_scoped3A_330, %dma_wait3A_353, %dma_wait3A_354] : memref<2x400x16xf32, #tpu.memory_space<vmem>> -> memref<1x400x16xf32, #tpu.memory_space<vmem>>
        %dma_wait3A_356 = tpu.memref_squeeze %dma_wait3A_355 : memref<1x400x16xf32, #tpu.memory_space<vmem>> -> memref<400x16xf32, #tpu.memory_space<vmem>>
        tpu.wait_dma2 semaphore(%run_scoped3A_332 : memref<!tpu.dma_semaphore, #tpu.memory_space<semaphore_mem>>) src(%dma_wait3A_356 : memref<400x16xf32, #tpu.memory_space<vmem>>) dst(%dma_wait3A_352 : memref<400x16xf32, #tpu.memory_space<vmem_shared>>)
        tpu.yield
      }) : () -> ()
      %run_scoped3A_331 = arith.constant 0 : i32
      "tpu.region"() ({
        %run_scoped3A_332 = tpu.sem_alloc : memref<!tpu.dma_semaphore, #tpu.memory_space<semaphore_mem>>
        %dma_start3A_333 = arith.constant 0 : i32
        %dma_start3A_334 = arith.constant 0 : i32
        %dma_start3A_335 = tpu.memref_slice %arg13[%run_scoped3A_331, %dma_start3A_333, %dma_start3A_334] : memref<2x400x16xf32, #tpu.memory_space<vmem>> -> memref<1x400x16xf32, #tpu.memory_space<vmem>>
        %dma_start3A_336 = tpu.memref_squeeze %dma_start3A_335 : memref<1x400x16xf32, #tpu.memory_space<vmem>> -> memref<400x16xf32, #tpu.memory_space<vmem>>
        %dma_start3A_337 = arith.constant 0 : i32
        %dma_start3A_338 = tpu.memref_slice %arg17[%mul3A_329, %dma_start3A_337] : memref<51200x16xf32, #tpu.memory_space<vmem_shared>> -> memref<400x16xf32, #tpu.memory_space<vmem_shared>>
        %dma_start3A_339 = arith.constant 0 : i32
        %dma_start3A_340 = tpu.memref_slice %arg17[%mul3A_329, %dma_start3A_339] : memref<51200x16xf32, #tpu.memory_space<vmem_shared>> -> memref<400x16xf32, #tpu.memory_space<vmem_shared>>
        %dma_start3A_341 = arith.constant 0 : i32
        %dma_start3A_342 = arith.constant 0 : i32
        %dma_start3A_343 = tpu.memref_slice %arg13[%run_scoped3A_331, %dma_start3A_341, %dma_start3A_342] : memref<2x400x16xf32, #tpu.memory_space<vmem>> -> memref<1x400x16xf32, #tpu.memory_space<vmem>>
        %dma_start3A_344 = tpu.memref_squeeze %dma_start3A_343 : memref<1x400x16xf32, #tpu.memory_space<vmem>> -> memref<400x16xf32, #tpu.memory_space<vmem>>
        tpu.enqueue_dma source(%dma_start3A_344 : memref<400x16xf32, #tpu.memory_space<vmem>>) target(%dma_start3A_340 : memref<400x16xf32, #tpu.memory_space<vmem_shared>>) target_semaphore(%run_scoped3A_332 : memref<!tpu.dma_semaphore, #tpu.memory_space<semaphore_mem>>)
        %dma_wait3A_345 = arith.constant 0 : i32
        %dma_wait3A_346 = arith.constant 0 : i32
        %dma_wait3A_347 = tpu.memref_slice %arg13[%run_scoped3A_331, %dma_wait3A_345, %dma_wait3A_346] : memref<2x400x16xf32, #tpu.memory_space<vmem>> -> memref<1x400x16xf32, #tpu.memory_space<vmem>>
        %dma_wait3A_348 = tpu.memref_squeeze %dma_wait3A_347 : memref<1x400x16xf32, #tpu.memory_space<vmem>> -> memref<400x16xf32, #tpu.memory_space<vmem>>
        %dma_wait3A_349 = arith.constant 0 : i32
        %dma_wait3A_350 = tpu.memref_slice %arg17[%mul3A_329, %dma_wait3A_349] : memref<51200x16xf32, #tpu.memory_space<vmem_shared>> -> memref<400x16xf32, #tpu.memory_space<vmem_shared>>
        %dma_wait3A_351 = arith.constant 0 : i32
        %dma_wait3A_352 = tpu.memref_slice %arg17[%mul3A_329, %dma_wait3A_351] : memref<51200x16xf32, #tpu.memory_space<vmem_shared>> -> memref<400x16xf32, #tpu.memory_space<vmem_shared>>
        %dma_wait3A_353 = arith.constant 0 : i32
        %dma_wait3A_354 = arith.constant 0 : i32
        %dma_wait3A_355 = tpu.memref_slice %arg13[%run_scoped3A_331, %dma_wait3A_353, %dma_wait3A_354] : memref<2x400x16xf32, #tpu.memory_space<vmem>> -> memref<1x400x16xf32, #tpu.memory_space<vmem>>
        %dma_wait3A_356 = tpu.memref_squeeze %dma_wait3A_355 : memref<1x400x16xf32, #tpu.memory_space<vmem>> -> memref<400x16xf32, #tpu.memory_space<vmem>>
        tpu.wait_dma2 semaphore(%run_scoped3A_332 : memref<!tpu.dma_semaphore, #tpu.memory_space<semaphore_mem>>) src(%dma_wait3A_356 : memref<400x16xf32, #tpu.memory_space<vmem>>) dst(%dma_wait3A_352 : memref<400x16xf32, #tpu.memory_space<vmem_shared>>)
        tpu.yield
      }) : () -> ()
    }
    %scan3A_33 = arith.constant 8 : i32
    %barrier3A = arith.constant 0 : index
    tpu.barrier barrier_id(%barrier3A)
    %mul3A_34 = arith.constant 400 : i32
    %mul3A_35 = arith.muli %add3A, %mul3A_34 : i32
    "tpu.region"() ({
      %run_scoped3A_324 = tpu.sem_alloc : memref<!tpu.dma_semaphore, #tpu.memory_space<semaphore_mem>>
      %dma_start3A_325 = arith.constant 0 : i32
      %dma_start3A_326 = arith.constant 0 : i32
      %dma_start3A_327 = tpu.memref_slice %arg4[%add3A, %dma_start3A_325, %dma_start3A_326] : memref<4000x5x80xi32, #tpu.memory_space<hbm>> -> memref<1x5x80xi32, #tpu.memory_space<hbm>>
      %dma_start3A_328 = tpu.memref_squeeze %dma_start3A_327 : memref<1x5x80xi32, #tpu.memory_space<hbm>> -> memref<5x80xi32, #tpu.memory_space<hbm>>
      %dma_start3A_329 = arith.constant 0 : i32
      %dma_start3A_330 = arith.constant 0 : i32
      %dma_start3A_331 = tpu.memref_slice %arg4[%add3A, %dma_start3A_329, %dma_start3A_330] : memref<4000x5x80xi32, #tpu.memory_space<hbm>> -> memref<1x5x80xi32, #tpu.memory_space<hbm>>
      %dma_start3A_332 = tpu.memref_squeeze %dma_start3A_331 : memref<1x5x80xi32, #tpu.memory_space<hbm>> -> memref<5x80xi32, #tpu.memory_space<hbm>>
      tpu.enqueue_dma source(%dma_start3A_332 : memref<5x80xi32, #tpu.memory_space<hbm>>) target(%arg9 : memref<5x80xi32, #tpu.memory_space<vmem>>) target_semaphore(%run_scoped3A_324 : memref<!tpu.dma_semaphore, #tpu.memory_space<semaphore_mem>>)
      %dma_wait3A_333 = arith.constant 0 : i32
      %dma_wait3A_334 = arith.constant 0 : i32
      %dma_wait3A_335 = tpu.memref_slice %arg4[%add3A, %dma_wait3A_333, %dma_wait3A_334] : memref<4000x5x80xi32, #tpu.memory_space<hbm>> -> memref<1x5x80xi32, #tpu.memory_space<hbm>>
      %dma_wait3A_336 = tpu.memref_squeeze %dma_wait3A_335 : memref<1x5x80xi32, #tpu.memory_space<hbm>> -> memref<5x80xi32, #tpu.memory_space<hbm>>
      %dma_wait3A_337 = arith.constant 0 : i32
      %dma_wait3A_338 = arith.constant 0 : i32
      %dma_wait3A_339 = tpu.memref_slice %arg4[%add3A, %dma_wait3A_337, %dma_wait3A_338] : memref<4000x5x80xi32, #tpu.memory_space<hbm>> -> memref<1x5x80xi32, #tpu.memory_space<hbm>>
      %dma_wait3A_340 = tpu.memref_squeeze %dma_wait3A_339 : memref<1x5x80xi32, #tpu.memory_space<hbm>> -> memref<5x80xi32, #tpu.memory_space<hbm>>
      tpu.wait_dma2 semaphore(%run_scoped3A_324 : memref<!tpu.dma_semaphore, #tpu.memory_space<semaphore_mem>>) src(%dma_wait3A_340 : memref<5x80xi32, #tpu.memory_space<hbm>>) dst(%arg9 : memref<5x80xi32, #tpu.memory_space<vmem>>)
      tpu.yield
    }) : () -> ()
    %run_scoped3A = arith.constant 0 : i32
    "tpu.region"() ({
      %run_scoped3A_324 = tpu.sem_alloc : memref<!tpu.dma_semaphore, #tpu.memory_space<semaphore_mem>>
      %dma_start3A_325 = arith.constant 0 : i32
      %dma_start3A_326 = arith.constant 0 : i32
      %dma_start3A_327 = tpu.memref_slice %arg10[%run_scoped3A, %dma_start3A_325, %dma_start3A_326] : memref<2x5x80xi32, #tpu.memory_space<vmem>> -> memref<1x5x80xi32, #tpu.memory_space<vmem>>
      %dma_start3A_328 = tpu.memref_squeeze %dma_start3A_327 : memref<1x5x80xi32, #tpu.memory_space<vmem>> -> memref<5x80xi32, #tpu.memory_space<vmem>>
      %dma_start3A_329 = arith.constant 0 : i32
      %dma_start3A_330 = arith.constant 0 : i32
      %dma_start3A_331 = tpu.memref_slice %arg5[%add3A, %dma_start3A_329, %dma_start3A_330] : memref<4000x5x80xi32, #tpu.memory_space<hbm>> -> memref<1x5x80xi32, #tpu.memory_space<hbm>>
      %dma_start3A_332 = tpu.memref_squeeze %dma_start3A_331 : memref<1x5x80xi32, #tpu.memory_space<hbm>> -> memref<5x80xi32, #tpu.memory_space<hbm>>
      %dma_start3A_333 = arith.constant 0 : i32
      %dma_start3A_334 = arith.constant 0 : i32
      %dma_start3A_335 = tpu.memref_slice %arg10[%run_scoped3A, %dma_start3A_333, %dma_start3A_334] : memref<2x5x80xi32, #tpu.memory_space<vmem>> -> memref<1x5x80xi32, #tpu.memory_space<vmem>>
      %dma_start3A_336 = tpu.memref_squeeze %dma_start3A_335 : memref<1x5x80xi32, #tpu.memory_space<vmem>> -> memref<5x80xi32, #tpu.memory_space<vmem>>
      %dma_start3A_337 = arith.constant 0 : i32
      %dma_start3A_338 = arith.constant 0 : i32
      %dma_start3A_339 = tpu.memref_slice %arg5[%add3A, %dma_start3A_337, %dma_start3A_338] : memref<4000x5x80xi32, #tpu.memory_space<hbm>> -> memref<1x5x80xi32, #tpu.memory_space<hbm>>
      %dma_start3A_340 = tpu.memref_squeeze %dma_start3A_339 : memref<1x5x80xi32, #tpu.memory_space<hbm>> -> memref<5x80xi32, #tpu.memory_space<hbm>>
      tpu.enqueue_dma source(%dma_start3A_340 : memref<5x80xi32, #tpu.memory_space<hbm>>) target(%dma_start3A_336 : memref<5x80xi32, #tpu.memory_space<vmem>>) target_semaphore(%run_scoped3A_324 : memref<!tpu.dma_semaphore, #tpu.memory_space<semaphore_mem>>)
      %dma_wait3A_341 = arith.constant 0 : i32
      %dma_wait3A_342 = arith.constant 0 : i32
      %dma_wait3A_343 = tpu.memref_slice %arg10[%run_scoped3A, %dma_wait3A_341, %dma_wait3A_342] : memref<2x5x80xi32, #tpu.memory_space<vmem>> -> memref<1x5x80xi32, #tpu.memory_space<vmem>>
      %dma_wait3A_344 = tpu.memref_squeeze %dma_wait3A_343 : memref<1x5x80xi32, #tpu.memory_space<vmem>> -> memref<5x80xi32, #tpu.memory_space<vmem>>
      %dma_wait3A_345 = arith.constant 0 : i32
      %dma_wait3A_346 = arith.constant 0 : i32
      %dma_wait3A_347 = tpu.memref_slice %arg5[%add3A, %dma_wait3A_345, %dma_wait3A_346] : memref<4000x5x80xi32, #tpu.memory_space<hbm>> -> memref<1x5x80xi32, #tpu.memory_space<hbm>>
      %dma_wait3A_348 = tpu.memref_squeeze %dma_wait3A_347 : memref<1x5x80xi32, #tpu.memory_space<hbm>> -> memref<5x80xi32, #tpu.memory_space<hbm>>
      %dma_wait3A_349 = arith.constant 0 : i32
      %dma_wait3A_350 = arith.constant 0 : i32
      %dma_wait3A_351 = tpu.memref_slice %arg10[%run_scoped3A, %dma_wait3A_349, %dma_wait3A_350] : memref<2x5x80xi32, #tpu.memory_space<vmem>> -> memref<1x5x80xi32, #tpu.memory_space<vmem>>
      %dma_wait3A_352 = tpu.memref_squeeze %dma_wait3A_351 : memref<1x5x80xi32, #tpu.memory_space<vmem>> -> memref<5x80xi32, #tpu.memory_space<vmem>>
      %dma_wait3A_353 = arith.constant 0 : i32
      %dma_wait3A_354 = arith.constant 0 : i32
      %dma_wait3A_355 = tpu.memref_slice %arg5[%add3A, %dma_wait3A_353, %dma_wait3A_354] : memref<4000x5x80xi32, #tpu.memory_space<hbm>> -> memref<1x5x80xi32, #tpu.memory_space<hbm>>
      %dma_wait3A_356 = tpu.memref_squeeze %dma_wait3A_355 : memref<1x5x80xi32, #tpu.memory_space<hbm>> -> memref<5x80xi32, #tpu.memory_space<hbm>>
      tpu.wait_dma2 semaphore(%run_scoped3A_324 : memref<!tpu.dma_semaphore, #tpu.memory_space<semaphore_mem>>) src(%dma_wait3A_356 : memref<5x80xi32, #tpu.memory_space<hbm>>) dst(%dma_wait3A_352 : memref<5x80xi32, #tpu.memory_space<vmem>>)
      tpu.yield
    }) : () -> ()
    %dma_start3A = arith.constant 0 : i32
    %dma_start3A_36 = arith.constant 0 : i32
    %dma_start3A_37 = arith.constant 0 : i32
    %dma_start3A_38 = tpu.memref_slice %arg11[%dma_start3A_36, %dma_start3A_37] : memref<2x400xf32, #tpu.memory_space<vmem>> -> memref<1x400xf32, #tpu.memory_space<vmem>>
    %dma_start3A_39 = tpu.memref_squeeze %dma_start3A_38 : memref<1x400xf32, #tpu.memory_space<vmem>> -> memref<400xf32, #tpu.memory_space<vmem>>
    %dma_start3A_40 = tpu.memref_slice %arg6[%dma_start3A, %mul3A_35] : memref<2x1600000xf32, #tpu.memory_space<hbm>> -> memref<1x400xf32, #tpu.memory_space<hbm>>
    %dma_start3A_41 = tpu.memref_squeeze %dma_start3A_40 : memref<1x400xf32, #tpu.memory_space<hbm>> -> memref<400xf32, #tpu.memory_space<hbm>>
    %dma_start3A_42 = arith.constant 0 : i32
    %dma_start3A_43 = tpu.memref_slice %arg11[%dma_start3A_36, %dma_start3A_42] : memref<2x400xf32, #tpu.memory_space<vmem>> -> memref<1x400xf32, #tpu.memory_space<vmem>>
    %dma_start3A_44 = tpu.memref_squeeze %dma_start3A_43 : memref<1x400xf32, #tpu.memory_space<vmem>> -> memref<400xf32, #tpu.memory_space<vmem>>
    %dma_start3A_45 = tpu.memref_slice %arg6[%dma_start3A, %mul3A_35] : memref<2x1600000xf32, #tpu.memory_space<hbm>> -> memref<1x400xf32, #tpu.memory_space<hbm>>
    %dma_start3A_46 = tpu.memref_squeeze %dma_start3A_45 : memref<1x400xf32, #tpu.memory_space<hbm>> -> memref<400xf32, #tpu.memory_space<hbm>>
    tpu.enqueue_dma source(%dma_start3A_46 : memref<400xf32, #tpu.memory_space<hbm>>) target(%dma_start3A_44 : memref<400xf32, #tpu.memory_space<vmem>>) target_semaphore(%arg18 : memref<!tpu.dma_semaphore, #tpu.memory_space<semaphore_mem>>)
    %dma_start3A_47 = arith.constant 1 : i32
    %dma_start3A_48 = arith.constant 0 : i32
    %dma_start3A_49 = arith.constant 0 : i32
    %dma_start3A_50 = tpu.memref_slice %arg12[%dma_start3A_48, %dma_start3A_49] : memref<2x400xf32, #tpu.memory_space<vmem>> -> memref<1x400xf32, #tpu.memory_space<vmem>>
    %dma_start3A_51 = tpu.memref_squeeze %dma_start3A_50 : memref<1x400xf32, #tpu.memory_space<vmem>> -> memref<400xf32, #tpu.memory_space<vmem>>
    %dma_start3A_52 = tpu.memref_slice %arg6[%dma_start3A_47, %mul3A_35] : memref<2x1600000xf32, #tpu.memory_space<hbm>> -> memref<1x400xf32, #tpu.memory_space<hbm>>
    %dma_start3A_53 = tpu.memref_squeeze %dma_start3A_52 : memref<1x400xf32, #tpu.memory_space<hbm>> -> memref<400xf32, #tpu.memory_space<hbm>>
    %dma_start3A_54 = arith.constant 0 : i32
    %dma_start3A_55 = tpu.memref_slice %arg12[%dma_start3A_48, %dma_start3A_54] : memref<2x400xf32, #tpu.memory_space<vmem>> -> memref<1x400xf32, #tpu.memory_space<vmem>>
    %dma_start3A_56 = tpu.memref_squeeze %dma_start3A_55 : memref<1x400xf32, #tpu.memory_space<vmem>> -> memref<400xf32, #tpu.memory_space<vmem>>
    %dma_start3A_57 = tpu.memref_slice %arg6[%dma_start3A_47, %mul3A_35] : memref<2x1600000xf32, #tpu.memory_space<hbm>> -> memref<1x400xf32, #tpu.memory_space<hbm>>
    %dma_start3A_58 = tpu.memref_squeeze %dma_start3A_57 : memref<1x400xf32, #tpu.memory_space<hbm>> -> memref<400xf32, #tpu.memory_space<hbm>>
    tpu.enqueue_dma source(%dma_start3A_58 : memref<400xf32, #tpu.memory_space<hbm>>) target(%dma_start3A_56 : memref<400xf32, #tpu.memory_space<vmem>>) target_semaphore(%arg18 : memref<!tpu.dma_semaphore, #tpu.memory_space<semaphore_mem>>)
    %dma_start3A_59 = arith.constant 0 : i32
    %dma_start3A_60 = arith.constant 0 : i32
    %dma_start3A_61 = arith.constant 0 : i32
    %dma_start3A_62 = arith.constant 0 : i32
    %dma_start3A_63 = tpu.memref_slice %arg13[%dma_start3A_60, %dma_start3A_61, %dma_start3A_62] : memref<2x400x16xf32, #tpu.memory_space<vmem>> -> memref<1x80x16xf32, #tpu.memory_space<vmem>>
    %dma_start3A_64 = tpu.memref_squeeze %dma_start3A_63 : memref<1x80x16xf32, #tpu.memory_space<vmem>> -> memref<80x16xf32, #tpu.memory_space<vmem>>
    %dma_start3A_65 = arith.constant 0 : i32
    %dma_start3A_66 = tpu.memref_slice %arg9[%dma_start3A_59, %dma_start3A_65] : memref<5x80xi32, #tpu.memory_space<vmem>> -> memref<1x80xi32, #tpu.memory_space<vmem>>
    %dma_start3A_67 = tpu.memref_squeeze %dma_start3A_66 : memref<1x80xi32, #tpu.memory_space<vmem>> -> memref<80xi32, #tpu.memory_space<vmem>>
    %dma_start3A_68 = arith.constant 0 : i32
    %dma_start3A_69 = arith.constant 0 : i32
    %dma_start3A_70 = tpu.memref_slice %arg2[%dma_start3A_68, %dma_start3A_69] : memref<51200x16xf32, #tpu.memory_space<hbm>> -> memref<51200x16xf32, #tpu.memory_space<hbm>>
    tpu.enqueue_indirect_dma source(%dma_start3A_70 : memref<51200x16xf32, #tpu.memory_space<hbm>>) target(%dma_start3A_64 : memref<80x16xf32, #tpu.memory_space<vmem>>) offsets(%dma_start3A_67 : memref<80xi32, #tpu.memory_space<vmem>>) semaphore(%arg18 : memref<!tpu.dma_semaphore, #tpu.memory_space<semaphore_mem>>)
    %dma_start3A_71 = arith.constant 0 : i32
    %dma_start3A_72 = arith.constant 0 : i32
    %dma_start3A_73 = arith.constant 0 : i32
    %dma_start3A_74 = arith.constant 0 : i32
    %dma_start3A_75 = arith.constant 0 : i32
    %dma_start3A_76 = tpu.memref_slice %arg14[%dma_start3A_73, %dma_start3A_74, %dma_start3A_75] : memref<2x400x16xf32, #tpu.memory_space<vmem>> -> memref<1x80x16xf32, #tpu.memory_space<vmem>>
    %dma_start3A_77 = tpu.memref_squeeze %dma_start3A_76 : memref<1x80x16xf32, #tpu.memory_space<vmem>> -> memref<80x16xf32, #tpu.memory_space<vmem>>
    %dma_start3A_78 = arith.constant 0 : i32
    %dma_start3A_79 = tpu.memref_slice %arg10[%dma_start3A_71, %dma_start3A_72, %dma_start3A_78] : memref<2x5x80xi32, #tpu.memory_space<vmem>> -> memref<1x1x80xi32, #tpu.memory_space<vmem>>
    %dma_start3A_80 = tpu.memref_squeeze %dma_start3A_79 : memref<1x1x80xi32, #tpu.memory_space<vmem>> -> memref<80xi32, #tpu.memory_space<vmem>>
    %dma_start3A_81 = arith.constant 0 : i32
    %dma_start3A_82 = arith.constant 0 : i32
    %dma_start3A_83 = tpu.memref_slice %arg3[%dma_start3A_81, %dma_start3A_82] : memref<51200x16xf32, #tpu.memory_space<hbm>> -> memref<51200x16xf32, #tpu.memory_space<hbm>>
    tpu.enqueue_indirect_dma source(%dma_start3A_83 : memref<51200x16xf32, #tpu.memory_space<hbm>>) target(%dma_start3A_77 : memref<80x16xf32, #tpu.memory_space<vmem>>) offsets(%dma_start3A_80 : memref<80xi32, #tpu.memory_space<vmem>>) semaphore(%arg18 : memref<!tpu.dma_semaphore, #tpu.memory_space<semaphore_mem>>)
    %dma_start3A_84 = arith.constant 1 : i32
    %dma_start3A_85 = arith.constant 0 : i32
    %dma_start3A_86 = arith.constant 80 : i32
    %dma_start3A_87 = arith.constant 0 : i32
    %dma_start3A_88 = tpu.memref_slice %arg13[%dma_start3A_85, %dma_start3A_86, %dma_start3A_87] : memref<2x400x16xf32, #tpu.memory_space<vmem>> -> memref<1x80x16xf32, #tpu.memory_space<vmem>>
    %dma_start3A_89 = tpu.memref_squeeze %dma_start3A_88 : memref<1x80x16xf32, #tpu.memory_space<vmem>> -> memref<80x16xf32, #tpu.memory_space<vmem>>
    %dma_start3A_90 = arith.constant 0 : i32
    %dma_start3A_91 = tpu.memref_slice %arg9[%dma_start3A_84, %dma_start3A_90] : memref<5x80xi32, #tpu.memory_space<vmem>> -> memref<1x80xi32, #tpu.memory_space<vmem>>
    %dma_start3A_92 = tpu.memref_squeeze %dma_start3A_91 : memref<1x80xi32, #tpu.memory_space<vmem>> -> memref<80xi32, #tpu.memory_space<vmem>>
    %dma_start3A_93 = arith.constant 0 : i32
    %dma_start3A_94 = arith.constant 0 : i32
    %dma_start3A_95 = tpu.memref_slice %arg2[%dma_start3A_93, %dma_start3A_94] : memref<51200x16xf32, #tpu.memory_space<hbm>> -> memref<51200x16xf32, #tpu.memory_space<hbm>>
    tpu.enqueue_indirect_dma source(%dma_start3A_95 : memref<51200x16xf32, #tpu.memory_space<hbm>>) target(%dma_start3A_89 : memref<80x16xf32, #tpu.memory_space<vmem>>) offsets(%dma_start3A_92 : memref<80xi32, #tpu.memory_space<vmem>>) semaphore(%arg18 : memref<!tpu.dma_semaphore, #tpu.memory_space<semaphore_mem>>)
    %dma_start3A_96 = arith.constant 0 : i32
    %dma_start3A_97 = arith.constant 1 : i32
    %dma_start3A_98 = arith.constant 0 : i32
    %dma_start3A_99 = arith.constant 80 : i32
    %dma_start3A_100 = arith.constant 0 : i32
    %dma_start3A_101 = tpu.memref_slice %arg14[%dma_start3A_98, %dma_start3A_99, %dma_start3A_100] : memref<2x400x16xf32, #tpu.memory_space<vmem>> -> memref<1x80x16xf32, #tpu.memory_space<vmem>>
    %dma_start3A_102 = tpu.memref_squeeze %dma_start3A_101 : memref<1x80x16xf32, #tpu.memory_space<vmem>> -> memref<80x16xf32, #tpu.memory_space<vmem>>
    %dma_start3A_103 = arith.constant 0 : i32
    %dma_start3A_104 = tpu.memref_slice %arg10[%dma_start3A_96, %dma_start3A_97, %dma_start3A_103] : memref<2x5x80xi32, #tpu.memory_space<vmem>> -> memref<1x1x80xi32, #tpu.memory_space<vmem>>
    %dma_start3A_105 = tpu.memref_squeeze %dma_start3A_104 : memref<1x1x80xi32, #tpu.memory_space<vmem>> -> memref<80xi32, #tpu.memory_space<vmem>>
    %dma_start3A_106 = arith.constant 0 : i32
    %dma_start3A_107 = arith.constant 0 : i32
    %dma_start3A_108 = tpu.memref_slice %arg3[%dma_start3A_106, %dma_start3A_107] : memref<51200x16xf32, #tpu.memory_space<hbm>> -> memref<51200x16xf32, #tpu.memory_space<hbm>>
    tpu.enqueue_indirect_dma source(%dma_start3A_108 : memref<51200x16xf32, #tpu.memory_space<hbm>>) target(%dma_start3A_102 : memref<80x16xf32, #tpu.memory_space<vmem>>) offsets(%dma_start3A_105 : memref<80xi32, #tpu.memory_space<vmem>>) semaphore(%arg18 : memref<!tpu.dma_semaphore, #tpu.memory_space<semaphore_mem>>)
    %dma_start3A_109 = arith.constant 2 : i32
    %dma_start3A_110 = arith.constant 0 : i32
    %dma_start3A_111 = arith.constant 160 : i32
    %dma_start3A_112 = arith.constant 0 : i32
    %dma_start3A_113 = tpu.memref_slice %arg13[%dma_start3A_110, %dma_start3A_111, %dma_start3A_112] : memref<2x400x16xf32, #tpu.memory_space<vmem>> -> memref<1x80x16xf32, #tpu.memory_space<vmem>>
    %dma_start3A_114 = tpu.memref_squeeze %dma_start3A_113 : memref<1x80x16xf32, #tpu.memory_space<vmem>> -> memref<80x16xf32, #tpu.memory_space<vmem>>
    %dma_start3A_115 = arith.constant 0 : i32
    %dma_start3A_116 = tpu.memref_slice %arg9[%dma_start3A_109, %dma_start3A_115] : memref<5x80xi32, #tpu.memory_space<vmem>> -> memref<1x80xi32, #tpu.memory_space<vmem>>
    %dma_start3A_117 = tpu.memref_squeeze %dma_start3A_116 : memref<1x80xi32, #tpu.memory_space<vmem>> -> memref<80xi32, #tpu.memory_space<vmem>>
    %dma_start3A_118 = arith.constant 0 : i32
    %dma_start3A_119 = arith.constant 0 : i32
    %dma_start3A_120 = tpu.memref_slice %arg2[%dma_start3A_118, %dma_start3A_119] : memref<51200x16xf32, #tpu.memory_space<hbm>> -> memref<51200x16xf32, #tpu.memory_space<hbm>>
    tpu.enqueue_indirect_dma source(%dma_start3A_120 : memref<51200x16xf32, #tpu.memory_space<hbm>>) target(%dma_start3A_114 : memref<80x16xf32, #tpu.memory_space<vmem>>) offsets(%dma_start3A_117 : memref<80xi32, #tpu.memory_space<vmem>>) semaphore(%arg18 : memref<!tpu.dma_semaphore, #tpu.memory_space<semaphore_mem>>)
    %dma_start3A_121 = arith.constant 0 : i32
    %dma_start3A_122 = arith.constant 2 : i32
    %dma_start3A_123 = arith.constant 0 : i32
    %dma_start3A_124 = arith.constant 160 : i32
    %dma_start3A_125 = arith.constant 0 : i32
    %dma_start3A_126 = tpu.memref_slice %arg14[%dma_start3A_123, %dma_start3A_124, %dma_start3A_125] : memref<2x400x16xf32, #tpu.memory_space<vmem>> -> memref<1x80x16xf32, #tpu.memory_space<vmem>>
    %dma_start3A_127 = tpu.memref_squeeze %dma_start3A_126 : memref<1x80x16xf32, #tpu.memory_space<vmem>> -> memref<80x16xf32, #tpu.memory_space<vmem>>
    %dma_start3A_128 = arith.constant 0 : i32
    %dma_start3A_129 = tpu.memref_slice %arg10[%dma_start3A_121, %dma_start3A_122, %dma_start3A_128] : memref<2x5x80xi32, #tpu.memory_space<vmem>> -> memref<1x1x80xi32, #tpu.memory_space<vmem>>
    %dma_start3A_130 = tpu.memref_squeeze %dma_start3A_129 : memref<1x1x80xi32, #tpu.memory_space<vmem>> -> memref<80xi32, #tpu.memory_space<vmem>>
    %dma_start3A_131 = arith.constant 0 : i32
    %dma_start3A_132 = arith.constant 0 : i32
    %dma_start3A_133 = tpu.memref_slice %arg3[%dma_start3A_131, %dma_start3A_132] : memref<51200x16xf32, #tpu.memory_space<hbm>> -> memref<51200x16xf32, #tpu.memory_space<hbm>>
    tpu.enqueue_indirect_dma source(%dma_start3A_133 : memref<51200x16xf32, #tpu.memory_space<hbm>>) target(%dma_start3A_127 : memref<80x16xf32, #tpu.memory_space<vmem>>) offsets(%dma_start3A_130 : memref<80xi32, #tpu.memory_space<vmem>>) semaphore(%arg18 : memref<!tpu.dma_semaphore, #tpu.memory_space<semaphore_mem>>)
    %dma_start3A_134 = arith.constant 3 : i32
    %dma_start3A_135 = arith.constant 0 : i32
    %dma_start3A_136 = arith.constant 240 : i32
    %dma_start3A_137 = arith.constant 0 : i32
    %dma_start3A_138 = tpu.memref_slice %arg13[%dma_start3A_135, %dma_start3A_136, %dma_start3A_137] : memref<2x400x16xf32, #tpu.memory_space<vmem>> -> memref<1x80x16xf32, #tpu.memory_space<vmem>>
    %dma_start3A_139 = tpu.memref_squeeze %dma_start3A_138 : memref<1x80x16xf32, #tpu.memory_space<vmem>> -> memref<80x16xf32, #tpu.memory_space<vmem>>
    %dma_start3A_140 = arith.constant 0 : i32
    %dma_start3A_141 = tpu.memref_slice %arg9[%dma_start3A_134, %dma_start3A_140] : memref<5x80xi32, #tpu.memory_space<vmem>> -> memref<1x80xi32, #tpu.memory_space<vmem>>
    %dma_start3A_142 = tpu.memref_squeeze %dma_start3A_141 : memref<1x80xi32, #tpu.memory_space<vmem>> -> memref<80xi32, #tpu.memory_space<vmem>>
    %dma_start3A_143 = arith.constant 0 : i32
    %dma_start3A_144 = arith.constant 0 : i32
    %dma_start3A_145 = tpu.memref_slice %arg2[%dma_start3A_143, %dma_start3A_144] : memref<51200x16xf32, #tpu.memory_space<hbm>> -> memref<51200x16xf32, #tpu.memory_space<hbm>>
    tpu.enqueue_indirect_dma source(%dma_start3A_145 : memref<51200x16xf32, #tpu.memory_space<hbm>>) target(%dma_start3A_139 : memref<80x16xf32, #tpu.memory_space<vmem>>) offsets(%dma_start3A_142 : memref<80xi32, #tpu.memory_space<vmem>>) semaphore(%arg18 : memref<!tpu.dma_semaphore, #tpu.memory_space<semaphore_mem>>)
    %dma_start3A_146 = arith.constant 0 : i32
    %dma_start3A_147 = arith.constant 3 : i32
    %dma_start3A_148 = arith.constant 0 : i32
    %dma_start3A_149 = arith.constant 240 : i32
    %dma_start3A_150 = arith.constant 0 : i32
    %dma_start3A_151 = tpu.memref_slice %arg14[%dma_start3A_148, %dma_start3A_149, %dma_start3A_150] : memref<2x400x16xf32, #tpu.memory_space<vmem>> -> memref<1x80x16xf32, #tpu.memory_space<vmem>>
    %dma_start3A_152 = tpu.memref_squeeze %dma_start3A_151 : memref<1x80x16xf32, #tpu.memory_space<vmem>> -> memref<80x16xf32, #tpu.memory_space<vmem>>
    %dma_start3A_153 = arith.constant 0 : i32
    %dma_start3A_154 = tpu.memref_slice %arg10[%dma_start3A_146, %dma_start3A_147, %dma_start3A_153] : memref<2x5x80xi32, #tpu.memory_space<vmem>> -> memref<1x1x80xi32, #tpu.memory_space<vmem>>
    %dma_start3A_155 = tpu.memref_squeeze %dma_start3A_154 : memref<1x1x80xi32, #tpu.memory_space<vmem>> -> memref<80xi32, #tpu.memory_space<vmem>>
    %dma_start3A_156 = arith.constant 0 : i32
    %dma_start3A_157 = arith.constant 0 : i32
    %dma_start3A_158 = tpu.memref_slice %arg3[%dma_start3A_156, %dma_start3A_157] : memref<51200x16xf32, #tpu.memory_space<hbm>> -> memref<51200x16xf32, #tpu.memory_space<hbm>>
    tpu.enqueue_indirect_dma source(%dma_start3A_158 : memref<51200x16xf32, #tpu.memory_space<hbm>>) target(%dma_start3A_152 : memref<80x16xf32, #tpu.memory_space<vmem>>) offsets(%dma_start3A_155 : memref<80xi32, #tpu.memory_space<vmem>>) semaphore(%arg18 : memref<!tpu.dma_semaphore, #tpu.memory_space<semaphore_mem>>)
    %dma_start3A_159 = arith.constant 4 : i32
    %dma_start3A_160 = arith.constant 0 : i32
    %dma_start3A_161 = arith.constant 320 : i32
    %dma_start3A_162 = arith.constant 0 : i32
    %dma_start3A_163 = tpu.memref_slice %arg13[%dma_start3A_160, %dma_start3A_161, %dma_start3A_162] : memref<2x400x16xf32, #tpu.memory_space<vmem>> -> memref<1x80x16xf32, #tpu.memory_space<vmem>>
    %dma_start3A_164 = tpu.memref_squeeze %dma_start3A_163 : memref<1x80x16xf32, #tpu.memory_space<vmem>> -> memref<80x16xf32, #tpu.memory_space<vmem>>
    %dma_start3A_165 = arith.constant 0 : i32
    %dma_start3A_166 = tpu.memref_slice %arg9[%dma_start3A_159, %dma_start3A_165] : memref<5x80xi32, #tpu.memory_space<vmem>> -> memref<1x80xi32, #tpu.memory_space<vmem>>
    %dma_start3A_167 = tpu.memref_squeeze %dma_start3A_166 : memref<1x80xi32, #tpu.memory_space<vmem>> -> memref<80xi32, #tpu.memory_space<vmem>>
    %dma_start3A_168 = arith.constant 0 : i32
    %dma_start3A_169 = arith.constant 0 : i32
    %dma_start3A_170 = tpu.memref_slice %arg2[%dma_start3A_168, %dma_start3A_169] : memref<51200x16xf32, #tpu.memory_space<hbm>> -> memref<51200x16xf32, #tpu.memory_space<hbm>>
    tpu.enqueue_indirect_dma source(%dma_start3A_170 : memref<51200x16xf32, #tpu.memory_space<hbm>>) target(%dma_start3A_164 : memref<80x16xf32, #tpu.memory_space<vmem>>) offsets(%dma_start3A_167 : memref<80xi32, #tpu.memory_space<vmem>>) semaphore(%arg18 : memref<!tpu.dma_semaphore, #tpu.memory_space<semaphore_mem>>)
    %dma_start3A_171 = arith.constant 0 : i32
    %dma_start3A_172 = arith.constant 4 : i32
    %dma_start3A_173 = arith.constant 0 : i32
    %dma_start3A_174 = arith.constant 320 : i32
    %dma_start3A_175 = arith.constant 0 : i32
    %dma_start3A_176 = tpu.memref_slice %arg14[%dma_start3A_173, %dma_start3A_174, %dma_start3A_175] : memref<2x400x16xf32, #tpu.memory_space<vmem>> -> memref<1x80x16xf32, #tpu.memory_space<vmem>>
    %dma_start3A_177 = tpu.memref_squeeze %dma_start3A_176 : memref<1x80x16xf32, #tpu.memory_space<vmem>> -> memref<80x16xf32, #tpu.memory_space<vmem>>
    %dma_start3A_178 = arith.constant 0 : i32
    %dma_start3A_179 = tpu.memref_slice %arg10[%dma_start3A_171, %dma_start3A_172, %dma_start3A_178] : memref<2x5x80xi32, #tpu.memory_space<vmem>> -> memref<1x1x80xi32, #tpu.memory_space<vmem>>
    %dma_start3A_180 = tpu.memref_squeeze %dma_start3A_179 : memref<1x1x80xi32, #tpu.memory_space<vmem>> -> memref<80xi32, #tpu.memory_space<vmem>>
    %dma_start3A_181 = arith.constant 0 : i32
    %dma_start3A_182 = arith.constant 0 : i32
    %dma_start3A_183 = tpu.memref_slice %arg3[%dma_start3A_181, %dma_start3A_182] : memref<51200x16xf32, #tpu.memory_space<hbm>> -> memref<51200x16xf32, #tpu.memory_space<hbm>>
    tpu.enqueue_indirect_dma source(%dma_start3A_183 : memref<51200x16xf32, #tpu.memory_space<hbm>>) target(%dma_start3A_177 : memref<80x16xf32, #tpu.memory_space<vmem>>) offsets(%dma_start3A_180 : memref<80xi32, #tpu.memory_space<vmem>>) semaphore(%arg18 : memref<!tpu.dma_semaphore, #tpu.memory_space<semaphore_mem>>)
    %scan3A_184 = arith.constant 0 : i32
    %scan3A_185 = arith.constant 0 : i32
    %scan3A_186 = arith.constant 125 : i32
    %scan3A_187 = arith.addi %scan3A_185, %scan3A_186 : i32
    %scan3A_188 = arith.constant 1 : i32
    scf.for %scan3A_324 = %scan3A_185 to %scan3A_187 step %scan3A_188  : i32 {
      %jit3A = arith.constant 2 : i32
      %eq3A = arith.constant 0 : i32
      %eq3A_325 = arith.cmpi eq, %jit3A, %eq3A : i32
      %jit3A_326 = arith.constant 1 : i32
      %select_n3A = arith.select %eq3A_325, %jit3A_326, %jit3A : i32
      %rem3A = arith.remsi %scan3A_324, %select_n3A : i32
      %ne3A = arith.constant 0 : i32
      %ne3A_327 = arith.cmpi ne, %rem3A, %ne3A : i32
      %lt3A = arith.constant 0 : i32
      %lt3A_328 = arith.cmpi slt, %rem3A, %lt3A : i32
      %lt3A_329 = arith.constant 0 : i32
      %lt3A_330 = arith.cmpi slt, %select_n3A, %lt3A_329 : i32
      %ne3A_331 = arith.xori %lt3A_328, %lt3A_330 : i1
      %and3A = arith.andi %ne3A_331, %ne3A_327 : i1
      %add3A_332 = arith.addi %rem3A, %select_n3A : i32
      %select_n3A_333 = arith.select %and3A, %add3A_332, %rem3A : i32
      %dma_wait3A_334 = arith.constant 0 : i32
      %dma_wait3A_335 = arith.constant 0 : i32
      %dma_wait3A_336 = arith.constant 0 : i32
      %dma_wait3A_337 = tpu.memref_slice %arg11[%dma_wait3A_335, %dma_wait3A_336] : memref<2x400xf32, #tpu.memory_space<vmem>> -> memref<1x400xf32, #tpu.memory_space<vmem>>
      %dma_wait3A_338 = tpu.memref_squeeze %dma_wait3A_337 : memref<1x400xf32, #tpu.memory_space<vmem>> -> memref<400xf32, #tpu.memory_space<vmem>>
      %dma_wait3A_339 = arith.constant 0 : i32
      %dma_wait3A_340 = tpu.memref_slice %arg6[%dma_wait3A_334, %dma_wait3A_339] : memref<2x1600000xf32, #tpu.memory_space<hbm>> -> memref<1x400xf32, #tpu.memory_space<hbm>>
      %dma_wait3A_341 = tpu.memref_squeeze %dma_wait3A_340 : memref<1x400xf32, #tpu.memory_space<hbm>> -> memref<400xf32, #tpu.memory_space<hbm>>
      %dma_wait3A_342 = arith.constant 0 : i32
      %dma_wait3A_343 = tpu.memref_slice %arg11[%dma_wait3A_335, %dma_wait3A_342] : memref<2x400xf32, #tpu.memory_space<vmem>> -> memref<1x400xf32, #tpu.memory_space<vmem>>
      %dma_wait3A_344 = tpu.memref_squeeze %dma_wait3A_343 : memref<1x400xf32, #tpu.memory_space<vmem>> -> memref<400xf32, #tpu.memory_space<vmem>>
      %dma_wait3A_345 = arith.constant 0 : i32
      %dma_wait3A_346 = tpu.memref_slice %arg6[%dma_wait3A_334, %dma_wait3A_345] : memref<2x1600000xf32, #tpu.memory_space<hbm>> -> memref<1x400xf32, #tpu.memory_space<hbm>>
      %dma_wait3A_347 = tpu.memref_squeeze %dma_wait3A_346 : memref<1x400xf32, #tpu.memory_space<hbm>> -> memref<400xf32, #tpu.memory_space<hbm>>
      tpu.wait_dma2 semaphore(%arg18 : memref<!tpu.dma_semaphore, #tpu.memory_space<semaphore_mem>>) src(%dma_wait3A_347 : memref<400xf32, #tpu.memory_space<hbm>>) dst(%dma_wait3A_344 : memref<400xf32, #tpu.memory_space<vmem>>)
      %dma_wait3A_348 = arith.constant 1 : i32
      %dma_wait3A_349 = arith.constant 0 : i32
      %dma_wait3A_350 = arith.constant 0 : i32
      %dma_wait3A_351 = tpu.memref_slice %arg12[%dma_wait3A_349, %dma_wait3A_350] : memref<2x400xf32, #tpu.memory_space<vmem>> -> memref<1x400xf32, #tpu.memory_space<vmem>>
      %dma_wait3A_352 = tpu.memref_squeeze %dma_wait3A_351 : memref<1x400xf32, #tpu.memory_space<vmem>> -> memref<400xf32, #tpu.memory_space<vmem>>
      %dma_wait3A_353 = arith.constant 0 : i32
      %dma_wait3A_354 = tpu.memref_slice %arg6[%dma_wait3A_348, %dma_wait3A_353] : memref<2x1600000xf32, #tpu.memory_space<hbm>> -> memref<1x400xf32, #tpu.memory_space<hbm>>
      %dma_wait3A_355 = tpu.memref_squeeze %dma_wait3A_354 : memref<1x400xf32, #tpu.memory_space<hbm>> -> memref<400xf32, #tpu.memory_space<hbm>>
      %dma_wait3A_356 = arith.constant 0 : i32
      %dma_wait3A_357 = tpu.memref_slice %arg12[%dma_wait3A_349, %dma_wait3A_356] : memref<2x400xf32, #tpu.memory_space<vmem>> -> memref<1x400xf32, #tpu.memory_space<vmem>>
      %dma_wait3A_358 = tpu.memref_squeeze %dma_wait3A_357 : memref<1x400xf32, #tpu.memory_space<vmem>> -> memref<400xf32, #tpu.memory_space<vmem>>
      %dma_wait3A_359 = arith.constant 0 : i32
      %dma_wait3A_360 = tpu.memref_slice %arg6[%dma_wait3A_348, %dma_wait3A_359] : memref<2x1600000xf32, #tpu.memory_space<hbm>> -> memref<1x400xf32, #tpu.memory_space<hbm>>
      %dma_wait3A_361 = tpu.memref_squeeze %dma_wait3A_360 : memref<1x400xf32, #tpu.memory_space<hbm>> -> memref<400xf32, #tpu.memory_space<hbm>>
      tpu.wait_dma2 semaphore(%arg18 : memref<!tpu.dma_semaphore, #tpu.memory_space<semaphore_mem>>) src(%dma_wait3A_361 : memref<400xf32, #tpu.memory_space<hbm>>) dst(%dma_wait3A_358 : memref<400xf32, #tpu.memory_space<vmem>>)
      %dma_wait3A_362 = arith.constant 0 : i32
      %dma_wait3A_363 = arith.constant 0 : i32
      %dma_wait3A_364 = arith.constant 0 : i32
      %dma_wait3A_365 = arith.constant 0 : i32
      %dma_wait3A_366 = tpu.memref_slice %arg13[%dma_wait3A_363, %dma_wait3A_364, %dma_wait3A_365] : memref<2x400x16xf32, #tpu.memory_space<vmem>> -> memref<1x80x16xf32, #tpu.memory_space<vmem>>
      %dma_wait3A_367 = tpu.memref_squeeze %dma_wait3A_366 : memref<1x80x16xf32, #tpu.memory_space<vmem>> -> memref<80x16xf32, #tpu.memory_space<vmem>>
      %dma_wait3A_368 = arith.constant 0 : i32
      %dma_wait3A_369 = tpu.memref_slice %arg9[%dma_wait3A_362, %dma_wait3A_368] : memref<5x80xi32, #tpu.memory_space<vmem>> -> memref<1x80xi32, #tpu.memory_space<vmem>>
      %dma_wait3A_370 = tpu.memref_squeeze %dma_wait3A_369 : memref<1x80xi32, #tpu.memory_space<vmem>> -> memref<80xi32, #tpu.memory_space<vmem>>
      %dma_wait3A_371 = arith.constant 0 : i32
      %dma_wait3A_372 = arith.constant 0 : i32
      %dma_wait3A_373 = tpu.memref_slice %arg2[%dma_wait3A_371, %dma_wait3A_372] : memref<51200x16xf32, #tpu.memory_space<hbm>> -> memref<51200x16xf32, #tpu.memory_space<hbm>>
      tpu.wait_indirect_dma semaphore(%arg18 : memref<!tpu.dma_semaphore, #tpu.memory_space<semaphore_mem>>) src(%dma_wait3A_373 : memref<51200x16xf32, #tpu.memory_space<hbm>>) dst(%dma_wait3A_367 : memref<80x16xf32, #tpu.memory_space<vmem>>)
      %dma_wait3A_374 = arith.constant 0 : i32
      %dma_wait3A_375 = arith.constant 0 : i32
      %dma_wait3A_376 = arith.constant 0 : i32
      %dma_wait3A_377 = arith.constant 0 : i32
      %dma_wait3A_378 = tpu.memref_slice %arg13[%dma_wait3A_375, %dma_wait3A_376, %dma_wait3A_377] : memref<2x400x16xf32, #tpu.memory_space<vmem>> -> memref<1x80x16xf32, #tpu.memory_space<vmem>>
      %dma_wait3A_379 = tpu.memref_squeeze %dma_wait3A_378 : memref<1x80x16xf32, #tpu.memory_space<vmem>> -> memref<80x16xf32, #tpu.memory_space<vmem>>
      %dma_wait3A_380 = arith.constant 0 : i32
      %dma_wait3A_381 = tpu.memref_slice %arg9[%dma_wait3A_374, %dma_wait3A_380] : memref<5x80xi32, #tpu.memory_space<vmem>> -> memref<1x80xi32, #tpu.memory_space<vmem>>
      %dma_wait3A_382 = tpu.memref_squeeze %dma_wait3A_381 : memref<1x80xi32, #tpu.memory_space<vmem>> -> memref<80xi32, #tpu.memory_space<vmem>>
      %dma_wait3A_383 = arith.constant 0 : i32
      %dma_wait3A_384 = arith.constant 0 : i32
      %dma_wait3A_385 = tpu.memref_slice %arg2[%dma_wait3A_383, %dma_wait3A_384] : memref<51200x16xf32, #tpu.memory_space<hbm>> -> memref<51200x16xf32, #tpu.memory_space<hbm>>
      tpu.wait_indirect_dma semaphore(%arg18 : memref<!tpu.dma_semaphore, #tpu.memory_space<semaphore_mem>>) src(%dma_wait3A_385 : memref<51200x16xf32, #tpu.memory_space<hbm>>) dst(%dma_wait3A_379 : memref<80x16xf32, #tpu.memory_space<vmem>>)
      %dma_wait3A_386 = arith.constant 0 : i32
      %dma_wait3A_387 = arith.constant 0 : i32
      %dma_wait3A_388 = arith.constant 0 : i32
      %dma_wait3A_389 = arith.constant 0 : i32
      %dma_wait3A_390 = tpu.memref_slice %arg13[%dma_wait3A_387, %dma_wait3A_388, %dma_wait3A_389] : memref<2x400x16xf32, #tpu.memory_space<vmem>> -> memref<1x80x16xf32, #tpu.memory_space<vmem>>
      %dma_wait3A_391 = tpu.memref_squeeze %dma_wait3A_390 : memref<1x80x16xf32, #tpu.memory_space<vmem>> -> memref<80x16xf32, #tpu.memory_space<vmem>>
      %dma_wait3A_392 = arith.constant 0 : i32
      %dma_wait3A_393 = tpu.memref_slice %arg9[%dma_wait3A_386, %dma_wait3A_392] : memref<5x80xi32, #tpu.memory_space<vmem>> -> memref<1x80xi32, #tpu.memory_space<vmem>>
      %dma_wait3A_394 = tpu.memref_squeeze %dma_wait3A_393 : memref<1x80xi32, #tpu.memory_space<vmem>> -> memref<80xi32, #tpu.memory_space<vmem>>
      %dma_wait3A_395 = arith.constant 0 : i32
      %dma_wait3A_396 = arith.constant 0 : i32
      %dma_wait3A_397 = tpu.memref_slice %arg2[%dma_wait3A_395, %dma_wait3A_396] : memref<51200x16xf32, #tpu.memory_space<hbm>> -> memref<51200x16xf32, #tpu.memory_space<hbm>>
      tpu.wait_indirect_dma semaphore(%arg18 : memref<!tpu.dma_semaphore, #tpu.memory_space<semaphore_mem>>) src(%dma_wait3A_397 : memref<51200x16xf32, #tpu.memory_space<hbm>>) dst(%dma_wait3A_391 : memref<80x16xf32, #tpu.memory_space<vmem>>)
      %dma_wait3A_398 = arith.constant 0 : i32
      %dma_wait3A_399 = arith.constant 0 : i32
      %dma_wait3A_400 = arith.constant 0 : i32
      %dma_wait3A_401 = arith.constant 0 : i32
      %dma_wait3A_402 = tpu.memref_slice %arg13[%dma_wait3A_399, %dma_wait3A_400, %dma_wait3A_401] : memref<2x400x16xf32, #tpu.memory_space<vmem>> -> memref<1x80x16xf32, #tpu.memory_space<vmem>>
      %dma_wait3A_403 = tpu.memref_squeeze %dma_wait3A_402 : memref<1x80x16xf32, #tpu.memory_space<vmem>> -> memref<80x16xf32, #tpu.memory_space<vmem>>
      %dma_wait3A_404 = arith.constant 0 : i32
      %dma_wait3A_405 = tpu.memref_slice %arg9[%dma_wait3A_398, %dma_wait3A_404] : memref<5x80xi32, #tpu.memory_space<vmem>> -> memref<1x80xi32, #tpu.memory_space<vmem>>
      %dma_wait3A_406 = tpu.memref_squeeze %dma_wait3A_405 : memref<1x80xi32, #tpu.memory_space<vmem>> -> memref<80xi32, #tpu.memory_space<vmem>>
      %dma_wait3A_407 = arith.constant 0 : i32
      %dma_wait3A_408 = arith.constant 0 : i32
      %dma_wait3A_409 = tpu.memref_slice %arg2[%dma_wait3A_407, %dma_wait3A_408] : memref<51200x16xf32, #tpu.memory_space<hbm>> -> memref<51200x16xf32, #tpu.memory_space<hbm>>
      tpu.wait_indirect_dma semaphore(%arg18 : memref<!tpu.dma_semaphore, #tpu.memory_space<semaphore_mem>>) src(%dma_wait3A_409 : memref<51200x16xf32, #tpu.memory_space<hbm>>) dst(%dma_wait3A_403 : memref<80x16xf32, #tpu.memory_space<vmem>>)
      %dma_wait3A_410 = arith.constant 0 : i32
      %dma_wait3A_411 = arith.constant 0 : i32
      %dma_wait3A_412 = arith.constant 0 : i32
      %dma_wait3A_413 = arith.constant 0 : i32
      %dma_wait3A_414 = tpu.memref_slice %arg13[%dma_wait3A_411, %dma_wait3A_412, %dma_wait3A_413] : memref<2x400x16xf32, #tpu.memory_space<vmem>> -> memref<1x80x16xf32, #tpu.memory_space<vmem>>
      %dma_wait3A_415 = tpu.memref_squeeze %dma_wait3A_414 : memref<1x80x16xf32, #tpu.memory_space<vmem>> -> memref<80x16xf32, #tpu.memory_space<vmem>>
      %dma_wait3A_416 = arith.constant 0 : i32
      %dma_wait3A_417 = tpu.memref_slice %arg9[%dma_wait3A_410, %dma_wait3A_416] : memref<5x80xi32, #tpu.memory_space<vmem>> -> memref<1x80xi32, #tpu.memory_space<vmem>>
      %dma_wait3A_418 = tpu.memref_squeeze %dma_wait3A_417 : memref<1x80xi32, #tpu.memory_space<vmem>> -> memref<80xi32, #tpu.memory_space<vmem>>
      %dma_wait3A_419 = arith.constant 0 : i32
      %dma_wait3A_420 = arith.constant 0 : i32
      %dma_wait3A_421 = tpu.memref_slice %arg2[%dma_wait3A_419, %dma_wait3A_420] : memref<51200x16xf32, #tpu.memory_space<hbm>> -> memref<51200x16xf32, #tpu.memory_space<hbm>>
      tpu.wait_indirect_dma semaphore(%arg18 : memref<!tpu.dma_semaphore, #tpu.memory_space<semaphore_mem>>) src(%dma_wait3A_421 : memref<51200x16xf32, #tpu.memory_space<hbm>>) dst(%dma_wait3A_415 : memref<80x16xf32, #tpu.memory_space<vmem>>)
      %dma_wait3A_422 = arith.constant 0 : i32
      %dma_wait3A_423 = arith.constant 0 : i32
      %dma_wait3A_424 = arith.constant 0 : i32
      %dma_wait3A_425 = arith.constant 0 : i32
      %dma_wait3A_426 = tpu.memref_slice %arg13[%dma_wait3A_423, %dma_wait3A_424, %dma_wait3A_425] : memref<2x400x16xf32, #tpu.memory_space<vmem>> -> memref<1x80x16xf32, #tpu.memory_space<vmem>>
      %dma_wait3A_427 = tpu.memref_squeeze %dma_wait3A_426 : memref<1x80x16xf32, #tpu.memory_space<vmem>> -> memref<80x16xf32, #tpu.memory_space<vmem>>
      %dma_wait3A_428 = arith.constant 0 : i32
      %dma_wait3A_429 = tpu.memref_slice %arg9[%dma_wait3A_422, %dma_wait3A_428] : memref<5x80xi32, #tpu.memory_space<vmem>> -> memref<1x80xi32, #tpu.memory_space<vmem>>
      %dma_wait3A_430 = tpu.memref_squeeze %dma_wait3A_429 : memref<1x80xi32, #tpu.memory_space<vmem>> -> memref<80xi32, #tpu.memory_space<vmem>>
      %dma_wait3A_431 = arith.constant 0 : i32
      %dma_wait3A_432 = arith.constant 0 : i32
      %dma_wait3A_433 = tpu.memref_slice %arg2[%dma_wait3A_431, %dma_wait3A_432] : memref<51200x16xf32, #tpu.memory_space<hbm>> -> memref<51200x16xf32, #tpu.memory_space<hbm>>
      tpu.wait_indirect_dma semaphore(%arg18 : memref<!tpu.dma_semaphore, #tpu.memory_space<semaphore_mem>>) src(%dma_wait3A_433 : memref<51200x16xf32, #tpu.memory_space<hbm>>) dst(%dma_wait3A_427 : memref<80x16xf32, #tpu.memory_space<vmem>>)
      %dma_wait3A_434 = arith.constant 0 : i32
      %dma_wait3A_435 = arith.constant 0 : i32
      %dma_wait3A_436 = arith.constant 0 : i32
      %dma_wait3A_437 = arith.constant 0 : i32
      %dma_wait3A_438 = tpu.memref_slice %arg13[%dma_wait3A_435, %dma_wait3A_436, %dma_wait3A_437] : memref<2x400x16xf32, #tpu.memory_space<vmem>> -> memref<1x80x16xf32, #tpu.memory_space<vmem>>
      %dma_wait3A_439 = tpu.memref_squeeze %dma_wait3A_438 : memref<1x80x16xf32, #tpu.memory_space<vmem>> -> memref<80x16xf32, #tpu.memory_space<vmem>>
      %dma_wait3A_440 = arith.constant 0 : i32
      %dma_wait3A_441 = tpu.memref_slice %arg9[%dma_wait3A_434, %dma_wait3A_440] : memref<5x80xi32, #tpu.memory_space<vmem>> -> memref<1x80xi32, #tpu.memory_space<vmem>>
      %dma_wait3A_442 = tpu.memref_squeeze %dma_wait3A_441 : memref<1x80xi32, #tpu.memory_space<vmem>> -> memref<80xi32, #tpu.memory_space<vmem>>
      %dma_wait3A_443 = arith.constant 0 : i32
      %dma_wait3A_444 = arith.constant 0 : i32
      %dma_wait3A_445 = tpu.memref_slice %arg2[%dma_wait3A_443, %dma_wait3A_444] : memref<51200x16xf32, #tpu.memory_space<hbm>> -> memref<51200x16xf32, #tpu.memory_space<hbm>>
      tpu.wait_indirect_dma semaphore(%arg18 : memref<!tpu.dma_semaphore, #tpu.memory_space<semaphore_mem>>) src(%dma_wait3A_445 : memref<51200x16xf32, #tpu.memory_space<hbm>>) dst(%dma_wait3A_439 : memref<80x16xf32, #tpu.memory_space<vmem>>)
      %dma_wait3A_446 = arith.constant 0 : i32
      %dma_wait3A_447 = arith.constant 0 : i32
      %dma_wait3A_448 = arith.constant 0 : i32
      %dma_wait3A_449 = arith.constant 0 : i32
      %dma_wait3A_450 = tpu.memref_slice %arg13[%dma_wait3A_447, %dma_wait3A_448, %dma_wait3A_449] : memref<2x400x16xf32, #tpu.memory_space<vmem>> -> memref<1x80x16xf32, #tpu.memory_space<vmem>>
      %dma_wait3A_451 = tpu.memref_squeeze %dma_wait3A_450 : memref<1x80x16xf32, #tpu.memory_space<vmem>> -> memref<80x16xf32, #tpu.memory_space<vmem>>
      %dma_wait3A_452 = arith.constant 0 : i32
      %dma_wait3A_453 = tpu.memref_slice %arg9[%dma_wait3A_446, %dma_wait3A_452] : memref<5x80xi32, #tpu.memory_space<vmem>> -> memref<1x80xi32, #tpu.memory_space<vmem>>
      %dma_wait3A_454 = tpu.memref_squeeze %dma_wait3A_453 : memref<1x80xi32, #tpu.memory_space<vmem>> -> memref<80xi32, #tpu.memory_space<vmem>>
      %dma_wait3A_455 = arith.constant 0 : i32
      %dma_wait3A_456 = arith.constant 0 : i32
      %dma_wait3A_457 = tpu.memref_slice %arg2[%dma_wait3A_455, %dma_wait3A_456] : memref<51200x16xf32, #tpu.memory_space<hbm>> -> memref<51200x16xf32, #tpu.memory_space<hbm>>
      tpu.wait_indirect_dma semaphore(%arg18 : memref<!tpu.dma_semaphore, #tpu.memory_space<semaphore_mem>>) src(%dma_wait3A_457 : memref<51200x16xf32, #tpu.memory_space<hbm>>) dst(%dma_wait3A_451 : memref<80x16xf32, #tpu.memory_space<vmem>>)
      %dma_wait3A_458 = arith.constant 0 : i32
      %dma_wait3A_459 = arith.constant 0 : i32
      %dma_wait3A_460 = arith.constant 0 : i32
      %dma_wait3A_461 = arith.constant 0 : i32
      %dma_wait3A_462 = tpu.memref_slice %arg13[%dma_wait3A_459, %dma_wait3A_460, %dma_wait3A_461] : memref<2x400x16xf32, #tpu.memory_space<vmem>> -> memref<1x80x16xf32, #tpu.memory_space<vmem>>
      %dma_wait3A_463 = tpu.memref_squeeze %dma_wait3A_462 : memref<1x80x16xf32, #tpu.memory_space<vmem>> -> memref<80x16xf32, #tpu.memory_space<vmem>>
      %dma_wait3A_464 = arith.constant 0 : i32
      %dma_wait3A_465 = tpu.memref_slice %arg9[%dma_wait3A_458, %dma_wait3A_464] : memref<5x80xi32, #tpu.memory_space<vmem>> -> memref<1x80xi32, #tpu.memory_space<vmem>>
      %dma_wait3A_466 = tpu.memref_squeeze %dma_wait3A_465 : memref<1x80xi32, #tpu.memory_space<vmem>> -> memref<80xi32, #tpu.memory_space<vmem>>
      %dma_wait3A_467 = arith.constant 0 : i32
      %dma_wait3A_468 = arith.constant 0 : i32
      %dma_wait3A_469 = tpu.memref_slice %arg2[%dma_wait3A_467, %dma_wait3A_468] : memref<51200x16xf32, #tpu.memory_space<hbm>> -> memref<51200x16xf32, #tpu.memory_space<hbm>>
      tpu.wait_indirect_dma semaphore(%arg18 : memref<!tpu.dma_semaphore, #tpu.memory_space<semaphore_mem>>) src(%dma_wait3A_469 : memref<51200x16xf32, #tpu.memory_space<hbm>>) dst(%dma_wait3A_463 : memref<80x16xf32, #tpu.memory_space<vmem>>)
      %dma_wait3A_470 = arith.constant 0 : i32
      %dma_wait3A_471 = arith.constant 0 : i32
      %dma_wait3A_472 = arith.constant 0 : i32
      %dma_wait3A_473 = arith.constant 0 : i32
      %dma_wait3A_474 = tpu.memref_slice %arg13[%dma_wait3A_471, %dma_wait3A_472, %dma_wait3A_473] : memref<2x400x16xf32, #tpu.memory_space<vmem>> -> memref<1x80x16xf32, #tpu.memory_space<vmem>>
      %dma_wait3A_475 = tpu.memref_squeeze %dma_wait3A_474 : memref<1x80x16xf32, #tpu.memory_space<vmem>> -> memref<80x16xf32, #tpu.memory_space<vmem>>
      %dma_wait3A_476 = arith.constant 0 : i32
      %dma_wait3A_477 = tpu.memref_slice %arg9[%dma_wait3A_470, %dma_wait3A_476] : memref<5x80xi32, #tpu.memory_space<vmem>> -> memref<1x80xi32, #tpu.memory_space<vmem>>
      %dma_wait3A_478 = tpu.memref_squeeze %dma_wait3A_477 : memref<1x80xi32, #tpu.memory_space<vmem>> -> memref<80xi32, #tpu.memory_space<vmem>>
      %dma_wait3A_479 = arith.constant 0 : i32
      %dma_wait3A_480 = arith.constant 0 : i32
      %dma_wait3A_481 = tpu.memref_slice %arg2[%dma_wait3A_479, %dma_wait3A_480] : memref<51200x16xf32, #tpu.memory_space<hbm>> -> memref<51200x16xf32, #tpu.memory_space<hbm>>
      tpu.wait_indirect_dma semaphore(%arg18 : memref<!tpu.dma_semaphore, #tpu.memory_space<semaphore_mem>>) src(%dma_wait3A_481 : memref<51200x16xf32, #tpu.memory_space<hbm>>) dst(%dma_wait3A_475 : memref<80x16xf32, #tpu.memory_space<vmem>>)
      %gt3A = arith.constant 0 : i32
      %gt3A_482 = arith.cmpi sgt, %scan3A_324, %gt3A : i32
      %convert_element_type3A = arith.extui %gt3A_482 : i1 to i32
      %cond3A = arith.constant 0 : i32
      %cond3A_483 = arith.cmpi ne, %convert_element_type3A, %cond3A : i32
      scf.if %cond3A_483 {
        %dma_wait3A_603 = arith.constant 0 : i32
        %dma_wait3A_604 = arith.constant 0 : i32
        %dma_wait3A_605 = arith.constant 0 : i32
        %dma_wait3A_606 = arith.constant 0 : i32
        %dma_wait3A_607 = arith.constant 0 : i32
        %dma_wait3A_608 = tpu.memref_slice %arg13[%dma_wait3A_603, %dma_wait3A_606, %dma_wait3A_607] : memref<2x400x16xf32, #tpu.memory_space<vmem>> -> memref<1x80x16xf32, #tpu.memory_space<vmem>>
        %dma_wait3A_609 = tpu.memref_squeeze %dma_wait3A_608 : memref<1x80x16xf32, #tpu.memory_space<vmem>> -> memref<80x16xf32, #tpu.memory_space<vmem>>
        %dma_wait3A_610 = arith.constant 0 : i32
        %dma_wait3A_611 = tpu.memref_slice %arg10[%dma_wait3A_604, %dma_wait3A_605, %dma_wait3A_610] : memref<2x5x80xi32, #tpu.memory_space<vmem>> -> memref<1x1x80xi32, #tpu.memory_space<vmem>>
        %dma_wait3A_612 = tpu.memref_squeeze %dma_wait3A_611 : memref<1x1x80xi32, #tpu.memory_space<vmem>> -> memref<80xi32, #tpu.memory_space<vmem>>
        %dma_wait3A_613 = arith.constant 0 : i32
        %dma_wait3A_614 = arith.constant 0 : i32
        %dma_wait3A_615 = tpu.memref_slice %arg16[%dma_wait3A_613, %dma_wait3A_614] : memref<51200x16xf32, #tpu.memory_space<vmem_shared>> -> memref<51200x16xf32, #tpu.memory_space<vmem_shared>>
        tpu.wait_indirect_dma semaphore(%arg19 : memref<!tpu.dma_semaphore, #tpu.memory_space<semaphore_mem>>) src(%dma_wait3A_609 : memref<80x16xf32, #tpu.memory_space<vmem>>) dst(%dma_wait3A_615 : memref<51200x16xf32, #tpu.memory_space<vmem_shared>>)
        %dma_wait3A_616 = arith.constant 0 : i32
        %dma_wait3A_617 = arith.constant 0 : i32
        %dma_wait3A_618 = arith.constant 0 : i32
        %dma_wait3A_619 = arith.constant 0 : i32
        %dma_wait3A_620 = arith.constant 0 : i32
        %dma_wait3A_621 = tpu.memref_slice %arg13[%dma_wait3A_616, %dma_wait3A_619, %dma_wait3A_620] : memref<2x400x16xf32, #tpu.memory_space<vmem>> -> memref<1x80x16xf32, #tpu.memory_space<vmem>>
        %dma_wait3A_622 = tpu.memref_squeeze %dma_wait3A_621 : memref<1x80x16xf32, #tpu.memory_space<vmem>> -> memref<80x16xf32, #tpu.memory_space<vmem>>
        %dma_wait3A_623 = arith.constant 0 : i32
        %dma_wait3A_624 = tpu.memref_slice %arg10[%dma_wait3A_617, %dma_wait3A_618, %dma_wait3A_623] : memref<2x5x80xi32, #tpu.memory_space<vmem>> -> memref<1x1x80xi32, #tpu.memory_space<vmem>>
        %dma_wait3A_625 = tpu.memref_squeeze %dma_wait3A_624 : memref<1x1x80xi32, #tpu.memory_space<vmem>> -> memref<80xi32, #tpu.memory_space<vmem>>
        %dma_wait3A_626 = arith.constant 0 : i32
        %dma_wait3A_627 = arith.constant 0 : i32
        %dma_wait3A_628 = tpu.memref_slice %arg16[%dma_wait3A_626, %dma_wait3A_627] : memref<51200x16xf32, #tpu.memory_space<vmem_shared>> -> memref<51200x16xf32, #tpu.memory_space<vmem_shared>>
        tpu.wait_indirect_dma semaphore(%arg19 : memref<!tpu.dma_semaphore, #tpu.memory_space<semaphore_mem>>) src(%dma_wait3A_622 : memref<80x16xf32, #tpu.memory_space<vmem>>) dst(%dma_wait3A_628 : memref<51200x16xf32, #tpu.memory_space<vmem_shared>>)
        %dma_wait3A_629 = arith.constant 0 : i32
        %dma_wait3A_630 = arith.constant 0 : i32
        %dma_wait3A_631 = arith.constant 0 : i32
        %dma_wait3A_632 = arith.constant 0 : i32
        %dma_wait3A_633 = arith.constant 0 : i32
        %dma_wait3A_634 = tpu.memref_slice %arg13[%dma_wait3A_629, %dma_wait3A_632, %dma_wait3A_633] : memref<2x400x16xf32, #tpu.memory_space<vmem>> -> memref<1x80x16xf32, #tpu.memory_space<vmem>>
        %dma_wait3A_635 = tpu.memref_squeeze %dma_wait3A_634 : memref<1x80x16xf32, #tpu.memory_space<vmem>> -> memref<80x16xf32, #tpu.memory_space<vmem>>
        %dma_wait3A_636 = arith.constant 0 : i32
        %dma_wait3A_637 = tpu.memref_slice %arg10[%dma_wait3A_630, %dma_wait3A_631, %dma_wait3A_636] : memref<2x5x80xi32, #tpu.memory_space<vmem>> -> memref<1x1x80xi32, #tpu.memory_space<vmem>>
        %dma_wait3A_638 = tpu.memref_squeeze %dma_wait3A_637 : memref<1x1x80xi32, #tpu.memory_space<vmem>> -> memref<80xi32, #tpu.memory_space<vmem>>
        %dma_wait3A_639 = arith.constant 0 : i32
        %dma_wait3A_640 = arith.constant 0 : i32
        %dma_wait3A_641 = tpu.memref_slice %arg16[%dma_wait3A_639, %dma_wait3A_640] : memref<51200x16xf32, #tpu.memory_space<vmem_shared>> -> memref<51200x16xf32, #tpu.memory_space<vmem_shared>>
        tpu.wait_indirect_dma semaphore(%arg19 : memref<!tpu.dma_semaphore, #tpu.memory_space<semaphore_mem>>) src(%dma_wait3A_635 : memref<80x16xf32, #tpu.memory_space<vmem>>) dst(%dma_wait3A_641 : memref<51200x16xf32, #tpu.memory_space<vmem_shared>>)
        %dma_wait3A_642 = arith.constant 0 : i32
        %dma_wait3A_643 = arith.constant 0 : i32
        %dma_wait3A_644 = arith.constant 0 : i32
        %dma_wait3A_645 = arith.constant 0 : i32
        %dma_wait3A_646 = arith.constant 0 : i32
        %dma_wait3A_647 = tpu.memref_slice %arg13[%dma_wait3A_642, %dma_wait3A_645, %dma_wait3A_646] : memref<2x400x16xf32, #tpu.memory_space<vmem>> -> memref<1x80x16xf32, #tpu.memory_space<vmem>>
        %dma_wait3A_648 = tpu.memref_squeeze %dma_wait3A_647 : memref<1x80x16xf32, #tpu.memory_space<vmem>> -> memref<80x16xf32, #tpu.memory_space<vmem>>
        %dma_wait3A_649 = arith.constant 0 : i32
        %dma_wait3A_650 = tpu.memref_slice %arg10[%dma_wait3A_643, %dma_wait3A_644, %dma_wait3A_649] : memref<2x5x80xi32, #tpu.memory_space<vmem>> -> memref<1x1x80xi32, #tpu.memory_space<vmem>>
        %dma_wait3A_651 = tpu.memref_squeeze %dma_wait3A_650 : memref<1x1x80xi32, #tpu.memory_space<vmem>> -> memref<80xi32, #tpu.memory_space<vmem>>
        %dma_wait3A_652 = arith.constant 0 : i32
        %dma_wait3A_653 = arith.constant 0 : i32
        %dma_wait3A_654 = tpu.memref_slice %arg16[%dma_wait3A_652, %dma_wait3A_653] : memref<51200x16xf32, #tpu.memory_space<vmem_shared>> -> memref<51200x16xf32, #tpu.memory_space<vmem_shared>>
        tpu.wait_indirect_dma semaphore(%arg19 : memref<!tpu.dma_semaphore, #tpu.memory_space<semaphore_mem>>) src(%dma_wait3A_648 : memref<80x16xf32, #tpu.memory_space<vmem>>) dst(%dma_wait3A_654 : memref<51200x16xf32, #tpu.memory_space<vmem_shared>>)
        %dma_wait3A_655 = arith.constant 0 : i32
        %dma_wait3A_656 = arith.constant 0 : i32
        %dma_wait3A_657 = arith.constant 0 : i32
        %dma_wait3A_658 = arith.constant 0 : i32
        %dma_wait3A_659 = arith.constant 0 : i32
        %dma_wait3A_660 = tpu.memref_slice %arg13[%dma_wait3A_655, %dma_wait3A_658, %dma_wait3A_659] : memref<2x400x16xf32, #tpu.memory_space<vmem>> -> memref<1x80x16xf32, #tpu.memory_space<vmem>>
        %dma_wait3A_661 = tpu.memref_squeeze %dma_wait3A_660 : memref<1x80x16xf32, #tpu.memory_space<vmem>> -> memref<80x16xf32, #tpu.memory_space<vmem>>
        %dma_wait3A_662 = arith.constant 0 : i32
        %dma_wait3A_663 = tpu.memref_slice %arg10[%dma_wait3A_656, %dma_wait3A_657, %dma_wait3A_662] : memref<2x5x80xi32, #tpu.memory_space<vmem>> -> memref<1x1x80xi32, #tpu.memory_space<vmem>>
        %dma_wait3A_664 = tpu.memref_squeeze %dma_wait3A_663 : memref<1x1x80xi32, #tpu.memory_space<vmem>> -> memref<80xi32, #tpu.memory_space<vmem>>
        %dma_wait3A_665 = arith.constant 0 : i32
        %dma_wait3A_666 = arith.constant 0 : i32
        %dma_wait3A_667 = tpu.memref_slice %arg16[%dma_wait3A_665, %dma_wait3A_666] : memref<51200x16xf32, #tpu.memory_space<vmem_shared>> -> memref<51200x16xf32, #tpu.memory_space<vmem_shared>>
        tpu.wait_indirect_dma semaphore(%arg19 : memref<!tpu.dma_semaphore, #tpu.memory_space<semaphore_mem>>) src(%dma_wait3A_661 : memref<80x16xf32, #tpu.memory_space<vmem>>) dst(%dma_wait3A_667 : memref<51200x16xf32, #tpu.memory_space<vmem_shared>>)
        %dma_wait3A_668 = arith.constant 0 : i32
        %dma_wait3A_669 = arith.constant 0 : i32
        %dma_wait3A_670 = arith.constant 0 : i32
        %dma_wait3A_671 = arith.constant 0 : i32
        %dma_wait3A_672 = arith.constant 0 : i32
        %dma_wait3A_673 = tpu.memref_slice %arg13[%dma_wait3A_668, %dma_wait3A_671, %dma_wait3A_672] : memref<2x400x16xf32, #tpu.memory_space<vmem>> -> memref<1x80x16xf32, #tpu.memory_space<vmem>>
        %dma_wait3A_674 = tpu.memref_squeeze %dma_wait3A_673 : memref<1x80x16xf32, #tpu.memory_space<vmem>> -> memref<80x16xf32, #tpu.memory_space<vmem>>
        %dma_wait3A_675 = arith.constant 0 : i32
        %dma_wait3A_676 = tpu.memref_slice %arg10[%dma_wait3A_669, %dma_wait3A_670, %dma_wait3A_675] : memref<2x5x80xi32, #tpu.memory_space<vmem>> -> memref<1x1x80xi32, #tpu.memory_space<vmem>>
        %dma_wait3A_677 = tpu.memref_squeeze %dma_wait3A_676 : memref<1x1x80xi32, #tpu.memory_space<vmem>> -> memref<80xi32, #tpu.memory_space<vmem>>
        %dma_wait3A_678 = arith.constant 0 : i32
        %dma_wait3A_679 = arith.constant 0 : i32
        %dma_wait3A_680 = tpu.memref_slice %arg16[%dma_wait3A_678, %dma_wait3A_679] : memref<51200x16xf32, #tpu.memory_space<vmem_shared>> -> memref<51200x16xf32, #tpu.memory_space<vmem_shared>>
        tpu.wait_indirect_dma semaphore(%arg19 : memref<!tpu.dma_semaphore, #tpu.memory_space<semaphore_mem>>) src(%dma_wait3A_674 : memref<80x16xf32, #tpu.memory_space<vmem>>) dst(%dma_wait3A_680 : memref<51200x16xf32, #tpu.memory_space<vmem_shared>>)
        %dma_wait3A_681 = arith.constant 0 : i32
        %dma_wait3A_682 = arith.constant 0 : i32
        %dma_wait3A_683 = arith.constant 0 : i32
        %dma_wait3A_684 = arith.constant 0 : i32
        %dma_wait3A_685 = arith.constant 0 : i32
        %dma_wait3A_686 = tpu.memref_slice %arg13[%dma_wait3A_681, %dma_wait3A_684, %dma_wait3A_685] : memref<2x400x16xf32, #tpu.memory_space<vmem>> -> memref<1x80x16xf32, #tpu.memory_space<vmem>>
        %dma_wait3A_687 = tpu.memref_squeeze %dma_wait3A_686 : memref<1x80x16xf32, #tpu.memory_space<vmem>> -> memref<80x16xf32, #tpu.memory_space<vmem>>
        %dma_wait3A_688 = arith.constant 0 : i32
        %dma_wait3A_689 = tpu.memref_slice %arg10[%dma_wait3A_682, %dma_wait3A_683, %dma_wait3A_688] : memref<2x5x80xi32, #tpu.memory_space<vmem>> -> memref<1x1x80xi32, #tpu.memory_space<vmem>>
        %dma_wait3A_690 = tpu.memref_squeeze %dma_wait3A_689 : memref<1x1x80xi32, #tpu.memory_space<vmem>> -> memref<80xi32, #tpu.memory_space<vmem>>
        %dma_wait3A_691 = arith.constant 0 : i32
        %dma_wait3A_692 = arith.constant 0 : i32
        %dma_wait3A_693 = tpu.memref_slice %arg16[%dma_wait3A_691, %dma_wait3A_692] : memref<51200x16xf32, #tpu.memory_space<vmem_shared>> -> memref<51200x16xf32, #tpu.memory_space<vmem_shared>>
        tpu.wait_indirect_dma semaphore(%arg19 : memref<!tpu.dma_semaphore, #tpu.memory_space<semaphore_mem>>) src(%dma_wait3A_687 : memref<80x16xf32, #tpu.memory_space<vmem>>) dst(%dma_wait3A_693 : memref<51200x16xf32, #tpu.memory_space<vmem_shared>>)
        %dma_wait3A_694 = arith.constant 0 : i32
        %dma_wait3A_695 = arith.constant 0 : i32
        %dma_wait3A_696 = arith.constant 0 : i32
        %dma_wait3A_697 = arith.constant 0 : i32
        %dma_wait3A_698 = arith.constant 0 : i32
        %dma_wait3A_699 = tpu.memref_slice %arg13[%dma_wait3A_694, %dma_wait3A_697, %dma_wait3A_698] : memref<2x400x16xf32, #tpu.memory_space<vmem>> -> memref<1x80x16xf32, #tpu.memory_space<vmem>>
        %dma_wait3A_700 = tpu.memref_squeeze %dma_wait3A_699 : memref<1x80x16xf32, #tpu.memory_space<vmem>> -> memref<80x16xf32, #tpu.memory_space<vmem>>
        %dma_wait3A_701 = arith.constant 0 : i32
        %dma_wait3A_702 = tpu.memref_slice %arg10[%dma_wait3A_695, %dma_wait3A_696, %dma_wait3A_701] : memref<2x5x80xi32, #tpu.memory_space<vmem>> -> memref<1x1x80xi32, #tpu.memory_space<vmem>>
        %dma_wait3A_703 = tpu.memref_squeeze %dma_wait3A_702 : memref<1x1x80xi32, #tpu.memory_space<vmem>> -> memref<80xi32, #tpu.memory_space<vmem>>
        %dma_wait3A_704 = arith.constant 0 : i32
        %dma_wait3A_705 = arith.constant 0 : i32
        %dma_wait3A_706 = tpu.memref_slice %arg16[%dma_wait3A_704, %dma_wait3A_705] : memref<51200x16xf32, #tpu.memory_space<vmem_shared>> -> memref<51200x16xf32, #tpu.memory_space<vmem_shared>>
        tpu.wait_indirect_dma semaphore(%arg19 : memref<!tpu.dma_semaphore, #tpu.memory_space<semaphore_mem>>) src(%dma_wait3A_700 : memref<80x16xf32, #tpu.memory_space<vmem>>) dst(%dma_wait3A_706 : memref<51200x16xf32, #tpu.memory_space<vmem_shared>>)
        %dma_wait3A_707 = arith.constant 0 : i32
        %dma_wait3A_708 = arith.constant 0 : i32
        %dma_wait3A_709 = arith.constant 0 : i32
        %dma_wait3A_710 = arith.constant 0 : i32
        %dma_wait3A_711 = arith.constant 0 : i32
        %dma_wait3A_712 = tpu.memref_slice %arg13[%dma_wait3A_707, %dma_wait3A_710, %dma_wait3A_711] : memref<2x400x16xf32, #tpu.memory_space<vmem>> -> memref<1x80x16xf32, #tpu.memory_space<vmem>>
        %dma_wait3A_713 = tpu.memref_squeeze %dma_wait3A_712 : memref<1x80x16xf32, #tpu.memory_space<vmem>> -> memref<80x16xf32, #tpu.memory_space<vmem>>
        %dma_wait3A_714 = arith.constant 0 : i32
        %dma_wait3A_715 = tpu.memref_slice %arg10[%dma_wait3A_708, %dma_wait3A_709, %dma_wait3A_714] : memref<2x5x80xi32, #tpu.memory_space<vmem>> -> memref<1x1x80xi32, #tpu.memory_space<vmem>>
        %dma_wait3A_716 = tpu.memref_squeeze %dma_wait3A_715 : memref<1x1x80xi32, #tpu.memory_space<vmem>> -> memref<80xi32, #tpu.memory_space<vmem>>
        %dma_wait3A_717 = arith.constant 0 : i32
        %dma_wait3A_718 = arith.constant 0 : i32
        %dma_wait3A_719 = tpu.memref_slice %arg16[%dma_wait3A_717, %dma_wait3A_718] : memref<51200x16xf32, #tpu.memory_space<vmem_shared>> -> memref<51200x16xf32, #tpu.memory_space<vmem_shared>>
        tpu.wait_indirect_dma semaphore(%arg19 : memref<!tpu.dma_semaphore, #tpu.memory_space<semaphore_mem>>) src(%dma_wait3A_713 : memref<80x16xf32, #tpu.memory_space<vmem>>) dst(%dma_wait3A_719 : memref<51200x16xf32, #tpu.memory_space<vmem_shared>>)
        %dma_wait3A_720 = arith.constant 0 : i32
        %dma_wait3A_721 = arith.constant 0 : i32
        %dma_wait3A_722 = arith.constant 0 : i32
        %dma_wait3A_723 = arith.constant 0 : i32
        %dma_wait3A_724 = arith.constant 0 : i32
        %dma_wait3A_725 = tpu.memref_slice %arg13[%dma_wait3A_720, %dma_wait3A_723, %dma_wait3A_724] : memref<2x400x16xf32, #tpu.memory_space<vmem>> -> memref<1x80x16xf32, #tpu.memory_space<vmem>>
        %dma_wait3A_726 = tpu.memref_squeeze %dma_wait3A_725 : memref<1x80x16xf32, #tpu.memory_space<vmem>> -> memref<80x16xf32, #tpu.memory_space<vmem>>
        %dma_wait3A_727 = arith.constant 0 : i32
        %dma_wait3A_728 = tpu.memref_slice %arg10[%dma_wait3A_721, %dma_wait3A_722, %dma_wait3A_727] : memref<2x5x80xi32, #tpu.memory_space<vmem>> -> memref<1x1x80xi32, #tpu.memory_space<vmem>>
        %dma_wait3A_729 = tpu.memref_squeeze %dma_wait3A_728 : memref<1x1x80xi32, #tpu.memory_space<vmem>> -> memref<80xi32, #tpu.memory_space<vmem>>
        %dma_wait3A_730 = arith.constant 0 : i32
        %dma_wait3A_731 = arith.constant 0 : i32
        %dma_wait3A_732 = tpu.memref_slice %arg16[%dma_wait3A_730, %dma_wait3A_731] : memref<51200x16xf32, #tpu.memory_space<vmem_shared>> -> memref<51200x16xf32, #tpu.memory_space<vmem_shared>>
        tpu.wait_indirect_dma semaphore(%arg19 : memref<!tpu.dma_semaphore, #tpu.memory_space<semaphore_mem>>) src(%dma_wait3A_726 : memref<80x16xf32, #tpu.memory_space<vmem>>) dst(%dma_wait3A_732 : memref<51200x16xf32, #tpu.memory_space<vmem_shared>>)
      } else {
      }
      %add3A_484 = arith.constant 1 : i32
      %add3A_485 = arith.addi %scan3A_324, %add3A_484 : i32
      %lt3A_486 = arith.constant 125 : i32
      %lt3A_487 = arith.cmpi slt, %add3A_485, %lt3A_486 : i32
      %convert_element_type3A_488 = arith.extui %lt3A_487 : i1 to i32
      %cond3A_489 = arith.constant 0 : i32
      %cond3A_490 = arith.cmpi ne, %convert_element_type3A_488, %cond3A_489 : i32
      scf.if %cond3A_490 {
        %add3A_603 = arith.constant 1 : i32
        %add3A_604 = arith.addi %scan3A_324, %add3A_603 : i32
        %mul3A_605 = arith.constant 32 : i32
        %mul3A_606 = arith.muli %add3A_604, %mul3A_605 : i32
        %add3A_607 = arith.addi %add3A, %mul3A_606 : i32
        %sub3A = arith.constant 1 : i32
        %sub3A_608 = arith.subi %sub3A, %select_n3A_333 : i32
        %mul3A_609 = arith.constant 400 : i32
        %mul3A_610 = arith.muli %add3A_607, %mul3A_609 : i32
        "tpu.region"() ({
          %run_scoped3A_743 = tpu.sem_alloc : memref<!tpu.dma_semaphore, #tpu.memory_space<semaphore_mem>>
          %dma_start3A_744 = arith.constant 0 : i32
          %dma_start3A_745 = arith.constant 0 : i32
          %dma_start3A_746 = tpu.memref_slice %arg4[%add3A_607, %dma_start3A_744, %dma_start3A_745] : memref<4000x5x80xi32, #tpu.memory_space<hbm>> -> memref<1x5x80xi32, #tpu.memory_space<hbm>>
          %dma_start3A_747 = tpu.memref_squeeze %dma_start3A_746 : memref<1x5x80xi32, #tpu.memory_space<hbm>> -> memref<5x80xi32, #tpu.memory_space<hbm>>
          %dma_start3A_748 = arith.constant 0 : i32
          %dma_start3A_749 = arith.constant 0 : i32
          %dma_start3A_750 = tpu.memref_slice %arg4[%add3A_607, %dma_start3A_748, %dma_start3A_749] : memref<4000x5x80xi32, #tpu.memory_space<hbm>> -> memref<1x5x80xi32, #tpu.memory_space<hbm>>
          %dma_start3A_751 = tpu.memref_squeeze %dma_start3A_750 : memref<1x5x80xi32, #tpu.memory_space<hbm>> -> memref<5x80xi32, #tpu.memory_space<hbm>>
          tpu.enqueue_dma source(%dma_start3A_751 : memref<5x80xi32, #tpu.memory_space<hbm>>) target(%arg9 : memref<5x80xi32, #tpu.memory_space<vmem>>) target_semaphore(%run_scoped3A_743 : memref<!tpu.dma_semaphore, #tpu.memory_space<semaphore_mem>>)
          %dma_wait3A_752 = arith.constant 0 : i32
          %dma_wait3A_753 = arith.constant 0 : i32
          %dma_wait3A_754 = tpu.memref_slice %arg4[%add3A_607, %dma_wait3A_752, %dma_wait3A_753] : memref<4000x5x80xi32, #tpu.memory_space<hbm>> -> memref<1x5x80xi32, #tpu.memory_space<hbm>>
          %dma_wait3A_755 = tpu.memref_squeeze %dma_wait3A_754 : memref<1x5x80xi32, #tpu.memory_space<hbm>> -> memref<5x80xi32, #tpu.memory_space<hbm>>
          %dma_wait3A_756 = arith.constant 0 : i32
          %dma_wait3A_757 = arith.constant 0 : i32
          %dma_wait3A_758 = tpu.memref_slice %arg4[%add3A_607, %dma_wait3A_756, %dma_wait3A_757] : memref<4000x5x80xi32, #tpu.memory_space<hbm>> -> memref<1x5x80xi32, #tpu.memory_space<hbm>>
          %dma_wait3A_759 = tpu.memref_squeeze %dma_wait3A_758 : memref<1x5x80xi32, #tpu.memory_space<hbm>> -> memref<5x80xi32, #tpu.memory_space<hbm>>
          tpu.wait_dma2 semaphore(%run_scoped3A_743 : memref<!tpu.dma_semaphore, #tpu.memory_space<semaphore_mem>>) src(%dma_wait3A_759 : memref<5x80xi32, #tpu.memory_space<hbm>>) dst(%arg9 : memref<5x80xi32, #tpu.memory_space<vmem>>)
          tpu.yield
        }) : () -> ()
        "tpu.region"() ({
          %run_scoped3A_743 = tpu.sem_alloc : memref<!tpu.dma_semaphore, #tpu.memory_space<semaphore_mem>>
          %dma_start3A_744 = arith.constant 0 : i32
          %dma_start3A_745 = arith.constant 0 : i32
          %dma_start3A_746 = tpu.memref_slice %arg10[%sub3A_608, %dma_start3A_744, %dma_start3A_745] : memref<2x5x80xi32, #tpu.memory_space<vmem>> -> memref<1x5x80xi32, #tpu.memory_space<vmem>>
          %dma_start3A_747 = tpu.memref_squeeze %dma_start3A_746 : memref<1x5x80xi32, #tpu.memory_space<vmem>> -> memref<5x80xi32, #tpu.memory_space<vmem>>
          %dma_start3A_748 = arith.constant 0 : i32
          %dma_start3A_749 = arith.constant 0 : i32
          %dma_start3A_750 = tpu.memref_slice %arg5[%add3A_607, %dma_start3A_748, %dma_start3A_749] : memref<4000x5x80xi32, #tpu.memory_space<hbm>> -> memref<1x5x80xi32, #tpu.memory_space<hbm>>
          %dma_start3A_751 = tpu.memref_squeeze %dma_start3A_750 : memref<1x5x80xi32, #tpu.memory_space<hbm>> -> memref<5x80xi32, #tpu.memory_space<hbm>>
          %dma_start3A_752 = arith.constant 0 : i32
          %dma_start3A_753 = arith.constant 0 : i32
          %dma_start3A_754 = tpu.memref_slice %arg10[%sub3A_608, %dma_start3A_752, %dma_start3A_753] : memref<2x5x80xi32, #tpu.memory_space<vmem>> -> memref<1x5x80xi32, #tpu.memory_space<vmem>>
          %dma_start3A_755 = tpu.memref_squeeze %dma_start3A_754 : memref<1x5x80xi32, #tpu.memory_space<vmem>> -> memref<5x80xi32, #tpu.memory_space<vmem>>
          %dma_start3A_756 = arith.constant 0 : i32
          %dma_start3A_757 = arith.constant 0 : i32
          %dma_start3A_758 = tpu.memref_slice %arg5[%add3A_607, %dma_start3A_756, %dma_start3A_757] : memref<4000x5x80xi32, #tpu.memory_space<hbm>> -> memref<1x5x80xi32, #tpu.memory_space<hbm>>
          %dma_start3A_759 = tpu.memref_squeeze %dma_start3A_758 : memref<1x5x80xi32, #tpu.memory_space<hbm>> -> memref<5x80xi32, #tpu.memory_space<hbm>>
          tpu.enqueue_dma source(%dma_start3A_759 : memref<5x80xi32, #tpu.memory_space<hbm>>) target(%dma_start3A_755 : memref<5x80xi32, #tpu.memory_space<vmem>>) target_semaphore(%run_scoped3A_743 : memref<!tpu.dma_semaphore, #tpu.memory_space<semaphore_mem>>)
          %dma_wait3A_760 = arith.constant 0 : i32
          %dma_wait3A_761 = arith.constant 0 : i32
          %dma_wait3A_762 = tpu.memref_slice %arg10[%sub3A_608, %dma_wait3A_760, %dma_wait3A_761] : memref<2x5x80xi32, #tpu.memory_space<vmem>> -> memref<1x5x80xi32, #tpu.memory_space<vmem>>
          %dma_wait3A_763 = tpu.memref_squeeze %dma_wait3A_762 : memref<1x5x80xi32, #tpu.memory_space<vmem>> -> memref<5x80xi32, #tpu.memory_space<vmem>>
          %dma_wait3A_764 = arith.constant 0 : i32
          %dma_wait3A_765 = arith.constant 0 : i32
          %dma_wait3A_766 = tpu.memref_slice %arg5[%add3A_607, %dma_wait3A_764, %dma_wait3A_765] : memref<4000x5x80xi32, #tpu.memory_space<hbm>> -> memref<1x5x80xi32, #tpu.memory_space<hbm>>
          %dma_wait3A_767 = tpu.memref_squeeze %dma_wait3A_766 : memref<1x5x80xi32, #tpu.memory_space<hbm>> -> memref<5x80xi32, #tpu.memory_space<hbm>>
          %dma_wait3A_768 = arith.constant 0 : i32
          %dma_wait3A_769 = arith.constant 0 : i32
          %dma_wait3A_770 = tpu.memref_slice %arg10[%sub3A_608, %dma_wait3A_768, %dma_wait3A_769] : memref<2x5x80xi32, #tpu.memory_space<vmem>> -> memref<1x5x80xi32, #tpu.memory_space<vmem>>
          %dma_wait3A_771 = tpu.memref_squeeze %dma_wait3A_770 : memref<1x5x80xi32, #tpu.memory_space<vmem>> -> memref<5x80xi32, #tpu.memory_space<vmem>>
          %dma_wait3A_772 = arith.constant 0 : i32
          %dma_wait3A_773 = arith.constant 0 : i32
          %dma_wait3A_774 = tpu.memref_slice %arg5[%add3A_607, %dma_wait3A_772, %dma_wait3A_773] : memref<4000x5x80xi32, #tpu.memory_space<hbm>> -> memref<1x5x80xi32, #tpu.memory_space<hbm>>
          %dma_wait3A_775 = tpu.memref_squeeze %dma_wait3A_774 : memref<1x5x80xi32, #tpu.memory_space<hbm>> -> memref<5x80xi32, #tpu.memory_space<hbm>>
          tpu.wait_dma2 semaphore(%run_scoped3A_743 : memref<!tpu.dma_semaphore, #tpu.memory_space<semaphore_mem>>) src(%dma_wait3A_775 : memref<5x80xi32, #tpu.memory_space<hbm>>) dst(%dma_wait3A_771 : memref<5x80xi32, #tpu.memory_space<vmem>>)
          tpu.yield
        }) : () -> ()
        %dma_start3A_611 = arith.constant 0 : i32
        %dma_start3A_612 = arith.constant 0 : i32
        %dma_start3A_613 = tpu.memref_slice %arg11[%sub3A_608, %dma_start3A_612] : memref<2x400xf32, #tpu.memory_space<vmem>> -> memref<1x400xf32, #tpu.memory_space<vmem>>
        %dma_start3A_614 = tpu.memref_squeeze %dma_start3A_613 : memref<1x400xf32, #tpu.memory_space<vmem>> -> memref<400xf32, #tpu.memory_space<vmem>>
        %dma_start3A_615 = tpu.memref_slice %arg6[%dma_start3A_611, %mul3A_610] : memref<2x1600000xf32, #tpu.memory_space<hbm>> -> memref<1x400xf32, #tpu.memory_space<hbm>>
        %dma_start3A_616 = tpu.memref_squeeze %dma_start3A_615 : memref<1x400xf32, #tpu.memory_space<hbm>> -> memref<400xf32, #tpu.memory_space<hbm>>
        %dma_start3A_617 = arith.constant 0 : i32
        %dma_start3A_618 = tpu.memref_slice %arg11[%sub3A_608, %dma_start3A_617] : memref<2x400xf32, #tpu.memory_space<vmem>> -> memref<1x400xf32, #tpu.memory_space<vmem>>
        %dma_start3A_619 = tpu.memref_squeeze %dma_start3A_618 : memref<1x400xf32, #tpu.memory_space<vmem>> -> memref<400xf32, #tpu.memory_space<vmem>>
        %dma_start3A_620 = tpu.memref_slice %arg6[%dma_start3A_611, %mul3A_610] : memref<2x1600000xf32, #tpu.memory_space<hbm>> -> memref<1x400xf32, #tpu.memory_space<hbm>>
        %dma_start3A_621 = tpu.memref_squeeze %dma_start3A_620 : memref<1x400xf32, #tpu.memory_space<hbm>> -> memref<400xf32, #tpu.memory_space<hbm>>
        tpu.enqueue_dma source(%dma_start3A_621 : memref<400xf32, #tpu.memory_space<hbm>>) target(%dma_start3A_619 : memref<400xf32, #tpu.memory_space<vmem>>) target_semaphore(%arg18 : memref<!tpu.dma_semaphore, #tpu.memory_space<semaphore_mem>>)
        %dma_start3A_622 = arith.constant 1 : i32
        %dma_start3A_623 = arith.constant 0 : i32
        %dma_start3A_624 = tpu.memref_slice %arg12[%sub3A_608, %dma_start3A_623] : memref<2x400xf32, #tpu.memory_space<vmem>> -> memref<1x400xf32, #tpu.memory_space<vmem>>
        %dma_start3A_625 = tpu.memref_squeeze %dma_start3A_624 : memref<1x400xf32, #tpu.memory_space<vmem>> -> memref<400xf32, #tpu.memory_space<vmem>>
        %dma_start3A_626 = tpu.memref_slice %arg6[%dma_start3A_622, %mul3A_610] : memref<2x1600000xf32, #tpu.memory_space<hbm>> -> memref<1x400xf32, #tpu.memory_space<hbm>>
        %dma_start3A_627 = tpu.memref_squeeze %dma_start3A_626 : memref<1x400xf32, #tpu.memory_space<hbm>> -> memref<400xf32, #tpu.memory_space<hbm>>
        %dma_start3A_628 = arith.constant 0 : i32
        %dma_start3A_629 = tpu.memref_slice %arg12[%sub3A_608, %dma_start3A_628] : memref<2x400xf32, #tpu.memory_space<vmem>> -> memref<1x400xf32, #tpu.memory_space<vmem>>
        %dma_start3A_630 = tpu.memref_squeeze %dma_start3A_629 : memref<1x400xf32, #tpu.memory_space<vmem>> -> memref<400xf32, #tpu.memory_space<vmem>>
        %dma_start3A_631 = tpu.memref_slice %arg6[%dma_start3A_622, %mul3A_610] : memref<2x1600000xf32, #tpu.memory_space<hbm>> -> memref<1x400xf32, #tpu.memory_space<hbm>>
        %dma_start3A_632 = tpu.memref_squeeze %dma_start3A_631 : memref<1x400xf32, #tpu.memory_space<hbm>> -> memref<400xf32, #tpu.memory_space<hbm>>
        tpu.enqueue_dma source(%dma_start3A_632 : memref<400xf32, #tpu.memory_space<hbm>>) target(%dma_start3A_630 : memref<400xf32, #tpu.memory_space<vmem>>) target_semaphore(%arg18 : memref<!tpu.dma_semaphore, #tpu.memory_space<semaphore_mem>>)
        %dma_start3A_633 = arith.constant 0 : i32
        %dma_start3A_634 = arith.constant 0 : i32
        %dma_start3A_635 = arith.constant 0 : i32
        %dma_start3A_636 = tpu.memref_slice %arg13[%sub3A_608, %dma_start3A_634, %dma_start3A_635] : memref<2x400x16xf32, #tpu.memory_space<vmem>> -> memref<1x80x16xf32, #tpu.memory_space<vmem>>
        %dma_start3A_637 = tpu.memref_squeeze %dma_start3A_636 : memref<1x80x16xf32, #tpu.memory_space<vmem>> -> memref<80x16xf32, #tpu.memory_space<vmem>>
        %dma_start3A_638 = arith.constant 0 : i32
        %dma_start3A_639 = tpu.memref_slice %arg9[%dma_start3A_633, %dma_start3A_638] : memref<5x80xi32, #tpu.memory_space<vmem>> -> memref<1x80xi32, #tpu.memory_space<vmem>>
        %dma_start3A_640 = tpu.memref_squeeze %dma_start3A_639 : memref<1x80xi32, #tpu.memory_space<vmem>> -> memref<80xi32, #tpu.memory_space<vmem>>
        %dma_start3A_641 = arith.constant 0 : i32
        %dma_start3A_642 = arith.constant 0 : i32
        %dma_start3A_643 = tpu.memref_slice %arg2[%dma_start3A_641, %dma_start3A_642] : memref<51200x16xf32, #tpu.memory_space<hbm>> -> memref<51200x16xf32, #tpu.memory_space<hbm>>
        tpu.enqueue_indirect_dma source(%dma_start3A_643 : memref<51200x16xf32, #tpu.memory_space<hbm>>) target(%dma_start3A_637 : memref<80x16xf32, #tpu.memory_space<vmem>>) offsets(%dma_start3A_640 : memref<80xi32, #tpu.memory_space<vmem>>) semaphore(%arg18 : memref<!tpu.dma_semaphore, #tpu.memory_space<semaphore_mem>>)
        %dma_start3A_644 = arith.constant 0 : i32
        %dma_start3A_645 = arith.constant 0 : i32
        %dma_start3A_646 = arith.constant 0 : i32
        %dma_start3A_647 = tpu.memref_slice %arg14[%sub3A_608, %dma_start3A_645, %dma_start3A_646] : memref<2x400x16xf32, #tpu.memory_space<vmem>> -> memref<1x80x16xf32, #tpu.memory_space<vmem>>
        %dma_start3A_648 = tpu.memref_squeeze %dma_start3A_647 : memref<1x80x16xf32, #tpu.memory_space<vmem>> -> memref<80x16xf32, #tpu.memory_space<vmem>>
        %dma_start3A_649 = arith.constant 0 : i32
        %dma_start3A_650 = tpu.memref_slice %arg10[%sub3A_608, %dma_start3A_644, %dma_start3A_649] : memref<2x5x80xi32, #tpu.memory_space<vmem>> -> memref<1x1x80xi32, #tpu.memory_space<vmem>>
        %dma_start3A_651 = tpu.memref_squeeze %dma_start3A_650 : memref<1x1x80xi32, #tpu.memory_space<vmem>> -> memref<80xi32, #tpu.memory_space<vmem>>
        %dma_start3A_652 = arith.constant 0 : i32
        %dma_start3A_653 = arith.constant 0 : i32
        %dma_start3A_654 = tpu.memref_slice %arg3[%dma_start3A_652, %dma_start3A_653] : memref<51200x16xf32, #tpu.memory_space<hbm>> -> memref<51200x16xf32, #tpu.memory_space<hbm>>
        tpu.enqueue_indirect_dma source(%dma_start3A_654 : memref<51200x16xf32, #tpu.memory_space<hbm>>) target(%dma_start3A_648 : memref<80x16xf32, #tpu.memory_space<vmem>>) offsets(%dma_start3A_651 : memref<80xi32, #tpu.memory_space<vmem>>) semaphore(%arg18 : memref<!tpu.dma_semaphore, #tpu.memory_space<semaphore_mem>>)
        %dma_start3A_655 = arith.constant 1 : i32
        %dma_start3A_656 = arith.constant 80 : i32
        %dma_start3A_657 = arith.constant 0 : i32
        %dma_start3A_658 = tpu.memref_slice %arg13[%sub3A_608, %dma_start3A_656, %dma_start3A_657] : memref<2x400x16xf32, #tpu.memory_space<vmem>> -> memref<1x80x16xf32, #tpu.memory_space<vmem>>
        %dma_start3A_659 = tpu.memref_squeeze %dma_start3A_658 : memref<1x80x16xf32, #tpu.memory_space<vmem>> -> memref<80x16xf32, #tpu.memory_space<vmem>>
        %dma_start3A_660 = arith.constant 0 : i32
        %dma_start3A_661 = tpu.memref_slice %arg9[%dma_start3A_655, %dma_start3A_660] : memref<5x80xi32, #tpu.memory_space<vmem>> -> memref<1x80xi32, #tpu.memory_space<vmem>>
        %dma_start3A_662 = tpu.memref_squeeze %dma_start3A_661 : memref<1x80xi32, #tpu.memory_space<vmem>> -> memref<80xi32, #tpu.memory_space<vmem>>
        %dma_start3A_663 = arith.constant 0 : i32
        %dma_start3A_664 = arith.constant 0 : i32
        %dma_start3A_665 = tpu.memref_slice %arg2[%dma_start3A_663, %dma_start3A_664] : memref<51200x16xf32, #tpu.memory_space<hbm>> -> memref<51200x16xf32, #tpu.memory_space<hbm>>
        tpu.enqueue_indirect_dma source(%dma_start3A_665 : memref<51200x16xf32, #tpu.memory_space<hbm>>) target(%dma_start3A_659 : memref<80x16xf32, #tpu.memory_space<vmem>>) offsets(%dma_start3A_662 : memref<80xi32, #tpu.memory_space<vmem>>) semaphore(%arg18 : memref<!tpu.dma_semaphore, #tpu.memory_space<semaphore_mem>>)
        %dma_start3A_666 = arith.constant 1 : i32
        %dma_start3A_667 = arith.constant 80 : i32
        %dma_start3A_668 = arith.constant 0 : i32
        %dma_start3A_669 = tpu.memref_slice %arg14[%sub3A_608, %dma_start3A_667, %dma_start3A_668] : memref<2x400x16xf32, #tpu.memory_space<vmem>> -> memref<1x80x16xf32, #tpu.memory_space<vmem>>
        %dma_start3A_670 = tpu.memref_squeeze %dma_start3A_669 : memref<1x80x16xf32, #tpu.memory_space<vmem>> -> memref<80x16xf32, #tpu.memory_space<vmem>>
        %dma_start3A_671 = arith.constant 0 : i32
        %dma_start3A_672 = tpu.memref_slice %arg10[%sub3A_608, %dma_start3A_666, %dma_start3A_671] : memref<2x5x80xi32, #tpu.memory_space<vmem>> -> memref<1x1x80xi32, #tpu.memory_space<vmem>>
        %dma_start3A_673 = tpu.memref_squeeze %dma_start3A_672 : memref<1x1x80xi32, #tpu.memory_space<vmem>> -> memref<80xi32, #tpu.memory_space<vmem>>
        %dma_start3A_674 = arith.constant 0 : i32
        %dma_start3A_675 = arith.constant 0 : i32
        %dma_start3A_676 = tpu.memref_slice %arg3[%dma_start3A_674, %dma_start3A_675] : memref<51200x16xf32, #tpu.memory_space<hbm>> -> memref<51200x16xf32, #tpu.memory_space<hbm>>
        tpu.enqueue_indirect_dma source(%dma_start3A_676 : memref<51200x16xf32, #tpu.memory_space<hbm>>) target(%dma_start3A_670 : memref<80x16xf32, #tpu.memory_space<vmem>>) offsets(%dma_start3A_673 : memref<80xi32, #tpu.memory_space<vmem>>) semaphore(%arg18 : memref<!tpu.dma_semaphore, #tpu.memory_space<semaphore_mem>>)
        %dma_start3A_677 = arith.constant 2 : i32
        %dma_start3A_678 = arith.constant 160 : i32
        %dma_start3A_679 = arith.constant 0 : i32
        %dma_start3A_680 = tpu.memref_slice %arg13[%sub3A_608, %dma_start3A_678, %dma_start3A_679] : memref<2x400x16xf32, #tpu.memory_space<vmem>> -> memref<1x80x16xf32, #tpu.memory_space<vmem>>
        %dma_start3A_681 = tpu.memref_squeeze %dma_start3A_680 : memref<1x80x16xf32, #tpu.memory_space<vmem>> -> memref<80x16xf32, #tpu.memory_space<vmem>>
        %dma_start3A_682 = arith.constant 0 : i32
        %dma_start3A_683 = tpu.memref_slice %arg9[%dma_start3A_677, %dma_start3A_682] : memref<5x80xi32, #tpu.memory_space<vmem>> -> memref<1x80xi32, #tpu.memory_space<vmem>>
        %dma_start3A_684 = tpu.memref_squeeze %dma_start3A_683 : memref<1x80xi32, #tpu.memory_space<vmem>> -> memref<80xi32, #tpu.memory_space<vmem>>
        %dma_start3A_685 = arith.constant 0 : i32
        %dma_start3A_686 = arith.constant 0 : i32
        %dma_start3A_687 = tpu.memref_slice %arg2[%dma_start3A_685, %dma_start3A_686] : memref<51200x16xf32, #tpu.memory_space<hbm>> -> memref<51200x16xf32, #tpu.memory_space<hbm>>
        tpu.enqueue_indirect_dma source(%dma_start3A_687 : memref<51200x16xf32, #tpu.memory_space<hbm>>) target(%dma_start3A_681 : memref<80x16xf32, #tpu.memory_space<vmem>>) offsets(%dma_start3A_684 : memref<80xi32, #tpu.memory_space<vmem>>) semaphore(%arg18 : memref<!tpu.dma_semaphore, #tpu.memory_space<semaphore_mem>>)
        %dma_start3A_688 = arith.constant 2 : i32
        %dma_start3A_689 = arith.constant 160 : i32
        %dma_start3A_690 = arith.constant 0 : i32
        %dma_start3A_691 = tpu.memref_slice %arg14[%sub3A_608, %dma_start3A_689, %dma_start3A_690] : memref<2x400x16xf32, #tpu.memory_space<vmem>> -> memref<1x80x16xf32, #tpu.memory_space<vmem>>
        %dma_start3A_692 = tpu.memref_squeeze %dma_start3A_691 : memref<1x80x16xf32, #tpu.memory_space<vmem>> -> memref<80x16xf32, #tpu.memory_space<vmem>>
        %dma_start3A_693 = arith.constant 0 : i32
        %dma_start3A_694 = tpu.memref_slice %arg10[%sub3A_608, %dma_start3A_688, %dma_start3A_693] : memref<2x5x80xi32, #tpu.memory_space<vmem>> -> memref<1x1x80xi32, #tpu.memory_space<vmem>>
        %dma_start3A_695 = tpu.memref_squeeze %dma_start3A_694 : memref<1x1x80xi32, #tpu.memory_space<vmem>> -> memref<80xi32, #tpu.memory_space<vmem>>
        %dma_start3A_696 = arith.constant 0 : i32
        %dma_start3A_697 = arith.constant 0 : i32
        %dma_start3A_698 = tpu.memref_slice %arg3[%dma_start3A_696, %dma_start3A_697] : memref<51200x16xf32, #tpu.memory_space<hbm>> -> memref<51200x16xf32, #tpu.memory_space<hbm>>
        tpu.enqueue_indirect_dma source(%dma_start3A_698 : memref<51200x16xf32, #tpu.memory_space<hbm>>) target(%dma_start3A_692 : memref<80x16xf32, #tpu.memory_space<vmem>>) offsets(%dma_start3A_695 : memref<80xi32, #tpu.memory_space<vmem>>) semaphore(%arg18 : memref<!tpu.dma_semaphore, #tpu.memory_space<semaphore_mem>>)
        %dma_start3A_699 = arith.constant 3 : i32
        %dma_start3A_700 = arith.constant 240 : i32
        %dma_start3A_701 = arith.constant 0 : i32
        %dma_start3A_702 = tpu.memref_slice %arg13[%sub3A_608, %dma_start3A_700, %dma_start3A_701] : memref<2x400x16xf32, #tpu.memory_space<vmem>> -> memref<1x80x16xf32, #tpu.memory_space<vmem>>
        %dma_start3A_703 = tpu.memref_squeeze %dma_start3A_702 : memref<1x80x16xf32, #tpu.memory_space<vmem>> -> memref<80x16xf32, #tpu.memory_space<vmem>>
        %dma_start3A_704 = arith.constant 0 : i32
        %dma_start3A_705 = tpu.memref_slice %arg9[%dma_start3A_699, %dma_start3A_704] : memref<5x80xi32, #tpu.memory_space<vmem>> -> memref<1x80xi32, #tpu.memory_space<vmem>>
        %dma_start3A_706 = tpu.memref_squeeze %dma_start3A_705 : memref<1x80xi32, #tpu.memory_space<vmem>> -> memref<80xi32, #tpu.memory_space<vmem>>
        %dma_start3A_707 = arith.constant 0 : i32
        %dma_start3A_708 = arith.constant 0 : i32
        %dma_start3A_709 = tpu.memref_slice %arg2[%dma_start3A_707, %dma_start3A_708] : memref<51200x16xf32, #tpu.memory_space<hbm>> -> memref<51200x16xf32, #tpu.memory_space<hbm>>
        tpu.enqueue_indirect_dma source(%dma_start3A_709 : memref<51200x16xf32, #tpu.memory_space<hbm>>) target(%dma_start3A_703 : memref<80x16xf32, #tpu.memory_space<vmem>>) offsets(%dma_start3A_706 : memref<80xi32, #tpu.memory_space<vmem>>) semaphore(%arg18 : memref<!tpu.dma_semaphore, #tpu.memory_space<semaphore_mem>>)
        %dma_start3A_710 = arith.constant 3 : i32
        %dma_start3A_711 = arith.constant 240 : i32
        %dma_start3A_712 = arith.constant 0 : i32
        %dma_start3A_713 = tpu.memref_slice %arg14[%sub3A_608, %dma_start3A_711, %dma_start3A_712] : memref<2x400x16xf32, #tpu.memory_space<vmem>> -> memref<1x80x16xf32, #tpu.memory_space<vmem>>
        %dma_start3A_714 = tpu.memref_squeeze %dma_start3A_713 : memref<1x80x16xf32, #tpu.memory_space<vmem>> -> memref<80x16xf32, #tpu.memory_space<vmem>>
        %dma_start3A_715 = arith.constant 0 : i32
        %dma_start3A_716 = tpu.memref_slice %arg10[%sub3A_608, %dma_start3A_710, %dma_start3A_715] : memref<2x5x80xi32, #tpu.memory_space<vmem>> -> memref<1x1x80xi32, #tpu.memory_space<vmem>>
        %dma_start3A_717 = tpu.memref_squeeze %dma_start3A_716 : memref<1x1x80xi32, #tpu.memory_space<vmem>> -> memref<80xi32, #tpu.memory_space<vmem>>
        %dma_start3A_718 = arith.constant 0 : i32
        %dma_start3A_719 = arith.constant 0 : i32
        %dma_start3A_720 = tpu.memref_slice %arg3[%dma_start3A_718, %dma_start3A_719] : memref<51200x16xf32, #tpu.memory_space<hbm>> -> memref<51200x16xf32, #tpu.memory_space<hbm>>
        tpu.enqueue_indirect_dma source(%dma_start3A_720 : memref<51200x16xf32, #tpu.memory_space<hbm>>) target(%dma_start3A_714 : memref<80x16xf32, #tpu.memory_space<vmem>>) offsets(%dma_start3A_717 : memref<80xi32, #tpu.memory_space<vmem>>) semaphore(%arg18 : memref<!tpu.dma_semaphore, #tpu.memory_space<semaphore_mem>>)
        %dma_start3A_721 = arith.constant 4 : i32
        %dma_start3A_722 = arith.constant 320 : i32
        %dma_start3A_723 = arith.constant 0 : i32
        %dma_start3A_724 = tpu.memref_slice %arg13[%sub3A_608, %dma_start3A_722, %dma_start3A_723] : memref<2x400x16xf32, #tpu.memory_space<vmem>> -> memref<1x80x16xf32, #tpu.memory_space<vmem>>
        %dma_start3A_725 = tpu.memref_squeeze %dma_start3A_724 : memref<1x80x16xf32, #tpu.memory_space<vmem>> -> memref<80x16xf32, #tpu.memory_space<vmem>>
        %dma_start3A_726 = arith.constant 0 : i32
        %dma_start3A_727 = tpu.memref_slice %arg9[%dma_start3A_721, %dma_start3A_726] : memref<5x80xi32, #tpu.memory_space<vmem>> -> memref<1x80xi32, #tpu.memory_space<vmem>>
        %dma_start3A_728 = tpu.memref_squeeze %dma_start3A_727 : memref<1x80xi32, #tpu.memory_space<vmem>> -> memref<80xi32, #tpu.memory_space<vmem>>
        %dma_start3A_729 = arith.constant 0 : i32
        %dma_start3A_730 = arith.constant 0 : i32
        %dma_start3A_731 = tpu.memref_slice %arg2[%dma_start3A_729, %dma_start3A_730] : memref<51200x16xf32, #tpu.memory_space<hbm>> -> memref<51200x16xf32, #tpu.memory_space<hbm>>
        tpu.enqueue_indirect_dma source(%dma_start3A_731 : memref<51200x16xf32, #tpu.memory_space<hbm>>) target(%dma_start3A_725 : memref<80x16xf32, #tpu.memory_space<vmem>>) offsets(%dma_start3A_728 : memref<80xi32, #tpu.memory_space<vmem>>) semaphore(%arg18 : memref<!tpu.dma_semaphore, #tpu.memory_space<semaphore_mem>>)
        %dma_start3A_732 = arith.constant 4 : i32
        %dma_start3A_733 = arith.constant 320 : i32
        %dma_start3A_734 = arith.constant 0 : i32
        %dma_start3A_735 = tpu.memref_slice %arg14[%sub3A_608, %dma_start3A_733, %dma_start3A_734] : memref<2x400x16xf32, #tpu.memory_space<vmem>> -> memref<1x80x16xf32, #tpu.memory_space<vmem>>
        %dma_start3A_736 = tpu.memref_squeeze %dma_start3A_735 : memref<1x80x16xf32, #tpu.memory_space<vmem>> -> memref<80x16xf32, #tpu.memory_space<vmem>>
        %dma_start3A_737 = arith.constant 0 : i32
        %dma_start3A_738 = tpu.memref_slice %arg10[%sub3A_608, %dma_start3A_732, %dma_start3A_737] : memref<2x5x80xi32, #tpu.memory_space<vmem>> -> memref<1x1x80xi32, #tpu.memory_space<vmem>>
        %dma_start3A_739 = tpu.memref_squeeze %dma_start3A_738 : memref<1x1x80xi32, #tpu.memory_space<vmem>> -> memref<80xi32, #tpu.memory_space<vmem>>
        %dma_start3A_740 = arith.constant 0 : i32
        %dma_start3A_741 = arith.constant 0 : i32
        %dma_start3A_742 = tpu.memref_slice %arg3[%dma_start3A_740, %dma_start3A_741] : memref<51200x16xf32, #tpu.memory_space<hbm>> -> memref<51200x16xf32, #tpu.memory_space<hbm>>
        tpu.enqueue_indirect_dma source(%dma_start3A_742 : memref<51200x16xf32, #tpu.memory_space<hbm>>) target(%dma_start3A_736 : memref<80x16xf32, #tpu.memory_space<vmem>>) offsets(%dma_start3A_739 : memref<80xi32, #tpu.memory_space<vmem>>) semaphore(%arg18 : memref<!tpu.dma_semaphore, #tpu.memory_space<semaphore_mem>>)
      } else {
      }
      %parallel_loop3A = arith.constant 0 : i32
      %parallel_loop3A_491 = arith.constant 400 : i32
      %parallel_loop3A_492 = arith.constant 1 : i32
      scf.for %parallel_loop3A_603 = %parallel_loop3A to %parallel_loop3A_491 step %parallel_loop3A_492  : i32 {
        %parallel_loop3A_604 = arith.constant 16 : i32
        %parallel_loop3A_605 = arith.divsi %parallel_loop3A_603, %parallel_loop3A_604 : i32
        %parallel_loop3A_606 = arith.constant 0 : i32
        %parallel_loop3A_607 = arith.cmpi sgt, %parallel_loop3A_603, %parallel_loop3A_606 : i32
        %parallel_loop3A_608 = arith.extui %parallel_loop3A_607 : i1 to i32
        %parallel_loop3A_609 = arith.constant 0 : i32
        %parallel_loop3A_610 = arith.cmpi slt, %parallel_loop3A_603, %parallel_loop3A_609 : i32
        %parallel_loop3A_611 = arith.extui %parallel_loop3A_610 : i1 to i32
        %parallel_loop3A_612 = arith.subi %parallel_loop3A_608, %parallel_loop3A_611 : i32
        %parallel_loop3A_613 = arith.constant 0 : i32
        %parallel_loop3A_614 = arith.cmpi sgt, %parallel_loop3A_604, %parallel_loop3A_613 : i32
        %parallel_loop3A_615 = arith.extui %parallel_loop3A_614 : i1 to i32
        %parallel_loop3A_616 = arith.constant 0 : i32
        %parallel_loop3A_617 = arith.cmpi slt, %parallel_loop3A_604, %parallel_loop3A_616 : i32
        %parallel_loop3A_618 = arith.extui %parallel_loop3A_617 : i1 to i32
        %parallel_loop3A_619 = arith.subi %parallel_loop3A_615, %parallel_loop3A_618 : i32
        %parallel_loop3A_620 = arith.cmpi ne, %parallel_loop3A_612, %parallel_loop3A_619 : i32
        %parallel_loop3A_621 = arith.remsi %parallel_loop3A_603, %parallel_loop3A_604 : i32
        %parallel_loop3A_622 = arith.constant 0 : i32
        %parallel_loop3A_623 = arith.cmpi ne, %parallel_loop3A_621, %parallel_loop3A_622 : i32
        %parallel_loop3A_624 = arith.andi %parallel_loop3A_620, %parallel_loop3A_623 : i1
        %parallel_loop3A_625 = arith.constant 1 : i32
        %parallel_loop3A_626 = arith.subi %parallel_loop3A_605, %parallel_loop3A_625 : i32
        %parallel_loop3A_627 = arith.select %parallel_loop3A_624, %parallel_loop3A_626, %parallel_loop3A_605 : i32
        %parallel_loop3A_628 = arith.constant 16 : i32
        %parallel_loop3A_629 = arith.muli %parallel_loop3A_627, %parallel_loop3A_628 : i32
        %parallel_loop3A_630 = arith.constant 16 : i32
        %parallel_loop3A_631 = arith.constant 0 : i32
        %parallel_loop3A_632 = arith.cmpi eq, %parallel_loop3A_630, %parallel_loop3A_631 : i32
        %parallel_loop3A_633 = arith.constant 1 : i32
        %parallel_loop3A_634 = arith.select %parallel_loop3A_632, %parallel_loop3A_633, %parallel_loop3A_630 : i32
        %parallel_loop3A_635 = arith.remsi %parallel_loop3A_603, %parallel_loop3A_634 : i32
        %parallel_loop3A_636 = arith.constant 0 : i32
        %parallel_loop3A_637 = arith.cmpi ne, %parallel_loop3A_635, %parallel_loop3A_636 : i32
        %parallel_loop3A_638 = arith.constant 0 : i32
        %parallel_loop3A_639 = arith.cmpi slt, %parallel_loop3A_635, %parallel_loop3A_638 : i32
        %parallel_loop3A_640 = arith.constant 0 : i32
        %parallel_loop3A_641 = arith.cmpi slt, %parallel_loop3A_634, %parallel_loop3A_640 : i32
        %parallel_loop3A_642 = arith.xori %parallel_loop3A_639, %parallel_loop3A_641 : i1
        %parallel_loop3A_643 = arith.andi %parallel_loop3A_642, %parallel_loop3A_637 : i1
        %parallel_loop3A_644 = arith.addi %parallel_loop3A_635, %parallel_loop3A_634 : i32
        %parallel_loop3A_645 = arith.select %parallel_loop3A_643, %parallel_loop3A_644, %parallel_loop3A_635 : i32
        %parallel_loop3A_646 = vector.broadcast %parallel_loop3A_645 : i32 to vector<16xi32>
        %parallel_loop3A_647 = arith.index_cast %select_n3A_333 : i32 to index
        %parallel_loop3A_648 = arith.index_cast %parallel_loop3A_629 : i32 to index
        %parallel_loop3A_649 = tpu.vector_load %arg11[%parallel_loop3A_647, %parallel_loop3A_648] {strides = array<i32>} : memref<2x400xf32, #tpu.memory_space<vmem>>, vector<1x16xf32>,
        %parallel_loop3A_650 = vector.shape_cast %parallel_loop3A_649 : vector<1x16xf32> to vector<16xf32>
        %parallel_loop3A_651 = vector.shape_cast %parallel_loop3A_646 : vector<16xi32> to vector<16x1xi32>
        %parallel_loop3A_652 = vector.shape_cast %parallel_loop3A_651 : vector<16x1xi32> to vector<16xi32>
        %parallel_loop3A_653 = tpu.dynamic_gather %parallel_loop3A_650[%parallel_loop3A_652] in [0] : vector<16xf32>, vector<16xi32> -> vector<16xf32>
        %parallel_loop3A_654 = arith.index_cast %select_n3A_333 : i32 to index
        %parallel_loop3A_655 = arith.index_cast %parallel_loop3A_629 : i32 to index
        %parallel_loop3A_656 = tpu.vector_load %arg12[%parallel_loop3A_654, %parallel_loop3A_655] {strides = array<i32>} : memref<2x400xf32, #tpu.memory_space<vmem>>, vector<1x16xf32>,
        %parallel_loop3A_657 = vector.shape_cast %parallel_loop3A_656 : vector<1x16xf32> to vector<16xf32>
        %parallel_loop3A_658 = vector.shape_cast %parallel_loop3A_646 : vector<16xi32> to vector<16x1xi32>
        %parallel_loop3A_659 = vector.shape_cast %parallel_loop3A_658 : vector<16x1xi32> to vector<16xi32>
        %parallel_loop3A_660 = tpu.dynamic_gather %parallel_loop3A_657[%parallel_loop3A_659] in [0] : vector<16xf32>, vector<16xi32> -> vector<16xf32>
        %parallel_loop3A_661 = arith.index_cast %select_n3A_333 : i32 to index
        %parallel_loop3A_662 = arith.index_cast %parallel_loop3A_603 : i32 to index
        %parallel_loop3A_663 = arith.constant 0 : index
        %parallel_loop3A_664 = tpu.vector_load %arg13[%parallel_loop3A_661, %parallel_loop3A_662, %parallel_loop3A_663] {strides = array<i32>} : memref<2x400x16xf32, #tpu.memory_space<vmem>>, vector<1x1x16xf32>,
        %parallel_loop3A_665 = vector.shape_cast %parallel_loop3A_664 : vector<1x1x16xf32> to vector<16xf32>
        %parallel_loop3A_666 = arith.index_cast %select_n3A_333 : i32 to index
        %parallel_loop3A_667 = arith.index_cast %parallel_loop3A_603 : i32 to index
        %parallel_loop3A_668 = arith.constant 0 : index
        %parallel_loop3A_669 = tpu.vector_load %arg14[%parallel_loop3A_666, %parallel_loop3A_667, %parallel_loop3A_668] {strides = array<i32>} : memref<2x400x16xf32, #tpu.memory_space<vmem>>, vector<1x1x16xf32>,
        %parallel_loop3A_670 = vector.shape_cast %parallel_loop3A_669 : vector<1x1x16xf32> to vector<16xf32>
        %parallel_loop3A_671 = arith.addf %parallel_loop3A_665, %parallel_loop3A_670 : vector<16xf32>
        %parallel_loop3A_672 = arith.mulf %parallel_loop3A_653, %get3A_4 : vector<16xf32>
        %parallel_loop3A_673 = arith.addf %parallel_loop3A_671, %parallel_loop3A_672 : vector<16xf32>
        %parallel_loop3A_674 = arith.mulf %parallel_loop3A_660, %get3A_9 : vector<16xf32>
        %parallel_loop3A_675 = arith.addf %parallel_loop3A_673, %parallel_loop3A_674 : vector<16xf32>
        %parallel_loop3A_676 = arith.constant 2.000000e-01 : f32
        %parallel_loop3A_677 = vector.broadcast %parallel_loop3A_676 : f32 to vector<16xf32>
        %parallel_loop3A_678 = arith.mulf %parallel_loop3A_677, %parallel_loop3A_675 : vector<16xf32>
        %parallel_loop3A_679 = arith.maximumf %parallel_loop3A_675, %parallel_loop3A_678 : vector<16xf32>
        %parallel_loop3A_680 = arith.mulf %parallel_loop3A_679, %get3A_14 : vector<16xf32>
        %parallel_loop3A_681 = vector.shape_cast %xor3A_16 : vector<16xi32> to vector<16x1xi32>
        %parallel_loop3A_682 = vector.shape_cast %parallel_loop3A_681 : vector<16x1xi32> to vector<16xi32>
        %parallel_loop3A_683 = tpu.dynamic_gather %parallel_loop3A_680[%parallel_loop3A_682] in [0] : vector<16xf32>, vector<16xi32> -> vector<16xf32>
        %parallel_loop3A_684 = arith.addf %parallel_loop3A_680, %parallel_loop3A_683 : vector<16xf32>
        %parallel_loop3A_685 = vector.shape_cast %xor3A_19 : vector<16xi32> to vector<16x1xi32>
        %parallel_loop3A_686 = vector.shape_cast %parallel_loop3A_685 : vector<16x1xi32> to vector<16xi32>
        %parallel_loop3A_687 = tpu.dynamic_gather %parallel_loop3A_684[%parallel_loop3A_686] in [0] : vector<16xf32>, vector<16xi32> -> vector<16xf32>
        %parallel_loop3A_688 = arith.addf %parallel_loop3A_684, %parallel_loop3A_687 : vector<16xf32>
        %parallel_loop3A_689 = vector.shape_cast %xor3A_22 : vector<16xi32> to vector<16x1xi32>
        %parallel_loop3A_690 = vector.shape_cast %parallel_loop3A_689 : vector<16x1xi32> to vector<16xi32>
        %parallel_loop3A_691 = tpu.dynamic_gather %parallel_loop3A_688[%parallel_loop3A_690] in [0] : vector<16xf32>, vector<16xi32> -> vector<16xf32>
        %parallel_loop3A_692 = arith.addf %parallel_loop3A_688, %parallel_loop3A_691 : vector<16xf32>
        %parallel_loop3A_693 = arith.constant -6.000000e+01 : f32
        %parallel_loop3A_694 = arith.constant 6.000000e+01 : f32
        %parallel_loop3A_695 = vector.broadcast %parallel_loop3A_693 : f32 to vector<16xf32>
        %parallel_loop3A_696 = arith.maximumf %parallel_loop3A_695, %parallel_loop3A_692 : vector<16xf32>
        %parallel_loop3A_697 = vector.broadcast %parallel_loop3A_694 : f32 to vector<16xf32>
        %parallel_loop3A_698 = arith.minimumf %parallel_loop3A_697, %parallel_loop3A_696 : vector<16xf32>
        %parallel_loop3A_699 = math.exp %parallel_loop3A_698 : vector<16xf32>
        %parallel_loop3A_700 = arith.mulf %parallel_loop3A_665, %parallel_loop3A_699 : vector<16xf32>
        %parallel_loop3A_701 = arith.index_cast %select_n3A_333 : i32 to index
        %parallel_loop3A_702 = arith.index_cast %parallel_loop3A_603 : i32 to index
        %parallel_loop3A_703 = arith.constant 0 : index
        %parallel_loop3A_704 = tpu.vector_load %arg13[%parallel_loop3A_701, %parallel_loop3A_702, %parallel_loop3A_703] {strides = array<i32>} : memref<2x400x16xf32, #tpu.memory_space<vmem>>, vector<1x1x16xf32>,
        %parallel_loop3A_705 = vector.shape_cast %parallel_loop3A_704 : vector<1x1x16xf32> to vector<16xf32>
        %parallel_loop3A_706 = vector.shape_cast %parallel_loop3A_700 : vector<16xf32> to vector<1x1x16xf32>
        tpu.vector_store %arg13[%parallel_loop3A_701, %parallel_loop3A_702, %parallel_loop3A_703], %parallel_loop3A_706 {strides = array<i32>} : memref<2x400x16xf32, #tpu.memory_space<vmem>>, vector<1x1x16xf32>,
        %parallel_loop3A_707 = arith.index_cast %select_n3A_333 : i32 to index
        %parallel_loop3A_708 = arith.index_cast %parallel_loop3A_603 : i32 to index
        %parallel_loop3A_709 = arith.constant 0 : index
        %parallel_loop3A_710 = tpu.vector_load %arg14[%parallel_loop3A_707, %parallel_loop3A_708, %parallel_loop3A_709] {strides = array<i32>} : memref<2x400x16xf32, #tpu.memory_space<vmem>>, vector<1x1x16xf32>,
        %parallel_loop3A_711 = vector.shape_cast %parallel_loop3A_710 : vector<1x1x16xf32> to vector<16xf32>
        %parallel_loop3A_712 = vector.shape_cast %parallel_loop3A_699 : vector<16xf32> to vector<1x1x16xf32>
        tpu.vector_store %arg14[%parallel_loop3A_707, %parallel_loop3A_708, %parallel_loop3A_709], %parallel_loop3A_712 {strides = array<i32>} : memref<2x400x16xf32, #tpu.memory_space<vmem>>, vector<1x1x16xf32>,
      } {sc.loop_unroll_factor = 4 : i64, sc.parallel_access}
      %dma_start3A_493 = arith.constant 0 : i32
      %dma_start3A_494 = arith.constant 0 : i32
      %dma_start3A_495 = arith.constant 0 : i32
      %dma_start3A_496 = tpu.memref_slice %arg13[%select_n3A_333, %dma_start3A_494, %dma_start3A_495] : memref<2x400x16xf32, #tpu.memory_space<vmem>> -> memref<1x80x16xf32, #tpu.memory_space<vmem>>
      %dma_start3A_497 = tpu.memref_squeeze %dma_start3A_496 : memref<1x80x16xf32, #tpu.memory_space<vmem>> -> memref<80x16xf32, #tpu.memory_space<vmem>>
      %dma_start3A_498 = arith.constant 0 : i32
      %dma_start3A_499 = tpu.memref_slice %arg10[%select_n3A_333, %dma_start3A_493, %dma_start3A_498] : memref<2x5x80xi32, #tpu.memory_space<vmem>> -> memref<1x1x80xi32, #tpu.memory_space<vmem>>
      %dma_start3A_500 = tpu.memref_squeeze %dma_start3A_499 : memref<1x1x80xi32, #tpu.memory_space<vmem>> -> memref<80xi32, #tpu.memory_space<vmem>>
      %dma_start3A_501 = arith.constant 0 : i32
      %dma_start3A_502 = arith.constant 0 : i32
      %dma_start3A_503 = tpu.memref_slice %arg16[%dma_start3A_501, %dma_start3A_502] : memref<51200x16xf32, #tpu.memory_space<vmem_shared>> -> memref<51200x16xf32, #tpu.memory_space<vmem_shared>>
      tpu.enqueue_indirect_dma source(%dma_start3A_497 : memref<80x16xf32, #tpu.memory_space<vmem>>) target(%dma_start3A_503 : memref<51200x16xf32, #tpu.memory_space<vmem_shared>>) offsets(%dma_start3A_500 : memref<80xi32, #tpu.memory_space<vmem>>) semaphore(%arg19 : memref<!tpu.dma_semaphore, #tpu.memory_space<semaphore_mem>>) {add = true}
      %dma_start3A_504 = arith.constant 0 : i32
      %dma_start3A_505 = arith.constant 0 : i32
      %dma_start3A_506 = arith.constant 0 : i32
      %dma_start3A_507 = tpu.memref_slice %arg14[%select_n3A_333, %dma_start3A_505, %dma_start3A_506] : memref<2x400x16xf32, #tpu.memory_space<vmem>> -> memref<1x80x16xf32, #tpu.memory_space<vmem>>
      %dma_start3A_508 = tpu.memref_squeeze %dma_start3A_507 : memref<1x80x16xf32, #tpu.memory_space<vmem>> -> memref<80x16xf32, #tpu.memory_space<vmem>>
      %dma_start3A_509 = arith.constant 0 : i32
      %dma_start3A_510 = tpu.memref_slice %arg10[%select_n3A_333, %dma_start3A_504, %dma_start3A_509] : memref<2x5x80xi32, #tpu.memory_space<vmem>> -> memref<1x1x80xi32, #tpu.memory_space<vmem>>
      %dma_start3A_511 = tpu.memref_squeeze %dma_start3A_510 : memref<1x1x80xi32, #tpu.memory_space<vmem>> -> memref<80xi32, #tpu.memory_space<vmem>>
      %dma_start3A_512 = arith.constant 0 : i32
      %dma_start3A_513 = arith.constant 0 : i32
      %dma_start3A_514 = tpu.memref_slice %arg17[%dma_start3A_512, %dma_start3A_513] : memref<51200x16xf32, #tpu.memory_space<vmem_shared>> -> memref<51200x16xf32, #tpu.memory_space<vmem_shared>>
      tpu.enqueue_indirect_dma source(%dma_start3A_508 : memref<80x16xf32, #tpu.memory_space<vmem>>) target(%dma_start3A_514 : memref<51200x16xf32, #tpu.memory_space<vmem_shared>>) offsets(%dma_start3A_511 : memref<80xi32, #tpu.memory_space<vmem>>) semaphore(%arg19 : memref<!tpu.dma_semaphore, #tpu.memory_space<semaphore_mem>>) {add = true}
      %dma_start3A_515 = arith.constant 1 : i32
      %dma_start3A_516 = arith.constant 80 : i32
      %dma_start3A_517 = arith.constant 0 : i32
      %dma_start3A_518 = tpu.memref_slice %arg13[%select_n3A_333, %dma_start3A_516, %dma_start3A_517] : memref<2x400x16xf32, #tpu.memory_space<vmem>> -> memref<1x80x16xf32, #tpu.memory_space<vmem>>
      %dma_start3A_519 = tpu.memref_squeeze %dma_start3A_518 : memref<1x80x16xf32, #tpu.memory_space<vmem>> -> memref<80x16xf32, #tpu.memory_space<vmem>>
      %dma_start3A_520 = arith.constant 0 : i32
      %dma_start3A_521 = tpu.memref_slice %arg10[%select_n3A_333, %dma_start3A_515, %dma_start3A_520] : memref<2x5x80xi32, #tpu.memory_space<vmem>> -> memref<1x1x80xi32, #tpu.memory_space<vmem>>
      %dma_start3A_522 = tpu.memref_squeeze %dma_start3A_521 : memref<1x1x80xi32, #tpu.memory_space<vmem>> -> memref<80xi32, #tpu.memory_space<vmem>>
      %dma_start3A_523 = arith.constant 0 : i32
      %dma_start3A_524 = arith.constant 0 : i32
      %dma_start3A_525 = tpu.memref_slice %arg16[%dma_start3A_523, %dma_start3A_524] : memref<51200x16xf32, #tpu.memory_space<vmem_shared>> -> memref<51200x16xf32, #tpu.memory_space<vmem_shared>>
      tpu.enqueue_indirect_dma source(%dma_start3A_519 : memref<80x16xf32, #tpu.memory_space<vmem>>) target(%dma_start3A_525 : memref<51200x16xf32, #tpu.memory_space<vmem_shared>>) offsets(%dma_start3A_522 : memref<80xi32, #tpu.memory_space<vmem>>) semaphore(%arg19 : memref<!tpu.dma_semaphore, #tpu.memory_space<semaphore_mem>>) {add = true}
      %dma_start3A_526 = arith.constant 1 : i32
      %dma_start3A_527 = arith.constant 80 : i32
      %dma_start3A_528 = arith.constant 0 : i32
      %dma_start3A_529 = tpu.memref_slice %arg14[%select_n3A_333, %dma_start3A_527, %dma_start3A_528] : memref<2x400x16xf32, #tpu.memory_space<vmem>> -> memref<1x80x16xf32, #tpu.memory_space<vmem>>
      %dma_start3A_530 = tpu.memref_squeeze %dma_start3A_529 : memref<1x80x16xf32, #tpu.memory_space<vmem>> -> memref<80x16xf32, #tpu.memory_space<vmem>>
      %dma_start3A_531 = arith.constant 0 : i32
      %dma_start3A_532 = tpu.memref_slice %arg10[%select_n3A_333, %dma_start3A_526, %dma_start3A_531] : memref<2x5x80xi32, #tpu.memory_space<vmem>> -> memref<1x1x80xi32, #tpu.memory_space<vmem>>
      %dma_start3A_533 = tpu.memref_squeeze %dma_start3A_532 : memref<1x1x80xi32, #tpu.memory_space<vmem>> -> memref<80xi32, #tpu.memory_space<vmem>>
      %dma_start3A_534 = arith.constant 0 : i32
      %dma_start3A_535 = arith.constant 0 : i32
      %dma_start3A_536 = tpu.memref_slice %arg17[%dma_start3A_534, %dma_start3A_535] : memref<51200x16xf32, #tpu.memory_space<vmem_shared>> -> memref<51200x16xf32, #tpu.memory_space<vmem_shared>>
      tpu.enqueue_indirect_dma source(%dma_start3A_530 : memref<80x16xf32, #tpu.memory_space<vmem>>) target(%dma_start3A_536 : memref<51200x16xf32, #tpu.memory_space<vmem_shared>>) offsets(%dma_start3A_533 : memref<80xi32, #tpu.memory_space<vmem>>) semaphore(%arg19 : memref<!tpu.dma_semaphore, #tpu.memory_space<semaphore_mem>>) {add = true}
      %dma_start3A_537 = arith.constant 2 : i32
      %dma_start3A_538 = arith.constant 160 : i32
      %dma_start3A_539 = arith.constant 0 : i32
      %dma_start3A_540 = tpu.memref_slice %arg13[%select_n3A_333, %dma_start3A_538, %dma_start3A_539] : memref<2x400x16xf32, #tpu.memory_space<vmem>> -> memref<1x80x16xf32, #tpu.memory_space<vmem>>
      %dma_start3A_541 = tpu.memref_squeeze %dma_start3A_540 : memref<1x80x16xf32, #tpu.memory_space<vmem>> -> memref<80x16xf32, #tpu.memory_space<vmem>>
      %dma_start3A_542 = arith.constant 0 : i32
      %dma_start3A_543 = tpu.memref_slice %arg10[%select_n3A_333, %dma_start3A_537, %dma_start3A_542] : memref<2x5x80xi32, #tpu.memory_space<vmem>> -> memref<1x1x80xi32, #tpu.memory_space<vmem>>
      %dma_start3A_544 = tpu.memref_squeeze %dma_start3A_543 : memref<1x1x80xi32, #tpu.memory_space<vmem>> -> memref<80xi32, #tpu.memory_space<vmem>>
      %dma_start3A_545 = arith.constant 0 : i32
      %dma_start3A_546 = arith.constant 0 : i32
      %dma_start3A_547 = tpu.memref_slice %arg16[%dma_start3A_545, %dma_start3A_546] : memref<51200x16xf32, #tpu.memory_space<vmem_shared>> -> memref<51200x16xf32, #tpu.memory_space<vmem_shared>>
      tpu.enqueue_indirect_dma source(%dma_start3A_541 : memref<80x16xf32, #tpu.memory_space<vmem>>) target(%dma_start3A_547 : memref<51200x16xf32, #tpu.memory_space<vmem_shared>>) offsets(%dma_start3A_544 : memref<80xi32, #tpu.memory_space<vmem>>) semaphore(%arg19 : memref<!tpu.dma_semaphore, #tpu.memory_space<semaphore_mem>>) {add = true}
      %dma_start3A_548 = arith.constant 2 : i32
      %dma_start3A_549 = arith.constant 160 : i32
      %dma_start3A_550 = arith.constant 0 : i32
      %dma_start3A_551 = tpu.memref_slice %arg14[%select_n3A_333, %dma_start3A_549, %dma_start3A_550] : memref<2x400x16xf32, #tpu.memory_space<vmem>> -> memref<1x80x16xf32, #tpu.memory_space<vmem>>
      %dma_start3A_552 = tpu.memref_squeeze %dma_start3A_551 : memref<1x80x16xf32, #tpu.memory_space<vmem>> -> memref<80x16xf32, #tpu.memory_space<vmem>>
      %dma_start3A_553 = arith.constant 0 : i32
      %dma_start3A_554 = tpu.memref_slice %arg10[%select_n3A_333, %dma_start3A_548, %dma_start3A_553] : memref<2x5x80xi32, #tpu.memory_space<vmem>> -> memref<1x1x80xi32, #tpu.memory_space<vmem>>
      %dma_start3A_555 = tpu.memref_squeeze %dma_start3A_554 : memref<1x1x80xi32, #tpu.memory_space<vmem>> -> memref<80xi32, #tpu.memory_space<vmem>>
      %dma_start3A_556 = arith.constant 0 : i32
      %dma_start3A_557 = arith.constant 0 : i32
      %dma_start3A_558 = tpu.memref_slice %arg17[%dma_start3A_556, %dma_start3A_557] : memref<51200x16xf32, #tpu.memory_space<vmem_shared>> -> memref<51200x16xf32, #tpu.memory_space<vmem_shared>>
      tpu.enqueue_indirect_dma source(%dma_start3A_552 : memref<80x16xf32, #tpu.memory_space<vmem>>) target(%dma_start3A_558 : memref<51200x16xf32, #tpu.memory_space<vmem_shared>>) offsets(%dma_start3A_555 : memref<80xi32, #tpu.memory_space<vmem>>) semaphore(%arg19 : memref<!tpu.dma_semaphore, #tpu.memory_space<semaphore_mem>>) {add = true}
      %dma_start3A_559 = arith.constant 3 : i32
      %dma_start3A_560 = arith.constant 240 : i32
      %dma_start3A_561 = arith.constant 0 : i32
      %dma_start3A_562 = tpu.memref_slice %arg13[%select_n3A_333, %dma_start3A_560, %dma_start3A_561] : memref<2x400x16xf32, #tpu.memory_space<vmem>> -> memref<1x80x16xf32, #tpu.memory_space<vmem>>
      %dma_start3A_563 = tpu.memref_squeeze %dma_start3A_562 : memref<1x80x16xf32, #tpu.memory_space<vmem>> -> memref<80x16xf32, #tpu.memory_space<vmem>>
      %dma_start3A_564 = arith.constant 0 : i32
      %dma_start3A_565 = tpu.memref_slice %arg10[%select_n3A_333, %dma_start3A_559, %dma_start3A_564] : memref<2x5x80xi32, #tpu.memory_space<vmem>> -> memref<1x1x80xi32, #tpu.memory_space<vmem>>
      %dma_start3A_566 = tpu.memref_squeeze %dma_start3A_565 : memref<1x1x80xi32, #tpu.memory_space<vmem>> -> memref<80xi32, #tpu.memory_space<vmem>>
      %dma_start3A_567 = arith.constant 0 : i32
      %dma_start3A_568 = arith.constant 0 : i32
      %dma_start3A_569 = tpu.memref_slice %arg16[%dma_start3A_567, %dma_start3A_568] : memref<51200x16xf32, #tpu.memory_space<vmem_shared>> -> memref<51200x16xf32, #tpu.memory_space<vmem_shared>>
      tpu.enqueue_indirect_dma source(%dma_start3A_563 : memref<80x16xf32, #tpu.memory_space<vmem>>) target(%dma_start3A_569 : memref<51200x16xf32, #tpu.memory_space<vmem_shared>>) offsets(%dma_start3A_566 : memref<80xi32, #tpu.memory_space<vmem>>) semaphore(%arg19 : memref<!tpu.dma_semaphore, #tpu.memory_space<semaphore_mem>>) {add = true}
      %dma_start3A_570 = arith.constant 3 : i32
      %dma_start3A_571 = arith.constant 240 : i32
      %dma_start3A_572 = arith.constant 0 : i32
      %dma_start3A_573 = tpu.memref_slice %arg14[%select_n3A_333, %dma_start3A_571, %dma_start3A_572] : memref<2x400x16xf32, #tpu.memory_space<vmem>> -> memref<1x80x16xf32, #tpu.memory_space<vmem>>
      %dma_start3A_574 = tpu.memref_squeeze %dma_start3A_573 : memref<1x80x16xf32, #tpu.memory_space<vmem>> -> memref<80x16xf32, #tpu.memory_space<vmem>>
      %dma_start3A_575 = arith.constant 0 : i32
      %dma_start3A_576 = tpu.memref_slice %arg10[%select_n3A_333, %dma_start3A_570, %dma_start3A_575] : memref<2x5x80xi32, #tpu.memory_space<vmem>> -> memref<1x1x80xi32, #tpu.memory_space<vmem>>
      %dma_start3A_577 = tpu.memref_squeeze %dma_start3A_576 : memref<1x1x80xi32, #tpu.memory_space<vmem>> -> memref<80xi32, #tpu.memory_space<vmem>>
      %dma_start3A_578 = arith.constant 0 : i32
      %dma_start3A_579 = arith.constant 0 : i32
      %dma_start3A_580 = tpu.memref_slice %arg17[%dma_start3A_578, %dma_start3A_579] : memref<51200x16xf32, #tpu.memory_space<vmem_shared>> -> memref<51200x16xf32, #tpu.memory_space<vmem_shared>>
      tpu.enqueue_indirect_dma source(%dma_start3A_574 : memref<80x16xf32, #tpu.memory_space<vmem>>) target(%dma_start3A_580 : memref<51200x16xf32, #tpu.memory_space<vmem_shared>>) offsets(%dma_start3A_577 : memref<80xi32, #tpu.memory_space<vmem>>) semaphore(%arg19 : memref<!tpu.dma_semaphore, #tpu.memory_space<semaphore_mem>>) {add = true}
      %dma_start3A_581 = arith.constant 4 : i32
      %dma_start3A_582 = arith.constant 320 : i32
      %dma_start3A_583 = arith.constant 0 : i32
      %dma_start3A_584 = tpu.memref_slice %arg13[%select_n3A_333, %dma_start3A_582, %dma_start3A_583] : memref<2x400x16xf32, #tpu.memory_space<vmem>> -> memref<1x80x16xf32, #tpu.memory_space<vmem>>
      %dma_start3A_585 = tpu.memref_squeeze %dma_start3A_584 : memref<1x80x16xf32, #tpu.memory_space<vmem>> -> memref<80x16xf32, #tpu.memory_space<vmem>>
      %dma_start3A_586 = arith.constant 0 : i32
      %dma_start3A_587 = tpu.memref_slice %arg10[%select_n3A_333, %dma_start3A_581, %dma_start3A_586] : memref<2x5x80xi32, #tpu.memory_space<vmem>> -> memref<1x1x80xi32, #tpu.memory_space<vmem>>
      %dma_start3A_588 = tpu.memref_squeeze %dma_start3A_587 : memref<1x1x80xi32, #tpu.memory_space<vmem>> -> memref<80xi32, #tpu.memory_space<vmem>>
      %dma_start3A_589 = arith.constant 0 : i32
      %dma_start3A_590 = arith.constant 0 : i32
      %dma_start3A_591 = tpu.memref_slice %arg16[%dma_start3A_589, %dma_start3A_590] : memref<51200x16xf32, #tpu.memory_space<vmem_shared>> -> memref<51200x16xf32, #tpu.memory_space<vmem_shared>>
      tpu.enqueue_indirect_dma source(%dma_start3A_585 : memref<80x16xf32, #tpu.memory_space<vmem>>) target(%dma_start3A_591 : memref<51200x16xf32, #tpu.memory_space<vmem_shared>>) offsets(%dma_start3A_588 : memref<80xi32, #tpu.memory_space<vmem>>) semaphore(%arg19 : memref<!tpu.dma_semaphore, #tpu.memory_space<semaphore_mem>>) {add = true}
      %dma_start3A_592 = arith.constant 4 : i32
      %dma_start3A_593 = arith.constant 320 : i32
      %dma_start3A_594 = arith.constant 0 : i32
      %dma_start3A_595 = tpu.memref_slice %arg14[%select_n3A_333, %dma_start3A_593, %dma_start3A_594] : memref<2x400x16xf32, #tpu.memory_space<vmem>> -> memref<1x80x16xf32, #tpu.memory_space<vmem>>
      %dma_start3A_596 = tpu.memref_squeeze %dma_start3A_595 : memref<1x80x16xf32, #tpu.memory_space<vmem>> -> memref<80x16xf32, #tpu.memory_space<vmem>>
      %dma_start3A_597 = arith.constant 0 : i32
      %dma_start3A_598 = tpu.memref_slice %arg10[%select_n3A_333, %dma_start3A_592, %dma_start3A_597] : memref<2x5x80xi32, #tpu.memory_space<vmem>> -> memref<1x1x80xi32, #tpu.memory_space<vmem>>
      %dma_start3A_599 = tpu.memref_squeeze %dma_start3A_598 : memref<1x1x80xi32, #tpu.memory_space<vmem>> -> memref<80xi32, #tpu.memory_space<vmem>>
      %dma_start3A_600 = arith.constant 0 : i32
      %dma_start3A_601 = arith.constant 0 : i32
      %dma_start3A_602 = tpu.memref_slice %arg17[%dma_start3A_600, %dma_start3A_601] : memref<51200x16xf32, #tpu.memory_space<vmem_shared>> -> memref<51200x16xf32, #tpu.memory_space<vmem_shared>>
      tpu.enqueue_indirect_dma source(%dma_start3A_596 : memref<80x16xf32, #tpu.memory_space<vmem>>) target(%dma_start3A_602 : memref<51200x16xf32, #tpu.memory_space<vmem_shared>>) offsets(%dma_start3A_599 : memref<80xi32, #tpu.memory_space<vmem>>) semaphore(%arg19 : memref<!tpu.dma_semaphore, #tpu.memory_space<semaphore_mem>>) {add = true}
    }
    %scan3A_189 = arith.constant 125 : i32
    %dma_wait3A = arith.constant 0 : i32
    %dma_wait3A_190 = arith.constant 0 : i32
    %dma_wait3A_191 = arith.constant 0 : i32
    %dma_wait3A_192 = arith.constant 0 : i32
    %dma_wait3A_193 = arith.constant 0 : i32
    %dma_wait3A_194 = tpu.memref_slice %arg13[%dma_wait3A, %dma_wait3A_192, %dma_wait3A_193] : memref<2x400x16xf32, #tpu.memory_space<vmem>> -> memref<1x80x16xf32, #tpu.memory_space<vmem>>
    %dma_wait3A_195 = tpu.memref_squeeze %dma_wait3A_194 : memref<1x80x16xf32, #tpu.memory_space<vmem>> -> memref<80x16xf32, #tpu.memory_space<vmem>>
    %dma_wait3A_196 = arith.constant 0 : i32
    %dma_wait3A_197 = tpu.memref_slice %arg10[%dma_wait3A_190, %dma_wait3A_191, %dma_wait3A_196] : memref<2x5x80xi32, #tpu.memory_space<vmem>> -> memref<1x1x80xi32, #tpu.memory_space<vmem>>
    %dma_wait3A_198 = tpu.memref_squeeze %dma_wait3A_197 : memref<1x1x80xi32, #tpu.memory_space<vmem>> -> memref<80xi32, #tpu.memory_space<vmem>>
    %dma_wait3A_199 = arith.constant 0 : i32
    %dma_wait3A_200 = arith.constant 0 : i32
    %dma_wait3A_201 = tpu.memref_slice %arg16[%dma_wait3A_199, %dma_wait3A_200] : memref<51200x16xf32, #tpu.memory_space<vmem_shared>> -> memref<51200x16xf32, #tpu.memory_space<vmem_shared>>
    tpu.wait_indirect_dma semaphore(%arg19 : memref<!tpu.dma_semaphore, #tpu.memory_space<semaphore_mem>>) src(%dma_wait3A_195 : memref<80x16xf32, #tpu.memory_space<vmem>>) dst(%dma_wait3A_201 : memref<51200x16xf32, #tpu.memory_space<vmem_shared>>)
    %dma_wait3A_202 = arith.constant 0 : i32
    %dma_wait3A_203 = arith.constant 0 : i32
    %dma_wait3A_204 = arith.constant 0 : i32
    %dma_wait3A_205 = arith.constant 0 : i32
    %dma_wait3A_206 = arith.constant 0 : i32
    %dma_wait3A_207 = tpu.memref_slice %arg13[%dma_wait3A_202, %dma_wait3A_205, %dma_wait3A_206] : memref<2x400x16xf32, #tpu.memory_space<vmem>> -> memref<1x80x16xf32, #tpu.memory_space<vmem>>
    %dma_wait3A_208 = tpu.memref_squeeze %dma_wait3A_207 : memref<1x80x16xf32, #tpu.memory_space<vmem>> -> memref<80x16xf32, #tpu.memory_space<vmem>>
    %dma_wait3A_209 = arith.constant 0 : i32
    %dma_wait3A_210 = tpu.memref_slice %arg10[%dma_wait3A_203, %dma_wait3A_204, %dma_wait3A_209] : memref<2x5x80xi32, #tpu.memory_space<vmem>> -> memref<1x1x80xi32, #tpu.memory_space<vmem>>
    %dma_wait3A_211 = tpu.memref_squeeze %dma_wait3A_210 : memref<1x1x80xi32, #tpu.memory_space<vmem>> -> memref<80xi32, #tpu.memory_space<vmem>>
    %dma_wait3A_212 = arith.constant 0 : i32
    %dma_wait3A_213 = arith.constant 0 : i32
    %dma_wait3A_214 = tpu.memref_slice %arg16[%dma_wait3A_212, %dma_wait3A_213] : memref<51200x16xf32, #tpu.memory_space<vmem_shared>> -> memref<51200x16xf32, #tpu.memory_space<vmem_shared>>
    tpu.wait_indirect_dma semaphore(%arg19 : memref<!tpu.dma_semaphore, #tpu.memory_space<semaphore_mem>>) src(%dma_wait3A_208 : memref<80x16xf32, #tpu.memory_space<vmem>>) dst(%dma_wait3A_214 : memref<51200x16xf32, #tpu.memory_space<vmem_shared>>)
    %dma_wait3A_215 = arith.constant 0 : i32
    %dma_wait3A_216 = arith.constant 0 : i32
    %dma_wait3A_217 = arith.constant 0 : i32
    %dma_wait3A_218 = arith.constant 0 : i32
    %dma_wait3A_219 = arith.constant 0 : i32
    %dma_wait3A_220 = tpu.memref_slice %arg13[%dma_wait3A_215, %dma_wait3A_218, %dma_wait3A_219] : memref<2x400x16xf32, #tpu.memory_space<vmem>> -> memref<1x80x16xf32, #tpu.memory_space<vmem>>
    %dma_wait3A_221 = tpu.memref_squeeze %dma_wait3A_220 : memref<1x80x16xf32, #tpu.memory_space<vmem>> -> memref<80x16xf32, #tpu.memory_space<vmem>>
    %dma_wait3A_222 = arith.constant 0 : i32
    %dma_wait3A_223 = tpu.memref_slice %arg10[%dma_wait3A_216, %dma_wait3A_217, %dma_wait3A_222] : memref<2x5x80xi32, #tpu.memory_space<vmem>> -> memref<1x1x80xi32, #tpu.memory_space<vmem>>
    %dma_wait3A_224 = tpu.memref_squeeze %dma_wait3A_223 : memref<1x1x80xi32, #tpu.memory_space<vmem>> -> memref<80xi32, #tpu.memory_space<vmem>>
    %dma_wait3A_225 = arith.constant 0 : i32
    %dma_wait3A_226 = arith.constant 0 : i32
    %dma_wait3A_227 = tpu.memref_slice %arg16[%dma_wait3A_225, %dma_wait3A_226] : memref<51200x16xf32, #tpu.memory_space<vmem_shared>> -> memref<51200x16xf32, #tpu.memory_space<vmem_shared>>
    tpu.wait_indirect_dma semaphore(%arg19 : memref<!tpu.dma_semaphore, #tpu.memory_space<semaphore_mem>>) src(%dma_wait3A_221 : memref<80x16xf32, #tpu.memory_space<vmem>>) dst(%dma_wait3A_227 : memref<51200x16xf32, #tpu.memory_space<vmem_shared>>)
    %dma_wait3A_228 = arith.constant 0 : i32
    %dma_wait3A_229 = arith.constant 0 : i32
    %dma_wait3A_230 = arith.constant 0 : i32
    %dma_wait3A_231 = arith.constant 0 : i32
    %dma_wait3A_232 = arith.constant 0 : i32
    %dma_wait3A_233 = tpu.memref_slice %arg13[%dma_wait3A_228, %dma_wait3A_231, %dma_wait3A_232] : memref<2x400x16xf32, #tpu.memory_space<vmem>> -> memref<1x80x16xf32, #tpu.memory_space<vmem>>
    %dma_wait3A_234 = tpu.memref_squeeze %dma_wait3A_233 : memref<1x80x16xf32, #tpu.memory_space<vmem>> -> memref<80x16xf32, #tpu.memory_space<vmem>>
    %dma_wait3A_235 = arith.constant 0 : i32
    %dma_wait3A_236 = tpu.memref_slice %arg10[%dma_wait3A_229, %dma_wait3A_230, %dma_wait3A_235] : memref<2x5x80xi32, #tpu.memory_space<vmem>> -> memref<1x1x80xi32, #tpu.memory_space<vmem>>
    %dma_wait3A_237 = tpu.memref_squeeze %dma_wait3A_236 : memref<1x1x80xi32, #tpu.memory_space<vmem>> -> memref<80xi32, #tpu.memory_space<vmem>>
    %dma_wait3A_238 = arith.constant 0 : i32
    %dma_wait3A_239 = arith.constant 0 : i32
    %dma_wait3A_240 = tpu.memref_slice %arg16[%dma_wait3A_238, %dma_wait3A_239] : memref<51200x16xf32, #tpu.memory_space<vmem_shared>> -> memref<51200x16xf32, #tpu.memory_space<vmem_shared>>
    tpu.wait_indirect_dma semaphore(%arg19 : memref<!tpu.dma_semaphore, #tpu.memory_space<semaphore_mem>>) src(%dma_wait3A_234 : memref<80x16xf32, #tpu.memory_space<vmem>>) dst(%dma_wait3A_240 : memref<51200x16xf32, #tpu.memory_space<vmem_shared>>)
    %dma_wait3A_241 = arith.constant 0 : i32
    %dma_wait3A_242 = arith.constant 0 : i32
    %dma_wait3A_243 = arith.constant 0 : i32
    %dma_wait3A_244 = arith.constant 0 : i32
    %dma_wait3A_245 = arith.constant 0 : i32
    %dma_wait3A_246 = tpu.memref_slice %arg13[%dma_wait3A_241, %dma_wait3A_244, %dma_wait3A_245] : memref<2x400x16xf32, #tpu.memory_space<vmem>> -> memref<1x80x16xf32, #tpu.memory_space<vmem>>
    %dma_wait3A_247 = tpu.memref_squeeze %dma_wait3A_246 : memref<1x80x16xf32, #tpu.memory_space<vmem>> -> memref<80x16xf32, #tpu.memory_space<vmem>>
    %dma_wait3A_248 = arith.constant 0 : i32
    %dma_wait3A_249 = tpu.memref_slice %arg10[%dma_wait3A_242, %dma_wait3A_243, %dma_wait3A_248] : memref<2x5x80xi32, #tpu.memory_space<vmem>> -> memref<1x1x80xi32, #tpu.memory_space<vmem>>
    %dma_wait3A_250 = tpu.memref_squeeze %dma_wait3A_249 : memref<1x1x80xi32, #tpu.memory_space<vmem>> -> memref<80xi32, #tpu.memory_space<vmem>>
    %dma_wait3A_251 = arith.constant 0 : i32
    %dma_wait3A_252 = arith.constant 0 : i32
    %dma_wait3A_253 = tpu.memref_slice %arg16[%dma_wait3A_251, %dma_wait3A_252] : memref<51200x16xf32, #tpu.memory_space<vmem_shared>> -> memref<51200x16xf32, #tpu.memory_space<vmem_shared>>
    tpu.wait_indirect_dma semaphore(%arg19 : memref<!tpu.dma_semaphore, #tpu.memory_space<semaphore_mem>>) src(%dma_wait3A_247 : memref<80x16xf32, #tpu.memory_space<vmem>>) dst(%dma_wait3A_253 : memref<51200x16xf32, #tpu.memory_space<vmem_shared>>)
    %dma_wait3A_254 = arith.constant 0 : i32
    %dma_wait3A_255 = arith.constant 0 : i32
    %dma_wait3A_256 = arith.constant 0 : i32
    %dma_wait3A_257 = arith.constant 0 : i32
    %dma_wait3A_258 = arith.constant 0 : i32
    %dma_wait3A_259 = tpu.memref_slice %arg13[%dma_wait3A_254, %dma_wait3A_257, %dma_wait3A_258] : memref<2x400x16xf32, #tpu.memory_space<vmem>> -> memref<1x80x16xf32, #tpu.memory_space<vmem>>
    %dma_wait3A_260 = tpu.memref_squeeze %dma_wait3A_259 : memref<1x80x16xf32, #tpu.memory_space<vmem>> -> memref<80x16xf32, #tpu.memory_space<vmem>>
    %dma_wait3A_261 = arith.constant 0 : i32
    %dma_wait3A_262 = tpu.memref_slice %arg10[%dma_wait3A_255, %dma_wait3A_256, %dma_wait3A_261] : memref<2x5x80xi32, #tpu.memory_space<vmem>> -> memref<1x1x80xi32, #tpu.memory_space<vmem>>
    %dma_wait3A_263 = tpu.memref_squeeze %dma_wait3A_262 : memref<1x1x80xi32, #tpu.memory_space<vmem>> -> memref<80xi32, #tpu.memory_space<vmem>>
    %dma_wait3A_264 = arith.constant 0 : i32
    %dma_wait3A_265 = arith.constant 0 : i32
    %dma_wait3A_266 = tpu.memref_slice %arg16[%dma_wait3A_264, %dma_wait3A_265] : memref<51200x16xf32, #tpu.memory_space<vmem_shared>> -> memref<51200x16xf32, #tpu.memory_space<vmem_shared>>
    tpu.wait_indirect_dma semaphore(%arg19 : memref<!tpu.dma_semaphore, #tpu.memory_space<semaphore_mem>>) src(%dma_wait3A_260 : memref<80x16xf32, #tpu.memory_space<vmem>>) dst(%dma_wait3A_266 : memref<51200x16xf32, #tpu.memory_space<vmem_shared>>)
    %dma_wait3A_267 = arith.constant 0 : i32
    %dma_wait3A_268 = arith.constant 0 : i32
    %dma_wait3A_269 = arith.constant 0 : i32
    %dma_wait3A_270 = arith.constant 0 : i32
    %dma_wait3A_271 = arith.constant 0 : i32
    %dma_wait3A_272 = tpu.memref_slice %arg13[%dma_wait3A_267, %dma_wait3A_270, %dma_wait3A_271] : memref<2x400x16xf32, #tpu.memory_space<vmem>> -> memref<1x80x16xf32, #tpu.memory_space<vmem>>
    %dma_wait3A_273 = tpu.memref_squeeze %dma_wait3A_272 : memref<1x80x16xf32, #tpu.memory_space<vmem>> -> memref<80x16xf32, #tpu.memory_space<vmem>>
    %dma_wait3A_274 = arith.constant 0 : i32
    %dma_wait3A_275 = tpu.memref_slice %arg10[%dma_wait3A_268, %dma_wait3A_269, %dma_wait3A_274] : memref<2x5x80xi32, #tpu.memory_space<vmem>> -> memref<1x1x80xi32, #tpu.memory_space<vmem>>
    %dma_wait3A_276 = tpu.memref_squeeze %dma_wait3A_275 : memref<1x1x80xi32, #tpu.memory_space<vmem>> -> memref<80xi32, #tpu.memory_space<vmem>>
    %dma_wait3A_277 = arith.constant 0 : i32
    %dma_wait3A_278 = arith.constant 0 : i32
    %dma_wait3A_279 = tpu.memref_slice %arg16[%dma_wait3A_277, %dma_wait3A_278] : memref<51200x16xf32, #tpu.memory_space<vmem_shared>> -> memref<51200x16xf32, #tpu.memory_space<vmem_shared>>
    tpu.wait_indirect_dma semaphore(%arg19 : memref<!tpu.dma_semaphore, #tpu.memory_space<semaphore_mem>>) src(%dma_wait3A_273 : memref<80x16xf32, #tpu.memory_space<vmem>>) dst(%dma_wait3A_279 : memref<51200x16xf32, #tpu.memory_space<vmem_shared>>)
    %dma_wait3A_280 = arith.constant 0 : i32
    %dma_wait3A_281 = arith.constant 0 : i32
    %dma_wait3A_282 = arith.constant 0 : i32
    %dma_wait3A_283 = arith.constant 0 : i32
    %dma_wait3A_284 = arith.constant 0 : i32
    %dma_wait3A_285 = tpu.memref_slice %arg13[%dma_wait3A_280, %dma_wait3A_283, %dma_wait3A_284] : memref<2x400x16xf32, #tpu.memory_space<vmem>> -> memref<1x80x16xf32, #tpu.memory_space<vmem>>
    %dma_wait3A_286 = tpu.memref_squeeze %dma_wait3A_285 : memref<1x80x16xf32, #tpu.memory_space<vmem>> -> memref<80x16xf32, #tpu.memory_space<vmem>>
    %dma_wait3A_287 = arith.constant 0 : i32
    %dma_wait3A_288 = tpu.memref_slice %arg10[%dma_wait3A_281, %dma_wait3A_282, %dma_wait3A_287] : memref<2x5x80xi32, #tpu.memory_space<vmem>> -> memref<1x1x80xi32, #tpu.memory_space<vmem>>
    %dma_wait3A_289 = tpu.memref_squeeze %dma_wait3A_288 : memref<1x1x80xi32, #tpu.memory_space<vmem>> -> memref<80xi32, #tpu.memory_space<vmem>>
    %dma_wait3A_290 = arith.constant 0 : i32
    %dma_wait3A_291 = arith.constant 0 : i32
    %dma_wait3A_292 = tpu.memref_slice %arg16[%dma_wait3A_290, %dma_wait3A_291] : memref<51200x16xf32, #tpu.memory_space<vmem_shared>> -> memref<51200x16xf32, #tpu.memory_space<vmem_shared>>
    tpu.wait_indirect_dma semaphore(%arg19 : memref<!tpu.dma_semaphore, #tpu.memory_space<semaphore_mem>>) src(%dma_wait3A_286 : memref<80x16xf32, #tpu.memory_space<vmem>>) dst(%dma_wait3A_292 : memref<51200x16xf32, #tpu.memory_space<vmem_shared>>)
    %dma_wait3A_293 = arith.constant 0 : i32
    %dma_wait3A_294 = arith.constant 0 : i32
    %dma_wait3A_295 = arith.constant 0 : i32
    %dma_wait3A_296 = arith.constant 0 : i32
    %dma_wait3A_297 = arith.constant 0 : i32
    %dma_wait3A_298 = tpu.memref_slice %arg13[%dma_wait3A_293, %dma_wait3A_296, %dma_wait3A_297] : memref<2x400x16xf32, #tpu.memory_space<vmem>> -> memref<1x80x16xf32, #tpu.memory_space<vmem>>
    %dma_wait3A_299 = tpu.memref_squeeze %dma_wait3A_298 : memref<1x80x16xf32, #tpu.memory_space<vmem>> -> memref<80x16xf32, #tpu.memory_space<vmem>>
    %dma_wait3A_300 = arith.constant 0 : i32
    %dma_wait3A_301 = tpu.memref_slice %arg10[%dma_wait3A_294, %dma_wait3A_295, %dma_wait3A_300] : memref<2x5x80xi32, #tpu.memory_space<vmem>> -> memref<1x1x80xi32, #tpu.memory_space<vmem>>
    %dma_wait3A_302 = tpu.memref_squeeze %dma_wait3A_301 : memref<1x1x80xi32, #tpu.memory_space<vmem>> -> memref<80xi32, #tpu.memory_space<vmem>>
    %dma_wait3A_303 = arith.constant 0 : i32
    %dma_wait3A_304 = arith.constant 0 : i32
    %dma_wait3A_305 = tpu.memref_slice %arg16[%dma_wait3A_303, %dma_wait3A_304] : memref<51200x16xf32, #tpu.memory_space<vmem_shared>> -> memref<51200x16xf32, #tpu.memory_space<vmem_shared>>
    tpu.wait_indirect_dma semaphore(%arg19 : memref<!tpu.dma_semaphore, #tpu.memory_space<semaphore_mem>>) src(%dma_wait3A_299 : memref<80x16xf32, #tpu.memory_space<vmem>>) dst(%dma_wait3A_305 : memref<51200x16xf32, #tpu.memory_space<vmem_shared>>)
    %dma_wait3A_306 = arith.constant 0 : i32
    %dma_wait3A_307 = arith.constant 0 : i32
    %dma_wait3A_308 = arith.constant 0 : i32
    %dma_wait3A_309 = arith.constant 0 : i32
    %dma_wait3A_310 = arith.constant 0 : i32
    %dma_wait3A_311 = tpu.memref_slice %arg13[%dma_wait3A_306, %dma_wait3A_309, %dma_wait3A_310] : memref<2x400x16xf32, #tpu.memory_space<vmem>> -> memref<1x80x16xf32, #tpu.memory_space<vmem>>
    %dma_wait3A_312 = tpu.memref_squeeze %dma_wait3A_311 : memref<1x80x16xf32, #tpu.memory_space<vmem>> -> memref<80x16xf32, #tpu.memory_space<vmem>>
    %dma_wait3A_313 = arith.constant 0 : i32
    %dma_wait3A_314 = tpu.memref_slice %arg10[%dma_wait3A_307, %dma_wait3A_308, %dma_wait3A_313] : memref<2x5x80xi32, #tpu.memory_space<vmem>> -> memref<1x1x80xi32, #tpu.memory_space<vmem>>
    %dma_wait3A_315 = tpu.memref_squeeze %dma_wait3A_314 : memref<1x1x80xi32, #tpu.memory_space<vmem>> -> memref<80xi32, #tpu.memory_space<vmem>>
    %dma_wait3A_316 = arith.constant 0 : i32
    %dma_wait3A_317 = arith.constant 0 : i32
    %dma_wait3A_318 = tpu.memref_slice %arg16[%dma_wait3A_316, %dma_wait3A_317] : memref<51200x16xf32, #tpu.memory_space<vmem_shared>> -> memref<51200x16xf32, #tpu.memory_space<vmem_shared>>
    tpu.wait_indirect_dma semaphore(%arg19 : memref<!tpu.dma_semaphore, #tpu.memory_space<semaphore_mem>>) src(%dma_wait3A_312 : memref<80x16xf32, #tpu.memory_space<vmem>>) dst(%dma_wait3A_318 : memref<51200x16xf32, #tpu.memory_space<vmem_shared>>)
    %barrier3A_319 = arith.constant 0 : index
    tpu.barrier barrier_id(%barrier3A_319)
    %mul3A_320 = arith.constant 3200 : i32
    %mul3A_321 = arith.muli %arg1, %mul3A_320 : i32
    %run_scoped3A_322 = arith.constant 0 : i32
    "tpu.region"() ({
      %run_scoped3A_324 = tpu.sem_alloc : memref<!tpu.dma_semaphore, #tpu.memory_space<semaphore_mem>>
      %dma_start3A_325 = arith.constant 0 : i32
      %dma_start3A_326 = tpu.memref_slice %arg8[%arg0, %run_scoped3A_322, %mul3A_321, %dma_start3A_325] : memref<2x2x51200x16xf32, #tpu.memory_space<hbm>> -> memref<1x1x3200x16xf32, #tpu.memory_space<hbm>>
      %dma_start3A_327 = tpu.memref_squeeze %dma_start3A_326 : memref<1x1x3200x16xf32, #tpu.memory_space<hbm>> -> memref<3200x16xf32, #tpu.memory_space<hbm>>
      %dma_start3A_328 = arith.constant 0 : i32
      %dma_start3A_329 = tpu.memref_slice %arg16[%mul3A_321, %dma_start3A_328] : memref<51200x16xf32, #tpu.memory_space<vmem_shared>> -> memref<3200x16xf32, #tpu.memory_space<vmem_shared>>
      tpu.enqueue_dma source(%dma_start3A_329 : memref<3200x16xf32, #tpu.memory_space<vmem_shared>>) target(%dma_start3A_327 : memref<3200x16xf32, #tpu.memory_space<hbm>>) target_semaphore(%run_scoped3A_324 : memref<!tpu.dma_semaphore, #tpu.memory_space<semaphore_mem>>)
      %dma_wait3A_330 = arith.constant 0 : i32
      %dma_wait3A_331 = tpu.memref_slice %arg8[%arg0, %run_scoped3A_322, %mul3A_321, %dma_wait3A_330] : memref<2x2x51200x16xf32, #tpu.memory_space<hbm>> -> memref<1x1x3200x16xf32, #tpu.memory_space<hbm>>
      %dma_wait3A_332 = tpu.memref_squeeze %dma_wait3A_331 : memref<1x1x3200x16xf32, #tpu.memory_space<hbm>> -> memref<3200x16xf32, #tpu.memory_space<hbm>>
      %dma_wait3A_333 = arith.constant 0 : i32
      %dma_wait3A_334 = tpu.memref_slice %arg16[%mul3A_321, %dma_wait3A_333] : memref<51200x16xf32, #tpu.memory_space<vmem_shared>> -> memref<3200x16xf32, #tpu.memory_space<vmem_shared>>
      tpu.wait_dma2 semaphore(%run_scoped3A_324 : memref<!tpu.dma_semaphore, #tpu.memory_space<semaphore_mem>>) src(%dma_wait3A_334 : memref<3200x16xf32, #tpu.memory_space<vmem_shared>>) dst(%dma_wait3A_332 : memref<3200x16xf32, #tpu.memory_space<hbm>>)
      tpu.yield
    }) : () -> ()
    %run_scoped3A_323 = arith.constant 1 : i32
    "tpu.region"() ({
      %run_scoped3A_324 = tpu.sem_alloc : memref<!tpu.dma_semaphore, #tpu.memory_space<semaphore_mem>>
      %dma_start3A_325 = arith.constant 0 : i32
      %dma_start3A_326 = tpu.memref_slice %arg8[%arg0, %run_scoped3A_323, %mul3A_321, %dma_start3A_325] : memref<2x2x51200x16xf32, #tpu.memory_space<hbm>> -> memref<1x1x3200x16xf32, #tpu.memory_space<hbm>>
      %dma_start3A_327 = tpu.memref_squeeze %dma_start3A_326 : memref<1x1x3200x16xf32, #tpu.memory_space<hbm>> -> memref<3200x16xf32, #tpu.memory_space<hbm>>
      %dma_start3A_328 = arith.constant 0 : i32
      %dma_start3A_329 = tpu.memref_slice %arg17[%mul3A_321, %dma_start3A_328] : memref<51200x16xf32, #tpu.memory_space<vmem_shared>> -> memref<3200x16xf32, #tpu.memory_space<vmem_shared>>
      tpu.enqueue_dma source(%dma_start3A_329 : memref<3200x16xf32, #tpu.memory_space<vmem_shared>>) target(%dma_start3A_327 : memref<3200x16xf32, #tpu.memory_space<hbm>>) target_semaphore(%run_scoped3A_324 : memref<!tpu.dma_semaphore, #tpu.memory_space<semaphore_mem>>)
      %dma_wait3A_330 = arith.constant 0 : i32
      %dma_wait3A_331 = tpu.memref_slice %arg8[%arg0, %run_scoped3A_323, %mul3A_321, %dma_wait3A_330] : memref<2x2x51200x16xf32, #tpu.memory_space<hbm>> -> memref<1x1x3200x16xf32, #tpu.memory_space<hbm>>
      %dma_wait3A_332 = tpu.memref_squeeze %dma_wait3A_331 : memref<1x1x3200x16xf32, #tpu.memory_space<hbm>> -> memref<3200x16xf32, #tpu.memory_space<hbm>>
      %dma_wait3A_333 = arith.constant 0 : i32
      %dma_wait3A_334 = tpu.memref_slice %arg17[%mul3A_321, %dma_wait3A_333] : memref<51200x16xf32, #tpu.memory_space<vmem_shared>> -> memref<3200x16xf32, #tpu.memory_space<vmem_shared>>
      tpu.wait_dma2 semaphore(%run_scoped3A_324 : memref<!tpu.dma_semaphore, #tpu.memory_space<semaphore_mem>>) src(%dma_wait3A_334 : memref<3200x16xf32, #tpu.memory_space<vmem_shared>>) dst(%dma_wait3A_332 : memref<3200x16xf32, #tpu.memory_space<hbm>>)
      tpu.yield
    }) : () -> ()
    return
  }
}

#map = affine_map<(d0, d1) -> (0, 0)>
#map1 = affine_map<(d0, d1) -> (0, 0, 0)>
#map2 = affine_map<(d0, d1) -> (0, 0, 0, 0)>
module attributes {stable_mosaic.version = 14 : i64} {
  func.func @k(%arg0: i32, %arg1: i32, %arg2: memref<51200x16xf32, #tpu.memory_space<hbm>>, %arg3: memref<51200x16xf32, #tpu.memory_space<hbm>>, %arg4: memref<4000x5x80xi32, #tpu.memory_space<hbm>>, %arg5: memref<4000x5x80xi32, #tpu.memory_space<hbm>>, %arg6: memref<2x1600000xf32, #tpu.memory_space<hbm>>, %arg7: memref<8x16xf32, #tpu.memory_space<hbm>>, %arg8: memref<2x2x51200x16xf32, #tpu.memory_space<hbm>>, %arg9: memref<5x80xi32, #tpu.memory_space<vmem>>, %arg10: memref<2x5x80xi32, #tpu.memory_space<vmem>>, %arg11: memref<2x400xf32, #tpu.memory_space<vmem>>, %arg12: memref<2x400xf32, #tpu.memory_space<vmem>>, %arg13: memref<2x400x16xf32, #tpu.memory_space<vmem>>, %arg14: memref<2x400x16xf32, #tpu.memory_space<vmem>>, %arg15: memref<8x16xf32, #tpu.memory_space<vmem>>, %arg16: memref<51200x16xf32, #tpu.memory_space<vmem_shared>>, %arg17: memref<51200x16xf32, #tpu.memory_space<vmem_shared>>, %arg18: memref<!tpu.dma_semaphore, #tpu.memory_space<semaphore_mem>>, %arg19: memref<!tpu.dma_semaphore, #tpu.memory_space<semaphore_mem>>) attributes {dimension_semantics = [#tpu.dimension_semantics<core_parallel>, #tpu.dimension_semantics<subcore_parallel>], iteration_bounds = array<i64: 2, 16>, scalar_prefetch = 0 : i64, scratch_operands = 11 : i64, tpu.core_type = #tpu.core_type<sc_vector_subcore>, window_params = [{transform_indices = #map}, {transform_indices = #map}, {transform_indices = #map1}, {transform_indices = #map1}, {transform_indices = #map}, {transform_indices = #map}, {transform_indices = #map2}]} {
    %mul3A = arith.constant 2 : i32
    %mul3A_0 = arith.muli %arg1, %mul3A : i32
    %add3A = arith.addi %mul3A_0, %arg0 : i32
    "tpu.region"() ({
      %run_scoped3A_324 = tpu.sem_alloc : memref<!tpu.dma_semaphore, #tpu.memory_space<semaphore_mem>>
      tpu.enqueue_dma source(%arg7 : memref<8x16xf32, #tpu.memory_space<hbm>>) target(%arg15 : memref<8x16xf32, #tpu.memory_space<vmem>>) target_semaphore(%run_scoped3A_324 : memref<!tpu.dma_semaphore, #tpu.memory_space<semaphore_mem>>)
      tpu.wait_dma2 semaphore(%run_scoped3A_324 : memref<!tpu.dma_semaphore, #tpu.memory_space<semaphore_mem>>) src(%arg7 : memref<8x16xf32, #tpu.memory_space<hbm>>) dst(%arg15 : memref<8x16xf32, #tpu.memory_space<vmem>>)
      tpu.yield
    }) : () -> ()
    %get3A = arith.constant 0 : i32
    %get3A_1 = arith.index_cast %get3A : i32 to index
    %get3A_2 = arith.constant 0 : index
    %get3A_3 = tpu.vector_load %arg15[%get3A_1, %get3A_2] {strides = array<i32>} : memref<8x16xf32, #tpu.memory_space<vmem>>, vector<1x16xf32>,
    %get3A_4 = vector.shape_cast %get3A_3 : vector<1x16xf32> to vector<16xf32>
    %get3A_5 = arith.constant 1 : i32
    %get3A_6 = arith.index_cast %get3A_5 : i32 to index
    %get3A_7 = arith.constant 0 : index
    %get3A_8 = tpu.vector_load %arg15[%get3A_6, %get3A_7] {strides = array<i32>} : memref<8x16xf32, #tpu.memory_space<vmem>>, vector<1x16xf32>,
    %get3A_9 = vector.shape_cast %get3A_8 : vector<1x16xf32> to vector<16xf32>
    %get3A_10 = arith.constant 2 : i32
    %get3A_11 = arith.index_cast %get3A_10 : i32 to index
    %get3A_12 = arith.constant 0 : index
    %get3A_13 = tpu.vector_load %arg15[%get3A_11, %get3A_12] {strides = array<i32>} : memref<8x16xf32, #tpu.memory_space<vmem>>, vector<1x16xf32>,
    %get3A_14 = vector.shape_cast %get3A_13 : vector<1x16xf32> to vector<16xf32>
    %iota3A = tpu.iota {dimensions = array<i32: 0>} : vector<16xi32>
    %xor3A = arith.constant 1 : i32
    %xor3A_15 = vector.broadcast %xor3A : i32 to vector<16xi32>
    %xor3A_16 = arith.xori %iota3A, %xor3A_15 : vector<16xi32>
    %xor3A_17 = arith.constant 2 : i32
    %xor3A_18 = vector.broadcast %xor3A_17 : i32 to vector<16xi32>
    %xor3A_19 = arith.xori %iota3A, %xor3A_18 : vector<16xi32>
    %xor3A_20 = arith.constant 4 : i32
    %xor3A_21 = vector.broadcast %xor3A_20 : i32 to vector<16xi32>
    %xor3A_22 = arith.xori %iota3A, %xor3A_21 : vector<16xi32>
    %scan3A = arith.constant 0 : i32
    %scan3A_23 = arith.constant 0 : i32
    %scan3A_24 = arith.constant 400 : i32
    %scan3A_25 = arith.addi %scan3A_23, %scan3A_24 : i32
    %scan3A_26 = arith.constant 1 : i32
    scf.for %scan3A_324 = %scan3A_23 to %scan3A_25 step %scan3A_26  : i32 {
      %broadcast_in_dim3A = arith.constant 0.000000e+00 : f32
      %broadcast_in_dim3A_325 = vector.broadcast %broadcast_in_dim3A : f32 to vector<16xf32>
      %swap3A = arith.constant 0 : i32
      %swap3A_326 = arith.index_cast %swap3A : i32 to index
      %swap3A_327 = arith.index_cast %scan3A_324 : i32 to index
      %swap3A_328 = arith.constant 0 : index
      %swap3A_329 = tpu.vector_load %arg13[%swap3A_326, %swap3A_327, %swap3A_328] {strides = array<i32>} : memref<2x400x16xf32, #tpu.memory_space<vmem>>, vector<1x1x16xf32>,
      %swap3A_330 = vector.shape_cast %swap3A_329 : vector<1x1x16xf32> to vector<16xf32>
      %swap3A_331 = vector.shape_cast %broadcast_in_dim3A_325 : vector<16xf32> to vector<1x1x16xf32>
      tpu.vector_store %arg13[%swap3A_326, %swap3A_327, %swap3A_328], %swap3A_331 {strides = array<i32>} : memref<2x400x16xf32, #tpu.memory_space<vmem>>, vector<1x1x16xf32>,
    }
    %scan3A_27 = arith.constant 400 : i32
    %scan3A_28 = arith.constant 0 : i32
    %scan3A_29 = arith.constant 0 : i32
    %scan3A_30 = arith.constant 8 : i32
    %scan3A_31 = arith.addi %scan3A_29, %scan3A_30 : i32
    %scan3A_32 = arith.constant 1 : i32
    scf.for %scan3A_324 = %scan3A_29 to %scan3A_31 step %scan3A_32  : i32 {
      %mul3A_325 = arith.constant 8 : i32
      %mul3A_326 = arith.muli %arg1, %mul3A_325 : i32
      %add3A_327 = arith.addi %mul3A_326, %scan3A_324 : i32
      %mul3A_328 = arith.constant 400 : i32
      %mul3A_329 = arith.muli %add3A_327, %mul3A_328 : i32
      %run_scoped3A_330 = arith.constant 0 : i32
      "tpu.region"() ({
        %run_scoped3A_332 = tpu.sem_alloc : memref<!tpu.dma_semaphore, #tpu.memory_space<semaphore_mem>>
        %dma_start3A_333 = arith.constant 0 : i32
        %dma_start3A_334 = arith.constant 0 : i32
        %dma_start3A_335 = tpu.memref_slice %arg13[%run_scoped3A_330, %dma_start3A_333, %dma_start3A_334] : memref<2x400x16xf32, #tpu.memory_space<vmem>> -> memref<1x400x16xf32, #tpu.memory_space<vmem>>
        %dma_start3A_336 = tpu.memref_squeeze %dma_start3A_335 : memref<1x400x16xf32, #tpu.memory_space<vmem>> -> memref<400x16xf32, #tpu.memory_space<vmem>>
        %dma_start3A_337 = arith.constant 0 : i32
        %dma_start3A_338 = tpu.memref_slice %arg16[%mul3A_329, %dma_start3A_337] : memref<51200x16xf32, #tpu.memory_space<vmem_shared>> -> memref<400x16xf32, #tpu.memory_space<vmem_shared>>
        %dma_start3A_339 = arith.constant 0 : i32
        %dma_start3A_340 = tpu.memref_slice %arg16[%mul3A_329, %dma_start3A_339] : memref<51200x16xf32, #tpu.memory_space<vmem_shared>> -> memref<400x16xf32, #tpu.memory_space<vmem_shared>>
        %dma_start3A_341 = arith.constant 0 : i32
        %dma_start3A_342 = arith.constant 0 : i32
        %dma_start3A_343 = tpu.memref_slice %arg13[%run_scoped3A_330, %dma_start3A_341, %dma_start3A_342] : memref<2x400x16xf32, #tpu.memory_space<vmem>> -> memref<1x400x16xf32, #tpu.memory_space<vmem>>
        %dma_start3A_344 = tpu.memref_squeeze %dma_start3A_343 : memref<1x400x16xf32, #tpu.memory_space<vmem>> -> memref<400x16xf32, #tpu.memory_space<vmem>>
        tpu.enqueue_dma source(%dma_start3A_344 : memref<400x16xf32, #tpu.memory_space<vmem>>) target(%dma_start3A_340 : memref<400x16xf32, #tpu.memory_space<vmem_shared>>) target_semaphore(%run_scoped3A_332 : memref<!tpu.dma_semaphore, #tpu.memory_space<semaphore_mem>>)
        %dma_wait3A_345 = arith.constant 0 : i32
        %dma_wait3A_346 = arith.constant 0 : i32
        %dma_wait3A_347 = tpu.memref_slice %arg13[%run_scoped3A_330, %dma_wait3A_345, %dma_wait3A_346] : memref<2x400x16xf32, #tpu.memory_space<vmem>> -> memref<1x400x16xf32, #tpu.memory_space<vmem>>
        %dma_wait3A_348 = tpu.memref_squeeze %dma_wait3A_347 : memref<1x400x16xf32, #tpu.memory_space<vmem>> -> memref<400x16xf32, #tpu.memory_space<vmem>>
        %dma_wait3A_349 = arith.constant 0 : i32
        %dma_wait3A_350 = tpu.memref_slice %arg16[%mul3A_329, %dma_wait3A_349] : memref<51200x16xf32, #tpu.memory_space<vmem_shared>> -> memref<400x16xf32, #tpu.memory_space<vmem_shared>>
        %dma_wait3A_351 = arith.constant 0 : i32
        %dma_wait3A_352 = tpu.memref_slice %arg16[%mul3A_329, %dma_wait3A_351] : memref<51200x16xf32, #tpu.memory_space<vmem_shared>> -> memref<400x16xf32, #tpu.memory_space<vmem_shared>>
        %dma_wait3A_353 = arith.constant 0 : i32
        %dma_wait3A_354 = arith.constant 0 : i32
        %dma_wait3A_355 = tpu.memref_slice %arg13[%run_scoped3A_330, %dma_wait3A_353, %dma_wait3A_354] : memref<2x400x16xf32, #tpu.memory_space<vmem>> -> memref<1x400x16xf32, #tpu.memory_space<vmem>>
        %dma_wait3A_356 = tpu.memref_squeeze %dma_wait3A_355 : memref<1x400x16xf32, #tpu.memory_space<vmem>> -> memref<400x16xf32, #tpu.memory_space<vmem>>
        tpu.wait_dma2 semaphore(%run_scoped3A_332 : memref<!tpu.dma_semaphore, #tpu.memory_space<semaphore_mem>>) src(%dma_wait3A_356 : memref<400x16xf32, #tpu.memory_space<vmem>>) dst(%dma_wait3A_352 : memref<400x16xf32, #tpu.memory_space<vmem_shared>>)
        tpu.yield
      }) : () -> ()
      %run_scoped3A_331 = arith.constant 0 : i32
      "tpu.region"() ({
        %run_scoped3A_332 = tpu.sem_alloc : memref<!tpu.dma_semaphore, #tpu.memory_space<semaphore_mem>>
        %dma_start3A_333 = arith.constant 0 : i32
        %dma_start3A_334 = arith.constant 0 : i32
        %dma_start3A_335 = tpu.memref_slice %arg13[%run_scoped3A_331, %dma_start3A_333, %dma_start3A_334] : memref<2x400x16xf32, #tpu.memory_space<vmem>> -> memref<1x400x16xf32, #tpu.memory_space<vmem>>
        %dma_start3A_336 = tpu.memref_squeeze %dma_start3A_335 : memref<1x400x16xf32, #tpu.memory_space<vmem>> -> memref<400x16xf32, #tpu.memory_space<vmem>>
        %dma_start3A_337 = arith.constant 0 : i32
        %dma_start3A_338 = tpu.memref_slice %arg17[%mul3A_329, %dma_start3A_337] : memref<51200x16xf32, #tpu.memory_space<vmem_shared>> -> memref<400x16xf32, #tpu.memory_space<vmem_shared>>
        %dma_start3A_339 = arith.constant 0 : i32
        %dma_start3A_340 = tpu.memref_slice %arg17[%mul3A_329, %dma_start3A_339] : memref<51200x16xf32, #tpu.memory_space<vmem_shared>> -> memref<400x16xf32, #tpu.memory_space<vmem_shared>>
        %dma_start3A_341 = arith.constant 0 : i32
        %dma_start3A_342 = arith.constant 0 : i32
        %dma_start3A_343 = tpu.memref_slice %arg13[%run_scoped3A_331, %dma_start3A_341, %dma_start3A_342] : memref<2x400x16xf32, #tpu.memory_space<vmem>> -> memref<1x400x16xf32, #tpu.memory_space<vmem>>
        %dma_start3A_344 = tpu.memref_squeeze %dma_start3A_343 : memref<1x400x16xf32, #tpu.memory_space<vmem>> -> memref<400x16xf32, #tpu.memory_space<vmem>>
        tpu.enqueue_dma source(%dma_start3A_344 : memref<400x16xf32, #tpu.memory_space<vmem>>) target(%dma_start3A_340 : memref<400x16xf32, #tpu.memory_space<vmem_shared>>) target_semaphore(%run_scoped3A_332 : memref<!tpu.dma_semaphore, #tpu.memory_space<semaphore_mem>>)
        %dma_wait3A_345 = arith.constant 0 : i32
        %dma_wait3A_346 = arith.constant 0 : i32
        %dma_wait3A_347 = tpu.memref_slice %arg13[%run_scoped3A_331, %dma_wait3A_345, %dma_wait3A_346] : memref<2x400x16xf32, #tpu.memory_space<vmem>> -> memref<1x400x16xf32, #tpu.memory_space<vmem>>
        %dma_wait3A_348 = tpu.memref_squeeze %dma_wait3A_347 : memref<1x400x16xf32, #tpu.memory_space<vmem>> -> memref<400x16xf32, #tpu.memory_space<vmem>>
        %dma_wait3A_349 = arith.constant 0 : i32
        %dma_wait3A_350 = tpu.memref_slice %arg17[%mul3A_329, %dma_wait3A_349] : memref<51200x16xf32, #tpu.memory_space<vmem_shared>> -> memref<400x16xf32, #tpu.memory_space<vmem_shared>>
        %dma_wait3A_351 = arith.constant 0 : i32
        %dma_wait3A_352 = tpu.memref_slice %arg17[%mul3A_329, %dma_wait3A_351] : memref<51200x16xf32, #tpu.memory_space<vmem_shared>> -> memref<400x16xf32, #tpu.memory_space<vmem_shared>>
        %dma_wait3A_353 = arith.constant 0 : i32
        %dma_wait3A_354 = arith.constant 0 : i32
        %dma_wait3A_355 = tpu.memref_slice %arg13[%run_scoped3A_331, %dma_wait3A_353, %dma_wait3A_354] : memref<2x400x16xf32, #tpu.memory_space<vmem>> -> memref<1x400x16xf32, #tpu.memory_space<vmem>>
        %dma_wait3A_356 = tpu.memref_squeeze %dma_wait3A_355 : memref<1x400x16xf32, #tpu.memory_space<vmem>> -> memref<400x16xf32, #tpu.memory_space<vmem>>
        tpu.wait_dma2 semaphore(%run_scoped3A_332 : memref<!tpu.dma_semaphore, #tpu.memory_space<semaphore_mem>>) src(%dma_wait3A_356 : memref<400x16xf32, #tpu.memory_space<vmem>>) dst(%dma_wait3A_352 : memref<400x16xf32, #tpu.memory_space<vmem_shared>>)
        tpu.yield
      }) : () -> ()
    }
    %scan3A_33 = arith.constant 8 : i32
    %barrier3A = arith.constant 0 : index
    tpu.barrier barrier_id(%barrier3A)
    %mul3A_34 = arith.constant 400 : i32
    %mul3A_35 = arith.muli %add3A, %mul3A_34 : i32
    "tpu.region"() ({
      %run_scoped3A_324 = tpu.sem_alloc : memref<!tpu.dma_semaphore, #tpu.memory_space<semaphore_mem>>
      %dma_start3A_325 = arith.constant 0 : i32
      %dma_start3A_326 = arith.constant 0 : i32
      %dma_start3A_327 = tpu.memref_slice %arg4[%add3A, %dma_start3A_325, %dma_start3A_326] : memref<4000x5x80xi32, #tpu.memory_space<hbm>> -> memref<1x5x80xi32, #tpu.memory_space<hbm>>
      %dma_start3A_328 = tpu.memref_squeeze %dma_start3A_327 : memref<1x5x80xi32, #tpu.memory_space<hbm>> -> memref<5x80xi32, #tpu.memory_space<hbm>>
      %dma_start3A_329 = arith.constant 0 : i32
      %dma_start3A_330 = arith.constant 0 : i32
      %dma_start3A_331 = tpu.memref_slice %arg4[%add3A, %dma_start3A_329, %dma_start3A_330] : memref<4000x5x80xi32, #tpu.memory_space<hbm>> -> memref<1x5x80xi32, #tpu.memory_space<hbm>>
      %dma_start3A_332 = tpu.memref_squeeze %dma_start3A_331 : memref<1x5x80xi32, #tpu.memory_space<hbm>> -> memref<5x80xi32, #tpu.memory_space<hbm>>
      tpu.enqueue_dma source(%dma_start3A_332 : memref<5x80xi32, #tpu.memory_space<hbm>>) target(%arg9 : memref<5x80xi32, #tpu.memory_space<vmem>>) target_semaphore(%run_scoped3A_324 : memref<!tpu.dma_semaphore, #tpu.memory_space<semaphore_mem>>)
      %dma_wait3A_333 = arith.constant 0 : i32
      %dma_wait3A_334 = arith.constant 0 : i32
      %dma_wait3A_335 = tpu.memref_slice %arg4[%add3A, %dma_wait3A_333, %dma_wait3A_334] : memref<4000x5x80xi32, #tpu.memory_space<hbm>> -> memref<1x5x80xi32, #tpu.memory_space<hbm>>
      %dma_wait3A_336 = tpu.memref_squeeze %dma_wait3A_335 : memref<1x5x80xi32, #tpu.memory_space<hbm>> -> memref<5x80xi32, #tpu.memory_space<hbm>>
      %dma_wait3A_337 = arith.constant 0 : i32
      %dma_wait3A_338 = arith.constant 0 : i32
      %dma_wait3A_339 = tpu.memref_slice %arg4[%add3A, %dma_wait3A_337, %dma_wait3A_338] : memref<4000x5x80xi32, #tpu.memory_space<hbm>> -> memref<1x5x80xi32, #tpu.memory_space<hbm>>
      %dma_wait3A_340 = tpu.memref_squeeze %dma_wait3A_339 : memref<1x5x80xi32, #tpu.memory_space<hbm>> -> memref<5x80xi32, #tpu.memory_space<hbm>>
      tpu.wait_dma2 semaphore(%run_scoped3A_324 : memref<!tpu.dma_semaphore, #tpu.memory_space<semaphore_mem>>) src(%dma_wait3A_340 : memref<5x80xi32, #tpu.memory_space<hbm>>) dst(%arg9 : memref<5x80xi32, #tpu.memory_space<vmem>>)
      tpu.yield
    }) : () -> ()
    %run_scoped3A = arith.constant 0 : i32
    "tpu.region"() ({
      %run_scoped3A_324 = tpu.sem_alloc : memref<!tpu.dma_semaphore, #tpu.memory_space<semaphore_mem>>
      %dma_start3A_325 = arith.constant 0 : i32
      %dma_start3A_326 = arith.constant 0 : i32
      %dma_start3A_327 = tpu.memref_slice %arg10[%run_scoped3A, %dma_start3A_325, %dma_start3A_326] : memref<2x5x80xi32, #tpu.memory_space<vmem>> -> memref<1x5x80xi32, #tpu.memory_space<vmem>>
      %dma_start3A_328 = tpu.memref_squeeze %dma_start3A_327 : memref<1x5x80xi32, #tpu.memory_space<vmem>> -> memref<5x80xi32, #tpu.memory_space<vmem>>
      %dma_start3A_329 = arith.constant 0 : i32
      %dma_start3A_330 = arith.constant 0 : i32
      %dma_start3A_331 = tpu.memref_slice %arg5[%add3A, %dma_start3A_329, %dma_start3A_330] : memref<4000x5x80xi32, #tpu.memory_space<hbm>> -> memref<1x5x80xi32, #tpu.memory_space<hbm>>
      %dma_start3A_332 = tpu.memref_squeeze %dma_start3A_331 : memref<1x5x80xi32, #tpu.memory_space<hbm>> -> memref<5x80xi32, #tpu.memory_space<hbm>>
      %dma_start3A_333 = arith.constant 0 : i32
      %dma_start3A_334 = arith.constant 0 : i32
      %dma_start3A_335 = tpu.memref_slice %arg10[%run_scoped3A, %dma_start3A_333, %dma_start3A_334] : memref<2x5x80xi32, #tpu.memory_space<vmem>> -> memref<1x5x80xi32, #tpu.memory_space<vmem>>
      %dma_start3A_336 = tpu.memref_squeeze %dma_start3A_335 : memref<1x5x80xi32, #tpu.memory_space<vmem>> -> memref<5x80xi32, #tpu.memory_space<vmem>>
      %dma_start3A_337 = arith.constant 0 : i32
      %dma_start3A_338 = arith.constant 0 : i32
      %dma_start3A_339 = tpu.memref_slice %arg5[%add3A, %dma_start3A_337, %dma_start3A_338] : memref<4000x5x80xi32, #tpu.memory_space<hbm>> -> memref<1x5x80xi32, #tpu.memory_space<hbm>>
      %dma_start3A_340 = tpu.memref_squeeze %dma_start3A_339 : memref<1x5x80xi32, #tpu.memory_space<hbm>> -> memref<5x80xi32, #tpu.memory_space<hbm>>
      tpu.enqueue_dma source(%dma_start3A_340 : memref<5x80xi32, #tpu.memory_space<hbm>>) target(%dma_start3A_336 : memref<5x80xi32, #tpu.memory_space<vmem>>) target_semaphore(%run_scoped3A_324 : memref<!tpu.dma_semaphore, #tpu.memory_space<semaphore_mem>>)
      %dma_wait3A_341 = arith.constant 0 : i32
      %dma_wait3A_342 = arith.constant 0 : i32
      %dma_wait3A_343 = tpu.memref_slice %arg10[%run_scoped3A, %dma_wait3A_341, %dma_wait3A_342] : memref<2x5x80xi32, #tpu.memory_space<vmem>> -> memref<1x5x80xi32, #tpu.memory_space<vmem>>
      %dma_wait3A_344 = tpu.memref_squeeze %dma_wait3A_343 : memref<1x5x80xi32, #tpu.memory_space<vmem>> -> memref<5x80xi32, #tpu.memory_space<vmem>>
      %dma_wait3A_345 = arith.constant 0 : i32
      %dma_wait3A_346 = arith.constant 0 : i32
      %dma_wait3A_347 = tpu.memref_slice %arg5[%add3A, %dma_wait3A_345, %dma_wait3A_346] : memref<4000x5x80xi32, #tpu.memory_space<hbm>> -> memref<1x5x80xi32, #tpu.memory_space<hbm>>
      %dma_wait3A_348 = tpu.memref_squeeze %dma_wait3A_347 : memref<1x5x80xi32, #tpu.memory_space<hbm>> -> memref<5x80xi32, #tpu.memory_space<hbm>>
      %dma_wait3A_349 = arith.constant 0 : i32
      %dma_wait3A_350 = arith.constant 0 : i32
      %dma_wait3A_351 = tpu.memref_slice %arg10[%run_scoped3A, %dma_wait3A_349, %dma_wait3A_350] : memref<2x5x80xi32, #tpu.memory_space<vmem>> -> memref<1x5x80xi32, #tpu.memory_space<vmem>>
      %dma_wait3A_352 = tpu.memref_squeeze %dma_wait3A_351 : memref<1x5x80xi32, #tpu.memory_space<vmem>> -> memref<5x80xi32, #tpu.memory_space<vmem>>
      %dma_wait3A_353 = arith.constant 0 : i32
      %dma_wait3A_354 = arith.constant 0 : i32
      %dma_wait3A_355 = tpu.memref_slice %arg5[%add3A, %dma_wait3A_353, %dma_wait3A_354] : memref<4000x5x80xi32, #tpu.memory_space<hbm>> -> memref<1x5x80xi32, #tpu.memory_space<hbm>>
      %dma_wait3A_356 = tpu.memref_squeeze %dma_wait3A_355 : memref<1x5x80xi32, #tpu.memory_space<hbm>> -> memref<5x80xi32, #tpu.memory_space<hbm>>
      tpu.wait_dma2 semaphore(%run_scoped3A_324 : memref<!tpu.dma_semaphore, #tpu.memory_space<semaphore_mem>>) src(%dma_wait3A_356 : memref<5x80xi32, #tpu.memory_space<hbm>>) dst(%dma_wait3A_352 : memref<5x80xi32, #tpu.memory_space<vmem>>)
      tpu.yield
    }) : () -> ()
    %dma_start3A = arith.constant 0 : i32
    %dma_start3A_36 = arith.constant 0 : i32
    %dma_start3A_37 = arith.constant 0 : i32
    %dma_start3A_38 = tpu.memref_slice %arg11[%dma_start3A_36, %dma_start3A_37] : memref<2x400xf32, #tpu.memory_space<vmem>> -> memref<1x400xf32, #tpu.memory_space<vmem>>
    %dma_start3A_39 = tpu.memref_squeeze %dma_start3A_38 : memref<1x400xf32, #tpu.memory_space<vmem>> -> memref<400xf32, #tpu.memory_space<vmem>>
    %dma_start3A_40 = tpu.memref_slice %arg6[%dma_start3A, %mul3A_35] : memref<2x1600000xf32, #tpu.memory_space<hbm>> -> memref<1x400xf32, #tpu.memory_space<hbm>>
    %dma_start3A_41 = tpu.memref_squeeze %dma_start3A_40 : memref<1x400xf32, #tpu.memory_space<hbm>> -> memref<400xf32, #tpu.memory_space<hbm>>
    %dma_start3A_42 = arith.constant 0 : i32
    %dma_start3A_43 = tpu.memref_slice %arg11[%dma_start3A_36, %dma_start3A_42] : memref<2x400xf32, #tpu.memory_space<vmem>> -> memref<1x400xf32, #tpu.memory_space<vmem>>
    %dma_start3A_44 = tpu.memref_squeeze %dma_start3A_43 : memref<1x400xf32, #tpu.memory_space<vmem>> -> memref<400xf32, #tpu.memory_space<vmem>>
    %dma_start3A_45 = tpu.memref_slice %arg6[%dma_start3A, %mul3A_35] : memref<2x1600000xf32, #tpu.memory_space<hbm>> -> memref<1x400xf32, #tpu.memory_space<hbm>>
    %dma_start3A_46 = tpu.memref_squeeze %dma_start3A_45 : memref<1x400xf32, #tpu.memory_space<hbm>> -> memref<400xf32, #tpu.memory_space<hbm>>
    tpu.enqueue_dma source(%dma_start3A_46 : memref<400xf32, #tpu.memory_space<hbm>>) target(%dma_start3A_44 : memref<400xf32, #tpu.memory_space<vmem>>) target_semaphore(%arg18 : memref<!tpu.dma_semaphore, #tpu.memory_space<semaphore_mem>>)
    %dma_start3A_47 = arith.constant 1 : i32
    %dma_start3A_48 = arith.constant 0 : i32
    %dma_start3A_49 = arith.constant 0 : i32
    %dma_start3A_50 = tpu.memref_slice %arg12[%dma_start3A_48, %dma_start3A_49] : memref<2x400xf32, #tpu.memory_space<vmem>> -> memref<1x400xf32, #tpu.memory_space<vmem>>
    %dma_start3A_51 = tpu.memref_squeeze %dma_start3A_50 : memref<1x400xf32, #tpu.memory_space<vmem>> -> memref<400xf32, #tpu.memory_space<vmem>>
    %dma_start3A_52 = tpu.memref_slice %arg6[%dma_start3A_47, %mul3A_35] : memref<2x1600000xf32, #tpu.memory_space<hbm>> -> memref<1x400xf32, #tpu.memory_space<hbm>>
    %dma_start3A_53 = tpu.memref_squeeze %dma_start3A_52 : memref<1x400xf32, #tpu.memory_space<hbm>> -> memref<400xf32, #tpu.memory_space<hbm>>
    %dma_start3A_54 = arith.constant 0 : i32
    %dma_start3A_55 = tpu.memref_slice %arg12[%dma_start3A_48, %dma_start3A_54] : memref<2x400xf32, #tpu.memory_space<vmem>> -> memref<1x400xf32, #tpu.memory_space<vmem>>
    %dma_start3A_56 = tpu.memref_squeeze %dma_start3A_55 : memref<1x400xf32, #tpu.memory_space<vmem>> -> memref<400xf32, #tpu.memory_space<vmem>>
    %dma_start3A_57 = tpu.memref_slice %arg6[%dma_start3A_47, %mul3A_35] : memref<2x1600000xf32, #tpu.memory_space<hbm>> -> memref<1x400xf32, #tpu.memory_space<hbm>>
    %dma_start3A_58 = tpu.memref_squeeze %dma_start3A_57 : memref<1x400xf32, #tpu.memory_space<hbm>> -> memref<400xf32, #tpu.memory_space<hbm>>
    tpu.enqueue_dma source(%dma_start3A_58 : memref<400xf32, #tpu.memory_space<hbm>>) target(%dma_start3A_56 : memref<400xf32, #tpu.memory_space<vmem>>) target_semaphore(%arg18 : memref<!tpu.dma_semaphore, #tpu.memory_space<semaphore_mem>>)
    %dma_start3A_59 = arith.constant 0 : i32
    %dma_start3A_60 = arith.constant 0 : i32
    %dma_start3A_61 = arith.constant 0 : i32
    %dma_start3A_62 = arith.constant 0 : i32
    %dma_start3A_63 = tpu.memref_slice %arg13[%dma_start3A_60, %dma_start3A_61, %dma_start3A_62] : memref<2x400x16xf32, #tpu.memory_space<vmem>> -> memref<1x80x16xf32, #tpu.memory_space<vmem>>
    %dma_start3A_64 = tpu.memref_squeeze %dma_start3A_63 : memref<1x80x16xf32, #tpu.memory_space<vmem>> -> memref<80x16xf32, #tpu.memory_space<vmem>>
    %dma_start3A_65 = arith.constant 0 : i32
    %dma_start3A_66 = tpu.memref_slice %arg9[%dma_start3A_59, %dma_start3A_65] : memref<5x80xi32, #tpu.memory_space<vmem>> -> memref<1x80xi32, #tpu.memory_space<vmem>>
    %dma_start3A_67 = tpu.memref_squeeze %dma_start3A_66 : memref<1x80xi32, #tpu.memory_space<vmem>> -> memref<80xi32, #tpu.memory_space<vmem>>
    %dma_start3A_68 = arith.constant 0 : i32
    %dma_start3A_69 = arith.constant 0 : i32
    %dma_start3A_70 = tpu.memref_slice %arg2[%dma_start3A_68, %dma_start3A_69] : memref<51200x16xf32, #tpu.memory_space<hbm>> -> memref<51200x16xf32, #tpu.memory_space<hbm>>
    tpu.enqueue_indirect_dma source(%dma_start3A_70 : memref<51200x16xf32, #tpu.memory_space<hbm>>) target(%dma_start3A_64 : memref<80x16xf32, #tpu.memory_space<vmem>>) offsets(%dma_start3A_67 : memref<80xi32, #tpu.memory_space<vmem>>) semaphore(%arg18 : memref<!tpu.dma_semaphore, #tpu.memory_space<semaphore_mem>>)
    %dma_start3A_71 = arith.constant 0 : i32
    %dma_start3A_72 = arith.constant 0 : i32
    %dma_start3A_73 = arith.constant 0 : i32
    %dma_start3A_74 = arith.constant 0 : i32
    %dma_start3A_75 = arith.constant 0 : i32
    %dma_start3A_76 = tpu.memref_slice %arg14[%dma_start3A_73, %dma_start3A_74, %dma_start3A_75] : memref<2x400x16xf32, #tpu.memory_space<vmem>> -> memref<1x80x16xf32, #tpu.memory_space<vmem>>
    %dma_start3A_77 = tpu.memref_squeeze %dma_start3A_76 : memref<1x80x16xf32, #tpu.memory_space<vmem>> -> memref<80x16xf32, #tpu.memory_space<vmem>>
    %dma_start3A_78 = arith.constant 0 : i32
    %dma_start3A_79 = tpu.memref_slice %arg10[%dma_start3A_71, %dma_start3A_72, %dma_start3A_78] : memref<2x5x80xi32, #tpu.memory_space<vmem>> -> memref<1x1x80xi32, #tpu.memory_space<vmem>>
    %dma_start3A_80 = tpu.memref_squeeze %dma_start3A_79 : memref<1x1x80xi32, #tpu.memory_space<vmem>> -> memref<80xi32, #tpu.memory_space<vmem>>
    %dma_start3A_81 = arith.constant 0 : i32
    %dma_start3A_82 = arith.constant 0 : i32
    %dma_start3A_83 = tpu.memref_slice %arg3[%dma_start3A_81, %dma_start3A_82] : memref<51200x16xf32, #tpu.memory_space<hbm>> -> memref<51200x16xf32, #tpu.memory_space<hbm>>
    tpu.enqueue_indirect_dma source(%dma_start3A_83 : memref<51200x16xf32, #tpu.memory_space<hbm>>) target(%dma_start3A_77 : memref<80x16xf32, #tpu.memory_space<vmem>>) offsets(%dma_start3A_80 : memref<80xi32, #tpu.memory_space<vmem>>) semaphore(%arg18 : memref<!tpu.dma_semaphore, #tpu.memory_space<semaphore_mem>>)
    %dma_start3A_84 = arith.constant 1 : i32
    %dma_start3A_85 = arith.constant 0 : i32
    %dma_start3A_86 = arith.constant 80 : i32
    %dma_start3A_87 = arith.constant 0 : i32
    %dma_start3A_88 = tpu.memref_slice %arg13[%dma_start3A_85, %dma_start3A_86, %dma_start3A_87] : memref<2x400x16xf32, #tpu.memory_space<vmem>> -> memref<1x80x16xf32, #tpu.memory_space<vmem>>
    %dma_start3A_89 = tpu.memref_squeeze %dma_start3A_88 : memref<1x80x16xf32, #tpu.memory_space<vmem>> -> memref<80x16xf32, #tpu.memory_space<vmem>>
    %dma_start3A_90 = arith.constant 0 : i32
    %dma_start3A_91 = tpu.memref_slice %arg9[%dma_start3A_84, %dma_start3A_90] : memref<5x80xi32, #tpu.memory_space<vmem>> -> memref<1x80xi32, #tpu.memory_space<vmem>>
    %dma_start3A_92 = tpu.memref_squeeze %dma_start3A_91 : memref<1x80xi32, #tpu.memory_space<vmem>> -> memref<80xi32, #tpu.memory_space<vmem>>
    %dma_start3A_93 = arith.constant 0 : i32
    %dma_start3A_94 = arith.constant 0 : i32
    %dma_start3A_95 = tpu.memref_slice %arg2[%dma_start3A_93, %dma_start3A_94] : memref<51200x16xf32, #tpu.memory_space<hbm>> -> memref<51200x16xf32, #tpu.memory_space<hbm>>
    tpu.enqueue_indirect_dma source(%dma_start3A_95 : memref<51200x16xf32, #tpu.memory_space<hbm>>) target(%dma_start3A_89 : memref<80x16xf32, #tpu.memory_space<vmem>>) offsets(%dma_start3A_92 : memref<80xi32, #tpu.memory_space<vmem>>) semaphore(%arg18 : memref<!tpu.dma_semaphore, #tpu.memory_space<semaphore_mem>>)
    %dma_start3A_96 = arith.constant 0 : i32
    %dma_start3A_97 = arith.constant 1 : i32
    %dma_start3A_98 = arith.constant 0 : i32
    %dma_start3A_99 = arith.constant 80 : i32
    %dma_start3A_100 = arith.constant 0 : i32
    %dma_start3A_101 = tpu.memref_slice %arg14[%dma_start3A_98, %dma_start3A_99, %dma_start3A_100] : memref<2x400x16xf32, #tpu.memory_space<vmem>> -> memref<1x80x16xf32, #tpu.memory_space<vmem>>
    %dma_start3A_102 = tpu.memref_squeeze %dma_start3A_101 : memref<1x80x16xf32, #tpu.memory_space<vmem>> -> memref<80x16xf32, #tpu.memory_space<vmem>>
    %dma_start3A_103 = arith.constant 0 : i32
    %dma_start3A_104 = tpu.memref_slice %arg10[%dma_start3A_96, %dma_start3A_97, %dma_start3A_103] : memref<2x5x80xi32, #tpu.memory_space<vmem>> -> memref<1x1x80xi32, #tpu.memory_space<vmem>>
    %dma_start3A_105 = tpu.memref_squeeze %dma_start3A_104 : memref<1x1x80xi32, #tpu.memory_space<vmem>> -> memref<80xi32, #tpu.memory_space<vmem>>
    %dma_start3A_106 = arith.constant 0 : i32
    %dma_start3A_107 = arith.constant 0 : i32
    %dma_start3A_108 = tpu.memref_slice %arg3[%dma_start3A_106, %dma_start3A_107] : memref<51200x16xf32, #tpu.memory_space<hbm>> -> memref<51200x16xf32, #tpu.memory_space<hbm>>
    tpu.enqueue_indirect_dma source(%dma_start3A_108 : memref<51200x16xf32, #tpu.memory_space<hbm>>) target(%dma_start3A_102 : memref<80x16xf32, #tpu.memory_space<vmem>>) offsets(%dma_start3A_105 : memref<80xi32, #tpu.memory_space<vmem>>) semaphore(%arg18 : memref<!tpu.dma_semaphore, #tpu.memory_space<semaphore_mem>>)
    %dma_start3A_109 = arith.constant 2 : i32
    %dma_start3A_110 = arith.constant 0 : i32
    %dma_start3A_111 = arith.constant 160 : i32
    %dma_start3A_112 = arith.constant 0 : i32
    %dma_start3A_113 = tpu.memref_slice %arg13[%dma_start3A_110, %dma_start3A_111, %dma_start3A_112] : memref<2x400x16xf32, #tpu.memory_space<vmem>> -> memref<1x80x16xf32, #tpu.memory_space<vmem>>
    %dma_start3A_114 = tpu.memref_squeeze %dma_start3A_113 : memref<1x80x16xf32, #tpu.memory_space<vmem>> -> memref<80x16xf32, #tpu.memory_space<vmem>>
    %dma_start3A_115 = arith.constant 0 : i32
    %dma_start3A_116 = tpu.memref_slice %arg9[%dma_start3A_109, %dma_start3A_115] : memref<5x80xi32, #tpu.memory_space<vmem>> -> memref<1x80xi32, #tpu.memory_space<vmem>>
    %dma_start3A_117 = tpu.memref_squeeze %dma_start3A_116 : memref<1x80xi32, #tpu.memory_space<vmem>> -> memref<80xi32, #tpu.memory_space<vmem>>
    %dma_start3A_118 = arith.constant 0 : i32
    %dma_start3A_119 = arith.constant 0 : i32
    %dma_start3A_120 = tpu.memref_slice %arg2[%dma_start3A_118, %dma_start3A_119] : memref<51200x16xf32, #tpu.memory_space<hbm>> -> memref<51200x16xf32, #tpu.memory_space<hbm>>
    tpu.enqueue_indirect_dma source(%dma_start3A_120 : memref<51200x16xf32, #tpu.memory_space<hbm>>) target(%dma_start3A_114 : memref<80x16xf32, #tpu.memory_space<vmem>>) offsets(%dma_start3A_117 : memref<80xi32, #tpu.memory_space<vmem>>) semaphore(%arg18 : memref<!tpu.dma_semaphore, #tpu.memory_space<semaphore_mem>>)
    %dma_start3A_121 = arith.constant 0 : i32
    %dma_start3A_122 = arith.constant 2 : i32
    %dma_start3A_123 = arith.constant 0 : i32
    %dma_start3A_124 = arith.constant 160 : i32
    %dma_start3A_125 = arith.constant 0 : i32
    %dma_start3A_126 = tpu.memref_slice %arg14[%dma_start3A_123, %dma_start3A_124, %dma_start3A_125] : memref<2x400x16xf32, #tpu.memory_space<vmem>> -> memref<1x80x16xf32, #tpu.memory_space<vmem>>
    %dma_start3A_127 = tpu.memref_squeeze %dma_start3A_126 : memref<1x80x16xf32, #tpu.memory_space<vmem>> -> memref<80x16xf32, #tpu.memory_space<vmem>>
    %dma_start3A_128 = arith.constant 0 : i32
    %dma_start3A_129 = tpu.memref_slice %arg10[%dma_start3A_121, %dma_start3A_122, %dma_start3A_128] : memref<2x5x80xi32, #tpu.memory_space<vmem>> -> memref<1x1x80xi32, #tpu.memory_space<vmem>>
    %dma_start3A_130 = tpu.memref_squeeze %dma_start3A_129 : memref<1x1x80xi32, #tpu.memory_space<vmem>> -> memref<80xi32, #tpu.memory_space<vmem>>
    %dma_start3A_131 = arith.constant 0 : i32
    %dma_start3A_132 = arith.constant 0 : i32
    %dma_start3A_133 = tpu.memref_slice %arg3[%dma_start3A_131, %dma_start3A_132] : memref<51200x16xf32, #tpu.memory_space<hbm>> -> memref<51200x16xf32, #tpu.memory_space<hbm>>
    tpu.enqueue_indirect_dma source(%dma_start3A_133 : memref<51200x16xf32, #tpu.memory_space<hbm>>) target(%dma_start3A_127 : memref<80x16xf32, #tpu.memory_space<vmem>>) offsets(%dma_start3A_130 : memref<80xi32, #tpu.memory_space<vmem>>) semaphore(%arg18 : memref<!tpu.dma_semaphore, #tpu.memory_space<semaphore_mem>>)
    %dma_start3A_134 = arith.constant 3 : i32
    %dma_start3A_135 = arith.constant 0 : i32
    %dma_start3A_136 = arith.constant 240 : i32
    %dma_start3A_137 = arith.constant 0 : i32
    %dma_start3A_138 = tpu.memref_slice %arg13[%dma_start3A_135, %dma_start3A_136, %dma_start3A_137] : memref<2x400x16xf32, #tpu.memory_space<vmem>> -> memref<1x80x16xf32, #tpu.memory_space<vmem>>
    %dma_start3A_139 = tpu.memref_squeeze %dma_start3A_138 : memref<1x80x16xf32, #tpu.memory_space<vmem>> -> memref<80x16xf32, #tpu.memory_space<vmem>>
    %dma_start3A_140 = arith.constant 0 : i32
    %dma_start3A_141 = tpu.memref_slice %arg9[%dma_start3A_134, %dma_start3A_140] : memref<5x80xi32, #tpu.memory_space<vmem>> -> memref<1x80xi32, #tpu.memory_space<vmem>>
    %dma_start3A_142 = tpu.memref_squeeze %dma_start3A_141 : memref<1x80xi32, #tpu.memory_space<vmem>> -> memref<80xi32, #tpu.memory_space<vmem>>
    %dma_start3A_143 = arith.constant 0 : i32
    %dma_start3A_144 = arith.constant 0 : i32
    %dma_start3A_145 = tpu.memref_slice %arg2[%dma_start3A_143, %dma_start3A_144] : memref<51200x16xf32, #tpu.memory_space<hbm>> -> memref<51200x16xf32, #tpu.memory_space<hbm>>
    tpu.enqueue_indirect_dma source(%dma_start3A_145 : memref<51200x16xf32, #tpu.memory_space<hbm>>) target(%dma_start3A_139 : memref<80x16xf32, #tpu.memory_space<vmem>>) offsets(%dma_start3A_142 : memref<80xi32, #tpu.memory_space<vmem>>) semaphore(%arg18 : memref<!tpu.dma_semaphore, #tpu.memory_space<semaphore_mem>>)
    %dma_start3A_146 = arith.constant 0 : i32
    %dma_start3A_147 = arith.constant 3 : i32
    %dma_start3A_148 = arith.constant 0 : i32
    %dma_start3A_149 = arith.constant 240 : i32
    %dma_start3A_150 = arith.constant 0 : i32
    %dma_start3A_151 = tpu.memref_slice %arg14[%dma_start3A_148, %dma_start3A_149, %dma_start3A_150] : memref<2x400x16xf32, #tpu.memory_space<vmem>> -> memref<1x80x16xf32, #tpu.memory_space<vmem>>
    %dma_start3A_152 = tpu.memref_squeeze %dma_start3A_151 : memref<1x80x16xf32, #tpu.memory_space<vmem>> -> memref<80x16xf32, #tpu.memory_space<vmem>>
    %dma_start3A_153 = arith.constant 0 : i32
    %dma_start3A_154 = tpu.memref_slice %arg10[%dma_start3A_146, %dma_start3A_147, %dma_start3A_153] : memref<2x5x80xi32, #tpu.memory_space<vmem>> -> memref<1x1x80xi32, #tpu.memory_space<vmem>>
    %dma_start3A_155 = tpu.memref_squeeze %dma_start3A_154 : memref<1x1x80xi32, #tpu.memory_space<vmem>> -> memref<80xi32, #tpu.memory_space<vmem>>
    %dma_start3A_156 = arith.constant 0 : i32
    %dma_start3A_157 = arith.constant 0 : i32
    %dma_start3A_158 = tpu.memref_slice %arg3[%dma_start3A_156, %dma_start3A_157] : memref<51200x16xf32, #tpu.memory_space<hbm>> -> memref<51200x16xf32, #tpu.memory_space<hbm>>
    tpu.enqueue_indirect_dma source(%dma_start3A_158 : memref<51200x16xf32, #tpu.memory_space<hbm>>) target(%dma_start3A_152 : memref<80x16xf32, #tpu.memory_space<vmem>>) offsets(%dma_start3A_155 : memref<80xi32, #tpu.memory_space<vmem>>) semaphore(%arg18 : memref<!tpu.dma_semaphore, #tpu.memory_space<semaphore_mem>>)
    %dma_start3A_159 = arith.constant 4 : i32
    %dma_start3A_160 = arith.constant 0 : i32
    %dma_start3A_161 = arith.constant 320 : i32
    %dma_start3A_162 = arith.constant 0 : i32
    %dma_start3A_163 = tpu.memref_slice %arg13[%dma_start3A_160, %dma_start3A_161, %dma_start3A_162] : memref<2x400x16xf32, #tpu.memory_space<vmem>> -> memref<1x80x16xf32, #tpu.memory_space<vmem>>
    %dma_start3A_164 = tpu.memref_squeeze %dma_start3A_163 : memref<1x80x16xf32, #tpu.memory_space<vmem>> -> memref<80x16xf32, #tpu.memory_space<vmem>>
    %dma_start3A_165 = arith.constant 0 : i32
    %dma_start3A_166 = tpu.memref_slice %arg9[%dma_start3A_159, %dma_start3A_165] : memref<5x80xi32, #tpu.memory_space<vmem>> -> memref<1x80xi32, #tpu.memory_space<vmem>>
    %dma_start3A_167 = tpu.memref_squeeze %dma_start3A_166 : memref<1x80xi32, #tpu.memory_space<vmem>> -> memref<80xi32, #tpu.memory_space<vmem>>
    %dma_start3A_168 = arith.constant 0 : i32
    %dma_start3A_169 = arith.constant 0 : i32
    %dma_start3A_170 = tpu.memref_slice %arg2[%dma_start3A_168, %dma_start3A_169] : memref<51200x16xf32, #tpu.memory_space<hbm>> -> memref<51200x16xf32, #tpu.memory_space<hbm>>
    tpu.enqueue_indirect_dma source(%dma_start3A_170 : memref<51200x16xf32, #tpu.memory_space<hbm>>) target(%dma_start3A_164 : memref<80x16xf32, #tpu.memory_space<vmem>>) offsets(%dma_start3A_167 : memref<80xi32, #tpu.memory_space<vmem>>) semaphore(%arg18 : memref<!tpu.dma_semaphore, #tpu.memory_space<semaphore_mem>>)
    %dma_start3A_171 = arith.constant 0 : i32
    %dma_start3A_172 = arith.constant 4 : i32
    %dma_start3A_173 = arith.constant 0 : i32
    %dma_start3A_174 = arith.constant 320 : i32
    %dma_start3A_175 = arith.constant 0 : i32
    %dma_start3A_176 = tpu.memref_slice %arg14[%dma_start3A_173, %dma_start3A_174, %dma_start3A_175] : memref<2x400x16xf32, #tpu.memory_space<vmem>> -> memref<1x80x16xf32, #tpu.memory_space<vmem>>
    %dma_start3A_177 = tpu.memref_squeeze %dma_start3A_176 : memref<1x80x16xf32, #tpu.memory_space<vmem>> -> memref<80x16xf32, #tpu.memory_space<vmem>>
    %dma_start3A_178 = arith.constant 0 : i32
    %dma_start3A_179 = tpu.memref_slice %arg10[%dma_start3A_171, %dma_start3A_172, %dma_start3A_178] : memref<2x5x80xi32, #tpu.memory_space<vmem>> -> memref<1x1x80xi32, #tpu.memory_space<vmem>>
    %dma_start3A_180 = tpu.memref_squeeze %dma_start3A_179 : memref<1x1x80xi32, #tpu.memory_space<vmem>> -> memref<80xi32, #tpu.memory_space<vmem>>
    %dma_start3A_181 = arith.constant 0 : i32
    %dma_start3A_182 = arith.constant 0 : i32
    %dma_start3A_183 = tpu.memref_slice %arg3[%dma_start3A_181, %dma_start3A_182] : memref<51200x16xf32, #tpu.memory_space<hbm>> -> memref<51200x16xf32, #tpu.memory_space<hbm>>
    tpu.enqueue_indirect_dma source(%dma_start3A_183 : memref<51200x16xf32, #tpu.memory_space<hbm>>) target(%dma_start3A_177 : memref<80x16xf32, #tpu.memory_space<vmem>>) offsets(%dma_start3A_180 : memref<80xi32, #tpu.memory_space<vmem>>) semaphore(%arg18 : memref<!tpu.dma_semaphore, #tpu.memory_space<semaphore_mem>>)
    %scan3A_184 = arith.constant 0 : i32
    %scan3A_185 = arith.constant 0 : i32
    %scan3A_186 = arith.constant 125 : i32
    %scan3A_187 = arith.addi %scan3A_185, %scan3A_186 : i32
    %scan3A_188 = arith.constant 1 : i32
    scf.for %scan3A_324 = %scan3A_185 to %scan3A_187 step %scan3A_188  : i32 {
      %jit3A = arith.constant 2 : i32
      %eq3A = arith.constant 0 : i32
      %eq3A_325 = arith.cmpi eq, %jit3A, %eq3A : i32
      %jit3A_326 = arith.constant 1 : i32
      %select_n3A = arith.select %eq3A_325, %jit3A_326, %jit3A : i32
      %rem3A = arith.remsi %scan3A_324, %select_n3A : i32
      %ne3A = arith.constant 0 : i32
      %ne3A_327 = arith.cmpi ne, %rem3A, %ne3A : i32
      %lt3A = arith.constant 0 : i32
      %lt3A_328 = arith.cmpi slt, %rem3A, %lt3A : i32
      %lt3A_329 = arith.constant 0 : i32
      %lt3A_330 = arith.cmpi slt, %select_n3A, %lt3A_329 : i32
      %ne3A_331 = arith.xori %lt3A_328, %lt3A_330 : i1
      %and3A = arith.andi %ne3A_331, %ne3A_327 : i1
      %add3A_332 = arith.addi %rem3A, %select_n3A : i32
      %select_n3A_333 = arith.select %and3A, %add3A_332, %rem3A : i32
      %dma_wait3A_334 = arith.constant 0 : i32
      %dma_wait3A_335 = arith.constant 0 : i32
      %dma_wait3A_336 = arith.constant 0 : i32
      %dma_wait3A_337 = tpu.memref_slice %arg11[%dma_wait3A_335, %dma_wait3A_336] : memref<2x400xf32, #tpu.memory_space<vmem>> -> memref<1x400xf32, #tpu.memory_space<vmem>>
      %dma_wait3A_338 = tpu.memref_squeeze %dma_wait3A_337 : memref<1x400xf32, #tpu.memory_space<vmem>> -> memref<400xf32, #tpu.memory_space<vmem>>
      %dma_wait3A_339 = arith.constant 0 : i32
      %dma_wait3A_340 = tpu.memref_slice %arg6[%dma_wait3A_334, %dma_wait3A_339] : memref<2x1600000xf32, #tpu.memory_space<hbm>> -> memref<1x400xf32, #tpu.memory_space<hbm>>
      %dma_wait3A_341 = tpu.memref_squeeze %dma_wait3A_340 : memref<1x400xf32, #tpu.memory_space<hbm>> -> memref<400xf32, #tpu.memory_space<hbm>>
      %dma_wait3A_342 = arith.constant 0 : i32
      %dma_wait3A_343 = tpu.memref_slice %arg11[%dma_wait3A_335, %dma_wait3A_342] : memref<2x400xf32, #tpu.memory_space<vmem>> -> memref<1x400xf32, #tpu.memory_space<vmem>>
      %dma_wait3A_344 = tpu.memref_squeeze %dma_wait3A_343 : memref<1x400xf32, #tpu.memory_space<vmem>> -> memref<400xf32, #tpu.memory_space<vmem>>
      %dma_wait3A_345 = arith.constant 0 : i32
      %dma_wait3A_346 = tpu.memref_slice %arg6[%dma_wait3A_334, %dma_wait3A_345] : memref<2x1600000xf32, #tpu.memory_space<hbm>> -> memref<1x400xf32, #tpu.memory_space<hbm>>
      %dma_wait3A_347 = tpu.memref_squeeze %dma_wait3A_346 : memref<1x400xf32, #tpu.memory_space<hbm>> -> memref<400xf32, #tpu.memory_space<hbm>>
      tpu.wait_dma2 semaphore(%arg18 : memref<!tpu.dma_semaphore, #tpu.memory_space<semaphore_mem>>) src(%dma_wait3A_347 : memref<400xf32, #tpu.memory_space<hbm>>) dst(%dma_wait3A_344 : memref<400xf32, #tpu.memory_space<vmem>>)
      %dma_wait3A_348 = arith.constant 1 : i32
      %dma_wait3A_349 = arith.constant 0 : i32
      %dma_wait3A_350 = arith.constant 0 : i32
      %dma_wait3A_351 = tpu.memref_slice %arg12[%dma_wait3A_349, %dma_wait3A_350] : memref<2x400xf32, #tpu.memory_space<vmem>> -> memref<1x400xf32, #tpu.memory_space<vmem>>
      %dma_wait3A_352 = tpu.memref_squeeze %dma_wait3A_351 : memref<1x400xf32, #tpu.memory_space<vmem>> -> memref<400xf32, #tpu.memory_space<vmem>>
      %dma_wait3A_353 = arith.constant 0 : i32
      %dma_wait3A_354 = tpu.memref_slice %arg6[%dma_wait3A_348, %dma_wait3A_353] : memref<2x1600000xf32, #tpu.memory_space<hbm>> -> memref<1x400xf32, #tpu.memory_space<hbm>>
      %dma_wait3A_355 = tpu.memref_squeeze %dma_wait3A_354 : memref<1x400xf32, #tpu.memory_space<hbm>> -> memref<400xf32, #tpu.memory_space<hbm>>
      %dma_wait3A_356 = arith.constant 0 : i32
      %dma_wait3A_357 = tpu.memref_slice %arg12[%dma_wait3A_349, %dma_wait3A_356] : memref<2x400xf32, #tpu.memory_space<vmem>> -> memref<1x400xf32, #tpu.memory_space<vmem>>
      %dma_wait3A_358 = tpu.memref_squeeze %dma_wait3A_357 : memref<1x400xf32, #tpu.memory_space<vmem>> -> memref<400xf32, #tpu.memory_space<vmem>>
      %dma_wait3A_359 = arith.constant 0 : i32
      %dma_wait3A_360 = tpu.memref_slice %arg6[%dma_wait3A_348, %dma_wait3A_359] : memref<2x1600000xf32, #tpu.memory_space<hbm>> -> memref<1x400xf32, #tpu.memory_space<hbm>>
      %dma_wait3A_361 = tpu.memref_squeeze %dma_wait3A_360 : memref<1x400xf32, #tpu.memory_space<hbm>> -> memref<400xf32, #tpu.memory_space<hbm>>
      tpu.wait_dma2 semaphore(%arg18 : memref<!tpu.dma_semaphore, #tpu.memory_space<semaphore_mem>>) src(%dma_wait3A_361 : memref<400xf32, #tpu.memory_space<hbm>>) dst(%dma_wait3A_358 : memref<400xf32, #tpu.memory_space<vmem>>)
      %dma_wait3A_362 = arith.constant 0 : i32
      %dma_wait3A_363 = arith.constant 0 : i32
      %dma_wait3A_364 = arith.constant 0 : i32
      %dma_wait3A_365 = arith.constant 0 : i32
      %dma_wait3A_366 = tpu.memref_slice %arg13[%dma_wait3A_363, %dma_wait3A_364, %dma_wait3A_365] : memref<2x400x16xf32, #tpu.memory_space<vmem>> -> memref<1x80x16xf32, #tpu.memory_space<vmem>>
      %dma_wait3A_367 = tpu.memref_squeeze %dma_wait3A_366 : memref<1x80x16xf32, #tpu.memory_space<vmem>> -> memref<80x16xf32, #tpu.memory_space<vmem>>
      %dma_wait3A_368 = arith.constant 0 : i32
      %dma_wait3A_369 = tpu.memref_slice %arg9[%dma_wait3A_362, %dma_wait3A_368] : memref<5x80xi32, #tpu.memory_space<vmem>> -> memref<1x80xi32, #tpu.memory_space<vmem>>
      %dma_wait3A_370 = tpu.memref_squeeze %dma_wait3A_369 : memref<1x80xi32, #tpu.memory_space<vmem>> -> memref<80xi32, #tpu.memory_space<vmem>>
      %dma_wait3A_371 = arith.constant 0 : i32
      %dma_wait3A_372 = arith.constant 0 : i32
      %dma_wait3A_373 = tpu.memref_slice %arg2[%dma_wait3A_371, %dma_wait3A_372] : memref<51200x16xf32, #tpu.memory_space<hbm>> -> memref<51200x16xf32, #tpu.memory_space<hbm>>
      tpu.wait_indirect_dma semaphore(%arg18 : memref<!tpu.dma_semaphore, #tpu.memory_space<semaphore_mem>>) src(%dma_wait3A_373 : memref<51200x16xf32, #tpu.memory_space<hbm>>) dst(%dma_wait3A_367 : memref<80x16xf32, #tpu.memory_space<vmem>>)
      %dma_wait3A_374 = arith.constant 0 : i32
      %dma_wait3A_375 = arith.constant 0 : i32
      %dma_wait3A_376 = arith.constant 0 : i32
      %dma_wait3A_377 = arith.constant 0 : i32
      %dma_wait3A_378 = tpu.memref_slice %arg13[%dma_wait3A_375, %dma_wait3A_376, %dma_wait3A_377] : memref<2x400x16xf32, #tpu.memory_space<vmem>> -> memref<1x80x16xf32, #tpu.memory_space<vmem>>
      %dma_wait3A_379 = tpu.memref_squeeze %dma_wait3A_378 : memref<1x80x16xf32, #tpu.memory_space<vmem>> -> memref<80x16xf32, #tpu.memory_space<vmem>>
      %dma_wait3A_380 = arith.constant 0 : i32
      %dma_wait3A_381 = tpu.memref_slice %arg9[%dma_wait3A_374, %dma_wait3A_380] : memref<5x80xi32, #tpu.memory_space<vmem>> -> memref<1x80xi32, #tpu.memory_space<vmem>>
      %dma_wait3A_382 = tpu.memref_squeeze %dma_wait3A_381 : memref<1x80xi32, #tpu.memory_space<vmem>> -> memref<80xi32, #tpu.memory_space<vmem>>
      %dma_wait3A_383 = arith.constant 0 : i32
      %dma_wait3A_384 = arith.constant 0 : i32
      %dma_wait3A_385 = tpu.memref_slice %arg2[%dma_wait3A_383, %dma_wait3A_384] : memref<51200x16xf32, #tpu.memory_space<hbm>> -> memref<51200x16xf32, #tpu.memory_space<hbm>>
      tpu.wait_indirect_dma semaphore(%arg18 : memref<!tpu.dma_semaphore, #tpu.memory_space<semaphore_mem>>) src(%dma_wait3A_385 : memref<51200x16xf32, #tpu.memory_space<hbm>>) dst(%dma_wait3A_379 : memref<80x16xf32, #tpu.memory_space<vmem>>)
      %dma_wait3A_386 = arith.constant 0 : i32
      %dma_wait3A_387 = arith.constant 0 : i32
      %dma_wait3A_388 = arith.constant 0 : i32
      %dma_wait3A_389 = arith.constant 0 : i32
      %dma_wait3A_390 = tpu.memref_slice %arg13[%dma_wait3A_387, %dma_wait3A_388, %dma_wait3A_389] : memref<2x400x16xf32, #tpu.memory_space<vmem>> -> memref<1x80x16xf32, #tpu.memory_space<vmem>>
      %dma_wait3A_391 = tpu.memref_squeeze %dma_wait3A_390 : memref<1x80x16xf32, #tpu.memory_space<vmem>> -> memref<80x16xf32, #tpu.memory_space<vmem>>
      %dma_wait3A_392 = arith.constant 0 : i32
      %dma_wait3A_393 = tpu.memref_slice %arg9[%dma_wait3A_386, %dma_wait3A_392] : memref<5x80xi32, #tpu.memory_space<vmem>> -> memref<1x80xi32, #tpu.memory_space<vmem>>
      %dma_wait3A_394 = tpu.memref_squeeze %dma_wait3A_393 : memref<1x80xi32, #tpu.memory_space<vmem>> -> memref<80xi32, #tpu.memory_space<vmem>>
      %dma_wait3A_395 = arith.constant 0 : i32
      %dma_wait3A_396 = arith.constant 0 : i32
      %dma_wait3A_397 = tpu.memref_slice %arg2[%dma_wait3A_395, %dma_wait3A_396] : memref<51200x16xf32, #tpu.memory_space<hbm>> -> memref<51200x16xf32, #tpu.memory_space<hbm>>
      tpu.wait_indirect_dma semaphore(%arg18 : memref<!tpu.dma_semaphore, #tpu.memory_space<semaphore_mem>>) src(%dma_wait3A_397 : memref<51200x16xf32, #tpu.memory_space<hbm>>) dst(%dma_wait3A_391 : memref<80x16xf32, #tpu.memory_space<vmem>>)
      %dma_wait3A_398 = arith.constant 0 : i32
      %dma_wait3A_399 = arith.constant 0 : i32
      %dma_wait3A_400 = arith.constant 0 : i32
      %dma_wait3A_401 = arith.constant 0 : i32
      %dma_wait3A_402 = tpu.memref_slice %arg13[%dma_wait3A_399, %dma_wait3A_400, %dma_wait3A_401] : memref<2x400x16xf32, #tpu.memory_space<vmem>> -> memref<1x80x16xf32, #tpu.memory_space<vmem>>
      %dma_wait3A_403 = tpu.memref_squeeze %dma_wait3A_402 : memref<1x80x16xf32, #tpu.memory_space<vmem>> -> memref<80x16xf32, #tpu.memory_space<vmem>>
      %dma_wait3A_404 = arith.constant 0 : i32
      %dma_wait3A_405 = tpu.memref_slice %arg9[%dma_wait3A_398, %dma_wait3A_404] : memref<5x80xi32, #tpu.memory_space<vmem>> -> memref<1x80xi32, #tpu.memory_space<vmem>>
      %dma_wait3A_406 = tpu.memref_squeeze %dma_wait3A_405 : memref<1x80xi32, #tpu.memory_space<vmem>> -> memref<80xi32, #tpu.memory_space<vmem>>
      %dma_wait3A_407 = arith.constant 0 : i32
      %dma_wait3A_408 = arith.constant 0 : i32
      %dma_wait3A_409 = tpu.memref_slice %arg2[%dma_wait3A_407, %dma_wait3A_408] : memref<51200x16xf32, #tpu.memory_space<hbm>> -> memref<51200x16xf32, #tpu.memory_space<hbm>>
      tpu.wait_indirect_dma semaphore(%arg18 : memref<!tpu.dma_semaphore, #tpu.memory_space<semaphore_mem>>) src(%dma_wait3A_409 : memref<51200x16xf32, #tpu.memory_space<hbm>>) dst(%dma_wait3A_403 : memref<80x16xf32, #tpu.memory_space<vmem>>)
      %dma_wait3A_410 = arith.constant 0 : i32
      %dma_wait3A_411 = arith.constant 0 : i32
      %dma_wait3A_412 = arith.constant 0 : i32
      %dma_wait3A_413 = arith.constant 0 : i32
      %dma_wait3A_414 = tpu.memref_slice %arg13[%dma_wait3A_411, %dma_wait3A_412, %dma_wait3A_413] : memref<2x400x16xf32, #tpu.memory_space<vmem>> -> memref<1x80x16xf32, #tpu.memory_space<vmem>>
      %dma_wait3A_415 = tpu.memref_squeeze %dma_wait3A_414 : memref<1x80x16xf32, #tpu.memory_space<vmem>> -> memref<80x16xf32, #tpu.memory_space<vmem>>
      %dma_wait3A_416 = arith.constant 0 : i32
      %dma_wait3A_417 = tpu.memref_slice %arg9[%dma_wait3A_410, %dma_wait3A_416] : memref<5x80xi32, #tpu.memory_space<vmem>> -> memref<1x80xi32, #tpu.memory_space<vmem>>
      %dma_wait3A_418 = tpu.memref_squeeze %dma_wait3A_417 : memref<1x80xi32, #tpu.memory_space<vmem>> -> memref<80xi32, #tpu.memory_space<vmem>>
      %dma_wait3A_419 = arith.constant 0 : i32
      %dma_wait3A_420 = arith.constant 0 : i32
      %dma_wait3A_421 = tpu.memref_slice %arg2[%dma_wait3A_419, %dma_wait3A_420] : memref<51200x16xf32, #tpu.memory_space<hbm>> -> memref<51200x16xf32, #tpu.memory_space<hbm>>
      tpu.wait_indirect_dma semaphore(%arg18 : memref<!tpu.dma_semaphore, #tpu.memory_space<semaphore_mem>>) src(%dma_wait3A_421 : memref<51200x16xf32, #tpu.memory_space<hbm>>) dst(%dma_wait3A_415 : memref<80x16xf32, #tpu.memory_space<vmem>>)
      %dma_wait3A_422 = arith.constant 0 : i32
      %dma_wait3A_423 = arith.constant 0 : i32
      %dma_wait3A_424 = arith.constant 0 : i32
      %dma_wait3A_425 = arith.constant 0 : i32
      %dma_wait3A_426 = tpu.memref_slice %arg13[%dma_wait3A_423, %dma_wait3A_424, %dma_wait3A_425] : memref<2x400x16xf32, #tpu.memory_space<vmem>> -> memref<1x80x16xf32, #tpu.memory_space<vmem>>
      %dma_wait3A_427 = tpu.memref_squeeze %dma_wait3A_426 : memref<1x80x16xf32, #tpu.memory_space<vmem>> -> memref<80x16xf32, #tpu.memory_space<vmem>>
      %dma_wait3A_428 = arith.constant 0 : i32
      %dma_wait3A_429 = tpu.memref_slice %arg9[%dma_wait3A_422, %dma_wait3A_428] : memref<5x80xi32, #tpu.memory_space<vmem>> -> memref<1x80xi32, #tpu.memory_space<vmem>>
      %dma_wait3A_430 = tpu.memref_squeeze %dma_wait3A_429 : memref<1x80xi32, #tpu.memory_space<vmem>> -> memref<80xi32, #tpu.memory_space<vmem>>
      %dma_wait3A_431 = arith.constant 0 : i32
      %dma_wait3A_432 = arith.constant 0 : i32
      %dma_wait3A_433 = tpu.memref_slice %arg2[%dma_wait3A_431, %dma_wait3A_432] : memref<51200x16xf32, #tpu.memory_space<hbm>> -> memref<51200x16xf32, #tpu.memory_space<hbm>>
      tpu.wait_indirect_dma semaphore(%arg18 : memref<!tpu.dma_semaphore, #tpu.memory_space<semaphore_mem>>) src(%dma_wait3A_433 : memref<51200x16xf32, #tpu.memory_space<hbm>>) dst(%dma_wait3A_427 : memref<80x16xf32, #tpu.memory_space<vmem>>)
      %dma_wait3A_434 = arith.constant 0 : i32
      %dma_wait3A_435 = arith.constant 0 : i32
      %dma_wait3A_436 = arith.constant 0 : i32
      %dma_wait3A_437 = arith.constant 0 : i32
      %dma_wait3A_438 = tpu.memref_slice %arg13[%dma_wait3A_435, %dma_wait3A_436, %dma_wait3A_437] : memref<2x400x16xf32, #tpu.memory_space<vmem>> -> memref<1x80x16xf32, #tpu.memory_space<vmem>>
      %dma_wait3A_439 = tpu.memref_squeeze %dma_wait3A_438 : memref<1x80x16xf32, #tpu.memory_space<vmem>> -> memref<80x16xf32, #tpu.memory_space<vmem>>
      %dma_wait3A_440 = arith.constant 0 : i32
      %dma_wait3A_441 = tpu.memref_slice %arg9[%dma_wait3A_434, %dma_wait3A_440] : memref<5x80xi32, #tpu.memory_space<vmem>> -> memref<1x80xi32, #tpu.memory_space<vmem>>
      %dma_wait3A_442 = tpu.memref_squeeze %dma_wait3A_441 : memref<1x80xi32, #tpu.memory_space<vmem>> -> memref<80xi32, #tpu.memory_space<vmem>>
      %dma_wait3A_443 = arith.constant 0 : i32
      %dma_wait3A_444 = arith.constant 0 : i32
      %dma_wait3A_445 = tpu.memref_slice %arg2[%dma_wait3A_443, %dma_wait3A_444] : memref<51200x16xf32, #tpu.memory_space<hbm>> -> memref<51200x16xf32, #tpu.memory_space<hbm>>
      tpu.wait_indirect_dma semaphore(%arg18 : memref<!tpu.dma_semaphore, #tpu.memory_space<semaphore_mem>>) src(%dma_wait3A_445 : memref<51200x16xf32, #tpu.memory_space<hbm>>) dst(%dma_wait3A_439 : memref<80x16xf32, #tpu.memory_space<vmem>>)
      %dma_wait3A_446 = arith.constant 0 : i32
      %dma_wait3A_447 = arith.constant 0 : i32
      %dma_wait3A_448 = arith.constant 0 : i32
      %dma_wait3A_449 = arith.constant 0 : i32
      %dma_wait3A_450 = tpu.memref_slice %arg13[%dma_wait3A_447, %dma_wait3A_448, %dma_wait3A_449] : memref<2x400x16xf32, #tpu.memory_space<vmem>> -> memref<1x80x16xf32, #tpu.memory_space<vmem>>
      %dma_wait3A_451 = tpu.memref_squeeze %dma_wait3A_450 : memref<1x80x16xf32, #tpu.memory_space<vmem>> -> memref<80x16xf32, #tpu.memory_space<vmem>>
      %dma_wait3A_452 = arith.constant 0 : i32
      %dma_wait3A_453 = tpu.memref_slice %arg9[%dma_wait3A_446, %dma_wait3A_452] : memref<5x80xi32, #tpu.memory_space<vmem>> -> memref<1x80xi32, #tpu.memory_space<vmem>>
      %dma_wait3A_454 = tpu.memref_squeeze %dma_wait3A_453 : memref<1x80xi32, #tpu.memory_space<vmem>> -> memref<80xi32, #tpu.memory_space<vmem>>
      %dma_wait3A_455 = arith.constant 0 : i32
      %dma_wait3A_456 = arith.constant 0 : i32
      %dma_wait3A_457 = tpu.memref_slice %arg2[%dma_wait3A_455, %dma_wait3A_456] : memref<51200x16xf32, #tpu.memory_space<hbm>> -> memref<51200x16xf32, #tpu.memory_space<hbm>>
      tpu.wait_indirect_dma semaphore(%arg18 : memref<!tpu.dma_semaphore, #tpu.memory_space<semaphore_mem>>) src(%dma_wait3A_457 : memref<51200x16xf32, #tpu.memory_space<hbm>>) dst(%dma_wait3A_451 : memref<80x16xf32, #tpu.memory_space<vmem>>)
      %dma_wait3A_458 = arith.constant 0 : i32
      %dma_wait3A_459 = arith.constant 0 : i32
      %dma_wait3A_460 = arith.constant 0 : i32
      %dma_wait3A_461 = arith.constant 0 : i32
      %dma_wait3A_462 = tpu.memref_slice %arg13[%dma_wait3A_459, %dma_wait3A_460, %dma_wait3A_461] : memref<2x400x16xf32, #tpu.memory_space<vmem>> -> memref<1x80x16xf32, #tpu.memory_space<vmem>>
      %dma_wait3A_463 = tpu.memref_squeeze %dma_wait3A_462 : memref<1x80x16xf32, #tpu.memory_space<vmem>> -> memref<80x16xf32, #tpu.memory_space<vmem>>
      %dma_wait3A_464 = arith.constant 0 : i32
      %dma_wait3A_465 = tpu.memref_slice %arg9[%dma_wait3A_458, %dma_wait3A_464] : memref<5x80xi32, #tpu.memory_space<vmem>> -> memref<1x80xi32, #tpu.memory_space<vmem>>
      %dma_wait3A_466 = tpu.memref_squeeze %dma_wait3A_465 : memref<1x80xi32, #tpu.memory_space<vmem>> -> memref<80xi32, #tpu.memory_space<vmem>>
      %dma_wait3A_467 = arith.constant 0 : i32
      %dma_wait3A_468 = arith.constant 0 : i32
      %dma_wait3A_469 = tpu.memref_slice %arg2[%dma_wait3A_467, %dma_wait3A_468] : memref<51200x16xf32, #tpu.memory_space<hbm>> -> memref<51200x16xf32, #tpu.memory_space<hbm>>
      tpu.wait_indirect_dma semaphore(%arg18 : memref<!tpu.dma_semaphore, #tpu.memory_space<semaphore_mem>>) src(%dma_wait3A_469 : memref<51200x16xf32, #tpu.memory_space<hbm>>) dst(%dma_wait3A_463 : memref<80x16xf32, #tpu.memory_space<vmem>>)
      %dma_wait3A_470 = arith.constant 0 : i32
      %dma_wait3A_471 = arith.constant 0 : i32
      %dma_wait3A_472 = arith.constant 0 : i32
      %dma_wait3A_473 = arith.constant 0 : i32
      %dma_wait3A_474 = tpu.memref_slice %arg13[%dma_wait3A_471, %dma_wait3A_472, %dma_wait3A_473] : memref<2x400x16xf32, #tpu.memory_space<vmem>> -> memref<1x80x16xf32, #tpu.memory_space<vmem>>
      %dma_wait3A_475 = tpu.memref_squeeze %dma_wait3A_474 : memref<1x80x16xf32, #tpu.memory_space<vmem>> -> memref<80x16xf32, #tpu.memory_space<vmem>>
      %dma_wait3A_476 = arith.constant 0 : i32
      %dma_wait3A_477 = tpu.memref_slice %arg9[%dma_wait3A_470, %dma_wait3A_476] : memref<5x80xi32, #tpu.memory_space<vmem>> -> memref<1x80xi32, #tpu.memory_space<vmem>>
      %dma_wait3A_478 = tpu.memref_squeeze %dma_wait3A_477 : memref<1x80xi32, #tpu.memory_space<vmem>> -> memref<80xi32, #tpu.memory_space<vmem>>
      %dma_wait3A_479 = arith.constant 0 : i32
      %dma_wait3A_480 = arith.constant 0 : i32
      %dma_wait3A_481 = tpu.memref_slice %arg2[%dma_wait3A_479, %dma_wait3A_480] : memref<51200x16xf32, #tpu.memory_space<hbm>> -> memref<51200x16xf32, #tpu.memory_space<hbm>>
      tpu.wait_indirect_dma semaphore(%arg18 : memref<!tpu.dma_semaphore, #tpu.memory_space<semaphore_mem>>) src(%dma_wait3A_481 : memref<51200x16xf32, #tpu.memory_space<hbm>>) dst(%dma_wait3A_475 : memref<80x16xf32, #tpu.memory_space<vmem>>)
      %gt3A = arith.constant 0 : i32
      %gt3A_482 = arith.cmpi sgt, %scan3A_324, %gt3A : i32
      %convert_element_type3A = arith.extui %gt3A_482 : i1 to i32
      %cond3A = arith.constant 0 : i32
      %cond3A_483 = arith.cmpi ne, %convert_element_type3A, %cond3A : i32
      scf.if %cond3A_483 {
        %dma_wait3A_603 = arith.constant 0 : i32
        %dma_wait3A_604 = arith.constant 0 : i32
        %dma_wait3A_605 = arith.constant 0 : i32
        %dma_wait3A_606 = arith.constant 0 : i32
        %dma_wait3A_607 = arith.constant 0 : i32
        %dma_wait3A_608 = tpu.memref_slice %arg13[%dma_wait3A_603, %dma_wait3A_606, %dma_wait3A_607] : memref<2x400x16xf32, #tpu.memory_space<vmem>> -> memref<1x80x16xf32, #tpu.memory_space<vmem>>
        %dma_wait3A_609 = tpu.memref_squeeze %dma_wait3A_608 : memref<1x80x16xf32, #tpu.memory_space<vmem>> -> memref<80x16xf32, #tpu.memory_space<vmem>>
        %dma_wait3A_610 = arith.constant 0 : i32
        %dma_wait3A_611 = tpu.memref_slice %arg10[%dma_wait3A_604, %dma_wait3A_605, %dma_wait3A_610] : memref<2x5x80xi32, #tpu.memory_space<vmem>> -> memref<1x1x80xi32, #tpu.memory_space<vmem>>
        %dma_wait3A_612 = tpu.memref_squeeze %dma_wait3A_611 : memref<1x1x80xi32, #tpu.memory_space<vmem>> -> memref<80xi32, #tpu.memory_space<vmem>>
        %dma_wait3A_613 = arith.constant 0 : i32
        %dma_wait3A_614 = arith.constant 0 : i32
        %dma_wait3A_615 = tpu.memref_slice %arg16[%dma_wait3A_613, %dma_wait3A_614] : memref<51200x16xf32, #tpu.memory_space<vmem_shared>> -> memref<51200x16xf32, #tpu.memory_space<vmem_shared>>
        tpu.wait_indirect_dma semaphore(%arg19 : memref<!tpu.dma_semaphore, #tpu.memory_space<semaphore_mem>>) src(%dma_wait3A_609 : memref<80x16xf32, #tpu.memory_space<vmem>>) dst(%dma_wait3A_615 : memref<51200x16xf32, #tpu.memory_space<vmem_shared>>)
        %dma_wait3A_616 = arith.constant 0 : i32
        %dma_wait3A_617 = arith.constant 0 : i32
        %dma_wait3A_618 = arith.constant 0 : i32
        %dma_wait3A_619 = arith.constant 0 : i32
        %dma_wait3A_620 = arith.constant 0 : i32
        %dma_wait3A_621 = tpu.memref_slice %arg13[%dma_wait3A_616, %dma_wait3A_619, %dma_wait3A_620] : memref<2x400x16xf32, #tpu.memory_space<vmem>> -> memref<1x80x16xf32, #tpu.memory_space<vmem>>
        %dma_wait3A_622 = tpu.memref_squeeze %dma_wait3A_621 : memref<1x80x16xf32, #tpu.memory_space<vmem>> -> memref<80x16xf32, #tpu.memory_space<vmem>>
        %dma_wait3A_623 = arith.constant 0 : i32
        %dma_wait3A_624 = tpu.memref_slice %arg10[%dma_wait3A_617, %dma_wait3A_618, %dma_wait3A_623] : memref<2x5x80xi32, #tpu.memory_space<vmem>> -> memref<1x1x80xi32, #tpu.memory_space<vmem>>
        %dma_wait3A_625 = tpu.memref_squeeze %dma_wait3A_624 : memref<1x1x80xi32, #tpu.memory_space<vmem>> -> memref<80xi32, #tpu.memory_space<vmem>>
        %dma_wait3A_626 = arith.constant 0 : i32
        %dma_wait3A_627 = arith.constant 0 : i32
        %dma_wait3A_628 = tpu.memref_slice %arg16[%dma_wait3A_626, %dma_wait3A_627] : memref<51200x16xf32, #tpu.memory_space<vmem_shared>> -> memref<51200x16xf32, #tpu.memory_space<vmem_shared>>
        tpu.wait_indirect_dma semaphore(%arg19 : memref<!tpu.dma_semaphore, #tpu.memory_space<semaphore_mem>>) src(%dma_wait3A_622 : memref<80x16xf32, #tpu.memory_space<vmem>>) dst(%dma_wait3A_628 : memref<51200x16xf32, #tpu.memory_space<vmem_shared>>)
        %dma_wait3A_629 = arith.constant 0 : i32
        %dma_wait3A_630 = arith.constant 0 : i32
        %dma_wait3A_631 = arith.constant 0 : i32
        %dma_wait3A_632 = arith.constant 0 : i32
        %dma_wait3A_633 = arith.constant 0 : i32
        %dma_wait3A_634 = tpu.memref_slice %arg13[%dma_wait3A_629, %dma_wait3A_632, %dma_wait3A_633] : memref<2x400x16xf32, #tpu.memory_space<vmem>> -> memref<1x80x16xf32, #tpu.memory_space<vmem>>
        %dma_wait3A_635 = tpu.memref_squeeze %dma_wait3A_634 : memref<1x80x16xf32, #tpu.memory_space<vmem>> -> memref<80x16xf32, #tpu.memory_space<vmem>>
        %dma_wait3A_636 = arith.constant 0 : i32
        %dma_wait3A_637 = tpu.memref_slice %arg10[%dma_wait3A_630, %dma_wait3A_631, %dma_wait3A_636] : memref<2x5x80xi32, #tpu.memory_space<vmem>> -> memref<1x1x80xi32, #tpu.memory_space<vmem>>
        %dma_wait3A_638 = tpu.memref_squeeze %dma_wait3A_637 : memref<1x1x80xi32, #tpu.memory_space<vmem>> -> memref<80xi32, #tpu.memory_space<vmem>>
        %dma_wait3A_639 = arith.constant 0 : i32
        %dma_wait3A_640 = arith.constant 0 : i32
        %dma_wait3A_641 = tpu.memref_slice %arg16[%dma_wait3A_639, %dma_wait3A_640] : memref<51200x16xf32, #tpu.memory_space<vmem_shared>> -> memref<51200x16xf32, #tpu.memory_space<vmem_shared>>
        tpu.wait_indirect_dma semaphore(%arg19 : memref<!tpu.dma_semaphore, #tpu.memory_space<semaphore_mem>>) src(%dma_wait3A_635 : memref<80x16xf32, #tpu.memory_space<vmem>>) dst(%dma_wait3A_641 : memref<51200x16xf32, #tpu.memory_space<vmem_shared>>)
        %dma_wait3A_642 = arith.constant 0 : i32
        %dma_wait3A_643 = arith.constant 0 : i32
        %dma_wait3A_644 = arith.constant 0 : i32
        %dma_wait3A_645 = arith.constant 0 : i32
        %dma_wait3A_646 = arith.constant 0 : i32
        %dma_wait3A_647 = tpu.memref_slice %arg13[%dma_wait3A_642, %dma_wait3A_645, %dma_wait3A_646] : memref<2x400x16xf32, #tpu.memory_space<vmem>> -> memref<1x80x16xf32, #tpu.memory_space<vmem>>
        %dma_wait3A_648 = tpu.memref_squeeze %dma_wait3A_647 : memref<1x80x16xf32, #tpu.memory_space<vmem>> -> memref<80x16xf32, #tpu.memory_space<vmem>>
        %dma_wait3A_649 = arith.constant 0 : i32
        %dma_wait3A_650 = tpu.memref_slice %arg10[%dma_wait3A_643, %dma_wait3A_644, %dma_wait3A_649] : memref<2x5x80xi32, #tpu.memory_space<vmem>> -> memref<1x1x80xi32, #tpu.memory_space<vmem>>
        %dma_wait3A_651 = tpu.memref_squeeze %dma_wait3A_650 : memref<1x1x80xi32, #tpu.memory_space<vmem>> -> memref<80xi32, #tpu.memory_space<vmem>>
        %dma_wait3A_652 = arith.constant 0 : i32
        %dma_wait3A_653 = arith.constant 0 : i32
        %dma_wait3A_654 = tpu.memref_slice %arg16[%dma_wait3A_652, %dma_wait3A_653] : memref<51200x16xf32, #tpu.memory_space<vmem_shared>> -> memref<51200x16xf32, #tpu.memory_space<vmem_shared>>
        tpu.wait_indirect_dma semaphore(%arg19 : memref<!tpu.dma_semaphore, #tpu.memory_space<semaphore_mem>>) src(%dma_wait3A_648 : memref<80x16xf32, #tpu.memory_space<vmem>>) dst(%dma_wait3A_654 : memref<51200x16xf32, #tpu.memory_space<vmem_shared>>)
        %dma_wait3A_655 = arith.constant 0 : i32
        %dma_wait3A_656 = arith.constant 0 : i32
        %dma_wait3A_657 = arith.constant 0 : i32
        %dma_wait3A_658 = arith.constant 0 : i32
        %dma_wait3A_659 = arith.constant 0 : i32
        %dma_wait3A_660 = tpu.memref_slice %arg13[%dma_wait3A_655, %dma_wait3A_658, %dma_wait3A_659] : memref<2x400x16xf32, #tpu.memory_space<vmem>> -> memref<1x80x16xf32, #tpu.memory_space<vmem>>
        %dma_wait3A_661 = tpu.memref_squeeze %dma_wait3A_660 : memref<1x80x16xf32, #tpu.memory_space<vmem>> -> memref<80x16xf32, #tpu.memory_space<vmem>>
        %dma_wait3A_662 = arith.constant 0 : i32
        %dma_wait3A_663 = tpu.memref_slice %arg10[%dma_wait3A_656, %dma_wait3A_657, %dma_wait3A_662] : memref<2x5x80xi32, #tpu.memory_space<vmem>> -> memref<1x1x80xi32, #tpu.memory_space<vmem>>
        %dma_wait3A_664 = tpu.memref_squeeze %dma_wait3A_663 : memref<1x1x80xi32, #tpu.memory_space<vmem>> -> memref<80xi32, #tpu.memory_space<vmem>>
        %dma_wait3A_665 = arith.constant 0 : i32
        %dma_wait3A_666 = arith.constant 0 : i32
        %dma_wait3A_667 = tpu.memref_slice %arg16[%dma_wait3A_665, %dma_wait3A_666] : memref<51200x16xf32, #tpu.memory_space<vmem_shared>> -> memref<51200x16xf32, #tpu.memory_space<vmem_shared>>
        tpu.wait_indirect_dma semaphore(%arg19 : memref<!tpu.dma_semaphore, #tpu.memory_space<semaphore_mem>>) src(%dma_wait3A_661 : memref<80x16xf32, #tpu.memory_space<vmem>>) dst(%dma_wait3A_667 : memref<51200x16xf32, #tpu.memory_space<vmem_shared>>)
        %dma_wait3A_668 = arith.constant 0 : i32
        %dma_wait3A_669 = arith.constant 0 : i32
        %dma_wait3A_670 = arith.constant 0 : i32
        %dma_wait3A_671 = arith.constant 0 : i32
        %dma_wait3A_672 = arith.constant 0 : i32
        %dma_wait3A_673 = tpu.memref_slice %arg13[%dma_wait3A_668, %dma_wait3A_671, %dma_wait3A_672] : memref<2x400x16xf32, #tpu.memory_space<vmem>> -> memref<1x80x16xf32, #tpu.memory_space<vmem>>
        %dma_wait3A_674 = tpu.memref_squeeze %dma_wait3A_673 : memref<1x80x16xf32, #tpu.memory_space<vmem>> -> memref<80x16xf32, #tpu.memory_space<vmem>>
        %dma_wait3A_675 = arith.constant 0 : i32
        %dma_wait3A_676 = tpu.memref_slice %arg10[%dma_wait3A_669, %dma_wait3A_670, %dma_wait3A_675] : memref<2x5x80xi32, #tpu.memory_space<vmem>> -> memref<1x1x80xi32, #tpu.memory_space<vmem>>
        %dma_wait3A_677 = tpu.memref_squeeze %dma_wait3A_676 : memref<1x1x80xi32, #tpu.memory_space<vmem>> -> memref<80xi32, #tpu.memory_space<vmem>>
        %dma_wait3A_678 = arith.constant 0 : i32
        %dma_wait3A_679 = arith.constant 0 : i32
        %dma_wait3A_680 = tpu.memref_slice %arg16[%dma_wait3A_678, %dma_wait3A_679] : memref<51200x16xf32, #tpu.memory_space<vmem_shared>> -> memref<51200x16xf32, #tpu.memory_space<vmem_shared>>
        tpu.wait_indirect_dma semaphore(%arg19 : memref<!tpu.dma_semaphore, #tpu.memory_space<semaphore_mem>>) src(%dma_wait3A_674 : memref<80x16xf32, #tpu.memory_space<vmem>>) dst(%dma_wait3A_680 : memref<51200x16xf32, #tpu.memory_space<vmem_shared>>)
        %dma_wait3A_681 = arith.constant 0 : i32
        %dma_wait3A_682 = arith.constant 0 : i32
        %dma_wait3A_683 = arith.constant 0 : i32
        %dma_wait3A_684 = arith.constant 0 : i32
        %dma_wait3A_685 = arith.constant 0 : i32
        %dma_wait3A_686 = tpu.memref_slice %arg13[%dma_wait3A_681, %dma_wait3A_684, %dma_wait3A_685] : memref<2x400x16xf32, #tpu.memory_space<vmem>> -> memref<1x80x16xf32, #tpu.memory_space<vmem>>
        %dma_wait3A_687 = tpu.memref_squeeze %dma_wait3A_686 : memref<1x80x16xf32, #tpu.memory_space<vmem>> -> memref<80x16xf32, #tpu.memory_space<vmem>>
        %dma_wait3A_688 = arith.constant 0 : i32
        %dma_wait3A_689 = tpu.memref_slice %arg10[%dma_wait3A_682, %dma_wait3A_683, %dma_wait3A_688] : memref<2x5x80xi32, #tpu.memory_space<vmem>> -> memref<1x1x80xi32, #tpu.memory_space<vmem>>
        %dma_wait3A_690 = tpu.memref_squeeze %dma_wait3A_689 : memref<1x1x80xi32, #tpu.memory_space<vmem>> -> memref<80xi32, #tpu.memory_space<vmem>>
        %dma_wait3A_691 = arith.constant 0 : i32
        %dma_wait3A_692 = arith.constant 0 : i32
        %dma_wait3A_693 = tpu.memref_slice %arg16[%dma_wait3A_691, %dma_wait3A_692] : memref<51200x16xf32, #tpu.memory_space<vmem_shared>> -> memref<51200x16xf32, #tpu.memory_space<vmem_shared>>
        tpu.wait_indirect_dma semaphore(%arg19 : memref<!tpu.dma_semaphore, #tpu.memory_space<semaphore_mem>>) src(%dma_wait3A_687 : memref<80x16xf32, #tpu.memory_space<vmem>>) dst(%dma_wait3A_693 : memref<51200x16xf32, #tpu.memory_space<vmem_shared>>)
        %dma_wait3A_694 = arith.constant 0 : i32
        %dma_wait3A_695 = arith.constant 0 : i32
        %dma_wait3A_696 = arith.constant 0 : i32
        %dma_wait3A_697 = arith.constant 0 : i32
        %dma_wait3A_698 = arith.constant 0 : i32
        %dma_wait3A_699 = tpu.memref_slice %arg13[%dma_wait3A_694, %dma_wait3A_697, %dma_wait3A_698] : memref<2x400x16xf32, #tpu.memory_space<vmem>> -> memref<1x80x16xf32, #tpu.memory_space<vmem>>
        %dma_wait3A_700 = tpu.memref_squeeze %dma_wait3A_699 : memref<1x80x16xf32, #tpu.memory_space<vmem>> -> memref<80x16xf32, #tpu.memory_space<vmem>>
        %dma_wait3A_701 = arith.constant 0 : i32
        %dma_wait3A_702 = tpu.memref_slice %arg10[%dma_wait3A_695, %dma_wait3A_696, %dma_wait3A_701] : memref<2x5x80xi32, #tpu.memory_space<vmem>> -> memref<1x1x80xi32, #tpu.memory_space<vmem>>
        %dma_wait3A_703 = tpu.memref_squeeze %dma_wait3A_702 : memref<1x1x80xi32, #tpu.memory_space<vmem>> -> memref<80xi32, #tpu.memory_space<vmem>>
        %dma_wait3A_704 = arith.constant 0 : i32
        %dma_wait3A_705 = arith.constant 0 : i32
        %dma_wait3A_706 = tpu.memref_slice %arg16[%dma_wait3A_704, %dma_wait3A_705] : memref<51200x16xf32, #tpu.memory_space<vmem_shared>> -> memref<51200x16xf32, #tpu.memory_space<vmem_shared>>
        tpu.wait_indirect_dma semaphore(%arg19 : memref<!tpu.dma_semaphore, #tpu.memory_space<semaphore_mem>>) src(%dma_wait3A_700 : memref<80x16xf32, #tpu.memory_space<vmem>>) dst(%dma_wait3A_706 : memref<51200x16xf32, #tpu.memory_space<vmem_shared>>)
        %dma_wait3A_707 = arith.constant 0 : i32
        %dma_wait3A_708 = arith.constant 0 : i32
        %dma_wait3A_709 = arith.constant 0 : i32
        %dma_wait3A_710 = arith.constant 0 : i32
        %dma_wait3A_711 = arith.constant 0 : i32
        %dma_wait3A_712 = tpu.memref_slice %arg13[%dma_wait3A_707, %dma_wait3A_710, %dma_wait3A_711] : memref<2x400x16xf32, #tpu.memory_space<vmem>> -> memref<1x80x16xf32, #tpu.memory_space<vmem>>
        %dma_wait3A_713 = tpu.memref_squeeze %dma_wait3A_712 : memref<1x80x16xf32, #tpu.memory_space<vmem>> -> memref<80x16xf32, #tpu.memory_space<vmem>>
        %dma_wait3A_714 = arith.constant 0 : i32
        %dma_wait3A_715 = tpu.memref_slice %arg10[%dma_wait3A_708, %dma_wait3A_709, %dma_wait3A_714] : memref<2x5x80xi32, #tpu.memory_space<vmem>> -> memref<1x1x80xi32, #tpu.memory_space<vmem>>
        %dma_wait3A_716 = tpu.memref_squeeze %dma_wait3A_715 : memref<1x1x80xi32, #tpu.memory_space<vmem>> -> memref<80xi32, #tpu.memory_space<vmem>>
        %dma_wait3A_717 = arith.constant 0 : i32
        %dma_wait3A_718 = arith.constant 0 : i32
        %dma_wait3A_719 = tpu.memref_slice %arg16[%dma_wait3A_717, %dma_wait3A_718] : memref<51200x16xf32, #tpu.memory_space<vmem_shared>> -> memref<51200x16xf32, #tpu.memory_space<vmem_shared>>
        tpu.wait_indirect_dma semaphore(%arg19 : memref<!tpu.dma_semaphore, #tpu.memory_space<semaphore_mem>>) src(%dma_wait3A_713 : memref<80x16xf32, #tpu.memory_space<vmem>>) dst(%dma_wait3A_719 : memref<51200x16xf32, #tpu.memory_space<vmem_shared>>)
        %dma_wait3A_720 = arith.constant 0 : i32
        %dma_wait3A_721 = arith.constant 0 : i32
        %dma_wait3A_722 = arith.constant 0 : i32
        %dma_wait3A_723 = arith.constant 0 : i32
        %dma_wait3A_724 = arith.constant 0 : i32
        %dma_wait3A_725 = tpu.memref_slice %arg13[%dma_wait3A_720, %dma_wait3A_723, %dma_wait3A_724] : memref<2x400x16xf32, #tpu.memory_space<vmem>> -> memref<1x80x16xf32, #tpu.memory_space<vmem>>
        %dma_wait3A_726 = tpu.memref_squeeze %dma_wait3A_725 : memref<1x80x16xf32, #tpu.memory_space<vmem>> -> memref<80x16xf32, #tpu.memory_space<vmem>>
        %dma_wait3A_727 = arith.constant 0 : i32
        %dma_wait3A_728 = tpu.memref_slice %arg10[%dma_wait3A_721, %dma_wait3A_722, %dma_wait3A_727] : memref<2x5x80xi32, #tpu.memory_space<vmem>> -> memref<1x1x80xi32, #tpu.memory_space<vmem>>
        %dma_wait3A_729 = tpu.memref_squeeze %dma_wait3A_728 : memref<1x1x80xi32, #tpu.memory_space<vmem>> -> memref<80xi32, #tpu.memory_space<vmem>>
        %dma_wait3A_730 = arith.constant 0 : i32
        %dma_wait3A_731 = arith.constant 0 : i32
        %dma_wait3A_732 = tpu.memref_slice %arg16[%dma_wait3A_730, %dma_wait3A_731] : memref<51200x16xf32, #tpu.memory_space<vmem_shared>> -> memref<51200x16xf32, #tpu.memory_space<vmem_shared>>
        tpu.wait_indirect_dma semaphore(%arg19 : memref<!tpu.dma_semaphore, #tpu.memory_space<semaphore_mem>>) src(%dma_wait3A_726 : memref<80x16xf32, #tpu.memory_space<vmem>>) dst(%dma_wait3A_732 : memref<51200x16xf32, #tpu.memory_space<vmem_shared>>)
      } else {
      }
      %add3A_484 = arith.constant 1 : i32
      %add3A_485 = arith.addi %scan3A_324, %add3A_484 : i32
      %lt3A_486 = arith.constant 125 : i32
      %lt3A_487 = arith.cmpi slt, %add3A_485, %lt3A_486 : i32
      %convert_element_type3A_488 = arith.extui %lt3A_487 : i1 to i32
      %cond3A_489 = arith.constant 0 : i32
      %cond3A_490 = arith.cmpi ne, %convert_element_type3A_488, %cond3A_489 : i32
      scf.if %cond3A_490 {
        %add3A_603 = arith.constant 1 : i32
        %add3A_604 = arith.addi %scan3A_324, %add3A_603 : i32
        %mul3A_605 = arith.constant 32 : i32
        %mul3A_606 = arith.muli %add3A_604, %mul3A_605 : i32
        %add3A_607 = arith.addi %add3A, %mul3A_606 : i32
        %sub3A = arith.constant 1 : i32
        %sub3A_608 = arith.subi %sub3A, %select_n3A_333 : i32
        %mul3A_609 = arith.constant 400 : i32
        %mul3A_610 = arith.muli %add3A_607, %mul3A_609 : i32
        "tpu.region"() ({
          %run_scoped3A_743 = tpu.sem_alloc : memref<!tpu.dma_semaphore, #tpu.memory_space<semaphore_mem>>
          %dma_start3A_744 = arith.constant 0 : i32
          %dma_start3A_745 = arith.constant 0 : i32
          %dma_start3A_746 = tpu.memref_slice %arg4[%add3A_607, %dma_start3A_744, %dma_start3A_745] : memref<4000x5x80xi32, #tpu.memory_space<hbm>> -> memref<1x5x80xi32, #tpu.memory_space<hbm>>
          %dma_start3A_747 = tpu.memref_squeeze %dma_start3A_746 : memref<1x5x80xi32, #tpu.memory_space<hbm>> -> memref<5x80xi32, #tpu.memory_space<hbm>>
          %dma_start3A_748 = arith.constant 0 : i32
          %dma_start3A_749 = arith.constant 0 : i32
          %dma_start3A_750 = tpu.memref_slice %arg4[%add3A_607, %dma_start3A_748, %dma_start3A_749] : memref<4000x5x80xi32, #tpu.memory_space<hbm>> -> memref<1x5x80xi32, #tpu.memory_space<hbm>>
          %dma_start3A_751 = tpu.memref_squeeze %dma_start3A_750 : memref<1x5x80xi32, #tpu.memory_space<hbm>> -> memref<5x80xi32, #tpu.memory_space<hbm>>
          tpu.enqueue_dma source(%dma_start3A_751 : memref<5x80xi32, #tpu.memory_space<hbm>>) target(%arg9 : memref<5x80xi32, #tpu.memory_space<vmem>>) target_semaphore(%run_scoped3A_743 : memref<!tpu.dma_semaphore, #tpu.memory_space<semaphore_mem>>)
          %dma_wait3A_752 = arith.constant 0 : i32
          %dma_wait3A_753 = arith.constant 0 : i32
          %dma_wait3A_754 = tpu.memref_slice %arg4[%add3A_607, %dma_wait3A_752, %dma_wait3A_753] : memref<4000x5x80xi32, #tpu.memory_space<hbm>> -> memref<1x5x80xi32, #tpu.memory_space<hbm>>
          %dma_wait3A_755 = tpu.memref_squeeze %dma_wait3A_754 : memref<1x5x80xi32, #tpu.memory_space<hbm>> -> memref<5x80xi32, #tpu.memory_space<hbm>>
          %dma_wait3A_756 = arith.constant 0 : i32
          %dma_wait3A_757 = arith.constant 0 : i32
          %dma_wait3A_758 = tpu.memref_slice %arg4[%add3A_607, %dma_wait3A_756, %dma_wait3A_757] : memref<4000x5x80xi32, #tpu.memory_space<hbm>> -> memref<1x5x80xi32, #tpu.memory_space<hbm>>
          %dma_wait3A_759 = tpu.memref_squeeze %dma_wait3A_758 : memref<1x5x80xi32, #tpu.memory_space<hbm>> -> memref<5x80xi32, #tpu.memory_space<hbm>>
          tpu.wait_dma2 semaphore(%run_scoped3A_743 : memref<!tpu.dma_semaphore, #tpu.memory_space<semaphore_mem>>) src(%dma_wait3A_759 : memref<5x80xi32, #tpu.memory_space<hbm>>) dst(%arg9 : memref<5x80xi32, #tpu.memory_space<vmem>>)
          tpu.yield
        }) : () -> ()
        "tpu.region"() ({
          %run_scoped3A_743 = tpu.sem_alloc : memref<!tpu.dma_semaphore, #tpu.memory_space<semaphore_mem>>
          %dma_start3A_744 = arith.constant 0 : i32
          %dma_start3A_745 = arith.constant 0 : i32
          %dma_start3A_746 = tpu.memref_slice %arg10[%sub3A_608, %dma_start3A_744, %dma_start3A_745] : memref<2x5x80xi32, #tpu.memory_space<vmem>> -> memref<1x5x80xi32, #tpu.memory_space<vmem>>
          %dma_start3A_747 = tpu.memref_squeeze %dma_start3A_746 : memref<1x5x80xi32, #tpu.memory_space<vmem>> -> memref<5x80xi32, #tpu.memory_space<vmem>>
          %dma_start3A_748 = arith.constant 0 : i32
          %dma_start3A_749 = arith.constant 0 : i32
          %dma_start3A_750 = tpu.memref_slice %arg5[%add3A_607, %dma_start3A_748, %dma_start3A_749] : memref<4000x5x80xi32, #tpu.memory_space<hbm>> -> memref<1x5x80xi32, #tpu.memory_space<hbm>>
          %dma_start3A_751 = tpu.memref_squeeze %dma_start3A_750 : memref<1x5x80xi32, #tpu.memory_space<hbm>> -> memref<5x80xi32, #tpu.memory_space<hbm>>
          %dma_start3A_752 = arith.constant 0 : i32
          %dma_start3A_753 = arith.constant 0 : i32
          %dma_start3A_754 = tpu.memref_slice %arg10[%sub3A_608, %dma_start3A_752, %dma_start3A_753] : memref<2x5x80xi32, #tpu.memory_space<vmem>> -> memref<1x5x80xi32, #tpu.memory_space<vmem>>
          %dma_start3A_755 = tpu.memref_squeeze %dma_start3A_754 : memref<1x5x80xi32, #tpu.memory_space<vmem>> -> memref<5x80xi32, #tpu.memory_space<vmem>>
          %dma_start3A_756 = arith.constant 0 : i32
          %dma_start3A_757 = arith.constant 0 : i32
          %dma_start3A_758 = tpu.memref_slice %arg5[%add3A_607, %dma_start3A_756, %dma_start3A_757] : memref<4000x5x80xi32, #tpu.memory_space<hbm>> -> memref<1x5x80xi32, #tpu.memory_space<hbm>>
          %dma_start3A_759 = tpu.memref_squeeze %dma_start3A_758 : memref<1x5x80xi32, #tpu.memory_space<hbm>> -> memref<5x80xi32, #tpu.memory_space<hbm>>
          tpu.enqueue_dma source(%dma_start3A_759 : memref<5x80xi32, #tpu.memory_space<hbm>>) target(%dma_start3A_755 : memref<5x80xi32, #tpu.memory_space<vmem>>) target_semaphore(%run_scoped3A_743 : memref<!tpu.dma_semaphore, #tpu.memory_space<semaphore_mem>>)
          %dma_wait3A_760 = arith.constant 0 : i32
          %dma_wait3A_761 = arith.constant 0 : i32
          %dma_wait3A_762 = tpu.memref_slice %arg10[%sub3A_608, %dma_wait3A_760, %dma_wait3A_761] : memref<2x5x80xi32, #tpu.memory_space<vmem>> -> memref<1x5x80xi32, #tpu.memory_space<vmem>>
          %dma_wait3A_763 = tpu.memref_squeeze %dma_wait3A_762 : memref<1x5x80xi32, #tpu.memory_space<vmem>> -> memref<5x80xi32, #tpu.memory_space<vmem>>
          %dma_wait3A_764 = arith.constant 0 : i32
          %dma_wait3A_765 = arith.constant 0 : i32
          %dma_wait3A_766 = tpu.memref_slice %arg5[%add3A_607, %dma_wait3A_764, %dma_wait3A_765] : memref<4000x5x80xi32, #tpu.memory_space<hbm>> -> memref<1x5x80xi32, #tpu.memory_space<hbm>>
          %dma_wait3A_767 = tpu.memref_squeeze %dma_wait3A_766 : memref<1x5x80xi32, #tpu.memory_space<hbm>> -> memref<5x80xi32, #tpu.memory_space<hbm>>
          %dma_wait3A_768 = arith.constant 0 : i32
          %dma_wait3A_769 = arith.constant 0 : i32
          %dma_wait3A_770 = tpu.memref_slice %arg10[%sub3A_608, %dma_wait3A_768, %dma_wait3A_769] : memref<2x5x80xi32, #tpu.memory_space<vmem>> -> memref<1x5x80xi32, #tpu.memory_space<vmem>>
          %dma_wait3A_771 = tpu.memref_squeeze %dma_wait3A_770 : memref<1x5x80xi32, #tpu.memory_space<vmem>> -> memref<5x80xi32, #tpu.memory_space<vmem>>
          %dma_wait3A_772 = arith.constant 0 : i32
          %dma_wait3A_773 = arith.constant 0 : i32
          %dma_wait3A_774 = tpu.memref_slice %arg5[%add3A_607, %dma_wait3A_772, %dma_wait3A_773] : memref<4000x5x80xi32, #tpu.memory_space<hbm>> -> memref<1x5x80xi32, #tpu.memory_space<hbm>>
          %dma_wait3A_775 = tpu.memref_squeeze %dma_wait3A_774 : memref<1x5x80xi32, #tpu.memory_space<hbm>> -> memref<5x80xi32, #tpu.memory_space<hbm>>
          tpu.wait_dma2 semaphore(%run_scoped3A_743 : memref<!tpu.dma_semaphore, #tpu.memory_space<semaphore_mem>>) src(%dma_wait3A_775 : memref<5x80xi32, #tpu.memory_space<hbm>>) dst(%dma_wait3A_771 : memref<5x80xi32, #tpu.memory_space<vmem>>)
          tpu.yield
        }) : () -> ()
        %dma_start3A_611 = arith.constant 0 : i32
        %dma_start3A_612 = arith.constant 0 : i32
        %dma_start3A_613 = tpu.memref_slice %arg11[%sub3A_608, %dma_start3A_612] : memref<2x400xf32, #tpu.memory_space<vmem>> -> memref<1x400xf32, #tpu.memory_space<vmem>>
        %dma_start3A_614 = tpu.memref_squeeze %dma_start3A_613 : memref<1x400xf32, #tpu.memory_space<vmem>> -> memref<400xf32, #tpu.memory_space<vmem>>
        %dma_start3A_615 = tpu.memref_slice %arg6[%dma_start3A_611, %mul3A_610] : memref<2x1600000xf32, #tpu.memory_space<hbm>> -> memref<1x400xf32, #tpu.memory_space<hbm>>
        %dma_start3A_616 = tpu.memref_squeeze %dma_start3A_615 : memref<1x400xf32, #tpu.memory_space<hbm>> -> memref<400xf32, #tpu.memory_space<hbm>>
        %dma_start3A_617 = arith.constant 0 : i32
        %dma_start3A_618 = tpu.memref_slice %arg11[%sub3A_608, %dma_start3A_617] : memref<2x400xf32, #tpu.memory_space<vmem>> -> memref<1x400xf32, #tpu.memory_space<vmem>>
        %dma_start3A_619 = tpu.memref_squeeze %dma_start3A_618 : memref<1x400xf32, #tpu.memory_space<vmem>> -> memref<400xf32, #tpu.memory_space<vmem>>
        %dma_start3A_620 = tpu.memref_slice %arg6[%dma_start3A_611, %mul3A_610] : memref<2x1600000xf32, #tpu.memory_space<hbm>> -> memref<1x400xf32, #tpu.memory_space<hbm>>
        %dma_start3A_621 = tpu.memref_squeeze %dma_start3A_620 : memref<1x400xf32, #tpu.memory_space<hbm>> -> memref<400xf32, #tpu.memory_space<hbm>>
        tpu.enqueue_dma source(%dma_start3A_621 : memref<400xf32, #tpu.memory_space<hbm>>) target(%dma_start3A_619 : memref<400xf32, #tpu.memory_space<vmem>>) target_semaphore(%arg18 : memref<!tpu.dma_semaphore, #tpu.memory_space<semaphore_mem>>)
        %dma_start3A_622 = arith.constant 1 : i32
        %dma_start3A_623 = arith.constant 0 : i32
        %dma_start3A_624 = tpu.memref_slice %arg12[%sub3A_608, %dma_start3A_623] : memref<2x400xf32, #tpu.memory_space<vmem>> -> memref<1x400xf32, #tpu.memory_space<vmem>>
        %dma_start3A_625 = tpu.memref_squeeze %dma_start3A_624 : memref<1x400xf32, #tpu.memory_space<vmem>> -> memref<400xf32, #tpu.memory_space<vmem>>
        %dma_start3A_626 = tpu.memref_slice %arg6[%dma_start3A_622, %mul3A_610] : memref<2x1600000xf32, #tpu.memory_space<hbm>> -> memref<1x400xf32, #tpu.memory_space<hbm>>
        %dma_start3A_627 = tpu.memref_squeeze %dma_start3A_626 : memref<1x400xf32, #tpu.memory_space<hbm>> -> memref<400xf32, #tpu.memory_space<hbm>>
        %dma_start3A_628 = arith.constant 0 : i32
        %dma_start3A_629 = tpu.memref_slice %arg12[%sub3A_608, %dma_start3A_628] : memref<2x400xf32, #tpu.memory_space<vmem>> -> memref<1x400xf32, #tpu.memory_space<vmem>>
        %dma_start3A_630 = tpu.memref_squeeze %dma_start3A_629 : memref<1x400xf32, #tpu.memory_space<vmem>> -> memref<400xf32, #tpu.memory_space<vmem>>
        %dma_start3A_631 = tpu.memref_slice %arg6[%dma_start3A_622, %mul3A_610] : memref<2x1600000xf32, #tpu.memory_space<hbm>> -> memref<1x400xf32, #tpu.memory_space<hbm>>
        %dma_start3A_632 = tpu.memref_squeeze %dma_start3A_631 : memref<1x400xf32, #tpu.memory_space<hbm>> -> memref<400xf32, #tpu.memory_space<hbm>>
        tpu.enqueue_dma source(%dma_start3A_632 : memref<400xf32, #tpu.memory_space<hbm>>) target(%dma_start3A_630 : memref<400xf32, #tpu.memory_space<vmem>>) target_semaphore(%arg18 : memref<!tpu.dma_semaphore, #tpu.memory_space<semaphore_mem>>)
        %dma_start3A_633 = arith.constant 0 : i32
        %dma_start3A_634 = arith.constant 0 : i32
        %dma_start3A_635 = arith.constant 0 : i32
        %dma_start3A_636 = tpu.memref_slice %arg13[%sub3A_608, %dma_start3A_634, %dma_start3A_635] : memref<2x400x16xf32, #tpu.memory_space<vmem>> -> memref<1x80x16xf32, #tpu.memory_space<vmem>>
        %dma_start3A_637 = tpu.memref_squeeze %dma_start3A_636 : memref<1x80x16xf32, #tpu.memory_space<vmem>> -> memref<80x16xf32, #tpu.memory_space<vmem>>
        %dma_start3A_638 = arith.constant 0 : i32
        %dma_start3A_639 = tpu.memref_slice %arg9[%dma_start3A_633, %dma_start3A_638] : memref<5x80xi32, #tpu.memory_space<vmem>> -> memref<1x80xi32, #tpu.memory_space<vmem>>
        %dma_start3A_640 = tpu.memref_squeeze %dma_start3A_639 : memref<1x80xi32, #tpu.memory_space<vmem>> -> memref<80xi32, #tpu.memory_space<vmem>>
        %dma_start3A_641 = arith.constant 0 : i32
        %dma_start3A_642 = arith.constant 0 : i32
        %dma_start3A_643 = tpu.memref_slice %arg2[%dma_start3A_641, %dma_start3A_642] : memref<51200x16xf32, #tpu.memory_space<hbm>> -> memref<51200x16xf32, #tpu.memory_space<hbm>>
        tpu.enqueue_indirect_dma source(%dma_start3A_643 : memref<51200x16xf32, #tpu.memory_space<hbm>>) target(%dma_start3A_637 : memref<80x16xf32, #tpu.memory_space<vmem>>) offsets(%dma_start3A_640 : memref<80xi32, #tpu.memory_space<vmem>>) semaphore(%arg18 : memref<!tpu.dma_semaphore, #tpu.memory_space<semaphore_mem>>)
        %dma_start3A_644 = arith.constant 0 : i32
        %dma_start3A_645 = arith.constant 0 : i32
        %dma_start3A_646 = arith.constant 0 : i32
        %dma_start3A_647 = tpu.memref_slice %arg14[%sub3A_608, %dma_start3A_645, %dma_start3A_646] : memref<2x400x16xf32, #tpu.memory_space<vmem>> -> memref<1x80x16xf32, #tpu.memory_space<vmem>>
        %dma_start3A_648 = tpu.memref_squeeze %dma_start3A_647 : memref<1x80x16xf32, #tpu.memory_space<vmem>> -> memref<80x16xf32, #tpu.memory_space<vmem>>
        %dma_start3A_649 = arith.constant 0 : i32
        %dma_start3A_650 = tpu.memref_slice %arg10[%sub3A_608, %dma_start3A_644, %dma_start3A_649] : memref<2x5x80xi32, #tpu.memory_space<vmem>> -> memref<1x1x80xi32, #tpu.memory_space<vmem>>
        %dma_start3A_651 = tpu.memref_squeeze %dma_start3A_650 : memref<1x1x80xi32, #tpu.memory_space<vmem>> -> memref<80xi32, #tpu.memory_space<vmem>>
        %dma_start3A_652 = arith.constant 0 : i32
        %dma_start3A_653 = arith.constant 0 : i32
        %dma_start3A_654 = tpu.memref_slice %arg3[%dma_start3A_652, %dma_start3A_653] : memref<51200x16xf32, #tpu.memory_space<hbm>> -> memref<51200x16xf32, #tpu.memory_space<hbm>>
        tpu.enqueue_indirect_dma source(%dma_start3A_654 : memref<51200x16xf32, #tpu.memory_space<hbm>>) target(%dma_start3A_648 : memref<80x16xf32, #tpu.memory_space<vmem>>) offsets(%dma_start3A_651 : memref<80xi32, #tpu.memory_space<vmem>>) semaphore(%arg18 : memref<!tpu.dma_semaphore, #tpu.memory_space<semaphore_mem>>)
        %dma_start3A_655 = arith.constant 1 : i32
        %dma_start3A_656 = arith.constant 80 : i32
        %dma_start3A_657 = arith.constant 0 : i32
        %dma_start3A_658 = tpu.memref_slice %arg13[%sub3A_608, %dma_start3A_656, %dma_start3A_657] : memref<2x400x16xf32, #tpu.memory_space<vmem>> -> memref<1x80x16xf32, #tpu.memory_space<vmem>>
        %dma_start3A_659 = tpu.memref_squeeze %dma_start3A_658 : memref<1x80x16xf32, #tpu.memory_space<vmem>> -> memref<80x16xf32, #tpu.memory_space<vmem>>
        %dma_start3A_660 = arith.constant 0 : i32
        %dma_start3A_661 = tpu.memref_slice %arg9[%dma_start3A_655, %dma_start3A_660] : memref<5x80xi32, #tpu.memory_space<vmem>> -> memref<1x80xi32, #tpu.memory_space<vmem>>
        %dma_start3A_662 = tpu.memref_squeeze %dma_start3A_661 : memref<1x80xi32, #tpu.memory_space<vmem>> -> memref<80xi32, #tpu.memory_space<vmem>>
        %dma_start3A_663 = arith.constant 0 : i32
        %dma_start3A_664 = arith.constant 0 : i32
        %dma_start3A_665 = tpu.memref_slice %arg2[%dma_start3A_663, %dma_start3A_664] : memref<51200x16xf32, #tpu.memory_space<hbm>> -> memref<51200x16xf32, #tpu.memory_space<hbm>>
        tpu.enqueue_indirect_dma source(%dma_start3A_665 : memref<51200x16xf32, #tpu.memory_space<hbm>>) target(%dma_start3A_659 : memref<80x16xf32, #tpu.memory_space<vmem>>) offsets(%dma_start3A_662 : memref<80xi32, #tpu.memory_space<vmem>>) semaphore(%arg18 : memref<!tpu.dma_semaphore, #tpu.memory_space<semaphore_mem>>)
        %dma_start3A_666 = arith.constant 1 : i32
        %dma_start3A_667 = arith.constant 80 : i32
        %dma_start3A_668 = arith.constant 0 : i32
        %dma_start3A_669 = tpu.memref_slice %arg14[%sub3A_608, %dma_start3A_667, %dma_start3A_668] : memref<2x400x16xf32, #tpu.memory_space<vmem>> -> memref<1x80x16xf32, #tpu.memory_space<vmem>>
        %dma_start3A_670 = tpu.memref_squeeze %dma_start3A_669 : memref<1x80x16xf32, #tpu.memory_space<vmem>> -> memref<80x16xf32, #tpu.memory_space<vmem>>
        %dma_start3A_671 = arith.constant 0 : i32
        %dma_start3A_672 = tpu.memref_slice %arg10[%sub3A_608, %dma_start3A_666, %dma_start3A_671] : memref<2x5x80xi32, #tpu.memory_space<vmem>> -> memref<1x1x80xi32, #tpu.memory_space<vmem>>
        %dma_start3A_673 = tpu.memref_squeeze %dma_start3A_672 : memref<1x1x80xi32, #tpu.memory_space<vmem>> -> memref<80xi32, #tpu.memory_space<vmem>>
        %dma_start3A_674 = arith.constant 0 : i32
        %dma_start3A_675 = arith.constant 0 : i32
        %dma_start3A_676 = tpu.memref_slice %arg3[%dma_start3A_674, %dma_start3A_675] : memref<51200x16xf32, #tpu.memory_space<hbm>> -> memref<51200x16xf32, #tpu.memory_space<hbm>>
        tpu.enqueue_indirect_dma source(%dma_start3A_676 : memref<51200x16xf32, #tpu.memory_space<hbm>>) target(%dma_start3A_670 : memref<80x16xf32, #tpu.memory_space<vmem>>) offsets(%dma_start3A_673 : memref<80xi32, #tpu.memory_space<vmem>>) semaphore(%arg18 : memref<!tpu.dma_semaphore, #tpu.memory_space<semaphore_mem>>)
        %dma_start3A_677 = arith.constant 2 : i32
        %dma_start3A_678 = arith.constant 160 : i32
        %dma_start3A_679 = arith.constant 0 : i32
        %dma_start3A_680 = tpu.memref_slice %arg13[%sub3A_608, %dma_start3A_678, %dma_start3A_679] : memref<2x400x16xf32, #tpu.memory_space<vmem>> -> memref<1x80x16xf32, #tpu.memory_space<vmem>>
        %dma_start3A_681 = tpu.memref_squeeze %dma_start3A_680 : memref<1x80x16xf32, #tpu.memory_space<vmem>> -> memref<80x16xf32, #tpu.memory_space<vmem>>
        %dma_start3A_682 = arith.constant 0 : i32
        %dma_start3A_683 = tpu.memref_slice %arg9[%dma_start3A_677, %dma_start3A_682] : memref<5x80xi32, #tpu.memory_space<vmem>> -> memref<1x80xi32, #tpu.memory_space<vmem>>
        %dma_start3A_684 = tpu.memref_squeeze %dma_start3A_683 : memref<1x80xi32, #tpu.memory_space<vmem>> -> memref<80xi32, #tpu.memory_space<vmem>>
        %dma_start3A_685 = arith.constant 0 : i32
        %dma_start3A_686 = arith.constant 0 : i32
        %dma_start3A_687 = tpu.memref_slice %arg2[%dma_start3A_685, %dma_start3A_686] : memref<51200x16xf32, #tpu.memory_space<hbm>> -> memref<51200x16xf32, #tpu.memory_space<hbm>>
        tpu.enqueue_indirect_dma source(%dma_start3A_687 : memref<51200x16xf32, #tpu.memory_space<hbm>>) target(%dma_start3A_681 : memref<80x16xf32, #tpu.memory_space<vmem>>) offsets(%dma_start3A_684 : memref<80xi32, #tpu.memory_space<vmem>>) semaphore(%arg18 : memref<!tpu.dma_semaphore, #tpu.memory_space<semaphore_mem>>)
        %dma_start3A_688 = arith.constant 2 : i32
        %dma_start3A_689 = arith.constant 160 : i32
        %dma_start3A_690 = arith.constant 0 : i32
        %dma_start3A_691 = tpu.memref_slice %arg14[%sub3A_608, %dma_start3A_689, %dma_start3A_690] : memref<2x400x16xf32, #tpu.memory_space<vmem>> -> memref<1x80x16xf32, #tpu.memory_space<vmem>>
        %dma_start3A_692 = tpu.memref_squeeze %dma_start3A_691 : memref<1x80x16xf32, #tpu.memory_space<vmem>> -> memref<80x16xf32, #tpu.memory_space<vmem>>
        %dma_start3A_693 = arith.constant 0 : i32
        %dma_start3A_694 = tpu.memref_slice %arg10[%sub3A_608, %dma_start3A_688, %dma_start3A_693] : memref<2x5x80xi32, #tpu.memory_space<vmem>> -> memref<1x1x80xi32, #tpu.memory_space<vmem>>
        %dma_start3A_695 = tpu.memref_squeeze %dma_start3A_694 : memref<1x1x80xi32, #tpu.memory_space<vmem>> -> memref<80xi32, #tpu.memory_space<vmem>>
        %dma_start3A_696 = arith.constant 0 : i32
        %dma_start3A_697 = arith.constant 0 : i32
        %dma_start3A_698 = tpu.memref_slice %arg3[%dma_start3A_696, %dma_start3A_697] : memref<51200x16xf32, #tpu.memory_space<hbm>> -> memref<51200x16xf32, #tpu.memory_space<hbm>>
        tpu.enqueue_indirect_dma source(%dma_start3A_698 : memref<51200x16xf32, #tpu.memory_space<hbm>>) target(%dma_start3A_692 : memref<80x16xf32, #tpu.memory_space<vmem>>) offsets(%dma_start3A_695 : memref<80xi32, #tpu.memory_space<vmem>>) semaphore(%arg18 : memref<!tpu.dma_semaphore, #tpu.memory_space<semaphore_mem>>)
        %dma_start3A_699 = arith.constant 3 : i32
        %dma_start3A_700 = arith.constant 240 : i32
        %dma_start3A_701 = arith.constant 0 : i32
        %dma_start3A_702 = tpu.memref_slice %arg13[%sub3A_608, %dma_start3A_700, %dma_start3A_701] : memref<2x400x16xf32, #tpu.memory_space<vmem>> -> memref<1x80x16xf32, #tpu.memory_space<vmem>>
        %dma_start3A_703 = tpu.memref_squeeze %dma_start3A_702 : memref<1x80x16xf32, #tpu.memory_space<vmem>> -> memref<80x16xf32, #tpu.memory_space<vmem>>
        %dma_start3A_704 = arith.constant 0 : i32
        %dma_start3A_705 = tpu.memref_slice %arg9[%dma_start3A_699, %dma_start3A_704] : memref<5x80xi32, #tpu.memory_space<vmem>> -> memref<1x80xi32, #tpu.memory_space<vmem>>
        %dma_start3A_706 = tpu.memref_squeeze %dma_start3A_705 : memref<1x80xi32, #tpu.memory_space<vmem>> -> memref<80xi32, #tpu.memory_space<vmem>>
        %dma_start3A_707 = arith.constant 0 : i32
        %dma_start3A_708 = arith.constant 0 : i32
        %dma_start3A_709 = tpu.memref_slice %arg2[%dma_start3A_707, %dma_start3A_708] : memref<51200x16xf32, #tpu.memory_space<hbm>> -> memref<51200x16xf32, #tpu.memory_space<hbm>>
        tpu.enqueue_indirect_dma source(%dma_start3A_709 : memref<51200x16xf32, #tpu.memory_space<hbm>>) target(%dma_start3A_703 : memref<80x16xf32, #tpu.memory_space<vmem>>) offsets(%dma_start3A_706 : memref<80xi32, #tpu.memory_space<vmem>>) semaphore(%arg18 : memref<!tpu.dma_semaphore, #tpu.memory_space<semaphore_mem>>)
        %dma_start3A_710 = arith.constant 3 : i32
        %dma_start3A_711 = arith.constant 240 : i32
        %dma_start3A_712 = arith.constant 0 : i32
        %dma_start3A_713 = tpu.memref_slice %arg14[%sub3A_608, %dma_start3A_711, %dma_start3A_712] : memref<2x400x16xf32, #tpu.memory_space<vmem>> -> memref<1x80x16xf32, #tpu.memory_space<vmem>>
        %dma_start3A_714 = tpu.memref_squeeze %dma_start3A_713 : memref<1x80x16xf32, #tpu.memory_space<vmem>> -> memref<80x16xf32, #tpu.memory_space<vmem>>
        %dma_start3A_715 = arith.constant 0 : i32
        %dma_start3A_716 = tpu.memref_slice %arg10[%sub3A_608, %dma_start3A_710, %dma_start3A_715] : memref<2x5x80xi32, #tpu.memory_space<vmem>> -> memref<1x1x80xi32, #tpu.memory_space<vmem>>
        %dma_start3A_717 = tpu.memref_squeeze %dma_start3A_716 : memref<1x1x80xi32, #tpu.memory_space<vmem>> -> memref<80xi32, #tpu.memory_space<vmem>>
        %dma_start3A_718 = arith.constant 0 : i32
        %dma_start3A_719 = arith.constant 0 : i32
        %dma_start3A_720 = tpu.memref_slice %arg3[%dma_start3A_718, %dma_start3A_719] : memref<51200x16xf32, #tpu.memory_space<hbm>> -> memref<51200x16xf32, #tpu.memory_space<hbm>>
        tpu.enqueue_indirect_dma source(%dma_start3A_720 : memref<51200x16xf32, #tpu.memory_space<hbm>>) target(%dma_start3A_714 : memref<80x16xf32, #tpu.memory_space<vmem>>) offsets(%dma_start3A_717 : memref<80xi32, #tpu.memory_space<vmem>>) semaphore(%arg18 : memref<!tpu.dma_semaphore, #tpu.memory_space<semaphore_mem>>)
        %dma_start3A_721 = arith.constant 4 : i32
        %dma_start3A_722 = arith.constant 320 : i32
        %dma_start3A_723 = arith.constant 0 : i32
        %dma_start3A_724 = tpu.memref_slice %arg13[%sub3A_608, %dma_start3A_722, %dma_start3A_723] : memref<2x400x16xf32, #tpu.memory_space<vmem>> -> memref<1x80x16xf32, #tpu.memory_space<vmem>>
        %dma_start3A_725 = tpu.memref_squeeze %dma_start3A_724 : memref<1x80x16xf32, #tpu.memory_space<vmem>> -> memref<80x16xf32, #tpu.memory_space<vmem>>
        %dma_start3A_726 = arith.constant 0 : i32
        %dma_start3A_727 = tpu.memref_slice %arg9[%dma_start3A_721, %dma_start3A_726] : memref<5x80xi32, #tpu.memory_space<vmem>> -> memref<1x80xi32, #tpu.memory_space<vmem>>
        %dma_start3A_728 = tpu.memref_squeeze %dma_start3A_727 : memref<1x80xi32, #tpu.memory_space<vmem>> -> memref<80xi32, #tpu.memory_space<vmem>>
        %dma_start3A_729 = arith.constant 0 : i32
        %dma_start3A_730 = arith.constant 0 : i32
        %dma_start3A_731 = tpu.memref_slice %arg2[%dma_start3A_729, %dma_start3A_730] : memref<51200x16xf32, #tpu.memory_space<hbm>> -> memref<51200x16xf32, #tpu.memory_space<hbm>>
        tpu.enqueue_indirect_dma source(%dma_start3A_731 : memref<51200x16xf32, #tpu.memory_space<hbm>>) target(%dma_start3A_725 : memref<80x16xf32, #tpu.memory_space<vmem>>) offsets(%dma_start3A_728 : memref<80xi32, #tpu.memory_space<vmem>>) semaphore(%arg18 : memref<!tpu.dma_semaphore, #tpu.memory_space<semaphore_mem>>)
        %dma_start3A_732 = arith.constant 4 : i32
        %dma_start3A_733 = arith.constant 320 : i32
        %dma_start3A_734 = arith.constant 0 : i32
        %dma_start3A_735 = tpu.memref_slice %arg14[%sub3A_608, %dma_start3A_733, %dma_start3A_734] : memref<2x400x16xf32, #tpu.memory_space<vmem>> -> memref<1x80x16xf32, #tpu.memory_space<vmem>>
        %dma_start3A_736 = tpu.memref_squeeze %dma_start3A_735 : memref<1x80x16xf32, #tpu.memory_space<vmem>> -> memref<80x16xf32, #tpu.memory_space<vmem>>
        %dma_start3A_737 = arith.constant 0 : i32
        %dma_start3A_738 = tpu.memref_slice %arg10[%sub3A_608, %dma_start3A_732, %dma_start3A_737] : memref<2x5x80xi32, #tpu.memory_space<vmem>> -> memref<1x1x80xi32, #tpu.memory_space<vmem>>
        %dma_start3A_739 = tpu.memref_squeeze %dma_start3A_738 : memref<1x1x80xi32, #tpu.memory_space<vmem>> -> memref<80xi32, #tpu.memory_space<vmem>>
        %dma_start3A_740 = arith.constant 0 : i32
        %dma_start3A_741 = arith.constant 0 : i32
        %dma_start3A_742 = tpu.memref_slice %arg3[%dma_start3A_740, %dma_start3A_741] : memref<51200x16xf32, #tpu.memory_space<hbm>> -> memref<51200x16xf32, #tpu.memory_space<hbm>>
        tpu.enqueue_indirect_dma source(%dma_start3A_742 : memref<51200x16xf32, #tpu.memory_space<hbm>>) target(%dma_start3A_736 : memref<80x16xf32, #tpu.memory_space<vmem>>) offsets(%dma_start3A_739 : memref<80xi32, #tpu.memory_space<vmem>>) semaphore(%arg18 : memref<!tpu.dma_semaphore, #tpu.memory_space<semaphore_mem>>)
      } else {
      }
      %parallel_loop3A = arith.constant 0 : i32
      %parallel_loop3A_491 = arith.constant 400 : i32
      %parallel_loop3A_492 = arith.constant 1 : i32
      scf.for %parallel_loop3A_603 = %parallel_loop3A to %parallel_loop3A_491 step %parallel_loop3A_492  : i32 {
        %parallel_loop3A_604 = arith.constant 16 : i32
        %parallel_loop3A_605 = arith.divsi %parallel_loop3A_603, %parallel_loop3A_604 : i32
        %parallel_loop3A_606 = arith.constant 0 : i32
        %parallel_loop3A_607 = arith.cmpi sgt, %parallel_loop3A_603, %parallel_loop3A_606 : i32
        %parallel_loop3A_608 = arith.extui %parallel_loop3A_607 : i1 to i32
        %parallel_loop3A_609 = arith.constant 0 : i32
        %parallel_loop3A_610 = arith.cmpi slt, %parallel_loop3A_603, %parallel_loop3A_609 : i32
        %parallel_loop3A_611 = arith.extui %parallel_loop3A_610 : i1 to i32
        %parallel_loop3A_612 = arith.subi %parallel_loop3A_608, %parallel_loop3A_611 : i32
        %parallel_loop3A_613 = arith.constant 0 : i32
        %parallel_loop3A_614 = arith.cmpi sgt, %parallel_loop3A_604, %parallel_loop3A_613 : i32
        %parallel_loop3A_615 = arith.extui %parallel_loop3A_614 : i1 to i32
        %parallel_loop3A_616 = arith.constant 0 : i32
        %parallel_loop3A_617 = arith.cmpi slt, %parallel_loop3A_604, %parallel_loop3A_616 : i32
        %parallel_loop3A_618 = arith.extui %parallel_loop3A_617 : i1 to i32
        %parallel_loop3A_619 = arith.subi %parallel_loop3A_615, %parallel_loop3A_618 : i32
        %parallel_loop3A_620 = arith.cmpi ne, %parallel_loop3A_612, %parallel_loop3A_619 : i32
        %parallel_loop3A_621 = arith.remsi %parallel_loop3A_603, %parallel_loop3A_604 : i32
        %parallel_loop3A_622 = arith.constant 0 : i32
        %parallel_loop3A_623 = arith.cmpi ne, %parallel_loop3A_621, %parallel_loop3A_622 : i32
        %parallel_loop3A_624 = arith.andi %parallel_loop3A_620, %parallel_loop3A_623 : i1
        %parallel_loop3A_625 = arith.constant 1 : i32
        %parallel_loop3A_626 = arith.subi %parallel_loop3A_605, %parallel_loop3A_625 : i32
        %parallel_loop3A_627 = arith.select %parallel_loop3A_624, %parallel_loop3A_626, %parallel_loop3A_605 : i32
        %parallel_loop3A_628 = arith.constant 16 : i32
        %parallel_loop3A_629 = arith.muli %parallel_loop3A_627, %parallel_loop3A_628 : i32
        %parallel_loop3A_630 = arith.constant 16 : i32
        %parallel_loop3A_631 = arith.constant 0 : i32
        %parallel_loop3A_632 = arith.cmpi eq, %parallel_loop3A_630, %parallel_loop3A_631 : i32
        %parallel_loop3A_633 = arith.constant 1 : i32
        %parallel_loop3A_634 = arith.select %parallel_loop3A_632, %parallel_loop3A_633, %parallel_loop3A_630 : i32
        %parallel_loop3A_635 = arith.remsi %parallel_loop3A_603, %parallel_loop3A_634 : i32
        %parallel_loop3A_636 = arith.constant 0 : i32
        %parallel_loop3A_637 = arith.cmpi ne, %parallel_loop3A_635, %parallel_loop3A_636 : i32
        %parallel_loop3A_638 = arith.constant 0 : i32
        %parallel_loop3A_639 = arith.cmpi slt, %parallel_loop3A_635, %parallel_loop3A_638 : i32
        %parallel_loop3A_640 = arith.constant 0 : i32
        %parallel_loop3A_641 = arith.cmpi slt, %parallel_loop3A_634, %parallel_loop3A_640 : i32
        %parallel_loop3A_642 = arith.xori %parallel_loop3A_639, %parallel_loop3A_641 : i1
        %parallel_loop3A_643 = arith.andi %parallel_loop3A_642, %parallel_loop3A_637 : i1
        %parallel_loop3A_644 = arith.addi %parallel_loop3A_635, %parallel_loop3A_634 : i32
        %parallel_loop3A_645 = arith.select %parallel_loop3A_643, %parallel_loop3A_644, %parallel_loop3A_635 : i32
        %parallel_loop3A_646 = vector.broadcast %parallel_loop3A_645 : i32 to vector<16xi32>
        %parallel_loop3A_647 = arith.index_cast %select_n3A_333 : i32 to index
        %parallel_loop3A_648 = arith.index_cast %parallel_loop3A_629 : i32 to index
        %parallel_loop3A_649 = tpu.vector_load %arg11[%parallel_loop3A_647, %parallel_loop3A_648] {strides = array<i32>} : memref<2x400xf32, #tpu.memory_space<vmem>>, vector<1x16xf32>,
        %parallel_loop3A_650 = vector.shape_cast %parallel_loop3A_649 : vector<1x16xf32> to vector<16xf32>
        %parallel_loop3A_651 = vector.shape_cast %parallel_loop3A_646 : vector<16xi32> to vector<16x1xi32>
        %parallel_loop3A_652 = vector.shape_cast %parallel_loop3A_651 : vector<16x1xi32> to vector<16xi32>
        %parallel_loop3A_653 = tpu.dynamic_gather %parallel_loop3A_650[%parallel_loop3A_652] in [0] : vector<16xf32>, vector<16xi32> -> vector<16xf32>
        %parallel_loop3A_654 = arith.index_cast %select_n3A_333 : i32 to index
        %parallel_loop3A_655 = arith.index_cast %parallel_loop3A_629 : i32 to index
        %parallel_loop3A_656 = tpu.vector_load %arg12[%parallel_loop3A_654, %parallel_loop3A_655] {strides = array<i32>} : memref<2x400xf32, #tpu.memory_space<vmem>>, vector<1x16xf32>,
        %parallel_loop3A_657 = vector.shape_cast %parallel_loop3A_656 : vector<1x16xf32> to vector<16xf32>
        %parallel_loop3A_658 = vector.shape_cast %parallel_loop3A_646 : vector<16xi32> to vector<16x1xi32>
        %parallel_loop3A_659 = vector.shape_cast %parallel_loop3A_658 : vector<16x1xi32> to vector<16xi32>
        %parallel_loop3A_660 = tpu.dynamic_gather %parallel_loop3A_657[%parallel_loop3A_659] in [0] : vector<16xf32>, vector<16xi32> -> vector<16xf32>
        %parallel_loop3A_661 = arith.index_cast %select_n3A_333 : i32 to index
        %parallel_loop3A_662 = arith.index_cast %parallel_loop3A_603 : i32 to index
        %parallel_loop3A_663 = arith.constant 0 : index
        %parallel_loop3A_664 = tpu.vector_load %arg13[%parallel_loop3A_661, %parallel_loop3A_662, %parallel_loop3A_663] {strides = array<i32>} : memref<2x400x16xf32, #tpu.memory_space<vmem>>, vector<1x1x16xf32>,
        %parallel_loop3A_665 = vector.shape_cast %parallel_loop3A_664 : vector<1x1x16xf32> to vector<16xf32>
        %parallel_loop3A_666 = arith.index_cast %select_n3A_333 : i32 to index
        %parallel_loop3A_667 = arith.index_cast %parallel_loop3A_603 : i32 to index
        %parallel_loop3A_668 = arith.constant 0 : index
        %parallel_loop3A_669 = tpu.vector_load %arg14[%parallel_loop3A_666, %parallel_loop3A_667, %parallel_loop3A_668] {strides = array<i32>} : memref<2x400x16xf32, #tpu.memory_space<vmem>>, vector<1x1x16xf32>,
        %parallel_loop3A_670 = vector.shape_cast %parallel_loop3A_669 : vector<1x1x16xf32> to vector<16xf32>
        %parallel_loop3A_671 = arith.addf %parallel_loop3A_665, %parallel_loop3A_670 : vector<16xf32>
        %parallel_loop3A_672 = arith.mulf %parallel_loop3A_653, %get3A_4 : vector<16xf32>
        %parallel_loop3A_673 = arith.addf %parallel_loop3A_671, %parallel_loop3A_672 : vector<16xf32>
        %parallel_loop3A_674 = arith.mulf %parallel_loop3A_660, %get3A_9 : vector<16xf32>
        %parallel_loop3A_675 = arith.addf %parallel_loop3A_673, %parallel_loop3A_674 : vector<16xf32>
        %parallel_loop3A_676 = arith.constant 2.000000e-01 : f32
        %parallel_loop3A_677 = vector.broadcast %parallel_loop3A_676 : f32 to vector<16xf32>
        %parallel_loop3A_678 = arith.mulf %parallel_loop3A_677, %parallel_loop3A_675 : vector<16xf32>
        %parallel_loop3A_679 = arith.maximumf %parallel_loop3A_675, %parallel_loop3A_678 : vector<16xf32>
        %parallel_loop3A_680 = arith.mulf %parallel_loop3A_679, %get3A_14 : vector<16xf32>
        %parallel_loop3A_681 = vector.shape_cast %xor3A_16 : vector<16xi32> to vector<16x1xi32>
        %parallel_loop3A_682 = vector.shape_cast %parallel_loop3A_681 : vector<16x1xi32> to vector<16xi32>
        %parallel_loop3A_683 = tpu.dynamic_gather %parallel_loop3A_680[%parallel_loop3A_682] in [0] : vector<16xf32>, vector<16xi32> -> vector<16xf32>
        %parallel_loop3A_684 = arith.addf %parallel_loop3A_680, %parallel_loop3A_683 : vector<16xf32>
        %parallel_loop3A_685 = vector.shape_cast %xor3A_19 : vector<16xi32> to vector<16x1xi32>
        %parallel_loop3A_686 = vector.shape_cast %parallel_loop3A_685 : vector<16x1xi32> to vector<16xi32>
        %parallel_loop3A_687 = tpu.dynamic_gather %parallel_loop3A_684[%parallel_loop3A_686] in [0] : vector<16xf32>, vector<16xi32> -> vector<16xf32>
        %parallel_loop3A_688 = arith.addf %parallel_loop3A_684, %parallel_loop3A_687 : vector<16xf32>
        %parallel_loop3A_689 = vector.shape_cast %xor3A_22 : vector<16xi32> to vector<16x1xi32>
        %parallel_loop3A_690 = vector.shape_cast %parallel_loop3A_689 : vector<16x1xi32> to vector<16xi32>
        %parallel_loop3A_691 = tpu.dynamic_gather %parallel_loop3A_688[%parallel_loop3A_690] in [0] : vector<16xf32>, vector<16xi32> -> vector<16xf32>
        %parallel_loop3A_692 = arith.addf %parallel_loop3A_688, %parallel_loop3A_691 : vector<16xf32>
        %parallel_loop3A_693 = arith.constant -6.000000e+01 : f32
        %parallel_loop3A_694 = arith.constant 6.000000e+01 : f32
        %parallel_loop3A_695 = vector.broadcast %parallel_loop3A_693 : f32 to vector<16xf32>
        %parallel_loop3A_696 = arith.maximumf %parallel_loop3A_695, %parallel_loop3A_692 : vector<16xf32>
        %parallel_loop3A_697 = vector.broadcast %parallel_loop3A_694 : f32 to vector<16xf32>
        %parallel_loop3A_698 = arith.minimumf %parallel_loop3A_697, %parallel_loop3A_696 : vector<16xf32>
        %parallel_loop3A_699 = math.exp %parallel_loop3A_698 : vector<16xf32>
        %parallel_loop3A_700 = arith.mulf %parallel_loop3A_665, %parallel_loop3A_699 : vector<16xf32>
        %parallel_loop3A_701 = arith.index_cast %select_n3A_333 : i32 to index
        %parallel_loop3A_702 = arith.index_cast %parallel_loop3A_603 : i32 to index
        %parallel_loop3A_703 = arith.constant 0 : index
        %parallel_loop3A_704 = tpu.vector_load %arg13[%parallel_loop3A_701, %parallel_loop3A_702, %parallel_loop3A_703] {strides = array<i32>} : memref<2x400x16xf32, #tpu.memory_space<vmem>>, vector<1x1x16xf32>,
        %parallel_loop3A_705 = vector.shape_cast %parallel_loop3A_704 : vector<1x1x16xf32> to vector<16xf32>
        %parallel_loop3A_706 = vector.shape_cast %parallel_loop3A_700 : vector<16xf32> to vector<1x1x16xf32>
        tpu.vector_store %arg13[%parallel_loop3A_701, %parallel_loop3A_702, %parallel_loop3A_703], %parallel_loop3A_706 {strides = array<i32>} : memref<2x400x16xf32, #tpu.memory_space<vmem>>, vector<1x1x16xf32>,
        %parallel_loop3A_707 = arith.index_cast %select_n3A_333 : i32 to index
        %parallel_loop3A_708 = arith.index_cast %parallel_loop3A_603 : i32 to index
        %parallel_loop3A_709 = arith.constant 0 : index
        %parallel_loop3A_710 = tpu.vector_load %arg14[%parallel_loop3A_707, %parallel_loop3A_708, %parallel_loop3A_709] {strides = array<i32>} : memref<2x400x16xf32, #tpu.memory_space<vmem>>, vector<1x1x16xf32>,
        %parallel_loop3A_711 = vector.shape_cast %parallel_loop3A_710 : vector<1x1x16xf32> to vector<16xf32>
        %parallel_loop3A_712 = vector.shape_cast %parallel_loop3A_699 : vector<16xf32> to vector<1x1x16xf32>
        tpu.vector_store %arg14[%parallel_loop3A_707, %parallel_loop3A_708, %parallel_loop3A_709], %parallel_loop3A_712 {strides = array<i32>} : memref<2x400x16xf32, #tpu.memory_space<vmem>>, vector<1x1x16xf32>,
      } {sc.loop_unroll_factor = 4 : i64, sc.parallel_access}
      %dma_start3A_493 = arith.constant 0 : i32
      %dma_start3A_494 = arith.constant 0 : i32
      %dma_start3A_495 = arith.constant 0 : i32
      %dma_start3A_496 = tpu.memref_slice %arg13[%select_n3A_333, %dma_start3A_494, %dma_start3A_495] : memref<2x400x16xf32, #tpu.memory_space<vmem>> -> memref<1x80x16xf32, #tpu.memory_space<vmem>>
      %dma_start3A_497 = tpu.memref_squeeze %dma_start3A_496 : memref<1x80x16xf32, #tpu.memory_space<vmem>> -> memref<80x16xf32, #tpu.memory_space<vmem>>
      %dma_start3A_498 = arith.constant 0 : i32
      %dma_start3A_499 = tpu.memref_slice %arg10[%select_n3A_333, %dma_start3A_493, %dma_start3A_498] : memref<2x5x80xi32, #tpu.memory_space<vmem>> -> memref<1x1x80xi32, #tpu.memory_space<vmem>>
      %dma_start3A_500 = tpu.memref_squeeze %dma_start3A_499 : memref<1x1x80xi32, #tpu.memory_space<vmem>> -> memref<80xi32, #tpu.memory_space<vmem>>
      %dma_start3A_501 = arith.constant 0 : i32
      %dma_start3A_502 = arith.constant 0 : i32
      %dma_start3A_503 = tpu.memref_slice %arg16[%dma_start3A_501, %dma_start3A_502] : memref<51200x16xf32, #tpu.memory_space<vmem_shared>> -> memref<51200x16xf32, #tpu.memory_space<vmem_shared>>
      tpu.enqueue_indirect_dma source(%dma_start3A_497 : memref<80x16xf32, #tpu.memory_space<vmem>>) target(%dma_start3A_503 : memref<51200x16xf32, #tpu.memory_space<vmem_shared>>) offsets(%dma_start3A_500 : memref<80xi32, #tpu.memory_space<vmem>>) semaphore(%arg19 : memref<!tpu.dma_semaphore, #tpu.memory_space<semaphore_mem>>) {add = true}
      %dma_start3A_504 = arith.constant 0 : i32
      %dma_start3A_505 = arith.constant 0 : i32
      %dma_start3A_506 = arith.constant 0 : i32
      %dma_start3A_507 = tpu.memref_slice %arg14[%select_n3A_333, %dma_start3A_505, %dma_start3A_506] : memref<2x400x16xf32, #tpu.memory_space<vmem>> -> memref<1x80x16xf32, #tpu.memory_space<vmem>>
      %dma_start3A_508 = tpu.memref_squeeze %dma_start3A_507 : memref<1x80x16xf32, #tpu.memory_space<vmem>> -> memref<80x16xf32, #tpu.memory_space<vmem>>
      %dma_start3A_509 = arith.constant 0 : i32
      %dma_start3A_510 = tpu.memref_slice %arg10[%select_n3A_333, %dma_start3A_504, %dma_start3A_509] : memref<2x5x80xi32, #tpu.memory_space<vmem>> -> memref<1x1x80xi32, #tpu.memory_space<vmem>>
      %dma_start3A_511 = tpu.memref_squeeze %dma_start3A_510 : memref<1x1x80xi32, #tpu.memory_space<vmem>> -> memref<80xi32, #tpu.memory_space<vmem>>
      %dma_start3A_512 = arith.constant 0 : i32
      %dma_start3A_513 = arith.constant 0 : i32
      %dma_start3A_514 = tpu.memref_slice %arg17[%dma_start3A_512, %dma_start3A_513] : memref<51200x16xf32, #tpu.memory_space<vmem_shared>> -> memref<51200x16xf32, #tpu.memory_space<vmem_shared>>
      tpu.enqueue_indirect_dma source(%dma_start3A_508 : memref<80x16xf32, #tpu.memory_space<vmem>>) target(%dma_start3A_514 : memref<51200x16xf32, #tpu.memory_space<vmem_shared>>) offsets(%dma_start3A_511 : memref<80xi32, #tpu.memory_space<vmem>>) semaphore(%arg19 : memref<!tpu.dma_semaphore, #tpu.memory_space<semaphore_mem>>) {add = true}
      %dma_start3A_515 = arith.constant 1 : i32
      %dma_start3A_516 = arith.constant 80 : i32
      %dma_start3A_517 = arith.constant 0 : i32
      %dma_start3A_518 = tpu.memref_slice %arg13[%select_n3A_333, %dma_start3A_516, %dma_start3A_517] : memref<2x400x16xf32, #tpu.memory_space<vmem>> -> memref<1x80x16xf32, #tpu.memory_space<vmem>>
      %dma_start3A_519 = tpu.memref_squeeze %dma_start3A_518 : memref<1x80x16xf32, #tpu.memory_space<vmem>> -> memref<80x16xf32, #tpu.memory_space<vmem>>
      %dma_start3A_520 = arith.constant 0 : i32
      %dma_start3A_521 = tpu.memref_slice %arg10[%select_n3A_333, %dma_start3A_515, %dma_start3A_520] : memref<2x5x80xi32, #tpu.memory_space<vmem>> -> memref<1x1x80xi32, #tpu.memory_space<vmem>>
      %dma_start3A_522 = tpu.memref_squeeze %dma_start3A_521 : memref<1x1x80xi32, #tpu.memory_space<vmem>> -> memref<80xi32, #tpu.memory_space<vmem>>
      %dma_start3A_523 = arith.constant 0 : i32
      %dma_start3A_524 = arith.constant 0 : i32
      %dma_start3A_525 = tpu.memref_slice %arg16[%dma_start3A_523, %dma_start3A_524] : memref<51200x16xf32, #tpu.memory_space<vmem_shared>> -> memref<51200x16xf32, #tpu.memory_space<vmem_shared>>
      tpu.enqueue_indirect_dma source(%dma_start3A_519 : memref<80x16xf32, #tpu.memory_space<vmem>>) target(%dma_start3A_525 : memref<51200x16xf32, #tpu.memory_space<vmem_shared>>) offsets(%dma_start3A_522 : memref<80xi32, #tpu.memory_space<vmem>>) semaphore(%arg19 : memref<!tpu.dma_semaphore, #tpu.memory_space<semaphore_mem>>) {add = true}
      %dma_start3A_526 = arith.constant 1 : i32
      %dma_start3A_527 = arith.constant 80 : i32
      %dma_start3A_528 = arith.constant 0 : i32
      %dma_start3A_529 = tpu.memref_slice %arg14[%select_n3A_333, %dma_start3A_527, %dma_start3A_528] : memref<2x400x16xf32, #tpu.memory_space<vmem>> -> memref<1x80x16xf32, #tpu.memory_space<vmem>>
      %dma_start3A_530 = tpu.memref_squeeze %dma_start3A_529 : memref<1x80x16xf32, #tpu.memory_space<vmem>> -> memref<80x16xf32, #tpu.memory_space<vmem>>
      %dma_start3A_531 = arith.constant 0 : i32
      %dma_start3A_532 = tpu.memref_slice %arg10[%select_n3A_333, %dma_start3A_526, %dma_start3A_531] : memref<2x5x80xi32, #tpu.memory_space<vmem>> -> memref<1x1x80xi32, #tpu.memory_space<vmem>>
      %dma_start3A_533 = tpu.memref_squeeze %dma_start3A_532 : memref<1x1x80xi32, #tpu.memory_space<vmem>> -> memref<80xi32, #tpu.memory_space<vmem>>
      %dma_start3A_534 = arith.constant 0 : i32
      %dma_start3A_535 = arith.constant 0 : i32
      %dma_start3A_536 = tpu.memref_slice %arg17[%dma_start3A_534, %dma_start3A_535] : memref<51200x16xf32, #tpu.memory_space<vmem_shared>> -> memref<51200x16xf32, #tpu.memory_space<vmem_shared>>
      tpu.enqueue_indirect_dma source(%dma_start3A_530 : memref<80x16xf32, #tpu.memory_space<vmem>>) target(%dma_start3A_536 : memref<51200x16xf32, #tpu.memory_space<vmem_shared>>) offsets(%dma_start3A_533 : memref<80xi32, #tpu.memory_space<vmem>>) semaphore(%arg19 : memref<!tpu.dma_semaphore, #tpu.memory_space<semaphore_mem>>) {add = true}
      %dma_start3A_537 = arith.constant 2 : i32
      %dma_start3A_538 = arith.constant 160 : i32
      %dma_start3A_539 = arith.constant 0 : i32
      %dma_start3A_540 = tpu.memref_slice %arg13[%select_n3A_333, %dma_start3A_538, %dma_start3A_539] : memref<2x400x16xf32, #tpu.memory_space<vmem>> -> memref<1x80x16xf32, #tpu.memory_space<vmem>>
      %dma_start3A_541 = tpu.memref_squeeze %dma_start3A_540 : memref<1x80x16xf32, #tpu.memory_space<vmem>> -> memref<80x16xf32, #tpu.memory_space<vmem>>
      %dma_start3A_542 = arith.constant 0 : i32
      %dma_start3A_543 = tpu.memref_slice %arg10[%select_n3A_333, %dma_start3A_537, %dma_start3A_542] : memref<2x5x80xi32, #tpu.memory_space<vmem>> -> memref<1x1x80xi32, #tpu.memory_space<vmem>>
      %dma_start3A_544 = tpu.memref_squeeze %dma_start3A_543 : memref<1x1x80xi32, #tpu.memory_space<vmem>> -> memref<80xi32, #tpu.memory_space<vmem>>
      %dma_start3A_545 = arith.constant 0 : i32
      %dma_start3A_546 = arith.constant 0 : i32
      %dma_start3A_547 = tpu.memref_slice %arg16[%dma_start3A_545, %dma_start3A_546] : memref<51200x16xf32, #tpu.memory_space<vmem_shared>> -> memref<51200x16xf32, #tpu.memory_space<vmem_shared>>
      tpu.enqueue_indirect_dma source(%dma_start3A_541 : memref<80x16xf32, #tpu.memory_space<vmem>>) target(%dma_start3A_547 : memref<51200x16xf32, #tpu.memory_space<vmem_shared>>) offsets(%dma_start3A_544 : memref<80xi32, #tpu.memory_space<vmem>>) semaphore(%arg19 : memref<!tpu.dma_semaphore, #tpu.memory_space<semaphore_mem>>) {add = true}
      %dma_start3A_548 = arith.constant 2 : i32
      %dma_start3A_549 = arith.constant 160 : i32
      %dma_start3A_550 = arith.constant 0 : i32
      %dma_start3A_551 = tpu.memref_slice %arg14[%select_n3A_333, %dma_start3A_549, %dma_start3A_550] : memref<2x400x16xf32, #tpu.memory_space<vmem>> -> memref<1x80x16xf32, #tpu.memory_space<vmem>>
      %dma_start3A_552 = tpu.memref_squeeze %dma_start3A_551 : memref<1x80x16xf32, #tpu.memory_space<vmem>> -> memref<80x16xf32, #tpu.memory_space<vmem>>
      %dma_start3A_553 = arith.constant 0 : i32
      %dma_start3A_554 = tpu.memref_slice %arg10[%select_n3A_333, %dma_start3A_548, %dma_start3A_553] : memref<2x5x80xi32, #tpu.memory_space<vmem>> -> memref<1x1x80xi32, #tpu.memory_space<vmem>>
      %dma_start3A_555 = tpu.memref_squeeze %dma_start3A_554 : memref<1x1x80xi32, #tpu.memory_space<vmem>> -> memref<80xi32, #tpu.memory_space<vmem>>
      %dma_start3A_556 = arith.constant 0 : i32
      %dma_start3A_557 = arith.constant 0 : i32
      %dma_start3A_558 = tpu.memref_slice %arg17[%dma_start3A_556, %dma_start3A_557] : memref<51200x16xf32, #tpu.memory_space<vmem_shared>> -> memref<51200x16xf32, #tpu.memory_space<vmem_shared>>
      tpu.enqueue_indirect_dma source(%dma_start3A_552 : memref<80x16xf32, #tpu.memory_space<vmem>>) target(%dma_start3A_558 : memref<51200x16xf32, #tpu.memory_space<vmem_shared>>) offsets(%dma_start3A_555 : memref<80xi32, #tpu.memory_space<vmem>>) semaphore(%arg19 : memref<!tpu.dma_semaphore, #tpu.memory_space<semaphore_mem>>) {add = true}
      %dma_start3A_559 = arith.constant 3 : i32
      %dma_start3A_560 = arith.constant 240 : i32
      %dma_start3A_561 = arith.constant 0 : i32
      %dma_start3A_562 = tpu.memref_slice %arg13[%select_n3A_333, %dma_start3A_560, %dma_start3A_561] : memref<2x400x16xf32, #tpu.memory_space<vmem>> -> memref<1x80x16xf32, #tpu.memory_space<vmem>>
      %dma_start3A_563 = tpu.memref_squeeze %dma_start3A_562 : memref<1x80x16xf32, #tpu.memory_space<vmem>> -> memref<80x16xf32, #tpu.memory_space<vmem>>
      %dma_start3A_564 = arith.constant 0 : i32
      %dma_start3A_565 = tpu.memref_slice %arg10[%select_n3A_333, %dma_start3A_559, %dma_start3A_564] : memref<2x5x80xi32, #tpu.memory_space<vmem>> -> memref<1x1x80xi32, #tpu.memory_space<vmem>>
      %dma_start3A_566 = tpu.memref_squeeze %dma_start3A_565 : memref<1x1x80xi32, #tpu.memory_space<vmem>> -> memref<80xi32, #tpu.memory_space<vmem>>
      %dma_start3A_567 = arith.constant 0 : i32
      %dma_start3A_568 = arith.constant 0 : i32
      %dma_start3A_569 = tpu.memref_slice %arg16[%dma_start3A_567, %dma_start3A_568] : memref<51200x16xf32, #tpu.memory_space<vmem_shared>> -> memref<51200x16xf32, #tpu.memory_space<vmem_shared>>
      tpu.enqueue_indirect_dma source(%dma_start3A_563 : memref<80x16xf32, #tpu.memory_space<vmem>>) target(%dma_start3A_569 : memref<51200x16xf32, #tpu.memory_space<vmem_shared>>) offsets(%dma_start3A_566 : memref<80xi32, #tpu.memory_space<vmem>>) semaphore(%arg19 : memref<!tpu.dma_semaphore, #tpu.memory_space<semaphore_mem>>) {add = true}
      %dma_start3A_570 = arith.constant 3 : i32
      %dma_start3A_571 = arith.constant 240 : i32
      %dma_start3A_572 = arith.constant 0 : i32
      %dma_start3A_573 = tpu.memref_slice %arg14[%select_n3A_333, %dma_start3A_571, %dma_start3A_572] : memref<2x400x16xf32, #tpu.memory_space<vmem>> -> memref<1x80x16xf32, #tpu.memory_space<vmem>>
      %dma_start3A_574 = tpu.memref_squeeze %dma_start3A_573 : memref<1x80x16xf32, #tpu.memory_space<vmem>> -> memref<80x16xf32, #tpu.memory_space<vmem>>
      %dma_start3A_575 = arith.constant 0 : i32
      %dma_start3A_576 = tpu.memref_slice %arg10[%select_n3A_333, %dma_start3A_570, %dma_start3A_575] : memref<2x5x80xi32, #tpu.memory_space<vmem>> -> memref<1x1x80xi32, #tpu.memory_space<vmem>>
      %dma_start3A_577 = tpu.memref_squeeze %dma_start3A_576 : memref<1x1x80xi32, #tpu.memory_space<vmem>> -> memref<80xi32, #tpu.memory_space<vmem>>
      %dma_start3A_578 = arith.constant 0 : i32
      %dma_start3A_579 = arith.constant 0 : i32
      %dma_start3A_580 = tpu.memref_slice %arg17[%dma_start3A_578, %dma_start3A_579] : memref<51200x16xf32, #tpu.memory_space<vmem_shared>> -> memref<51200x16xf32, #tpu.memory_space<vmem_shared>>
      tpu.enqueue_indirect_dma source(%dma_start3A_574 : memref<80x16xf32, #tpu.memory_space<vmem>>) target(%dma_start3A_580 : memref<51200x16xf32, #tpu.memory_space<vmem_shared>>) offsets(%dma_start3A_577 : memref<80xi32, #tpu.memory_space<vmem>>) semaphore(%arg19 : memref<!tpu.dma_semaphore, #tpu.memory_space<semaphore_mem>>) {add = true}
      %dma_start3A_581 = arith.constant 4 : i32
      %dma_start3A_582 = arith.constant 320 : i32
      %dma_start3A_583 = arith.constant 0 : i32
      %dma_start3A_584 = tpu.memref_slice %arg13[%select_n3A_333, %dma_start3A_582, %dma_start3A_583] : memref<2x400x16xf32, #tpu.memory_space<vmem>> -> memref<1x80x16xf32, #tpu.memory_space<vmem>>
      %dma_start3A_585 = tpu.memref_squeeze %dma_start3A_584 : memref<1x80x16xf32, #tpu.memory_space<vmem>> -> memref<80x16xf32, #tpu.memory_space<vmem>>
      %dma_start3A_586 = arith.constant 0 : i32
      %dma_start3A_587 = tpu.memref_slice %arg10[%select_n3A_333, %dma_start3A_581, %dma_start3A_586] : memref<2x5x80xi32, #tpu.memory_space<vmem>> -> memref<1x1x80xi32, #tpu.memory_space<vmem>>
      %dma_start3A_588 = tpu.memref_squeeze %dma_start3A_587 : memref<1x1x80xi32, #tpu.memory_space<vmem>> -> memref<80xi32, #tpu.memory_space<vmem>>
      %dma_start3A_589 = arith.constant 0 : i32
      %dma_start3A_590 = arith.constant 0 : i32
      %dma_start3A_591 = tpu.memref_slice %arg16[%dma_start3A_589, %dma_start3A_590] : memref<51200x16xf32, #tpu.memory_space<vmem_shared>> -> memref<51200x16xf32, #tpu.memory_space<vmem_shared>>
      tpu.enqueue_indirect_dma source(%dma_start3A_585 : memref<80x16xf32, #tpu.memory_space<vmem>>) target(%dma_start3A_591 : memref<51200x16xf32, #tpu.memory_space<vmem_shared>>) offsets(%dma_start3A_588 : memref<80xi32, #tpu.memory_space<vmem>>) semaphore(%arg19 : memref<!tpu.dma_semaphore, #tpu.memory_space<semaphore_mem>>) {add = true}
      %dma_start3A_592 = arith.constant 4 : i32
      %dma_start3A_593 = arith.constant 320 : i32
      %dma_start3A_594 = arith.constant 0 : i32
      %dma_start3A_595 = tpu.memref_slice %arg14[%select_n3A_333, %dma_start3A_593, %dma_start3A_594] : memref<2x400x16xf32, #tpu.memory_space<vmem>> -> memref<1x80x16xf32, #tpu.memory_space<vmem>>
      %dma_start3A_596 = tpu.memref_squeeze %dma_start3A_595 : memref<1x80x16xf32, #tpu.memory_space<vmem>> -> memref<80x16xf32, #tpu.memory_space<vmem>>
      %dma_start3A_597 = arith.constant 0 : i32
      %dma_start3A_598 = tpu.memref_slice %arg10[%select_n3A_333, %dma_start3A_592, %dma_start3A_597] : memref<2x5x80xi32, #tpu.memory_space<vmem>> -> memref<1x1x80xi32, #tpu.memory_space<vmem>>
      %dma_start3A_599 = tpu.memref_squeeze %dma_start3A_598 : memref<1x1x80xi32, #tpu.memory_space<vmem>> -> memref<80xi32, #tpu.memory_space<vmem>>
      %dma_start3A_600 = arith.constant 0 : i32
      %dma_start3A_601 = arith.constant 0 : i32
      %dma_start3A_602 = tpu.memref_slice %arg17[%dma_start3A_600, %dma_start3A_601] : memref<51200x16xf32, #tpu.memory_space<vmem_shared>> -> memref<51200x16xf32, #tpu.memory_space<vmem_shared>>
      tpu.enqueue_indirect_dma source(%dma_start3A_596 : memref<80x16xf32, #tpu.memory_space<vmem>>) target(%dma_start3A_602 : memref<51200x16xf32, #tpu.memory_space<vmem_shared>>) offsets(%dma_start3A_599 : memref<80xi32, #tpu.memory_space<vmem>>) semaphore(%arg19 : memref<!tpu.dma_semaphore, #tpu.memory_space<semaphore_mem>>) {add = true}
    }
    %scan3A_189 = arith.constant 125 : i32
    %dma_wait3A = arith.constant 0 : i32
    %dma_wait3A_190 = arith.constant 0 : i32
    %dma_wait3A_191 = arith.constant 0 : i32
    %dma_wait3A_192 = arith.constant 0 : i32
    %dma_wait3A_193 = arith.constant 0 : i32
    %dma_wait3A_194 = tpu.memref_slice %arg13[%dma_wait3A, %dma_wait3A_192, %dma_wait3A_193] : memref<2x400x16xf32, #tpu.memory_space<vmem>> -> memref<1x80x16xf32, #tpu.memory_space<vmem>>
    %dma_wait3A_195 = tpu.memref_squeeze %dma_wait3A_194 : memref<1x80x16xf32, #tpu.memory_space<vmem>> -> memref<80x16xf32, #tpu.memory_space<vmem>>
    %dma_wait3A_196 = arith.constant 0 : i32
    %dma_wait3A_197 = tpu.memref_slice %arg10[%dma_wait3A_190, %dma_wait3A_191, %dma_wait3A_196] : memref<2x5x80xi32, #tpu.memory_space<vmem>> -> memref<1x1x80xi32, #tpu.memory_space<vmem>>
    %dma_wait3A_198 = tpu.memref_squeeze %dma_wait3A_197 : memref<1x1x80xi32, #tpu.memory_space<vmem>> -> memref<80xi32, #tpu.memory_space<vmem>>
    %dma_wait3A_199 = arith.constant 0 : i32
    %dma_wait3A_200 = arith.constant 0 : i32
    %dma_wait3A_201 = tpu.memref_slice %arg16[%dma_wait3A_199, %dma_wait3A_200] : memref<51200x16xf32, #tpu.memory_space<vmem_shared>> -> memref<51200x16xf32, #tpu.memory_space<vmem_shared>>
    tpu.wait_indirect_dma semaphore(%arg19 : memref<!tpu.dma_semaphore, #tpu.memory_space<semaphore_mem>>) src(%dma_wait3A_195 : memref<80x16xf32, #tpu.memory_space<vmem>>) dst(%dma_wait3A_201 : memref<51200x16xf32, #tpu.memory_space<vmem_shared>>)
    %dma_wait3A_202 = arith.constant 0 : i32
    %dma_wait3A_203 = arith.constant 0 : i32
    %dma_wait3A_204 = arith.constant 0 : i32
    %dma_wait3A_205 = arith.constant 0 : i32
    %dma_wait3A_206 = arith.constant 0 : i32
    %dma_wait3A_207 = tpu.memref_slice %arg13[%dma_wait3A_202, %dma_wait3A_205, %dma_wait3A_206] : memref<2x400x16xf32, #tpu.memory_space<vmem>> -> memref<1x80x16xf32, #tpu.memory_space<vmem>>
    %dma_wait3A_208 = tpu.memref_squeeze %dma_wait3A_207 : memref<1x80x16xf32, #tpu.memory_space<vmem>> -> memref<80x16xf32, #tpu.memory_space<vmem>>
    %dma_wait3A_209 = arith.constant 0 : i32
    %dma_wait3A_210 = tpu.memref_slice %arg10[%dma_wait3A_203, %dma_wait3A_204, %dma_wait3A_209] : memref<2x5x80xi32, #tpu.memory_space<vmem>> -> memref<1x1x80xi32, #tpu.memory_space<vmem>>
    %dma_wait3A_211 = tpu.memref_squeeze %dma_wait3A_210 : memref<1x1x80xi32, #tpu.memory_space<vmem>> -> memref<80xi32, #tpu.memory_space<vmem>>
    %dma_wait3A_212 = arith.constant 0 : i32
    %dma_wait3A_213 = arith.constant 0 : i32
    %dma_wait3A_214 = tpu.memref_slice %arg16[%dma_wait3A_212, %dma_wait3A_213] : memref<51200x16xf32, #tpu.memory_space<vmem_shared>> -> memref<51200x16xf32, #tpu.memory_space<vmem_shared>>
    tpu.wait_indirect_dma semaphore(%arg19 : memref<!tpu.dma_semaphore, #tpu.memory_space<semaphore_mem>>) src(%dma_wait3A_208 : memref<80x16xf32, #tpu.memory_space<vmem>>) dst(%dma_wait3A_214 : memref<51200x16xf32, #tpu.memory_space<vmem_shared>>)
    %dma_wait3A_215 = arith.constant 0 : i32
    %dma_wait3A_216 = arith.constant 0 : i32
    %dma_wait3A_217 = arith.constant 0 : i32
    %dma_wait3A_218 = arith.constant 0 : i32
    %dma_wait3A_219 = arith.constant 0 : i32
    %dma_wait3A_220 = tpu.memref_slice %arg13[%dma_wait3A_215, %dma_wait3A_218, %dma_wait3A_219] : memref<2x400x16xf32, #tpu.memory_space<vmem>> -> memref<1x80x16xf32, #tpu.memory_space<vmem>>
    %dma_wait3A_221 = tpu.memref_squeeze %dma_wait3A_220 : memref<1x80x16xf32, #tpu.memory_space<vmem>> -> memref<80x16xf32, #tpu.memory_space<vmem>>
    %dma_wait3A_222 = arith.constant 0 : i32
    %dma_wait3A_223 = tpu.memref_slice %arg10[%dma_wait3A_216, %dma_wait3A_217, %dma_wait3A_222] : memref<2x5x80xi32, #tpu.memory_space<vmem>> -> memref<1x1x80xi32, #tpu.memory_space<vmem>>
    %dma_wait3A_224 = tpu.memref_squeeze %dma_wait3A_223 : memref<1x1x80xi32, #tpu.memory_space<vmem>> -> memref<80xi32, #tpu.memory_space<vmem>>
    %dma_wait3A_225 = arith.constant 0 : i32
    %dma_wait3A_226 = arith.constant 0 : i32
    %dma_wait3A_227 = tpu.memref_slice %arg16[%dma_wait3A_225, %dma_wait3A_226] : memref<51200x16xf32, #tpu.memory_space<vmem_shared>> -> memref<51200x16xf32, #tpu.memory_space<vmem_shared>>
    tpu.wait_indirect_dma semaphore(%arg19 : memref<!tpu.dma_semaphore, #tpu.memory_space<semaphore_mem>>) src(%dma_wait3A_221 : memref<80x16xf32, #tpu.memory_space<vmem>>) dst(%dma_wait3A_227 : memref<51200x16xf32, #tpu.memory_space<vmem_shared>>)
    %dma_wait3A_228 = arith.constant 0 : i32
    %dma_wait3A_229 = arith.constant 0 : i32
    %dma_wait3A_230 = arith.constant 0 : i32
    %dma_wait3A_231 = arith.constant 0 : i32
    %dma_wait3A_232 = arith.constant 0 : i32
    %dma_wait3A_233 = tpu.memref_slice %arg13[%dma_wait3A_228, %dma_wait3A_231, %dma_wait3A_232] : memref<2x400x16xf32, #tpu.memory_space<vmem>> -> memref<1x80x16xf32, #tpu.memory_space<vmem>>
    %dma_wait3A_234 = tpu.memref_squeeze %dma_wait3A_233 : memref<1x80x16xf32, #tpu.memory_space<vmem>> -> memref<80x16xf32, #tpu.memory_space<vmem>>
    %dma_wait3A_235 = arith.constant 0 : i32
    %dma_wait3A_236 = tpu.memref_slice %arg10[%dma_wait3A_229, %dma_wait3A_230, %dma_wait3A_235] : memref<2x5x80xi32, #tpu.memory_space<vmem>> -> memref<1x1x80xi32, #tpu.memory_space<vmem>>
    %dma_wait3A_237 = tpu.memref_squeeze %dma_wait3A_236 : memref<1x1x80xi32, #tpu.memory_space<vmem>> -> memref<80xi32, #tpu.memory_space<vmem>>
    %dma_wait3A_238 = arith.constant 0 : i32
    %dma_wait3A_239 = arith.constant 0 : i32
    %dma_wait3A_240 = tpu.memref_slice %arg16[%dma_wait3A_238, %dma_wait3A_239] : memref<51200x16xf32, #tpu.memory_space<vmem_shared>> -> memref<51200x16xf32, #tpu.memory_space<vmem_shared>>
    tpu.wait_indirect_dma semaphore(%arg19 : memref<!tpu.dma_semaphore, #tpu.memory_space<semaphore_mem>>) src(%dma_wait3A_234 : memref<80x16xf32, #tpu.memory_space<vmem>>) dst(%dma_wait3A_240 : memref<51200x16xf32, #tpu.memory_space<vmem_shared>>)
    %dma_wait3A_241 = arith.constant 0 : i32
    %dma_wait3A_242 = arith.constant 0 : i32
    %dma_wait3A_243 = arith.constant 0 : i32
    %dma_wait3A_244 = arith.constant 0 : i32
    %dma_wait3A_245 = arith.constant 0 : i32
    %dma_wait3A_246 = tpu.memref_slice %arg13[%dma_wait3A_241, %dma_wait3A_244, %dma_wait3A_245] : memref<2x400x16xf32, #tpu.memory_space<vmem>> -> memref<1x80x16xf32, #tpu.memory_space<vmem>>
    %dma_wait3A_247 = tpu.memref_squeeze %dma_wait3A_246 : memref<1x80x16xf32, #tpu.memory_space<vmem>> -> memref<80x16xf32, #tpu.memory_space<vmem>>
    %dma_wait3A_248 = arith.constant 0 : i32
    %dma_wait3A_249 = tpu.memref_slice %arg10[%dma_wait3A_242, %dma_wait3A_243, %dma_wait3A_248] : memref<2x5x80xi32, #tpu.memory_space<vmem>> -> memref<1x1x80xi32, #tpu.memory_space<vmem>>
    %dma_wait3A_250 = tpu.memref_squeeze %dma_wait3A_249 : memref<1x1x80xi32, #tpu.memory_space<vmem>> -> memref<80xi32, #tpu.memory_space<vmem>>
    %dma_wait3A_251 = arith.constant 0 : i32
    %dma_wait3A_252 = arith.constant 0 : i32
    %dma_wait3A_253 = tpu.memref_slice %arg16[%dma_wait3A_251, %dma_wait3A_252] : memref<51200x16xf32, #tpu.memory_space<vmem_shared>> -> memref<51200x16xf32, #tpu.memory_space<vmem_shared>>
    tpu.wait_indirect_dma semaphore(%arg19 : memref<!tpu.dma_semaphore, #tpu.memory_space<semaphore_mem>>) src(%dma_wait3A_247 : memref<80x16xf32, #tpu.memory_space<vmem>>) dst(%dma_wait3A_253 : memref<51200x16xf32, #tpu.memory_space<vmem_shared>>)
    %dma_wait3A_254 = arith.constant 0 : i32
    %dma_wait3A_255 = arith.constant 0 : i32
    %dma_wait3A_256 = arith.constant 0 : i32
    %dma_wait3A_257 = arith.constant 0 : i32
    %dma_wait3A_258 = arith.constant 0 : i32
    %dma_wait3A_259 = tpu.memref_slice %arg13[%dma_wait3A_254, %dma_wait3A_257, %dma_wait3A_258] : memref<2x400x16xf32, #tpu.memory_space<vmem>> -> memref<1x80x16xf32, #tpu.memory_space<vmem>>
    %dma_wait3A_260 = tpu.memref_squeeze %dma_wait3A_259 : memref<1x80x16xf32, #tpu.memory_space<vmem>> -> memref<80x16xf32, #tpu.memory_space<vmem>>
    %dma_wait3A_261 = arith.constant 0 : i32
    %dma_wait3A_262 = tpu.memref_slice %arg10[%dma_wait3A_255, %dma_wait3A_256, %dma_wait3A_261] : memref<2x5x80xi32, #tpu.memory_space<vmem>> -> memref<1x1x80xi32, #tpu.memory_space<vmem>>
    %dma_wait3A_263 = tpu.memref_squeeze %dma_wait3A_262 : memref<1x1x80xi32, #tpu.memory_space<vmem>> -> memref<80xi32, #tpu.memory_space<vmem>>
    %dma_wait3A_264 = arith.constant 0 : i32
    %dma_wait3A_265 = arith.constant 0 : i32
    %dma_wait3A_266 = tpu.memref_slice %arg16[%dma_wait3A_264, %dma_wait3A_265] : memref<51200x16xf32, #tpu.memory_space<vmem_shared>> -> memref<51200x16xf32, #tpu.memory_space<vmem_shared>>
    tpu.wait_indirect_dma semaphore(%arg19 : memref<!tpu.dma_semaphore, #tpu.memory_space<semaphore_mem>>) src(%dma_wait3A_260 : memref<80x16xf32, #tpu.memory_space<vmem>>) dst(%dma_wait3A_266 : memref<51200x16xf32, #tpu.memory_space<vmem_shared>>)
    %dma_wait3A_267 = arith.constant 0 : i32
    %dma_wait3A_268 = arith.constant 0 : i32
    %dma_wait3A_269 = arith.constant 0 : i32
    %dma_wait3A_270 = arith.constant 0 : i32
    %dma_wait3A_271 = arith.constant 0 : i32
    %dma_wait3A_272 = tpu.memref_slice %arg13[%dma_wait3A_267, %dma_wait3A_270, %dma_wait3A_271] : memref<2x400x16xf32, #tpu.memory_space<vmem>> -> memref<1x80x16xf32, #tpu.memory_space<vmem>>
    %dma_wait3A_273 = tpu.memref_squeeze %dma_wait3A_272 : memref<1x80x16xf32, #tpu.memory_space<vmem>> -> memref<80x16xf32, #tpu.memory_space<vmem>>
    %dma_wait3A_274 = arith.constant 0 : i32
    %dma_wait3A_275 = tpu.memref_slice %arg10[%dma_wait3A_268, %dma_wait3A_269, %dma_wait3A_274] : memref<2x5x80xi32, #tpu.memory_space<vmem>> -> memref<1x1x80xi32, #tpu.memory_space<vmem>>
    %dma_wait3A_276 = tpu.memref_squeeze %dma_wait3A_275 : memref<1x1x80xi32, #tpu.memory_space<vmem>> -> memref<80xi32, #tpu.memory_space<vmem>>
    %dma_wait3A_277 = arith.constant 0 : i32
    %dma_wait3A_278 = arith.constant 0 : i32
    %dma_wait3A_279 = tpu.memref_slice %arg16[%dma_wait3A_277, %dma_wait3A_278] : memref<51200x16xf32, #tpu.memory_space<vmem_shared>> -> memref<51200x16xf32, #tpu.memory_space<vmem_shared>>
    tpu.wait_indirect_dma semaphore(%arg19 : memref<!tpu.dma_semaphore, #tpu.memory_space<semaphore_mem>>) src(%dma_wait3A_273 : memref<80x16xf32, #tpu.memory_space<vmem>>) dst(%dma_wait3A_279 : memref<51200x16xf32, #tpu.memory_space<vmem_shared>>)
    %dma_wait3A_280 = arith.constant 0 : i32
    %dma_wait3A_281 = arith.constant 0 : i32
    %dma_wait3A_282 = arith.constant 0 : i32
    %dma_wait3A_283 = arith.constant 0 : i32
    %dma_wait3A_284 = arith.constant 0 : i32
    %dma_wait3A_285 = tpu.memref_slice %arg13[%dma_wait3A_280, %dma_wait3A_283, %dma_wait3A_284] : memref<2x400x16xf32, #tpu.memory_space<vmem>> -> memref<1x80x16xf32, #tpu.memory_space<vmem>>
    %dma_wait3A_286 = tpu.memref_squeeze %dma_wait3A_285 : memref<1x80x16xf32, #tpu.memory_space<vmem>> -> memref<80x16xf32, #tpu.memory_space<vmem>>
    %dma_wait3A_287 = arith.constant 0 : i32
    %dma_wait3A_288 = tpu.memref_slice %arg10[%dma_wait3A_281, %dma_wait3A_282, %dma_wait3A_287] : memref<2x5x80xi32, #tpu.memory_space<vmem>> -> memref<1x1x80xi32, #tpu.memory_space<vmem>>
    %dma_wait3A_289 = tpu.memref_squeeze %dma_wait3A_288 : memref<1x1x80xi32, #tpu.memory_space<vmem>> -> memref<80xi32, #tpu.memory_space<vmem>>
    %dma_wait3A_290 = arith.constant 0 : i32
    %dma_wait3A_291 = arith.constant 0 : i32
    %dma_wait3A_292 = tpu.memref_slice %arg16[%dma_wait3A_290, %dma_wait3A_291] : memref<51200x16xf32, #tpu.memory_space<vmem_shared>> -> memref<51200x16xf32, #tpu.memory_space<vmem_shared>>
    tpu.wait_indirect_dma semaphore(%arg19 : memref<!tpu.dma_semaphore, #tpu.memory_space<semaphore_mem>>) src(%dma_wait3A_286 : memref<80x16xf32, #tpu.memory_space<vmem>>) dst(%dma_wait3A_292 : memref<51200x16xf32, #tpu.memory_space<vmem_shared>>)
    %dma_wait3A_293 = arith.constant 0 : i32
    %dma_wait3A_294 = arith.constant 0 : i32
    %dma_wait3A_295 = arith.constant 0 : i32
    %dma_wait3A_296 = arith.constant 0 : i32
    %dma_wait3A_297 = arith.constant 0 : i32
    %dma_wait3A_298 = tpu.memref_slice %arg13[%dma_wait3A_293, %dma_wait3A_296, %dma_wait3A_297] : memref<2x400x16xf32, #tpu.memory_space<vmem>> -> memref<1x80x16xf32, #tpu.memory_space<vmem>>
    %dma_wait3A_299 = tpu.memref_squeeze %dma_wait3A_298 : memref<1x80x16xf32, #tpu.memory_space<vmem>> -> memref<80x16xf32, #tpu.memory_space<vmem>>
    %dma_wait3A_300 = arith.constant 0 : i32
    %dma_wait3A_301 = tpu.memref_slice %arg10[%dma_wait3A_294, %dma_wait3A_295, %dma_wait3A_300] : memref<2x5x80xi32, #tpu.memory_space<vmem>> -> memref<1x1x80xi32, #tpu.memory_space<vmem>>
    %dma_wait3A_302 = tpu.memref_squeeze %dma_wait3A_301 : memref<1x1x80xi32, #tpu.memory_space<vmem>> -> memref<80xi32, #tpu.memory_space<vmem>>
    %dma_wait3A_303 = arith.constant 0 : i32
    %dma_wait3A_304 = arith.constant 0 : i32
    %dma_wait3A_305 = tpu.memref_slice %arg16[%dma_wait3A_303, %dma_wait3A_304] : memref<51200x16xf32, #tpu.memory_space<vmem_shared>> -> memref<51200x16xf32, #tpu.memory_space<vmem_shared>>
    tpu.wait_indirect_dma semaphore(%arg19 : memref<!tpu.dma_semaphore, #tpu.memory_space<semaphore_mem>>) src(%dma_wait3A_299 : memref<80x16xf32, #tpu.memory_space<vmem>>) dst(%dma_wait3A_305 : memref<51200x16xf32, #tpu.memory_space<vmem_shared>>)
    %dma_wait3A_306 = arith.constant 0 : i32
    %dma_wait3A_307 = arith.constant 0 : i32
    %dma_wait3A_308 = arith.constant 0 : i32
    %dma_wait3A_309 = arith.constant 0 : i32
    %dma_wait3A_310 = arith.constant 0 : i32
    %dma_wait3A_311 = tpu.memref_slice %arg13[%dma_wait3A_306, %dma_wait3A_309, %dma_wait3A_310] : memref<2x400x16xf32, #tpu.memory_space<vmem>> -> memref<1x80x16xf32, #tpu.memory_space<vmem>>
    %dma_wait3A_312 = tpu.memref_squeeze %dma_wait3A_311 : memref<1x80x16xf32, #tpu.memory_space<vmem>> -> memref<80x16xf32, #tpu.memory_space<vmem>>
    %dma_wait3A_313 = arith.constant 0 : i32
    %dma_wait3A_314 = tpu.memref_slice %arg10[%dma_wait3A_307, %dma_wait3A_308, %dma_wait3A_313] : memref<2x5x80xi32, #tpu.memory_space<vmem>> -> memref<1x1x80xi32, #tpu.memory_space<vmem>>
    %dma_wait3A_315 = tpu.memref_squeeze %dma_wait3A_314 : memref<1x1x80xi32, #tpu.memory_space<vmem>> -> memref<80xi32, #tpu.memory_space<vmem>>
    %dma_wait3A_316 = arith.constant 0 : i32
    %dma_wait3A_317 = arith.constant 0 : i32
    %dma_wait3A_318 = tpu.memref_slice %arg16[%dma_wait3A_316, %dma_wait3A_317] : memref<51200x16xf32, #tpu.memory_space<vmem_shared>> -> memref<51200x16xf32, #tpu.memory_space<vmem_shared>>
    tpu.wait_indirect_dma semaphore(%arg19 : memref<!tpu.dma_semaphore, #tpu.memory_space<semaphore_mem>>) src(%dma_wait3A_312 : memref<80x16xf32, #tpu.memory_space<vmem>>) dst(%dma_wait3A_318 : memref<51200x16xf32, #tpu.memory_space<vmem_shared>>)
    %barrier3A_319 = arith.constant 0 : index
    tpu.barrier barrier_id(%barrier3A_319)
    %mul3A_320 = arith.constant 3200 : i32
    %mul3A_321 = arith.muli %arg1, %mul3A_320 : i32
    %run_scoped3A_322 = arith.constant 0 : i32
    "tpu.region"() ({
      %run_scoped3A_324 = tpu.sem_alloc : memref<!tpu.dma_semaphore, #tpu.memory_space<semaphore_mem>>
      %dma_start3A_325 = arith.constant 0 : i32
      %dma_start3A_326 = tpu.memref_slice %arg8[%arg0, %run_scoped3A_322, %mul3A_321, %dma_start3A_325] : memref<2x2x51200x16xf32, #tpu.memory_space<hbm>> -> memref<1x1x3200x16xf32, #tpu.memory_space<hbm>>
      %dma_start3A_327 = tpu.memref_squeeze %dma_start3A_326 : memref<1x1x3200x16xf32, #tpu.memory_space<hbm>> -> memref<3200x16xf32, #tpu.memory_space<hbm>>
      %dma_start3A_328 = arith.constant 0 : i32
      %dma_start3A_329 = tpu.memref_slice %arg16[%mul3A_321, %dma_start3A_328] : memref<51200x16xf32, #tpu.memory_space<vmem_shared>> -> memref<3200x16xf32, #tpu.memory_space<vmem_shared>>
      tpu.enqueue_dma source(%dma_start3A_329 : memref<3200x16xf32, #tpu.memory_space<vmem_shared>>) target(%dma_start3A_327 : memref<3200x16xf32, #tpu.memory_space<hbm>>) target_semaphore(%run_scoped3A_324 : memref<!tpu.dma_semaphore, #tpu.memory_space<semaphore_mem>>)
      %dma_wait3A_330 = arith.constant 0 : i32
      %dma_wait3A_331 = tpu.memref_slice %arg8[%arg0, %run_scoped3A_322, %mul3A_321, %dma_wait3A_330] : memref<2x2x51200x16xf32, #tpu.memory_space<hbm>> -> memref<1x1x3200x16xf32, #tpu.memory_space<hbm>>
      %dma_wait3A_332 = tpu.memref_squeeze %dma_wait3A_331 : memref<1x1x3200x16xf32, #tpu.memory_space<hbm>> -> memref<3200x16xf32, #tpu.memory_space<hbm>>
      %dma_wait3A_333 = arith.constant 0 : i32
      %dma_wait3A_334 = tpu.memref_slice %arg16[%mul3A_321, %dma_wait3A_333] : memref<51200x16xf32, #tpu.memory_space<vmem_shared>> -> memref<3200x16xf32, #tpu.memory_space<vmem_shared>>
      tpu.wait_dma2 semaphore(%run_scoped3A_324 : memref<!tpu.dma_semaphore, #tpu.memory_space<semaphore_mem>>) src(%dma_wait3A_334 : memref<3200x16xf32, #tpu.memory_space<vmem_shared>>) dst(%dma_wait3A_332 : memref<3200x16xf32, #tpu.memory_space<hbm>>)
      tpu.yield
    }) : () -> ()
    %run_scoped3A_323 = arith.constant 1 : i32
    "tpu.region"() ({
      %run_scoped3A_324 = tpu.sem_alloc : memref<!tpu.dma_semaphore, #tpu.memory_space<semaphore_mem>>
      %dma_start3A_325 = arith.constant 0 : i32
      %dma_start3A_326 = tpu.memref_slice %arg8[%arg0, %run_scoped3A_323, %mul3A_321, %dma_start3A_325] : memref<2x2x51200x16xf32, #tpu.memory_space<hbm>> -> memref<1x1x3200x16xf32, #tpu.memory_space<hbm>>
      %dma_start3A_327 = tpu.memref_squeeze %dma_start3A_326 : memref<1x1x3200x16xf32, #tpu.memory_space<hbm>> -> memref<3200x16xf32, #tpu.memory_space<hbm>>
      %dma_start3A_328 = arith.constant 0 : i32
      %dma_start3A_329 = tpu.memref_slice %arg17[%mul3A_321, %dma_start3A_328] : memref<51200x16xf32, #tpu.memory_space<vmem_shared>> -> memref<3200x16xf32, #tpu.memory_space<vmem_shared>>
      tpu.enqueue_dma source(%dma_start3A_329 : memref<3200x16xf32, #tpu.memory_space<vmem_shared>>) target(%dma_start3A_327 : memref<3200x16xf32, #tpu.memory_space<hbm>>) target_semaphore(%run_scoped3A_324 : memref<!tpu.dma_semaphore, #tpu.memory_space<semaphore_mem>>)
      %dma_wait3A_330 = arith.constant 0 : i32
      %dma_wait3A_331 = tpu.memref_slice %arg8[%arg0, %run_scoped3A_323, %mul3A_321, %dma_wait3A_330] : memref<2x2x51200x16xf32, #tpu.memory_space<hbm>> -> memref<1x1x3200x16xf32, #tpu.memory_space<hbm>>
      %dma_wait3A_332 = tpu.memref_squeeze %dma_wait3A_331 : memref<1x1x3200x16xf32, #tpu.memory_space<hbm>> -> memref<3200x16xf32, #tpu.memory_space<hbm>>
      %dma_wait3A_333 = arith.constant 0 : i32
      %dma_wait3A_334 = tpu.memref_slice %arg17[%mul3A_321, %dma_wait3A_333] : memref<51200x16xf32, #tpu.memory_space<vmem_shared>> -> memref<3200x16xf32, #tpu.memory_space<vmem_shared>>
      tpu.wait_dma2 semaphore(%run_scoped3A_324 : memref<!tpu.dma_semaphore, #tpu.memory_space<semaphore_mem>>) src(%dma_wait3A_334 : memref<3200x16xf32, #tpu.memory_space<vmem_shared>>) dst(%dma_wait3A_332 : memref<3200x16xf32, #tpu.memory_space<hbm>>)
      tpu.yield
    }) : () -> ()
    return
  }
}

module attributes {stable_mosaic.version = 14 : i64} {
  func.func @body(%arg0: i32, %arg1: memref<1024x8xf32, #tpu.memory_space<vmem>>, %arg2: memref<8x8xf32, #tpu.memory_space<vmem>>, %arg3: memref<1x8xf32, #tpu.memory_space<vmem>>, %arg4: memref<8x8xf32, #tpu.memory_space<vmem>>, %arg5: memref<1x8xf32, #tpu.memory_space<vmem>>, %arg6: memref<8x16xf32, #tpu.memory_space<vmem>>, %arg7: memref<8x16xf32, #tpu.memory_space<vmem>>, %arg8: memref<1024x16xf32, #tpu.memory_space<vmem>>, %arg9: memref<1024x16xf32, #tpu.memory_space<vmem>>) attributes {dimension_semantics = [#tpu.dimension_semantics<arbitrary>], iteration_bounds = array<i64: 50>, scalar_prefetch = 0 : i64, scratch_operands = 0 : i64, tpu.core_type = #tpu.core_type<tc>, window_params = [{transform_indices = @transform_0, window_bounds = array<i64: 1024, 8>}, {pipeline_mode = #tpu.pipeline_mode<synchronous>, transform_indices = @transform_1, window_bounds = array<i64: 8, 8>}, {pipeline_mode = #tpu.pipeline_mode<synchronous>, transform_indices = @transform_2, window_bounds = array<i64: 1, 8>}, {pipeline_mode = #tpu.pipeline_mode<synchronous>, transform_indices = @transform_3, window_bounds = array<i64: 8, 8>}, {pipeline_mode = #tpu.pipeline_mode<synchronous>, transform_indices = @transform_4, window_bounds = array<i64: 1, 8>}, {pipeline_mode = #tpu.pipeline_mode<synchronous>, transform_indices = @transform_5, window_bounds = array<i64: 8, 16>}, {pipeline_mode = #tpu.pipeline_mode<synchronous>, transform_indices = @transform_6, window_bounds = array<i64: 8, 16>}, {transform_indices = @transform_7, window_bounds = array<i64: 1024, 16>}, {transform_indices = @transform_8, window_bounds = array<i64: 1024, 16>}]} {
    %get3A = arith.constant 0 : index
    %get3A_0 = arith.constant 0 : index
    %get3A_1 = vector.load %arg1[%get3A, %get3A_0] : memref<1024x8xf32, #tpu.memory_space<vmem>>, vector<1024x8xf32>
    %get3A_2 = arith.constant 0 : index
    %get3A_3 = arith.constant 0 : index
    %get3A_4 = vector.load %arg2[%get3A_2, %get3A_3] : memref<8x8xf32, #tpu.memory_space<vmem>>, vector<8x8xf32>
    %dot_general3A = arith.constant dense<0.000000e+00> : vector<1024x8xf32>
    %dot_general3A_5 = tpu.matmul %get3A_1, %get3A_4, %dot_general3A {dimension_numbers = #tpu.dot_dimension_numbers<[1], [0], [0], [1], [0, 0, 1, 1], [], []>, transpose_lhs_hint = false} : vector<1024x8xf32>, vector<8x8xf32>, vector<1024x8xf32> -> vector<1024x8xf32>
    %get3A_6 = arith.constant 0 : index
    %get3A_7 = arith.constant 0 : index
    %get3A_8 = vector.load %arg3[%get3A_6, %get3A_7] : memref<1x8xf32, #tpu.memory_space<vmem>>, vector<1x8xf32>
    %add3A = vector.broadcast %get3A_8 : vector<1x8xf32> to vector<1024x8xf32>
    %add3A_9 = arith.addf %dot_general3A_5, %add3A : vector<1024x8xf32>
    %ge3A = arith.constant 0.000000e+00 : f32
    %ge3A_10 = vector.broadcast %ge3A : f32 to vector<1024x8xf32>
    %ge3A_11 = arith.cmpf oge, %add3A_9, %ge3A_10 : vector<1024x8xf32>
    %mul3A = arith.constant 1.000000e-01 : f32
    %mul3A_12 = vector.broadcast %mul3A : f32 to vector<1024x8xf32>
    %mul3A_13 = arith.mulf %mul3A_12, %add3A_9 : vector<1024x8xf32>
    %select_n3A = arith.select %ge3A_11, %add3A_9, %mul3A_13 : vector<1024x8xi1>, vector<1024x8xf32>
    %get3A_14 = arith.constant 0 : index
    %get3A_15 = arith.constant 0 : index
    %get3A_16 = vector.load %arg4[%get3A_14, %get3A_15] : memref<8x8xf32, #tpu.memory_space<vmem>>, vector<8x8xf32>
    %dot_general3A_17 = arith.constant dense<0.000000e+00> : vector<1024x8xf32>
    %dot_general3A_18 = tpu.matmul %select_n3A, %get3A_16, %dot_general3A_17 {dimension_numbers = #tpu.dot_dimension_numbers<[1], [0], [0], [1], [0, 0, 1, 1], [], []>, transpose_lhs_hint = false} : vector<1024x8xf32>, vector<8x8xf32>, vector<1024x8xf32> -> vector<1024x8xf32>
    %get3A_19 = arith.constant 0 : index
    %get3A_20 = arith.constant 0 : index
    %get3A_21 = vector.load %arg5[%get3A_19, %get3A_20] : memref<1x8xf32, #tpu.memory_space<vmem>>, vector<1x8xf32>
    %add3A_22 = vector.broadcast %get3A_21 : vector<1x8xf32> to vector<1024x8xf32>
    %add3A_23 = arith.addf %dot_general3A_18, %add3A_22 : vector<1024x8xf32>
    %ge3A_24 = arith.constant 0.000000e+00 : f32
    %ge3A_25 = vector.broadcast %ge3A_24 : f32 to vector<1024x8xf32>
    %ge3A_26 = arith.cmpf oge, %add3A_23, %ge3A_25 : vector<1024x8xf32>
    %mul3A_27 = arith.constant 1.000000e-01 : f32
    %mul3A_28 = vector.broadcast %mul3A_27 : f32 to vector<1024x8xf32>
    %mul3A_29 = arith.mulf %mul3A_28, %add3A_23 : vector<1024x8xf32>
    %select_n3A_30 = arith.select %ge3A_26, %add3A_23, %mul3A_29 : vector<1024x8xi1>, vector<1024x8xf32>
    %get3A_31 = arith.constant 0 : index
    %get3A_32 = arith.constant 0 : index
    %get3A_33 = vector.load %arg6[%get3A_31, %get3A_32] : memref<8x16xf32, #tpu.memory_space<vmem>>, vector<8x16xf32>
    %dot_general3A_34 = arith.constant dense<0.000000e+00> : vector<1024x16xf32>
    %dot_general3A_35 = tpu.matmul %select_n3A_30, %get3A_33, %dot_general3A_34 {dimension_numbers = #tpu.dot_dimension_numbers<[1], [0], [0], [1], [0, 0, 1, 1], [], []>, transpose_lhs_hint = false} : vector<1024x8xf32>, vector<8x16xf32>, vector<1024x16xf32> -> vector<1024x16xf32>
    %swap3A = arith.constant 0 : index
    %swap3A_36 = arith.constant 0 : index
    %swap3A_37 = vector.load %arg8[%swap3A, %swap3A_36] : memref<1024x16xf32, #tpu.memory_space<vmem>>, vector<1024x16xf32>
    tpu.vector_store %arg8[%swap3A, %swap3A_36], %dot_general3A_35 {strides = array<i32>} : memref<1024x16xf32, #tpu.memory_space<vmem>>, vector<1024x16xf32>,
    %get3A_38 = arith.constant 0 : index
    %get3A_39 = arith.constant 0 : index
    %get3A_40 = vector.load %arg7[%get3A_38, %get3A_39] : memref<8x16xf32, #tpu.memory_space<vmem>>, vector<8x16xf32>
    %dot_general3A_41 = arith.constant dense<0.000000e+00> : vector<1024x16xf32>
    %dot_general3A_42 = tpu.matmul %select_n3A_30, %get3A_40, %dot_general3A_41 {dimension_numbers = #tpu.dot_dimension_numbers<[1], [0], [0], [1], [0, 0, 1, 1], [], []>, transpose_lhs_hint = false} : vector<1024x8xf32>, vector<8x16xf32>, vector<1024x16xf32> -> vector<1024x16xf32>
    %swap3A_43 = arith.constant 0 : index
    %swap3A_44 = arith.constant 0 : index
    %swap3A_45 = vector.load %arg9[%swap3A_43, %swap3A_44] : memref<1024x16xf32, #tpu.memory_space<vmem>>, vector<1024x16xf32>
    tpu.vector_store %arg9[%swap3A_43, %swap3A_44], %dot_general3A_42 {strides = array<i32>} : memref<1024x16xf32, #tpu.memory_space<vmem>>, vector<1024x16xf32>,
    return
  }
  func.func @transform_0(%arg0: i32) -> (i32, i32) {
    %c0_i32 = arith.constant 0 : i32
    %c0_i32_0 = arith.constant 0 : i32
    return %arg0, %c0_i32 : i32, i32
  }
  func.func @transform_1(%arg0: i32) -> (i32, i32) {
    %c0_i32 = arith.constant 0 : i32
    %c0_i32_0 = arith.constant 0 : i32
    %c0_i32_1 = arith.constant 0 : i32
    return %c0_i32, %c0_i32_0 : i32, i32
  }
  func.func @transform_2(%arg0: i32) -> (i32, i32) {
    %c0_i32 = arith.constant 0 : i32
    %c0_i32_0 = arith.constant 0 : i32
    %c0_i32_1 = arith.constant 0 : i32
    return %c0_i32, %c0_i32_0 : i32, i32
  }
  func.func @transform_3(%arg0: i32) -> (i32, i32) {
    %c0_i32 = arith.constant 0 : i32
    %c0_i32_0 = arith.constant 0 : i32
    %c0_i32_1 = arith.constant 0 : i32
    return %c0_i32, %c0_i32_0 : i32, i32
  }
  func.func @transform_4(%arg0: i32) -> (i32, i32) {
    %c0_i32 = arith.constant 0 : i32
    %c0_i32_0 = arith.constant 0 : i32
    %c0_i32_1 = arith.constant 0 : i32
    return %c0_i32, %c0_i32_0 : i32, i32
  }
  func.func @transform_5(%arg0: i32) -> (i32, i32) {
    %c0_i32 = arith.constant 0 : i32
    %c0_i32_0 = arith.constant 0 : i32
    %c0_i32_1 = arith.constant 0 : i32
    return %c0_i32, %c0_i32_0 : i32, i32
  }
  func.func @transform_6(%arg0: i32) -> (i32, i32) {
    %c0_i32 = arith.constant 0 : i32
    %c0_i32_0 = arith.constant 0 : i32
    %c0_i32_1 = arith.constant 0 : i32
    return %c0_i32, %c0_i32_0 : i32, i32
  }
  func.func @transform_7(%arg0: i32) -> (i32, i32) {
    %c0_i32 = arith.constant 0 : i32
    %c0_i32_0 = arith.constant 0 : i32
    return %arg0, %c0_i32 : i32, i32
  }
  func.func @transform_8(%arg0: i32) -> (i32, i32) {
    %c0_i32 = arith.constant 0 : i32
    %c0_i32_0 = arith.constant 0 : i32
    return %arg0, %c0_i32 : i32, i32
  }
}

module attributes {stable_mosaic.version = 14 : i64} {
  func.func @body(%arg0: i32, %arg1: memref<1024x16xf32, #tpu.memory_space<vmem>>, %arg2: memref<1024x16xf32, #tpu.memory_space<vmem>>, %arg3: memref<1024x16xf32, #tpu.memory_space<vmem>>, %arg4: memref<1024x16xf32, #tpu.memory_space<vmem>>, %arg5: memref<1x16xf32, #tpu.memory_space<vmem>>, %arg6: memref<16x16xf32, #tpu.memory_space<vmem>>, %arg7: memref<16x16xf32, #tpu.memory_space<vmem>>, %arg8: memref<1024x16xf32, #tpu.memory_space<vmem>>, %arg9: memref<1024x16xf32, #tpu.memory_space<vmem>>) attributes {dimension_semantics = [#tpu.dimension_semantics<arbitrary>], iteration_bounds = array<i64: 50>, scalar_prefetch = 0 : i64, scratch_operands = 0 : i64, tpu.core_type = #tpu.core_type<tc>, window_params = [{transform_indices = @transform_0, window_bounds = array<i64: 1024, 16>}, {transform_indices = @transform_1, window_bounds = array<i64: 1024, 16>}, {transform_indices = @transform_2, window_bounds = array<i64: 1024, 16>}, {transform_indices = @transform_3, window_bounds = array<i64: 1024, 16>}, {pipeline_mode = #tpu.pipeline_mode<synchronous>, transform_indices = @transform_4, window_bounds = array<i64: 1, 16>}, {pipeline_mode = #tpu.pipeline_mode<synchronous>, transform_indices = @transform_5, window_bounds = array<i64: 16, 16>}, {pipeline_mode = #tpu.pipeline_mode<synchronous>, transform_indices = @transform_6, window_bounds = array<i64: 16, 16>}, {transform_indices = @transform_7, window_bounds = array<i64: 1024, 16>}, {transform_indices = @transform_8, window_bounds = array<i64: 1024, 16>}]} {
    %get3A = arith.constant 0 : index
    %get3A_0 = arith.constant 0 : index
    %get3A_1 = vector.load %arg1[%get3A, %get3A_0] : memref<1024x16xf32, #tpu.memory_space<vmem>>, vector<1024x16xf32>
    %get3A_2 = arith.constant 0 : index
    %get3A_3 = arith.constant 0 : index
    %get3A_4 = vector.load %arg2[%get3A_2, %get3A_3] : memref<1024x16xf32, #tpu.memory_space<vmem>>, vector<1024x16xf32>
    %add3A = arith.addf %get3A_1, %get3A_4 : vector<1024x16xf32>
    %get3A_5 = arith.constant 0 : index
    %get3A_6 = arith.constant 0 : index
    %get3A_7 = vector.load %arg3[%get3A_5, %get3A_6] : memref<1024x16xf32, #tpu.memory_space<vmem>>, vector<1024x16xf32>
    %get3A_8 = arith.constant 0 : index
    %get3A_9 = arith.constant 0 : index
    %get3A_10 = vector.load %arg4[%get3A_8, %get3A_9] : memref<1024x16xf32, #tpu.memory_space<vmem>>, vector<1024x16xf32>
    %add3A_11 = arith.addf %get3A_7, %get3A_10 : vector<1024x16xf32>
    %add3A_12 = arith.constant 1.000000e-16 : f32
    %add3A_13 = vector.broadcast %add3A_12 : f32 to vector<1024x16xf32>
    %add3A_14 = arith.addf %add3A_11, %add3A_13 : vector<1024x16xf32>
    %div3A = arith.divf %add3A, %add3A_14 : vector<1024x16xf32>
    %get3A_15 = arith.constant 0 : index
    %get3A_16 = arith.constant 0 : index
    %get3A_17 = vector.load %arg5[%get3A_15, %get3A_16] : memref<1x16xf32, #tpu.memory_space<vmem>>, vector<1x16xf32>
    %add3A_18 = vector.broadcast %get3A_17 : vector<1x16xf32> to vector<1024x16xf32>
    %add3A_19 = arith.addf %div3A, %add3A_18 : vector<1024x16xf32>
    %gt3A = arith.constant 0.000000e+00 : f32
    %gt3A_20 = vector.broadcast %gt3A : f32 to vector<1024x16xf32>
    %gt3A_21 = arith.cmpf ogt, %add3A_19, %gt3A_20 : vector<1024x16xf32>
    %min3A = arith.constant 0.000000e+00 : f32
    %min3A_22 = vector.broadcast %min3A : f32 to vector<1024x16xf32>
    %min3A_23 = arith.minimumf %add3A_19, %min3A_22 : vector<1024x16xf32>
    %exp3A = math.exp %min3A_23 : vector<1024x16xf32>
    %sub3A = arith.constant 1.000000e+00 : f32
    %sub3A_24 = vector.broadcast %sub3A : f32 to vector<1024x16xf32>
    %sub3A_25 = arith.subf %exp3A, %sub3A_24 : vector<1024x16xf32>
    %select_n3A = arith.select %gt3A_21, %add3A_19, %sub3A_25 : vector<1024x16xi1>, vector<1024x16xf32>
    %get3A_26 = arith.constant 0 : index
    %get3A_27 = arith.constant 0 : index
    %get3A_28 = vector.load %arg6[%get3A_26, %get3A_27] : memref<16x16xf32, #tpu.memory_space<vmem>>, vector<16x16xf32>
    %dot_general3A = arith.constant dense<0.000000e+00> : vector<1024x16xf32>
    %dot_general3A_29 = tpu.matmul %select_n3A, %get3A_28, %dot_general3A {dimension_numbers = #tpu.dot_dimension_numbers<[1], [0], [0], [1], [0, 0, 1, 1], [], []>, transpose_lhs_hint = false} : vector<1024x16xf32>, vector<16x16xf32>, vector<1024x16xf32> -> vector<1024x16xf32>
    %swap3A = arith.constant 0 : index
    %swap3A_30 = arith.constant 0 : index
    %swap3A_31 = vector.load %arg8[%swap3A, %swap3A_30] : memref<1024x16xf32, #tpu.memory_space<vmem>>, vector<1024x16xf32>
    tpu.vector_store %arg8[%swap3A, %swap3A_30], %dot_general3A_29 {strides = array<i32>} : memref<1024x16xf32, #tpu.memory_space<vmem>>, vector<1024x16xf32>,
    %get3A_32 = arith.constant 0 : index
    %get3A_33 = arith.constant 0 : index
    %get3A_34 = vector.load %arg7[%get3A_32, %get3A_33] : memref<16x16xf32, #tpu.memory_space<vmem>>, vector<16x16xf32>
    %dot_general3A_35 = arith.constant dense<0.000000e+00> : vector<1024x16xf32>
    %dot_general3A_36 = tpu.matmul %select_n3A, %get3A_34, %dot_general3A_35 {dimension_numbers = #tpu.dot_dimension_numbers<[1], [0], [0], [1], [0, 0, 1, 1], [], []>, transpose_lhs_hint = false} : vector<1024x16xf32>, vector<16x16xf32>, vector<1024x16xf32> -> vector<1024x16xf32>
    %swap3A_37 = arith.constant 0 : index
    %swap3A_38 = arith.constant 0 : index
    %swap3A_39 = vector.load %arg9[%swap3A_37, %swap3A_38] : memref<1024x16xf32, #tpu.memory_space<vmem>>, vector<1024x16xf32>
    tpu.vector_store %arg9[%swap3A_37, %swap3A_38], %dot_general3A_36 {strides = array<i32>} : memref<1024x16xf32, #tpu.memory_space<vmem>>, vector<1024x16xf32>,
    return
  }
  func.func @transform_0(%arg0: i32) -> (i32, i32) {
    %c0_i32 = arith.constant 0 : i32
    %c0_i32_0 = arith.constant 0 : i32
    return %arg0, %c0_i32 : i32, i32
  }
  func.func @transform_1(%arg0: i32) -> (i32, i32) {
    %c0_i32 = arith.constant 0 : i32
    %c0_i32_0 = arith.constant 0 : i32
    return %arg0, %c0_i32 : i32, i32
  }
  func.func @transform_2(%arg0: i32) -> (i32, i32) {
    %c0_i32 = arith.constant 0 : i32
    %c0_i32_0 = arith.constant 0 : i32
    return %arg0, %c0_i32 : i32, i32
  }
  func.func @transform_3(%arg0: i32) -> (i32, i32) {
    %c0_i32 = arith.constant 0 : i32
    %c0_i32_0 = arith.constant 0 : i32
    return %arg0, %c0_i32 : i32, i32
  }
  func.func @transform_4(%arg0: i32) -> (i32, i32) {
    %c0_i32 = arith.constant 0 : i32
    %c0_i32_0 = arith.constant 0 : i32
    %c0_i32_1 = arith.constant 0 : i32
    return %c0_i32, %c0_i32_0 : i32, i32
  }
  func.func @transform_5(%arg0: i32) -> (i32, i32) {
    %c0_i32 = arith.constant 0 : i32
    %c0_i32_0 = arith.constant 0 : i32
    %c0_i32_1 = arith.constant 0 : i32
    return %c0_i32, %c0_i32_0 : i32, i32
  }
  func.func @transform_6(%arg0: i32) -> (i32, i32) {
    %c0_i32 = arith.constant 0 : i32
    %c0_i32_0 = arith.constant 0 : i32
    %c0_i32_1 = arith.constant 0 : i32
    return %c0_i32, %c0_i32_0 : i32, i32
  }
  func.func @transform_7(%arg0: i32) -> (i32, i32) {
    %c0_i32 = arith.constant 0 : i32
    %c0_i32_0 = arith.constant 0 : i32
    return %arg0, %c0_i32 : i32, i32
  }
  func.func @transform_8(%arg0: i32) -> (i32, i32) {
    %c0_i32 = arith.constant 0 : i32
    %c0_i32_0 = arith.constant 0 : i32
    return %arg0, %c0_i32 : i32, i32
  }
}

module attributes {stable_mosaic.version = 14 : i64} {
  func.func @body(%arg0: i32, %arg1: memref<1024x16xf32, #tpu.memory_space<vmem>>, %arg2: memref<1024x16xf32, #tpu.memory_space<vmem>>, %arg3: memref<1024x16xf32, #tpu.memory_space<vmem>>, %arg4: memref<1024x16xf32, #tpu.memory_space<vmem>>, %arg5: memref<1x16xf32, #tpu.memory_space<vmem>>, %arg6: memref<1x16xf32, #tpu.memory_space<vmem>>) attributes {dimension_semantics = [#tpu.dimension_semantics<arbitrary>], iteration_bounds = array<i64: 50>, scalar_prefetch = 0 : i64, scratch_operands = 0 : i64, tpu.core_type = #tpu.core_type<tc>, window_params = [{transform_indices = @transform_0, window_bounds = array<i64: 1024, 16>}, {transform_indices = @transform_1, window_bounds = array<i64: 1024, 16>}, {transform_indices = @transform_2, window_bounds = array<i64: 1024, 16>}, {transform_indices = @transform_3, window_bounds = array<i64: 1024, 16>}, {pipeline_mode = #tpu.pipeline_mode<synchronous>, transform_indices = @transform_4, window_bounds = array<i64: 1, 16>}, {pipeline_mode = #tpu.pipeline_mode<synchronous>, transform_indices = @transform_5, window_bounds = array<i64: 1, 16>}]} {
    %get3A = arith.constant 0 : index
    %get3A_0 = arith.constant 0 : index
    %get3A_1 = vector.load %arg1[%get3A, %get3A_0] : memref<1024x16xf32, #tpu.memory_space<vmem>>, vector<1024x16xf32>
    %get3A_2 = arith.constant 0 : index
    %get3A_3 = arith.constant 0 : index
    %get3A_4 = vector.load %arg2[%get3A_2, %get3A_3] : memref<1024x16xf32, #tpu.memory_space<vmem>>, vector<1024x16xf32>
    %add3A = arith.addf %get3A_1, %get3A_4 : vector<1024x16xf32>
    %get3A_5 = arith.constant 0 : index
    %get3A_6 = arith.constant 0 : index
    %get3A_7 = vector.load %arg3[%get3A_5, %get3A_6] : memref<1024x16xf32, #tpu.memory_space<vmem>>, vector<1024x16xf32>
    %get3A_8 = arith.constant 0 : index
    %get3A_9 = arith.constant 0 : index
    %get3A_10 = vector.load %arg4[%get3A_8, %get3A_9] : memref<1024x16xf32, #tpu.memory_space<vmem>>, vector<1024x16xf32>
    %add3A_11 = arith.addf %get3A_7, %get3A_10 : vector<1024x16xf32>
    %add3A_12 = arith.constant 1.000000e-16 : f32
    %add3A_13 = vector.broadcast %add3A_12 : f32 to vector<1024x16xf32>
    %add3A_14 = arith.addf %add3A_11, %add3A_13 : vector<1024x16xf32>
    %div3A = arith.divf %add3A, %add3A_14 : vector<1024x16xf32>
    %get3A_15 = arith.constant 0 : index
    %get3A_16 = arith.constant 0 : index
    %get3A_17 = vector.load %arg5[%get3A_15, %get3A_16] : memref<1x16xf32, #tpu.memory_space<vmem>>, vector<1x16xf32>
    %add3A_18 = vector.broadcast %get3A_17 : vector<1x16xf32> to vector<1024x16xf32>
    %add3A_19 = arith.addf %div3A, %add3A_18 : vector<1024x16xf32>
    %mul3A = arith.constant 1024 : i32
    %mul3A_20 = arith.muli %arg0, %mul3A : i32
    %iota3A = tpu.iota {dimensions = array<i32: 0>} : vector<1024x16xi32>
    %add3A_21 = vector.broadcast %mul3A_20 : i32 to vector<1024x16xi32>
    %add3A_22 = arith.addi %add3A_21, %iota3A : vector<1024x16xi32>
    %lt3A = arith.constant 50000 : i32
    %lt3A_23 = vector.broadcast %lt3A : i32 to vector<1024x16xi32>
    %lt3A_24 = arith.cmpi slt, %add3A_22, %lt3A_23 : vector<1024x16xi32>
    %jit3A = arith.constant 0.000000e+00 : f32
    %broadcast_in_dim3A = vector.broadcast %jit3A : f32 to vector<1024x16xf32>
    %select_n3A = arith.select %lt3A_24, %add3A_19, %broadcast_in_dim3A : vector<1024x16xi1>, vector<1024x16xf32>
    %reduce_sum3A = arith.constant dense<0.000000e+00> : vector<16xf32>
    %reduce_sum3A_25 = vector.multi_reduction <add>, %select_n3A, %reduce_sum3A [0] : vector<1024x16xf32> to vector<16xf32>
    %broadcast_in_dim3A_26 = vector.shape_cast %reduce_sum3A_25 : vector<16xf32> to vector<1x16xf32>
    %eq3A = arith.constant 0 : i32
    %eq3A_27 = arith.cmpi eq, %arg0, %eq3A : i32
    %convert_element_type3A = arith.extui %eq3A_27 : i1 to i32
    %cond3A = arith.constant 0 : i32
    %cond3A_28 = arith.cmpi ne, %convert_element_type3A, %cond3A : i32
    scf.if %cond3A_28 {
      %broadcast_in_dim3A_35 = arith.constant 0.000000e+00 : f32
      %broadcast_in_dim3A_36 = vector.broadcast %broadcast_in_dim3A_35 : f32 to vector<1x16xf32>
      %swap3A_37 = arith.constant 0 : index
      %swap3A_38 = arith.constant 0 : index
      %swap3A_39 = vector.load %arg6[%swap3A_37, %swap3A_38] : memref<1x16xf32, #tpu.memory_space<vmem>>, vector<1x16xf32>
      tpu.vector_store %arg6[%swap3A_37, %swap3A_38], %broadcast_in_dim3A_36 {strides = array<i32>} : memref<1x16xf32, #tpu.memory_space<vmem>>, vector<1x16xf32>,
    } else {
    }
    %get3A_29 = arith.constant 0 : index
    %get3A_30 = arith.constant 0 : index
    %get3A_31 = vector.load %arg6[%get3A_29, %get3A_30] : memref<1x16xf32, #tpu.memory_space<vmem>>, vector<1x16xf32>
    %add3A_32 = arith.addf %get3A_31, %broadcast_in_dim3A_26 : vector<1x16xf32>
    %swap3A = arith.constant 0 : index
    %swap3A_33 = arith.constant 0 : index
    %swap3A_34 = vector.load %arg6[%swap3A, %swap3A_33] : memref<1x16xf32, #tpu.memory_space<vmem>>, vector<1x16xf32>
    tpu.vector_store %arg6[%swap3A, %swap3A_33], %add3A_32 {strides = array<i32>} : memref<1x16xf32, #tpu.memory_space<vmem>>, vector<1x16xf32>,
    return
  }
  func.func @transform_0(%arg0: i32) -> (i32, i32) {
    %c0_i32 = arith.constant 0 : i32
    %c0_i32_0 = arith.constant 0 : i32
    return %arg0, %c0_i32 : i32, i32
  }
  func.func @transform_1(%arg0: i32) -> (i32, i32) {
    %c0_i32 = arith.constant 0 : i32
    %c0_i32_0 = arith.constant 0 : i32
    return %arg0, %c0_i32 : i32, i32
  }
  func.func @transform_2(%arg0: i32) -> (i32, i32) {
    %c0_i32 = arith.constant 0 : i32
    %c0_i32_0 = arith.constant 0 : i32
    return %arg0, %c0_i32 : i32, i32
  }
  func.func @transform_3(%arg0: i32) -> (i32, i32) {
    %c0_i32 = arith.constant 0 : i32
    %c0_i32_0 = arith.constant 0 : i32
    return %arg0, %c0_i32 : i32, i32
  }
  func.func @transform_4(%arg0: i32) -> (i32, i32) {
    %c0_i32 = arith.constant 0 : i32
    %c0_i32_0 = arith.constant 0 : i32
    %c0_i32_1 = arith.constant 0 : i32
    return %c0_i32, %c0_i32_0 : i32, i32
  }
  func.func @transform_5(%arg0: i32) -> (i32, i32) {
    %c0_i32 = arith.constant 0 : i32
    %c0_i32_0 = arith.constant 0 : i32
    %c0_i32_1 = arith.constant 0 : i32
    return %c0_i32, %c0_i32_0 : i32, i32
  }
}

module attributes {stable_mosaic.version = 14 : i64} {
  func.func @body(%arg0: i32, %arg1: memref<1x16xf32, #tpu.memory_space<vmem>>, %arg2: memref<1x6xf32, #tpu.memory_space<vmem>>, %arg3: memref<16x64xf32, #tpu.memory_space<vmem>>, %arg4: memref<1x64xf32, #tpu.memory_space<vmem>>, %arg5: memref<64x16xf32, #tpu.memory_space<vmem>>, %arg6: memref<1x16xf32, #tpu.memory_space<vmem>>, %arg7: memref<6x8xf32, #tpu.memory_space<vmem>>, %arg8: memref<1x8xf32, #tpu.memory_space<vmem>>, %arg9: memref<24x24xf32, #tpu.memory_space<vmem>>, %arg10: memref<1x24xf32, #tpu.memory_space<vmem>>, %arg11: memref<24x8xf32, #tpu.memory_space<vmem>>, %arg12: memref<1x8xf32, #tpu.memory_space<vmem>>, %arg13: memref<8x3xf32, #tpu.memory_space<vmem>>, %arg14: memref<1x3xf32, #tpu.memory_space<vmem>>, %arg15: memref<1x3xf32, #tpu.memory_space<vmem>>) attributes {dimension_semantics = [#tpu.dimension_semantics<arbitrary>], iteration_bounds = array<i64: 1>, scalar_prefetch = 0 : i64, scratch_operands = 0 : i64, tpu.core_type = #tpu.core_type<tc>, window_params = [{pipeline_mode = #tpu.pipeline_mode<synchronous>, transform_indices = @transform_0, window_bounds = array<i64: 1, 16>}, {pipeline_mode = #tpu.pipeline_mode<synchronous>, transform_indices = @transform_1, window_bounds = array<i64: 1, 6>}, {pipeline_mode = #tpu.pipeline_mode<synchronous>, transform_indices = @transform_2, window_bounds = array<i64: 16, 64>}, {pipeline_mode = #tpu.pipeline_mode<synchronous>, transform_indices = @transform_3, window_bounds = array<i64: 1, 64>}, {pipeline_mode = #tpu.pipeline_mode<synchronous>, transform_indices = @transform_4, window_bounds = array<i64: 64, 16>}, {pipeline_mode = #tpu.pipeline_mode<synchronous>, transform_indices = @transform_5, window_bounds = array<i64: 1, 16>}, {pipeline_mode = #tpu.pipeline_mode<synchronous>, transform_indices = @transform_6, window_bounds = array<i64: 6, 8>}, {pipeline_mode = #tpu.pipeline_mode<synchronous>, transform_indices = @transform_7, window_bounds = array<i64: 1, 8>}, {pipeline_mode = #tpu.pipeline_mode<synchronous>, transform_indices = @transform_8, window_bounds = array<i64: 24, 24>}, {pipeline_mode = #tpu.pipeline_mode<synchronous>, transform_indices = @transform_9, window_bounds = array<i64: 1, 24>}, {pipeline_mode = #tpu.pipeline_mode<synchronous>, transform_indices = @transform_10, window_bounds = array<i64: 24, 8>}, {pipeline_mode = #tpu.pipeline_mode<synchronous>, transform_indices = @transform_11, window_bounds = array<i64: 1, 8>}, {pipeline_mode = #tpu.pipeline_mode<synchronous>, transform_indices = @transform_12, window_bounds = array<i64: 8, 3>}, {pipeline_mode = #tpu.pipeline_mode<synchronous>, transform_indices = @transform_13, window_bounds = array<i64: 1, 3>}, {pipeline_mode = #tpu.pipeline_mode<synchronous>, transform_indices = @transform_14, window_bounds = array<i64: 1, 3>}]} {
    %get3A = arith.constant 0 : index
    %get3A_0 = arith.constant 0 : index
    %get3A_1 = vector.load %arg1[%get3A, %get3A_0] : memref<1x16xf32, #tpu.memory_space<vmem>>, vector<1x16xf32>
    %get3A_2 = arith.constant 0 : index
    %get3A_3 = arith.constant 0 : index
    %get3A_4 = vector.load %arg3[%get3A_2, %get3A_3] : memref<16x64xf32, #tpu.memory_space<vmem>>, vector<16x64xf32>
    %dot_general3A = arith.constant dense<0.000000e+00> : vector<1x64xf32>
    %dot_general3A_5 = tpu.matmul %get3A_1, %get3A_4, %dot_general3A {dimension_numbers = #tpu.dot_dimension_numbers<[1], [0], [0], [1], [0, 0, 1, 1], [], []>, transpose_lhs_hint = false} : vector<1x16xf32>, vector<16x64xf32>, vector<1x64xf32> -> vector<1x64xf32>
    %get3A_6 = arith.constant 0 : index
    %get3A_7 = arith.constant 0 : index
    %get3A_8 = vector.load %arg4[%get3A_6, %get3A_7] : memref<1x64xf32, #tpu.memory_space<vmem>>, vector<1x64xf32>
    %add3A = arith.addf %dot_general3A_5, %get3A_8 : vector<1x64xf32>
    %max3A = arith.constant 0.000000e+00 : f32
    %max3A_9 = vector.broadcast %max3A : f32 to vector<1x64xf32>
    %max3A_10 = arith.maximumf %add3A, %max3A_9 : vector<1x64xf32>
    %get3A_11 = arith.constant 0 : index
    %get3A_12 = arith.constant 0 : index
    %get3A_13 = vector.load %arg5[%get3A_11, %get3A_12] : memref<64x16xf32, #tpu.memory_space<vmem>>, vector<64x16xf32>
    %dot_general3A_14 = arith.constant dense<0.000000e+00> : vector<1x16xf32>
    %dot_general3A_15 = tpu.matmul %max3A_10, %get3A_13, %dot_general3A_14 {dimension_numbers = #tpu.dot_dimension_numbers<[1], [0], [0], [1], [0, 0, 1, 1], [], []>, transpose_lhs_hint = false} : vector<1x64xf32>, vector<64x16xf32>, vector<1x16xf32> -> vector<1x16xf32>
    %get3A_16 = arith.constant 0 : index
    %get3A_17 = arith.constant 0 : index
    %get3A_18 = vector.load %arg6[%get3A_16, %get3A_17] : memref<1x16xf32, #tpu.memory_space<vmem>>, vector<1x16xf32>
    %add3A_19 = arith.addf %dot_general3A_15, %get3A_18 : vector<1x16xf32>
    %get3A_20 = arith.constant 0 : index
    %get3A_21 = arith.constant 0 : index
    %get3A_22 = vector.load %arg2[%get3A_20, %get3A_21] : memref<1x6xf32, #tpu.memory_space<vmem>>, vector<1x6xf32>
    %get3A_23 = arith.constant 0 : index
    %get3A_24 = arith.constant 0 : index
    %get3A_25 = vector.load %arg7[%get3A_23, %get3A_24] : memref<6x8xf32, #tpu.memory_space<vmem>>, vector<6x8xf32>
    %dot_general3A_26 = arith.constant dense<0.000000e+00> : vector<1x8xf32>
    %dot_general3A_27 = tpu.matmul %get3A_22, %get3A_25, %dot_general3A_26 {dimension_numbers = #tpu.dot_dimension_numbers<[1], [0], [0], [1], [0, 0, 1, 1], [], []>, transpose_lhs_hint = false} : vector<1x6xf32>, vector<6x8xf32>, vector<1x8xf32> -> vector<1x8xf32>
    %get3A_28 = arith.constant 0 : index
    %get3A_29 = arith.constant 0 : index
    %get3A_30 = vector.load %arg8[%get3A_28, %get3A_29] : memref<1x8xf32, #tpu.memory_space<vmem>>, vector<1x8xf32>
    %add3A_31 = arith.addf %dot_general3A_27, %get3A_30 : vector<1x8xf32>
    %max3A_32 = arith.constant 0.000000e+00 : f32
    %max3A_33 = vector.broadcast %max3A_32 : f32 to vector<1x8xf32>
    %max3A_34 = arith.maximumf %add3A_31, %max3A_33 : vector<1x8xf32>
    %concatenate3A = tpu.concatenate %add3A_19, %max3A_34 in 1 : vector<1x16xf32>, vector<1x8xf32> -> vector<1x24xf32>
    %get3A_35 = arith.constant 0 : index
    %get3A_36 = arith.constant 0 : index
    %get3A_37 = vector.load %arg9[%get3A_35, %get3A_36] : memref<24x24xf32, #tpu.memory_space<vmem>>, vector<24x24xf32>
    %dot_general3A_38 = arith.constant dense<0.000000e+00> : vector<1x24xf32>
    %dot_general3A_39 = tpu.matmul %concatenate3A, %get3A_37, %dot_general3A_38 {dimension_numbers = #tpu.dot_dimension_numbers<[1], [0], [0], [1], [0, 0, 1, 1], [], []>, transpose_lhs_hint = false} : vector<1x24xf32>, vector<24x24xf32>, vector<1x24xf32> -> vector<1x24xf32>
    %get3A_40 = arith.constant 0 : index
    %get3A_41 = arith.constant 0 : index
    %get3A_42 = vector.load %arg10[%get3A_40, %get3A_41] : memref<1x24xf32, #tpu.memory_space<vmem>>, vector<1x24xf32>
    %add3A_43 = arith.addf %dot_general3A_39, %get3A_42 : vector<1x24xf32>
    %ge3A = arith.constant 0.000000e+00 : f32
    %ge3A_44 = vector.broadcast %ge3A : f32 to vector<1x24xf32>
    %ge3A_45 = arith.cmpf oge, %add3A_43, %ge3A_44 : vector<1x24xf32>
    %mul3A = arith.constant 1.000000e-01 : f32
    %mul3A_46 = vector.broadcast %mul3A : f32 to vector<1x24xf32>
    %mul3A_47 = arith.mulf %mul3A_46, %add3A_43 : vector<1x24xf32>
    %select_n3A = arith.select %ge3A_45, %add3A_43, %mul3A_47 : vector<1x24xi1>, vector<1x24xf32>
    %get3A_48 = arith.constant 0 : index
    %get3A_49 = arith.constant 0 : index
    %get3A_50 = vector.load %arg11[%get3A_48, %get3A_49] : memref<24x8xf32, #tpu.memory_space<vmem>>, vector<24x8xf32>
    %dot_general3A_51 = arith.constant dense<0.000000e+00> : vector<1x8xf32>
    %dot_general3A_52 = tpu.matmul %select_n3A, %get3A_50, %dot_general3A_51 {dimension_numbers = #tpu.dot_dimension_numbers<[1], [0], [0], [1], [0, 0, 1, 1], [], []>, transpose_lhs_hint = false} : vector<1x24xf32>, vector<24x8xf32>, vector<1x8xf32> -> vector<1x8xf32>
    %get3A_53 = arith.constant 0 : index
    %get3A_54 = arith.constant 0 : index
    %get3A_55 = vector.load %arg12[%get3A_53, %get3A_54] : memref<1x8xf32, #tpu.memory_space<vmem>>, vector<1x8xf32>
    %add3A_56 = arith.addf %dot_general3A_52, %get3A_55 : vector<1x8xf32>
    %ge3A_57 = arith.constant 0.000000e+00 : f32
    %ge3A_58 = vector.broadcast %ge3A_57 : f32 to vector<1x8xf32>
    %ge3A_59 = arith.cmpf oge, %add3A_56, %ge3A_58 : vector<1x8xf32>
    %mul3A_60 = arith.constant 1.000000e-01 : f32
    %mul3A_61 = vector.broadcast %mul3A_60 : f32 to vector<1x8xf32>
    %mul3A_62 = arith.mulf %mul3A_61, %add3A_56 : vector<1x8xf32>
    %select_n3A_63 = arith.select %ge3A_59, %add3A_56, %mul3A_62 : vector<1x8xi1>, vector<1x8xf32>
    %get3A_64 = arith.constant 0 : index
    %get3A_65 = arith.constant 0 : index
    %get3A_66 = vector.load %arg13[%get3A_64, %get3A_65] : memref<8x3xf32, #tpu.memory_space<vmem>>, vector<8x3xf32>
    %dot_general3A_67 = arith.constant dense<0.000000e+00> : vector<1x3xf32>
    %dot_general3A_68 = tpu.matmul %select_n3A_63, %get3A_66, %dot_general3A_67 {dimension_numbers = #tpu.dot_dimension_numbers<[1], [0], [0], [1], [0, 0, 1, 1], [], []>, transpose_lhs_hint = false} : vector<1x8xf32>, vector<8x3xf32>, vector<1x3xf32> -> vector<1x3xf32>
    %get3A_69 = arith.constant 0 : index
    %get3A_70 = arith.constant 0 : index
    %get3A_71 = vector.load %arg14[%get3A_69, %get3A_70] : memref<1x3xf32, #tpu.memory_space<vmem>>, vector<1x3xf32>
    %add3A_72 = arith.addf %dot_general3A_68, %get3A_71 : vector<1x3xf32>
    %reduce_max3A = arith.constant dense<0xFF800000> : vector<1xf32>
    %reduce_max3A_73 = vector.multi_reduction <maximumf>, %add3A_72, %reduce_max3A [1] : vector<1x3xf32> to vector<1xf32>
    %broadcast_in_dim3A = vector.shape_cast %reduce_max3A_73 : vector<1xf32> to vector<1x1xf32>
    %sub3A = vector.broadcast %broadcast_in_dim3A : vector<1x1xf32> to vector<1x3xf32>
    %sub3A_74 = arith.subf %add3A_72, %sub3A : vector<1x3xf32>
    %exp3A = math.exp %sub3A_74 : vector<1x3xf32>
    %reduce_sum3A = arith.constant dense<0.000000e+00> : vector<1xf32>
    %reduce_sum3A_75 = vector.multi_reduction <add>, %exp3A, %reduce_sum3A [1] : vector<1x3xf32> to vector<1xf32>
    %broadcast_in_dim3A_76 = vector.shape_cast %reduce_sum3A_75 : vector<1xf32> to vector<1x1xf32>
    %div3A = vector.broadcast %broadcast_in_dim3A_76 : vector<1x1xf32> to vector<1x3xf32>
    %div3A_77 = arith.divf %exp3A, %div3A : vector<1x3xf32>
    %swap3A = arith.constant 0 : index
    %swap3A_78 = arith.constant 0 : index
    %swap3A_79 = vector.load %arg15[%swap3A, %swap3A_78] : memref<1x3xf32, #tpu.memory_space<vmem>>, vector<1x3xf32>
    tpu.vector_store %arg15[%swap3A, %swap3A_78], %div3A_77 {strides = array<i32>} : memref<1x3xf32, #tpu.memory_space<vmem>>, vector<1x3xf32>,
    return
  }
  func.func @transform_0(%arg0: i32) -> (i32, i32) {
    %c0_i32 = arith.constant 0 : i32
    %c0_i32_0 = arith.constant 0 : i32
    %c0_i32_1 = arith.constant 0 : i32
    return %c0_i32, %c0_i32_0 : i32, i32
  }
  func.func @transform_1(%arg0: i32) -> (i32, i32) {
    %c0_i32 = arith.constant 0 : i32
    %c0_i32_0 = arith.constant 0 : i32
    %c0_i32_1 = arith.constant 0 : i32
    return %c0_i32, %c0_i32_0 : i32, i32
  }
  func.func @transform_2(%arg0: i32) -> (i32, i32) {
    %c0_i32 = arith.constant 0 : i32
    %c0_i32_0 = arith.constant 0 : i32
    %c0_i32_1 = arith.constant 0 : i32
    return %c0_i32, %c0_i32_0 : i32, i32
  }
  func.func @transform_3(%arg0: i32) -> (i32, i32) {
    %c0_i32 = arith.constant 0 : i32
    %c0_i32_0 = arith.constant 0 : i32
    %c0_i32_1 = arith.constant 0 : i32
    return %c0_i32, %c0_i32_0 : i32, i32
  }
  func.func @transform_4(%arg0: i32) -> (i32, i32) {
    %c0_i32 = arith.constant 0 : i32
    %c0_i32_0 = arith.constant 0 : i32
    %c0_i32_1 = arith.constant 0 : i32
    return %c0_i32, %c0_i32_0 : i32, i32
  }
  func.func @transform_5(%arg0: i32) -> (i32, i32) {
    %c0_i32 = arith.constant 0 : i32
    %c0_i32_0 = arith.constant 0 : i32
    %c0_i32_1 = arith.constant 0 : i32
    return %c0_i32, %c0_i32_0 : i32, i32
  }
  func.func @transform_6(%arg0: i32) -> (i32, i32) {
    %c0_i32 = arith.constant 0 : i32
    %c0_i32_0 = arith.constant 0 : i32
    %c0_i32_1 = arith.constant 0 : i32
    return %c0_i32, %c0_i32_0 : i32, i32
  }
  func.func @transform_7(%arg0: i32) -> (i32, i32) {
    %c0_i32 = arith.constant 0 : i32
    %c0_i32_0 = arith.constant 0 : i32
    %c0_i32_1 = arith.constant 0 : i32
    return %c0_i32, %c0_i32_0 : i32, i32
  }
  func.func @transform_8(%arg0: i32) -> (i32, i32) {
    %c0_i32 = arith.constant 0 : i32
    %c0_i32_0 = arith.constant 0 : i32
    %c0_i32_1 = arith.constant 0 : i32
    return %c0_i32, %c0_i32_0 : i32, i32
  }
  func.func @transform_9(%arg0: i32) -> (i32, i32) {
    %c0_i32 = arith.constant 0 : i32
    %c0_i32_0 = arith.constant 0 : i32
    %c0_i32_1 = arith.constant 0 : i32
    return %c0_i32, %c0_i32_0 : i32, i32
  }
  func.func @transform_10(%arg0: i32) -> (i32, i32) {
    %c0_i32 = arith.constant 0 : i32
    %c0_i32_0 = arith.constant 0 : i32
    %c0_i32_1 = arith.constant 0 : i32
    return %c0_i32, %c0_i32_0 : i32, i32
  }
  func.func @transform_11(%arg0: i32) -> (i32, i32) {
    %c0_i32 = arith.constant 0 : i32
    %c0_i32_0 = arith.constant 0 : i32
    %c0_i32_1 = arith.constant 0 : i32
    return %c0_i32, %c0_i32_0 : i32, i32
  }
  func.func @transform_12(%arg0: i32) -> (i32, i32) {
    %c0_i32 = arith.constant 0 : i32
    %c0_i32_0 = arith.constant 0 : i32
    %c0_i32_1 = arith.constant 0 : i32
    return %c0_i32, %c0_i32_0 : i32, i32
  }
  func.func @transform_13(%arg0: i32) -> (i32, i32) {
    %c0_i32 = arith.constant 0 : i32
    %c0_i32_0 = arith.constant 0 : i32
    %c0_i32_1 = arith.constant 0 : i32
    return %c0_i32, %c0_i32_0 : i32, i32
  }
  func.func @transform_14(%arg0: i32) -> (i32, i32) {
    %c0_i32 = arith.constant 0 : i32
    %c0_i32_0 = arith.constant 0 : i32
    %c0_i32_1 = arith.constant 0 : i32
    return %c0_i32, %c0_i32_0 : i32, i32
  }
}

</mosaic_0001>

<sc_bundles>
// kernel: kernel.11.cloned.1.call-start
scs
__scs_entry_jumppad:
0x0: {  	(pc) =	sbr.rel $0x88, $3  }
0x1: {  	(tag) =	ssettag $0x0;
	lr =	simm.s32 $0x1  }
0x2: {  	[smem:$0x3F83] =	sst lr;
	_ =	strace $0xD0000000  }
0x3: {  	_ = 	snop  }
0x4: {  	_ = 	snop  }
0x5: {  	_ = 	snop  }
0x6: {  	_ = 	snop  }
0x7: {  	_ = 	snop  }
__scs_overlays_trampoline_lowered:
0x8: {  	[smem:$0x3F92] =	sst s0  }
0x9: {  	[smem:$0x3F93] =	sst s1  }
0xa: {  	[smem:$0x3F94] =	sst s2  }
0xb: {  	[smem:$0x3F95] =	sst s3  }
0xc: {  	[smem:$0x3F96] =	sst s4  }
0xd: {  	[smem:$0x3F97] =	sst s5  }
0xe: {  	[smem:$0x3F98] =	sst s6  }
0xf: {  	[smem:$0x3F99] =	sst s7  }
0x10: {  	[smem:$0x3F9A] =	sst s8  }
0x11: {  	[smem:$0x3F9B] =	sst s9;
	s0 =	simm.s32 @!p0 $0x0  }
0x12: {  	s1 =	sld [smem:$0x3F81];
	s0 =	simm.s32 @p0 $0x1  }
0x13: {  	[smem:$0x3F9C] =	sst s0;
	s0 =	simm.s32 @!p1 $0x0  }
0x14: {  	s2 =	sld [smem:$0x3F80];
	s0 =	simm.s32 @p1 $0x1  }
0x15: {  	[smem:$0x3F9D] =	sst s0;
	s0 =	simm.s32 @!p2 $0x0  }
0x16: {  	s3 =	sld [smem:$0x3FDB];
	s0 =	simm.s32 @p2 $0x1  }
0x17: {  	s4 =	simm.s32 $0x1BF5;
	[smem:$0x3F9F] =	sst s0  }
0x18: {  	s0 =	sld [smem:$0x3F82];
	_ =	swait.ge [sflag:s4], $0x0  }
0x19: {  	s7 =	sld [smem:$0x3F83]  }
0x1a: {  	s8 =	sadd.s32 $0xFFFFE003, lr  }
0x1b: {  	s9 =	sadd.s32 $0xFFFFFEF7, lr;
	s5 =	simm.s32 $0xFFFFFFFF;
	p2 =	slt.u32 s8, $0xFFFFF086  }
0x1c: {  	p1 =	slt.u32 s9, $0xF7A;
	s5 =	simm.s32 @!p2 $0x0  }
0x1d: {  	s5 =	simm.s32 @p1 $0x1;
	p0 =	seq.s32 s7, s2  }
0x1e: {  	s7 =	smul.u32 @!p0 $0xF7A, s2;
	p2 =	seq.s32 @!p0 s5, $0x0  }
0x1f: {  	s9 =	smul.u32 $0xF7A, s1;
	s8 =	simm.s32 @!p0 $0x1BF5;
	p2 =	por !p2, p0  }
0x20: {  	[sflag:s8] =	ssyncset.s32 @!p0 $0xFFFFF086;
	s6 =	sadd.s32 @!p0 s3, s7;
	s7 =	simm.s32 @!p0 $0x108  }
0x21: {  	s3 =	sadd.s32 s3, s9;
	s6 =	sadd.s32 @!p0 $0x88, s6;
	s7 =	simm.s32 @p2 $0x1082  }
0x22: {  	[simem:s7], [sflag:s8] =	dma.local @!p0 [hbm:s6], $0xF7A  }
0x23: {  	s9 =	sor.u32 $0xD0000000, s2;
	s6 =	simm.s32 $0x108;
	_ =	swait.ge @!p0 [sflag:s8], $0x0  }
0x24: {  	s3 =	sadd.s32 $0x88, s3;
	s6 =	simm.s32 @!p1 $0x1082;
	[sflag:s4] =	ssyncset.s32 $0xFFFFF086  }
0x25: {  	[simem:s6], [sflag:s4] =	dma.local [hbm:s3], $0xF7A  }
0x26: {  	[smem:$0x3F83] =	sst s1;
	(tag) =	ssettag s2;
	_ =	strace s9  }
0x27: {  	s1 =	sld [smem:$0x3F93]  }
0x28: {  	s2 =	sld [smem:$0x3F94]  }
0x29: {  	s4 =	sld [smem:$0x3F96]  }
0x2a: {  	p0 =	seq.s32 s5, $0x0;
	s5 =	sld [smem:$0x3F97]  }
0x2b: {  	s6 =	sld [smem:$0x3F98]  }
0x2c: {  	s7 =	sld [smem:$0x3F99]  }
0x2d: {  	s3 =	simm.s32 $0x108;
	s8 =	sld [smem:$0x3F9A]  }
0x2e: {  	s3 =	simm.s32 @!p0 $0x1082;
	s9 =	sld [smem:$0x3F9B]  }
0x2f: {  	lr =	sadd.s32 s0, s3;
	s0 =	sld [smem:$0x3F92]  }
0x30: {  	s3 =	sld [smem:$0x3F95]  }
0x31: {  	[smem:$0x3F9E] =	sst s10  }
0x32: {  	s10 =	sld [smem:$0x3F9C];
	_ =	sdelay $0x3  }
0x33: {  	p0 =	seq.s32 s10, $0x1;
	s10 =	sld [smem:$0x3F9E];
	_ =	sdelay $0x3  }
0x34: {  	[smem:$0x3F9E] =	sst s10  }
0x35: {  	s10 =	sld [smem:$0x3F9D];
	_ =	sdelay $0x3  }
0x36: {  	p1 =	seq.s32 s10, $0x1;
	s10 =	sld [smem:$0x3F9E];
	_ =	sdelay $0x3  }
0x37: {  	[smem:$0x3F9E] =	sst s10  }
0x38: {  	s10 =	sld [smem:$0x3F9F]  }
0x39: {  	_ = 	snop;
	(pc) =	sbr.ind lr, $3  }
0x3a: {  	_ = 	snop  }
0x3b: {  	_ = 	snop  }
0x3c: {  	p2 =	seq.s32 s10, $0x1;
	s10 =	sld [smem:$0x3F9E]  }
0x3d: {  	_ =	shalt  }
0x3e: {  	_ =	shalt  }
0x3f: {  	_ =	shalt  }
0x40: {  	_ =	shalt  }
0x41: {  	_ =	shalt  }
0x42: {  	_ =	shalt  }
0x43: {  	_ =	shalt  }
0x44: {  	_ =	shalt  }
0x45: {  	_ =	shalt  }
0x46: {  	_ =	shalt  }
0x47: {  	_ =	shalt  }
0x48: {  	_ =	shalt  }
0x49: {  	_ =	shalt  }
0x4a: {  	_ =	shalt  }
0x4b: {  	_ =	shalt  }
0x4c: {  	_ =	shalt  }
0x4d: {  	_ =	shalt  }
0x4e: {  	_ =	shalt  }
0x4f: {  	_ =	shalt  }
0x50: {  	_ =	shalt  }
0x51: {  	_ =	shalt  }
0x52: {  	_ =	shalt  }
0x53: {  	_ =	shalt  }
0x54: {  	_ =	shalt  }
0x55: {  	_ =	shalt  }
0x56: {  	_ =	shalt  }
0x57: {  	_ =	shalt  }
0x58: {  	_ =	shalt  }
0x59: {  	_ =	shalt  }
0x5a: {  	_ =	shalt  }
0x5b: {  	_ =	shalt  }
0x5c: {  	_ =	shalt  }
0x5d: {  	_ =	shalt  }
0x5e: {  	_ =	shalt  }
0x5f: {  	_ =	shalt  }
0x60: {  	_ =	shalt  }
0x61: {  	_ =	shalt  }
0x62: {  	_ =	shalt  }
0x63: {  	_ =	shalt  }
0x64: {  	_ =	shalt  }
0x65: {  	_ =	shalt  }
0x66: {  	_ =	shalt  }
0x67: {  	_ =	shalt  }
0x68: {  	_ =	shalt  }
0x69: {  	_ =	shalt  }
0x6a: {  	_ =	shalt  }
0x6b: {  	_ =	shalt  }
0x6c: {  	_ =	shalt  }
0x6d: {  	_ =	shalt  }
0x6e: {  	_ =	shalt  }
0x6f: {  	_ =	shalt  }
0x70: {  	_ =	shalt  }
0x71: {  	_ =	shalt  }
0x72: {  	_ =	shalt  }
0x73: {  	_ =	shalt  }
0x74: {  	_ =	shalt  }
0x75: {  	_ =	shalt  }
0x76: {  	_ =	shalt  }
0x77: {  	_ =	shalt  }
0x78: {  	_ =	shalt  }
0x79: {  	_ =	shalt  }
0x7a: {  	_ =	shalt  }
0x7b: {  	_ =	shalt  }
0x7c: {  	_ =	shalt  }
0x7d: {  	_ =	shalt  }
0x7e: {  	_ =	shalt  }
0x7f: {  	_ =	shalt  }
0x80: {  	_ =	shalt  }
0x81: {  	_ =	shalt  }
0x82: {  	_ =	shalt  }
0x83: {  	_ =	shalt  }
0x84: {  	_ =	shalt  }
0x85: {  	_ =	shalt  }
0x86: {  	_ =	shalt  }
0x87: {  	_ =	shalt  }
.Lfunc_end0:
.L_simem_size_0:
called_computation.1_lowered:
.L_overlay_start_0:
0x88: {  	s2 =	sld [smem:$0x3FD9]  }
0x89: {  	s3 =	sld [smem:$0x3FFE];
	_ =	sdelay $0x1  }
0x8a: {  	s1 =	srdreg.scid  }
0x8b: {  	s0 =	sand.u32 $0x1, s1  }
0x8c: {  	s16 =	sshll.u32 s0, $0xA;
	s2 =	sadd.s32 s3, s2  }
0x8d: {  	s2 =	sadd.s32 s2, s16  }
0x8e: {  	[smem:$0x3FAA] =	sst s2  }
0x8f: {  	_ = 	snop  }
0x90: {  	(tm) =	ssettm $0x1  }
0x91: {  	s17 =	sld [smem:$0x3FFB];
	_ =	sdelay $0x3  }
0x92: {  	_ =	strace s17  }
0x93: {  	s2 =	sld [smem:$0x3FFC];
	_ =	sdelay $0x3  }
0x94: {  	_ =	strace s2  }
0x95: {  	s2 =	sld [smem:$0x3FFD];
	_ =	sdelay $0x3  }
0x96: {  	_ =	strace s2  }
0x97: {  	_ =	strace $0x8FFFFFFF  }
0x98: {  	s18 =	sld [smem:$0x3FDB];
	_ =	sdelay $0x1  }
0x99: {  	s19 =	simm.s32 $_scs_section_size  }
0x9a: {  	s4 =	simm.s32 $_size__tile_overlayer_lowered;
	s5 =	simm.s32 $_tile_overlayer_lowered  }
0x9b: {  	s22 =	simm.s32 $0x1BFF;
	s21 =	sshll.u32 s5, $0x1;
	s2 =	sadd.s32 s19, s18  }
0x9c: {  	s6 =	simm.s32 $0x0;
	s20 =	sshll.u32 s4, $0x1;
	s4 =	sadd.s32 s21, s2  }
0x9d: {  	[timem:s6], [sflag:s22] =	dma.local [hbm:s4], s20  }
0x9e: {  	_ =	swait.ge [sflag:s22], s20  }
0x9f: {  	s3 =	ssub.s32 $0x0, s20;
	[sflag:s22] =	ssyncset.done $0x0  }
0xa0: {  	[sflag:s22] =	ssyncadd.s32 s3;
	_ =	sdelay $0x1  }
0xa1: {  	s23 =	simm.s32 $0x1B8B  }
0xa2: {  	_ =	swait.ge [sflag:s23], $0x1  }
0xa3: {  	[sflag:s23] =	ssyncset.done $0x0  }
0xa4: {  	s25 =	simm.s32 $0x1B8E;
	s24 =	sld [smem:$0x3FFE];
	[sflag:s23] =	ssyncadd.s32 $0xFFFFFFFF  }
0xa5: {  	s26 =	simm.s32 $execute0_lowered;
	[smem:$0x3FD2] =	sst s25  }
0xa6: {  	s4 =	sshll.u32 s26, $0x1;
	_ =	strace $0x80000049;
	[dreg:$0x1] =	wrdreg $0xFFFFFFFF  }
0xa7: {  	s28 =	simm.s32 $_size_execute0_lowered;
	s2 =	sadd.s32 s2, s4;
	[dreg:$0x0] =	wrdreg $0x0  }
0xa8: {  	s4 =	sshll.u32 s28, $0x1;
	[dreg:$0x2] =	wrdreg s2  }
0xa9: {  	[dreg:$0x3] =	wrdreg s4  }
0xaa: {  	[dreg:$0x4] =	wrdreg $0xC0  }
0xab: {  	_ =	task [dreg:s6], $0x5FFFF  }
0xac: {  	[dreg:$0x1] =	wrdreg $0xFFFFFFFF  }
0xad: {  	[dreg:$0x0] =	wrdreg $0x60  }
0xae: {  	[dreg:$0x2] =	wrdreg s24  }
0xaf: {  	[dreg:$0x3] =	wrdreg $0x6F700  }
0xb0: {  	[dreg:$0x4] =	wrdreg $0x137700  }
0xb1: {  	[dreg:$0x5] =	wrdreg $0x9  }
0xb2: {  	_ =	task.clear_ibuf [dreg:s6], $0x6FFFF;
	_ =	strace $0x90000049  }
0xb3: {  	s29 =	simm.s32 $0x9;
	_ =	strace $0x8000004B  }
0xb4: {  	_ =	swait.ge [sflag:s29], $0x1  }
0xb5: {  	[sflag:s29] =	ssyncadd.s32 $0xFFFFFFFF  }
0xb6: {  	_ =	strace $0x9000004B  }
0xb7: {  	_ =	sfence  }
0xb8: {  	s30 =	sld [smem:$0x0];
	_ =	sdelay $0x2  }
0xb9: {  	s31 =	sshll.u32 s1, $0xD;
	s1 =	sshrl.u32 s1, $0x2  }
0xba: {  	s3 =	sand.u32 $0x4000, s31;
	s1 =	sadd.s32 s1, s30  }
0xbb: {  	s0 =	sor.u32 s3, s0;
	s1 =	sshll.u32 s1, $0x11  }
0xbc: {  	s0 =	sor.u32 s1, s0  }
0xbd: {  	s0 =	sadd.s32 $0x8F2B, s0  }
0xbe: {  	[sflag:s0] =	ssyncadd.remote.s32 $0x1  }
0xbf: {  	_ =	sfence.sel $0xFFFF  }
0xc0: {  	[dreg:$0x0] =	wrdreg $0xFFFFFFFF;
	(pc) =	sbr.abs _section_cstart, $3  }
0xc1: {  	[dreg:$0x1] =	wrdreg $0xFFFFFFFF  }
0xc2: {  	_ =	task.clear_ibuf [dreg:s6], $0x2FFFF;
	_ =	strace $0x9FFFFFFF  }
0xc3: {  	(tm) =	ssettm $0x7FFFFFFF  }
tec
execute0_lowered:
.L_overlay_start_1:
0x0: {  	(tag) =	ssettag $0x1  }
0x1: {  	s0 =	rddreg [dreg:$0x0]  }
0x2: {  	s1 =	rddreg [dreg:$0x1]  }
0x3: {  	s2 =	rddreg [dreg:$0x2]  }
0x4: {  	s4 =	simm.s32 $0x0;
	s3 =	srdreg.scid;
	s7 =	stileid.u32  }
0x5: {  	[smem:$0x7FF] =	sst s4;
	s5 =	sadd.s32 $0x7F000, s0;
	s11 =	smul.u32 $0xC800, s7  }
0x6: {  	s6 =	sadd.s32 $0x66000, s0;
	s9 =	sshll.u32 s7, $0x1;
	s7 =	sadd.s32 $0x35200, s0  }
0x7: {  	s3 =	sand.u32 $0x1, s3;
	s14 =	sadd.s32 $0x15DC00, s0;
	_ =	strace $0x8000004A  }
0x8: {  	s12 =	smul.u32 $0x190000, s3;
	s9 =	sor.u32 s3, s9;
	s30 =	sadd.s32 $0x1900, s11  }
0x9: {  	[dreg:$0x4] =	wrdreg s14;
	s15 =	sadd.s32 $0x3200, s11;
	s14 =	sadd.s32 s30, s2  }
0xa: {  	s16 =	sadd.s32 $0x4B00, s11;
	s17 =	sadd.s32 s15, s1;
	[dreg:$0xc] =	wrdreg s14  }
0xb: {  	s3 =	ssub.s32 $0x2, s3;
	s18 =	sadd.s32 s16, s1;
	[dreg:$0xd] =	wrdreg s17  }
0xc: {  	s20 =	sadd.s32 $0x6400, s11;
	s19 =	sadd.s32 s16, s2;
	[dreg:$0xf] =	wrdreg s18  }
0xd: {  	s21 =	sadd.s32 $0x7D00, s11;
	s22 =	sadd.s32 s20, s1;
	[dreg:$0x10] =	wrdreg s19  }
0xe: {  	s25 =	sshrl.u32 s3, $0x1;
	s23 =	sadd.s32 s21, s1;
	[dreg:$0x11] =	wrdreg s22  }
0xf: {  	s3 =	ssub.s32 s3, s25;
	s24 =	sadd.s32 s21, s2;
	[dreg:$0x13] =	wrdreg s23  }
0x10: {  	s13 =	smul.u32 $0x190, s9;
	s31 =	smax.u32 s3, $0x1;
	[dreg:$0x14] =	wrdreg s24  }
0x11: {  	s8 =	sadd.s32 $0x4400, s0;
	s3 =	sadd.s32 s30, s1;
	[dreg:$0xa] =	wrdreg s31  }
0x12: {  	s13 =	sshrl.u32 s13, $0x3;
	s14 =	sadd.s32 s11, s2;
	[dreg:$0xb] =	wrdreg s3  }
0x13: {  	s10 =	sadd.s32 $0x98000, s0;
	s26 =	sadd.s32 s7, s13;
	[dreg:$0x16] =	wrdreg s14  }
0x14: {  	s12 =	sadd.s32 s11, s12;
	s28 =	sadd.s32 s8, s13;
	[dreg:$0x5] =	wrdreg s26  }
0x15: {  	s12 =	sshrl.u32 s12, $0x3;
	s13 =	sadd.s32 s10, s13;
	[dreg:$0x6] =	wrdreg s28  }
0x16: {  	v0 =	vimm.s32 $0xEFCDAB89;
	v1 =	vimm.s32 $0x67452301;
	s0 =	sadd.s32 s12, s0;
	s12 =	sadd.s32 s11, s1;
	[dreg:$0x7] =	wrdreg s13  }
0x17: {  	v2 =	vimm.s32 $0xDCFE98BA;
	v3 =	vimm.s32 $0x54761032;
	s25 =	sadd.s32 $0x9600, s11;
	s29 =	sadd.s32 $0xF9C00, s0;
	[dreg:$0x15] =	wrdreg s12  }
0x18: {  	v4 =	vimm.s32 $0xBA98FEDC;
	v5 =	vimm.s32 $0x32107654;
	s21 =	simm.s32 $0x1;
	s0 =	sadd.s32 $0x112C00, s0;
	[dreg:$0x8] =	wrdreg s29  }
0x19: {  	v0 =	vunpack.c.l.s4.s8 v0;
	v1 =	vunpack.c.l.s4.s8 v1;
	v2 =	vunpack.c.l.s4.s8 v2;
	s17 =	simm.s32 $0x50;
	s28 =	sadd.s32 s25, s1;
	[dreg:$0x9] =	wrdreg s0  }
0x1a: {  	v3 =	vunpack.c.l.s4.s8 v3;
	v4 =	vunpack.c.l.s4.s8 v4;
	v5 =	vunpack.c.l.s4.s8 v5;
	s18 =	simm.s32 $0xA0;
	s31 =	sadd.s32 $0x30D40, s13;
	[dreg:$0x17] =	wrdreg s28  }
0x1b: {  	v0 =	vunpack.c.0.s8.s32 v0;
	v1 =	vunpack.c.0.s8.s32 v1;
	v2 =	vunpack.c.0.s8.s32 v2;
	s26 =	sadd.s32 $0xAF00, s11;
	s0 =	sadd.s32 s15, s2;
	[dreg:$0x1b] =	wrdreg s31  }
0x1c: {  	v3 =	vunpack.c.0.s8.s32 v3;
	v4 =	vunpack.c.0.s8.s32 v4;
	v5 =	vunpack.c.0.s8.s32 v5;
	s19 =	simm.s32 $0xF0;
	s29 =	sadd.s32 s26, s1;
	[dreg:$0xe] =	wrdreg s0  }
0x1d: {  	v1 =	vcombine.low v1, v0;
	s22 =	simm.s32 $0x2;
	s30 =	sadd.s32 s26, s2;
	[dreg:$0x19] =	wrdreg s29  }
0x1e: {  	v2 =	vcombine.low v3, v2;
	v3 =	vcombine.low v5, v4;
	s3 =	simm.s32 $0x0;
	s0 =	sadd.s32 s20, s2;
	[dreg:$0x1a] =	wrdreg s30  }
0x1f: {  	v0 =	vimm.f32 $0.0e+00;
	s13 =	simm.s32 $0x3;
	[dreg:$0x12] =	wrdreg s0;
	s0 =	sadd.s32 s25, s2  }
0x20: {  	v1 =	vand.u32 $0xF, v1;
	v2 =	vand.u32 $0xF, v2;
	v3 =	vand.u32 $0xF, v3;
	s15 =	simm.s32 $0xAF0;
	s20 =	simm.s32 $0x140;
	[dreg:$0x18] =	wrdreg s0  }
.LBB2_1:
0x21: {  	[dreg:$0x1c] =	wrdreg s3  }
0x22: {  	s0 =	rddreg [dreg:$0x4];
	s31 =	simm.s32 $0x6EF0  }
0x23: {  	[tilespmem:s31], [sflag:$0x3] =	stream.linear.gather [hbm4b:s0+s4], $0x80, $0x38;
	[tilespmem:$0x1FF70] =	vst v63  }
0x24: {  	_ =	swait.ge [sflag:s13], $0x80  }
0x25: {  	[sflag:s13] =	ssyncset.done $0x0  }
0x26: {  	[sflag:s13] =	ssyncadd.s32 $0xFFFFFF80  }
0x27: {  	v4 =	vld [tilespmem:$0x6EF0]  }
0x28: {  	v5 =	vld [tilespmem:$0x6F00]  }
0x29: {  	s3 =	simm.s32 $0x0;
	s0 =	simm.s32 $0x40;
	v6 =	vld [tilespmem:$0x6F10]  }
.LBB2_2:
0x2a: {  	p0 =	sne.s32 s0, $0x63C0;
	[tilespmem:s3+$0xAF0] =	vst v0;
	s3 =	smov.u32 s0;
	s0 =	sadd.s32 $0x40, s0  }
.Ltmp0:
0x2b: {  	(pc) =	sbr.rel @p0 .LBB2_2-.Ltmp0, $2  }
0x2c: {  	_ =	sdelay $0x2  }
0x2d: {  	s3 =	sshra.s32 s3, $0x2  }
0x2e: {  	[tilespmem:s3+$0xAF0] =	vst v0  }
0x2f: {  	[spmem:s12] =	stream.linear.scatter [tilespmem:s15], [sflag:$0x3], $0x1900, $0x38;
	[tilespmem:$0x1FF70] =	vst v63  }
0x30: {  	_ =	swait.ge [sflag:s13], $0x1900  }
0x31: {  	[sflag:s13] =	ssyncset.done $0x0  }
0x32: {  	[sflag:s13] =	ssyncadd.s32 $0xFFFFE700  }
0x33: {  	[spmem:s14] =	stream.linear.scatter [tilespmem:s15], [sflag:$0x3], $0x1900, $0x38;
	[tilespmem:$0x1FF70] =	vst v63  }
0x34: {  	_ =	swait.ge [sflag:s13], $0x1900  }
0x35: {  	[sflag:s13] =	ssyncset.done $0x0  }
0x36: {  	s0 =	rddreg [dreg:$0xb];
	[sflag:s13] =	ssyncadd.s32 $0xFFFFE700  }
0x37: {  	[spmem:s0] =	stream.linear.scatter [tilespmem:s15], [sflag:$0x3], $0x1900, $0x38;
	[tilespmem:$0x1FF70] =	vst v63  }
0x38: {  	_ =	swait.ge [sflag:s13], $0x1900  }
0x39: {  	[sflag:s13] =	ssyncset.done $0x0  }
0x3a: {  	s24 =	rddreg [dreg:$0xc];
	[sflag:s13] =	ssyncadd.s32 $0xFFFFE700  }
0x3b: {  	[spmem:s24] =	stream.linear.scatter [tilespmem:s15], [sflag:$0x3], $0x1900, $0x38;
	[tilespmem:$0x1FF70] =	vst v63  }
0x3c: {  	_ =	swait.ge [sflag:s13], $0x1900  }
0x3d: {  	[sflag:s13] =	ssyncset.done $0x0  }
0x3e: {  	s25 =	rddreg [dreg:$0xd];
	[sflag:s13] =	ssyncadd.s32 $0xFFFFE700  }
0x3f: {  	[spmem:s25] =	stream.linear.scatter [tilespmem:s15], [sflag:$0x3], $0x1900, $0x38;
	[tilespmem:$0x1FF70] =	vst v63  }
0x40: {  	_ =	swait.ge [sflag:s13], $0x1900  }
0x41: {  	[sflag:s13] =	ssyncset.done $0x0  }
0x42: {  	s26 =	rddreg [dreg:$0xe];
	[sflag:s13] =	ssyncadd.s32 $0xFFFFE700  }
0x43: {  	[spmem:s26] =	stream.linear.scatter [tilespmem:s15], [sflag:$0x3], $0x1900, $0x38;
	[tilespmem:$0x1FF70] =	vst v63  }
0x44: {  	_ =	swait.ge [sflag:s13], $0x1900  }
0x45: {  	[sflag:s13] =	ssyncset.done $0x0  }
0x46: {  	s28 =	rddreg [dreg:$0xf];
	[sflag:s13] =	ssyncadd.s32 $0xFFFFE700  }
0x47: {  	[spmem:s28] =	stream.linear.scatter [tilespmem:s15], [sflag:$0x3], $0x1900, $0x38;
	[tilespmem:$0x1FF70] =	vst v63  }
0x48: {  	_ =	swait.ge [sflag:s13], $0x1900  }
0x49: {  	[sflag:s13] =	ssyncset.done $0x0  }
0x4a: {  	s29 =	rddreg [dreg:$0x10];
	[sflag:s13] =	ssyncadd.s32 $0xFFFFE700  }
0x4b: {  	[spmem:s29] =	stream.linear.scatter [tilespmem:s15], [sflag:$0x3], $0x1900, $0x38;
	[tilespmem:$0x1FF70] =	vst v63  }
0x4c: {  	_ =	swait.ge [sflag:s13], $0x1900  }
0x4d: {  	[sflag:s13] =	ssyncset.done $0x0  }
0x4e: {  	s30 =	rddreg [dreg:$0x11];
	[sflag:s13] =	ssyncadd.s32 $0xFFFFE700  }
0x4f: {  	[spmem:s30] =	stream.linear.scatter [tilespmem:s15], [sflag:$0x3], $0x1900, $0x38;
	[tilespmem:$0x1FF70] =	vst v63  }
0x50: {  	_ =	swait.ge [sflag:s13], $0x1900  }
0x51: {  	[sflag:s13] =	ssyncset.done $0x0  }
0x52: {  	s31 =	rddreg [dreg:$0x12];
	[sflag:s13] =	ssyncadd.s32 $0xFFFFE700  }
0x53: {  	[spmem:s31] =	stream.linear.scatter [tilespmem:s15], [sflag:$0x3], $0x1900, $0x38;
	[tilespmem:$0x1FF70] =	vst v63  }
0x54: {  	_ =	swait.ge [sflag:s13], $0x1900  }
0x55: {  	[sflag:s13] =	ssyncset.done $0x0  }
0x56: {  	s3 =	rddreg [dreg:$0x13];
	[sflag:s13] =	ssyncadd.s32 $0xFFFFE700  }
0x57: {  	[spmem:s3] =	stream.linear.scatter [tilespmem:s15], [sflag:$0x3], $0x1900, $0x38;
	[tilespmem:$0x1FF70] =	vst v63  }
0x58: {  	_ =	swait.ge [sflag:s13], $0x1900  }
0x59: {  	[sflag:s13] =	ssyncset.done $0x0  }
0x5a: {  	s11 =	rddreg [dreg:$0x14];
	[sflag:s13] =	ssyncadd.s32 $0xFFFFE700  }
0x5b: {  	[spmem:s11] =	stream.linear.scatter [tilespmem:s15], [sflag:$0x3], $0x1900, $0x38;
	[tilespmem:$0x1FF70] =	vst v63  }
0x5c: {  	_ =	swait.ge [sflag:s13], $0x1900  }
0x5d: {  	[sflag:s13] =	ssyncset.done $0x0  }
0x5e: {  	s12 =	rddreg [dreg:$0x17];
	[sflag:s13] =	ssyncadd.s32 $0xFFFFE700  }
0x5f: {  	[spmem:s12] =	stream.linear.scatter [tilespmem:s15], [sflag:$0x3], $0x1900, $0x38;
	[tilespmem:$0x1FF70] =	vst v63  }
0x60: {  	_ =	swait.ge [sflag:s13], $0x1900  }
0x61: {  	[sflag:s13] =	ssyncset.done $0x0  }
0x62: {  	s14 =	rddreg [dreg:$0x18];
	[sflag:s13] =	ssyncadd.s32 $0xFFFFE700  }
0x63: {  	[spmem:s14] =	stream.linear.scatter [tilespmem:s15], [sflag:$0x3], $0x1900, $0x38;
	[tilespmem:$0x1FF70] =	vst v63  }
0x64: {  	_ =	swait.ge [sflag:s13], $0x1900  }
0x65: {  	[sflag:s13] =	ssyncset.done $0x0  }
0x66: {  	s16 =	rddreg [dreg:$0x19];
	[sflag:s13] =	ssyncadd.s32 $0xFFFFE700  }
0x67: {  	[spmem:s16] =	stream.linear.scatter [tilespmem:s15], [sflag:$0x3], $0x1900, $0x38;
	[tilespmem:$0x1FF70] =	vst v63  }
0x68: {  	_ =	swait.ge [sflag:s13], $0x1900  }
0x69: {  	[sflag:s13] =	ssyncset.done $0x0  }
0x6a: {  	s23 =	rddreg [dreg:$0x1a];
	[sflag:s13] =	ssyncadd.s32 $0xFFFFE700  }
0x6b: {  	[spmem:s23] =	stream.linear.scatter [tilespmem:s15], [sflag:$0x3], $0x1900, $0x38;
	[tilespmem:$0x1FF70] =	vst v63  }
0x6c: {  	_ =	swait.ge [sflag:s13], $0x1900  }
0x6d: {  	[sflag:s13] =	ssyncset.done $0x0  }
0x6e: {  	[sflag:s13] =	ssyncadd.s32 $0xFFFFE700  }
0x6f: {  	[bflag:$0x0] =	sbarrier.arrive $0xFFFF  }
0x70: {  	s0 =	simm.s32 $0x0;
	s24 =	rddreg [dreg:$0x5]  }
0x71: {  	[tilespmem:s0], [sflag:$0x3] =	stream.linear.gather [hbm4b:s24+s0], $0x190, $0x38;
	[tilespmem:$0x1FF70] =	vst v63  }
0x72: {  	_ =	swait.ge [sflag:s13], $0x190  }
0x73: {  	[sflag:s13] =	ssyncset.done $0x0  }
0x74: {  	s11 =	simm.s32 $0x190;
	s25 =	rddreg [dreg:$0x6];
	[sflag:s13] =	ssyncadd.s32 $0xFFFFFE70  }
0x75: {  	[tilespmem:s11], [sflag:$0x3] =	stream.linear.gather [hbm4b:s25+s0], $0x190, $0x38;
	[tilespmem:$0x1FF70] =	vst v63  }
0x76: {  	_ =	swait.ge [sflag:s13], $0x190  }
0x77: {  	[sflag:s13] =	ssyncset.done $0x0  }
0x78: {  	s28 =	simm.s32 $0x4B0;
	s26 =	rddreg [dreg:$0x7];
	[sflag:s13] =	ssyncadd.s32 $0xFFFFFE70  }
0x79: {  	[tilespmem:s28], [sflag:$0x1] =	stream.linear.gather [hbm4b:s26+s0], $0x190, $0x38;
	[tilespmem:$0x1FF70] =	vst v63  }
0x7a: {  	s30 =	simm.s32 $0x7D0;
	s29 =	rddreg [dreg:$0x1b]  }
0x7b: {  	[tilespmem:s30], [sflag:$0x1] =	stream.linear.gather [hbm4b:s29+s0], $0x190, $0x38;
	[tilespmem:$0x1FF70] =	vst v63  }
0x7c: {  	_ = 	snop  }
0x7d: {  	[tilespmem:s15], [sflag:$0x1] =	stream.indirect.gather [hbm4b:s5+s17], $0x10, s0, s17, $0xb8;
	[tilespmem:$0x1FF70] =	vst v63  }
0x7e: {  	s31 =	simm.s32 $0x3CF0  }
0x7f: {  	[tilespmem:s31], [sflag:$0x1] =	stream.indirect.gather [hbm4b:s6+s17], $0x10, s11, s17, $0xb8;
	[tilespmem:$0x1FF70] =	vst v63  }
0x80: {  	s11 =	simm.s32 $0xFF0  }
0x81: {  	[tilespmem:s11], [sflag:$0x1] =	stream.indirect.gather [hbm4b:s5+s17], $0x10, s17, s17, $0xb8;
	[tilespmem:$0x1FF70] =	vst v63  }
0x82: {  	s12 =	simm.s32 $0x1E0;
	s14 =	simm.s32 $0x41F0  }
0x83: {  	[tilespmem:s14], [sflag:$0x1] =	stream.indirect.gather [hbm4b:s6+s17], $0x10, s12, s17, $0xb8;
	[tilespmem:$0x1FF70] =	vst v63  }
0x84: {  	s16 =	simm.s32 $0x14F0  }
0x85: {  	[tilespmem:s16], [sflag:$0x1] =	stream.indirect.gather [hbm4b:s5+s17], $0x10, s18, s17, $0xb8;
	[tilespmem:$0x1FF70] =	vst v63  }
0x86: {  	s23 =	simm.s32 $0x230;
	s24 =	simm.s32 $0x46F0  }
0x87: {  	[tilespmem:s24], [sflag:$0x1] =	stream.indirect.gather [hbm4b:s6+s17], $0x10, s23, s17, $0xb8;
	[tilespmem:$0x1FF70] =	vst v63  }
0x88: {  	s25 =	simm.s32 $0x19F0  }
0x89: {  	[tilespmem:s25], [sflag:$0x1] =	stream.indirect.gather [hbm4b:s5+s17], $0x10, s19, s17, $0xb8;
	[tilespmem:$0x1FF70] =	vst v63  }
0x8a: {  	s26 =	simm.s32 $0x280;
	s28 =	simm.s32 $0x4BF0  }
0x8b: {  	[tilespmem:s28], [sflag:$0x1] =	stream.indirect.gather [hbm4b:s6+s17], $0x10, s26, s17, $0xb8;
	[tilespmem:$0x1FF70] =	vst v63  }
0x8c: {  	s29 =	simm.s32 $0x1EF0  }
0x8d: {  	[tilespmem:s29], [sflag:$0x1] =	stream.indirect.gather [hbm4b:s5+s17], $0x10, s20, s17, $0xb8;
	[tilespmem:$0x1FF70] =	vst v63  }
0x8e: {  	s30 =	simm.s32 $0x2D0;
	s31 =	simm.s32 $0x50F0  }
0x8f: {  	[tilespmem:s31], [sflag:$0x1] =	stream.indirect.gather [hbm4b:s6+s17], $0x10, s30, s17, $0xb8;
	[tilespmem:$0x1FF70] =	vst v63  }
.LBB2_4:
0x90: {  	_ =	swait.ge [sflag:s21], $0x190  }
0x91: {  	[sflag:s21] =	ssyncset.done $0x0  }
0x92: {  	[sflag:s21] =	ssyncadd.s32 $0xFFFFFE70  }
0x93: {  	_ =	swait.ge [sflag:s21], $0x190  }
0x94: {  	[sflag:s21] =	ssyncset.done $0x0  }
0x95: {  	[sflag:s21] =	ssyncadd.s32 $0xFFFFFE70  }
0x96: {  	_ =	swait.ge [sflag:s21], $0x500  }
0x97: {  	[sflag:s21] =	ssyncset.done $0x0  }
0x98: {  	[sflag:s21] =	ssyncadd.s32 $0xFFFFFB00  }
0x99: {  	_ =	swait.ge [sflag:s21], $0x500  }
0x9a: {  	[sflag:s21] =	ssyncset.done $0x0  }
0x9b: {  	[sflag:s21] =	ssyncadd.s32 $0xFFFFFB00  }
0x9c: {  	_ =	swait.ge [sflag:s21], $0x500  }
0x9d: {  	[sflag:s21] =	ssyncset.done $0x0  }
0x9e: {  	[sflag:s21] =	ssyncadd.s32 $0xFFFFFB00  }
0x9f: {  	_ =	swait.ge [sflag:s21], $0x500  }
0xa0: {  	[sflag:s21] =	ssyncset.done $0x0  }
0xa1: {  	[sflag:s21] =	ssyncadd.s32 $0xFFFFFB00  }
0xa2: {  	_ =	swait.ge [sflag:s21], $0x500  }
0xa3: {  	[sflag:s21] =	ssyncset.done $0x0  }
0xa4: {  	[sflag:s21] =	ssyncadd.s32 $0xFFFFFB00  }
0xa5: {  	_ =	swait.ge [sflag:s21], $0x500  }
0xa6: {  	[sflag:s21] =	ssyncset.done $0x0  }
0xa7: {  	[sflag:s21] =	ssyncadd.s32 $0xFFFFFB00  }
0xa8: {  	_ =	swait.ge [sflag:s21], $0x500  }
0xa9: {  	[sflag:s21] =	ssyncset.done $0x0  }
0xaa: {  	[sflag:s21] =	ssyncadd.s32 $0xFFFFFB00  }
0xab: {  	_ =	swait.ge [sflag:s21], $0x500  }
0xac: {  	[sflag:s21] =	ssyncset.done $0x0  }
0xad: {  	[sflag:s21] =	ssyncadd.s32 $0xFFFFFB00  }
0xae: {  	_ =	swait.ge [sflag:s21], $0x500  }
0xaf: {  	[sflag:s21] =	ssyncset.done $0x0  }
0xb0: {  	[sflag:s21] =	ssyncadd.s32 $0xFFFFFB00  }
0xb1: {  	_ =	swait.ge [sflag:s21], $0x500  }
0xb2: {  	p0 =	seq.s32 s0, $0x0;
	[sflag:s21] =	ssyncset.done $0x0  }
0xb3: {  	s3 =	simm.s32 @!p0 $0x2;
	[sflag:s21] =	ssyncadd.s32 $0xFFFFFB00  }
0xb4: {  	_ =	swait.ge @!p0 [sflag:s3], $0x500  }
0xb5: {  	[sflag:s3] =	ssyncset.done @!p0 $0x0  }
0xb6: {  	[sflag:s3] =	ssyncadd.s32 @!p0 $0xFFFFFB00  }
0xb7: {  	_ =	swait.ge @!p0 [sflag:s3], $0x500  }
0xb8: {  	[sflag:s3] =	ssyncset.done @!p0 $0x0  }
0xb9: {  	[sflag:s3] =	ssyncadd.s32 @!p0 $0xFFFFFB00  }
0xba: {  	_ =	swait.ge @!p0 [sflag:s3], $0x500  }
0xbb: {  	[sflag:s3] =	ssyncset.done @!p0 $0x0  }
0xbc: {  	[sflag:s3] =	ssyncadd.s32 @!p0 $0xFFFFFB00  }
0xbd: {  	_ =	swait.ge @!p0 [sflag:s3], $0x500  }
0xbe: {  	[sflag:s3] =	ssyncset.done @!p0 $0x0  }
0xbf: {  	[sflag:s3] =	ssyncadd.s32 @!p0 $0xFFFFFB00  }
0xc0: {  	_ =	swait.ge @!p0 [sflag:s3], $0x500  }
0xc1: {  	[sflag:s3] =	ssyncset.done @!p0 $0x0  }
0xc2: {  	[sflag:s3] =	ssyncadd.s32 @!p0 $0xFFFFFB00  }
0xc3: {  	_ =	swait.ge @!p0 [sflag:s3], $0x500  }
0xc4: {  	[sflag:s3] =	ssyncset.done @!p0 $0x0  }
0xc5: {  	[sflag:s3] =	ssyncadd.s32 @!p0 $0xFFFFFB00  }
0xc6: {  	_ =	swait.ge @!p0 [sflag:s3], $0x500  }
0xc7: {  	[sflag:s3] =	ssyncset.done @!p0 $0x0  }
0xc8: {  	[sflag:s3] =	ssyncadd.s32 @!p0 $0xFFFFFB00  }
0xc9: {  	_ =	swait.ge @!p0 [sflag:s3], $0x500  }
0xca: {  	[sflag:s3] =	ssyncset.done @!p0 $0x0  }
0xcb: {  	p1 =	seq.s32 @!p0 s0, $0x7C;
	[sflag:s3] =	ssyncadd.s32 @!p0 $0xFFFFFB00  }
0xcc: {  	p1 =	por p0, !p1;
	_ =	swait.ge @!p0 [sflag:s3], $0x500  }
.Ltmp1:
0xcd: {  	[sflag:s3] =	ssyncset.done @!p0 $0x0;
	(pc) =	sbr.rel @!p1 .LBB2_6-.Ltmp1, $4  }
0xce: {  	[sflag:s3] =	ssyncadd.s32 @!p0 $0xFFFFFB00  }
0xcf: {  	_ =	swait.ge @!p0 [sflag:s3], $0x500  }
0xd0: {  	[sflag:s3] =	ssyncset.done @!p0 $0x0  }
0xd1: {  	s25 =	sand.u32 $0x1, s0;
	s24 =	simm.s32 @!p0 $0x7D;
	[sflag:s3] =	ssyncadd.s32 @!p0 $0xFFFFFB00  }
0xd2: {  	s24 =	sadd.s32 @!p0 $0x1, s0  }
0xd3: {  	s24 =	simm.s32 @p0 $0x1  }
0xd4: {  	s11 =	sshll.u32 s24, $0x5  }
0xd5: {  	s0 =	sor.u32 s9, s11  }
0xd6: {  	s0 =	smul.u32 $0x190, s0;
	_ =	sdelay $0x1  }
0xd7: {  	s0 =	sshrl.u32 s0, $0x3  }
0xd8: {  	s3 =	sxor.u32 $0x1, s25;
	s11 =	sadd.s32 s7, s0  }
0xd9: {  	[tilespmem:s4], [sflag:$0x3] =	stream.linear.gather [hbm4b:s11+s4], $0x190, $0x38;
	[tilespmem:$0x1FF70] =	vst v63  }
0xda: {  	s11 =	smul.u32 $0x190, s3;
	_ =	swait.ge [sflag:s13], $0x190  }
0xdb: {  	[sflag:s13] =	ssyncset.done $0x0  }
0xdc: {  	s16 =	sadd.s32 s8, s0;
	s14 =	sadd.s32 $0x190, s11;
	[sflag:s13] =	ssyncadd.s32 $0xFFFFFE70  }
0xdd: {  	[tilespmem:s14], [sflag:$0x3] =	stream.linear.gather [hbm4b:s16+s4], $0x190, $0x38;
	[tilespmem:$0x1FF70] =	vst v63  }
0xde: {  	_ =	swait.ge [sflag:s13], $0x190  }
0xdf: {  	[sflag:s13] =	ssyncset.done $0x0  }
0xe0: {  	s0 =	sadd.s32 s10, s0;
	s12 =	sadd.s32 $0x4B0, s11;
	[sflag:s13] =	ssyncadd.s32 $0xFFFFFE70  }
0xe1: {  	[tilespmem:s12], [sflag:$0x1] =	stream.linear.gather [hbm4b:s0+s4], $0x190, $0x38;
	[tilespmem:$0x1FF70] =	vst v63  }
0xe2: {  	s3 =	smul.u32 $0x1900, s3;
	s23 =	sadd.s32 $0x7D0, s11;
	s0 =	sadd.s32 $0x30D40, s0  }
0xe3: {  	[tilespmem:s23], [sflag:$0x1] =	stream.linear.gather [hbm4b:s0+s4], $0x190, $0x38;
	[tilespmem:$0x1FF70] =	vst v63  }
0xe4: {  	s26 =	sadd.s32 $0xAF0, s3  }
0xe5: {  	[tilespmem:s26], [sflag:$0x1] =	stream.indirect.gather [hbm4b:s5+s17], $0x10, s4, s17, $0xb8;
	[tilespmem:$0x1FF70] =	vst v63  }
0xe6: {  	s28 =	sadd.s32 $0x3CF0, s3  }
0xe7: {  	[tilespmem:s28], [sflag:$0x1] =	stream.indirect.gather [hbm4b:s6+s17], $0x10, s14, s17, $0xb8;
	[tilespmem:$0x1FF70] =	vst v63  }
0xe8: {  	s29 =	sadd.s32 $0xFF0, s3  }
0xe9: {  	[tilespmem:s29], [sflag:$0x1] =	stream.indirect.gather [hbm4b:s5+s17], $0x10, s17, s17, $0xb8;
	[tilespmem:$0x1FF70] =	vst v63  }
0xea: {  	s30 =	sadd.s32 $0x41F0, s3;
	s31 =	sadd.s32 $0x1E0, s11  }
0xeb: {  	[tilespmem:s30], [sflag:$0x1] =	stream.indirect.gather [hbm4b:s6+s17], $0x10, s31, s17, $0xb8;
	[tilespmem:$0x1FF70] =	vst v63  }
0xec: {  	s12 =	sadd.s32 $0x14F0, s3  }
0xed: {  	[tilespmem:s12], [sflag:$0x1] =	stream.indirect.gather [hbm4b:s5+s17], $0x10, s18, s17, $0xb8;
	[tilespmem:$0x1FF70] =	vst v63  }
0xee: {  	s16 =	sadd.s32 $0x230, s11;
	s14 =	sadd.s32 $0x46F0, s3  }
0xef: {  	[tilespmem:s14], [sflag:$0x1] =	stream.indirect.gather [hbm4b:s6+s17], $0x10, s16, s17, $0xb8;
	[tilespmem:$0x1FF70] =	vst v63  }
0xf0: {  	s23 =	sadd.s32 $0x19F0, s3  }
0xf1: {  	[tilespmem:s23], [sflag:$0x1] =	stream.indirect.gather [hbm4b:s5+s17], $0x10, s19, s17, $0xb8;
	[tilespmem:$0x1FF70] =	vst v63  }
0xf2: {  	s26 =	sadd.s32 $0x4BF0, s3;
	s28 =	sadd.s32 $0x280, s11  }
0xf3: {  	[tilespmem:s26], [sflag:$0x1] =	stream.indirect.gather [hbm4b:s6+s17], $0x10, s28, s17, $0xb8;
	[tilespmem:$0x1FF70] =	vst v63  }
0xf4: {  	s29 =	sadd.s32 $0x1EF0, s3  }
0xf5: {  	[tilespmem:s29], [sflag:$0x1] =	stream.indirect.gather [hbm4b:s5+s17], $0x10, s20, s17, $0xb8;
	[tilespmem:$0x1FF70] =	vst v63  }
0xf6: {  	s30 =	sadd.s32 $0x50F0, s3;
	s31 =	sadd.s32 $0x2D0, s11  }
0xf7: {  	[tilespmem:s30], [sflag:$0x1] =	stream.indirect.gather [hbm4b:s6+s17], $0x10, s31, s17, $0xb8;
	[tilespmem:$0x1FF70] =	vst v63  }
.LBB2_6:
0xf8: {  	s0 =	smul.u32 $0x190, s25;
	_ =	sdelay $0x1  }
0xf9: {  	s3 =	smul.u32 $0x6400, s25;
	v12 =	vmov s0;
	_ =	sdelay $0x1  }
0xfa: {  	s3 =	sshrl.u32 s3, $0x2  }
0xfb: {  	s12 =	simm.s32 $0x0;
	s28 =	sadd.s32 $0xB10, s3  }
0xfc: {  	s11 =	sand.u32 $0x1F0, s12;
	v7 =	vld [tilespmem:s28+$0x10]  }
0xfd: {  	s26 =	sadd.s32 $0x3D10, s3;
	v11 =	vld.idx.msk [tilespmem:v12+s11+$0x4B0 ss:$0x1], $0xffff  }
0xfe: {  	v10 =	vld [tilespmem:s26+$0x10]  }
0xff: {  	s14 =	simm.s32 $0x3;
	v13 =	vld.idx.msk [tilespmem:v12+s11+$0x7D0 ss:$0x1], $0xffff  }
0x100: {  	s0 =	sand.u32 $0xF, s14  }
0x101: {  	v14 =	vmov s0  }
0x102: {  	v8 =	vld [tilespmem:s28+$0xFFFFFFE0];
	v15 =	vperm.xlane v11, v14  }
0x103: {  	v9 =	vld [tilespmem:s28+$0xFFFFFFF0]  }
0x104: {  	s16 =	simm.s32 $0x1;
	v16 =	vld [tilespmem:s26+$0xFFFFFFF0];
	v10 =	vadd.f32 v10, v7;
	v14 =	vperm.xlane v13, v14;
	v15 =	vmul.f32 v15, v4  }
0x105: {  	s0 =	sand.u32 $0xD, s16;
	v17 =	vld [tilespmem:s26+$0xFFFFFFE0]  }
0x106: {  	s23 =	sand.u32 $0xC, s12;
	v14 =	vmul.f32 v14, v5;
	v10 =	vadd.f32 v10, v15;
	v15 =	vmov s0  }
0x107: {  	v18 =	vmov s23;
	v19 =	vperm.xlane v11, v15  }
0x108: {  	v10 =	vadd.f32 v10, v14;
	v14 =	vperm.xlane v13, v15;
	v15 =	vperm.xlane v11, v18  }
0x109: {  	v16 =	vadd.f32 v16, v9;
	v18 =	vperm.xlane v13, v18;
	v19 =	vmul.f32 v19, v4  }
0x10a: {  	v17 =	vadd.f32 v17, v8;
	v20 =	vmul.f32 $2.000000030e-01, v10;
	v15 =	vmul.f32 v15, v4  }
0x10b: {  	s29 =	simm.s32 $0x2;
	v21 =	vld [tilespmem:s26+$0x0];
	s11 =	simm.s32 $0x4;
	v14 =	vmul.f32 v14, v5;
	v16 =	vadd.f32 v16, v19  }
0x10c: {  	s30 =	sand.u32 $0x1F0, s11;
	s0 =	sand.u32 $0xE, s29;
	v18 =	vmul.f32 v18, v5;
	v19 =	vmax.f32 v10, v20;
	v10 =	vld [tilespmem:s28+$0x0];
	v15 =	vadd.f32 v17, v15  }
0x10d: {  	v22 =	vld.idx.msk [tilespmem:v12+s30+$0x7D0 ss:$0x1], $0xffff;
	v17 =	vmul.f32 v19, v6;
	v14 =	vadd.f32 v16, v14;
	v16 =	vmov s0  }
0x10e: {  	v15 =	vadd.f32 v15, v18;
	v19 =	vperm.xlane v11, v16  }
0x10f: {  	s29 =	sand.u32 $0xC, s11;
	v16 =	vperm.xlane v13, v16;
	v18 =	vperm.xlane v17, v1  }
0x110: {  	v27 =	vld.idx.msk [tilespmem:v12+s30+$0x4B0 ss:$0x1], $0xffff;
	v26 =	vmov s29;
	v20 =	vmul.f32 $2.000000030e-01, v14;
	v13 =	vmul.f32 $2.000000030e-01, v15  }
0x111: {  	s16 =	simm.s32 $0x5;
	s14 =	sadd.s32 $0x40, s28;
	v19 =	vmul.f32 v19, v4;
	v17 =	vadd.f32 v17, v18;
	v18 =	vadd.f32 v21, v10  }
0x112: {  	s31 =	sadd.s32 $0x40, s26;
	s3 =	sand.u32 $0xD, s16;
	s16 =	simm.s32 $0x7;
	v30 =	vperm.xlane v22, v26;
	v14 =	vmax.f32 v14, v20;
	v15 =	vmax.f32 v15, v13;
	v13 =	vld [tilespmem:s14+$0x10]  }
0x113: {  	s23 =	sand.u32 $0xF, s16;
	v21 =	vperm.xlane v17, v2;
	v18 =	vadd.f32 v18, v19;
	v19 =	vmul.f32 v16, v5;
	v16 =	vld [tilespmem:s31+$0x10]  }
0x114: {  	s12 =	simm.s32 $0x6;
	v23 =	vmov s3;
	v25 =	vmov s23;
	v14 =	vmul.f32 v14, v6  }
0x115: {  	s30 =	sand.u32 $0xE, s12;
	v26 =	vperm.xlane v27, v26;
	v30 =	vmul.f32 v30, v5;
	v17 =	vadd.f32 v17, v21  }
0x116: {  	v31 =	vld [tilespmem:s31+$0xFFFFFFE0];
	v28 =	vmov s30;
	v15 =	vmul.f32 v15, v6;
	v21 =	vperm.xlane v14, v1  }
0x117: {  	v26 =	vmul.f32 v26, v4;
	v11 =	vld [tilespmem:s14+$0xFFFFFFF0];
	v19 =	vadd.f32 v18, v19;
	v29 =	vperm.xlane v17, v3  }
0x118: {  	v20 =	vld [tilespmem:s31+$0xFFFFFFF0];
	v24 =	vperm.xlane v15, v1;
	v21 =	vadd.f32 v14, v21;
	v34 =	vadd.f32 v16, v13  }
0x119: {  	v33 =	vld [tilespmem:s31+$0x0];
	v16 =	vperm.xlane v22, v28;
	v28 =	vperm.xlane v27, v28;
	v17 =	vadd.f32 v17, v29  }
0x11a: {  	v14 =	vld [tilespmem:s14+$0xFFFFFFE0];
	v24 =	vadd.f32 v15, v24;
	v29 =	vperm.xlane v22, v23;
	v22 =	vperm.xlane v22, v25  }
0x11b: {  	v15 =	vld [tilespmem:s14+$0x0];
	v32 =	vperm.xlane v21, v2;
	v23 =	vperm.xlane v27, v23;
	v17 =	vmax.f32 v17, $-6.000000000e+01  }
0x11c: {  	v18 =	vmin.f32 v17, $6.000000000e+01;
	v17 =	vmul.f32 v22, v5;
	v22 =	vperm.xlane v27, v25  }
0x11d: {  	v20 =	vadd.f32 v20, v11;
	v63 =	vperm.xlane v24, v2;
	v23 =	vmul.f32 v23, v4  }
0x11e: {  	v61 =	vadd.f32 v21, v32;
	v27 =	vmul.f32 $2.000000030e-01, v19;
	v62 =	vmul.f32 v22, v4  }
0x11f: {  	v29 =	vmul.f32 v29, v5;
	v25 =	vadd.f32 v31, v14;
	v20 =	vadd.f32 v20, v23  }
0x120: {  	v21 =	vadd.f32 v33, v15;
	v19 =	vmax.f32 v19, v27;
	v23 =	vadd.f32 v34, v62  }
0x121: {  	v22 =	vmul.f32 v28, v4;
	v27 =	vadd.f32 v24, v63;
	v20 =	vadd.f32 v20, v29  }
0x122: {  	v19 =	vmul.f32 v19, v6;
	v17 =	vadd.f32 v23, v17;
	v23 =	vperm.xlane v61, v3  }
0x123: {  	v24 =	vadd.f32 v25, v26;
	v26 =	vperm.xlane v27, v3;
	v25 =	vmul.f32 $2.000000030e-01, v20  }
0x124: {  	v28 =	vmul.f32 $2.000000030e-01, v17;
	v29 =	vadd.f32 v61, v23;
	v23 =	vperm.xlane v19, v1  }
0x125: {  	v24 =	vadd.f32 v24, v30;
	v27 =	vadd.f32 v27, v26;
	v20 =	vmax.f32 v20, v25  }
0x126: {  	v20 =	vmul.f32 v20, v6;
	v17 =	vmax.f32 v17, v28;
	v26 =	vadd.f32 v19, v23  }
0x127: {  	s16 =	sadd.s32 $0x40, s31;
	s3 =	smov.u32 s14;
	s0 =	smul.u32 $0x1900, s25;
	v23 =	vmax.f32 v27, $-6.000000000e+01;
	v27 =	vmax.f32 v29, $-6.000000000e+01;
	v25 =	vmul.f32 v17, v6  }
.LBB2_7:
0x128: {  	v28 =	vld [tilespmem:s16+$0x0];
	v29 =	vmul.f32 $2.000000030e-01, v24;
	v21 =	vadd.f32 v21, v22;
	s14 =	sadd.s32 $0x40, s14;
	v22 =	vperm.xlane v26, v2;
	v17 =	vmovc v11;
	v30 =	vmovc v10;
	s12 =	smov.u32 s11;
	s11 =	sadd.s32 $0x4, s11  }
0x129: {  	v11 =	vmin.f32 v27, $6.000000000e+01;
	v18 =	vmul.f32 $1.442695020e+00, v18;
	v10 =	vmovc v15;
	s29 =	sand.u32 $0x1F0, s11;
	v31 =	vld [tilespmem:s14+$0x10];
	p0 =	slt.u32 s11, $0x18C;
	v32 =	vperm.xlane v25, v1  }
0x12a: {  	v19 =	vld [tilespmem:s14+$0xFFFFFFE0];
	v15 =	vmax.f32 v24, v29;
	v24 =	vmul.f32 $1.442695020e+00, v11;
	v22 =	vadd.f32 v26, v22  }
0x12b: {  	v26 =	vmul.f32 v16, v5;
	v11 =	vld [tilespmem:s14+$0xFFFFFFF0];
	v16 =	vadd.f32 v25, v32;
	(erf) = vpow2.f32 v18  }
0x12c: {  	s30 =	sadd.s32 $0x5, s12;
	v15 =	vmul.f32 v15, v6;
	v18 =	vld [tilespmem:s16+$0x10];
	v25 =	vperm.xlane v22, v3  }
0x12d: {  	v23 =	vmin.f32 v23, $6.000000000e+01;
	s23 =	sadd.s32 $0x7, s12;
	s30 =	sand.u32 $0xD, s30;
	v27 =	vld [tilespmem:s16+$0xFFFFFFF0];
	v29 =	vperm.xlane v16, v2;
	(erf) = vpow2.f32 v24  }
0x12e: {  	s23 =	sand.u32 $0xF, s23;
	v32 =	vmov s30;
	v33 =	vperm.xlane v15, v1;
	v24 =	vld.idx.msk [tilespmem:v12+s29+$0x7D0 ss:$0x1], $0xffff;
	v22 =	vadd.f32 v22, v25  }
0x12f: {  	s12 =	sadd.s32 $0x6, s12;
	v23 =	vmul.f32 $1.442695020e+00, v23;
	s30 =	sand.u32 $0xC, s11;
	v34 =	vmov s23;
	v25 =	vld [tilespmem:s16+$0xFFFFFFE0];
	v16 =	vadd.f32 v16, v29  }
0x130: {  	v36 =	vperm.xlane v20, v1;
	s12 =	sand.u32 $0xE, s12;
	v29 =	vmov s30;
	v35 =	vld.idx.msk [tilespmem:v12+s29+$0x4B0 ss:$0x1], $0xffff;
	v22 =	vmax.f32 v22, $-6.000000000e+01  }
0x131: {  	v37 =	vmov s12;
	v39 =	vperm.xlane v16, v3;
	v22 =	vmin.f32 v22, $6.000000000e+01  }
0x132: {  	v20 =	vadd.f32 v20, v36;
	v27 =	vadd.f32 v27, v11;
	v22 =	vmul.f32 $1.442695020e+00, v22  }
0x133: {  	v33 =	vadd.f32 v15, v33;
	v16 =	vadd.f32 v16, v39;
	(erf) = vpow2.f32 v23  }
0x134: {  	v36 =	vadd.f32 v18, v31;
	v23 =	vperm.xlane v24, v29;
	(erf) = vpow2.f32 v22;
	v38 =	vpop (erf)  }
0x135: {  	v39 =	vperm.xlane v20, v2;
	v22 =	vperm.xlane v24, v32;
	v15 =	vld [tilespmem:s14+$0x0];
	v18 =	vmax.f32 v16, $-6.000000000e+01  }
0x136: {  	v16 =	vperm.xlane v24, v37;
	v24 =	vperm.xlane v24, v34;
	v18 =	vmin.f32 v18, $6.000000000e+01;
	v40 =	vpop (erf)  }
0x137: {  	v26 =	vadd.f32 v21, v26;
	v29 =	vperm.xlane v35, v29;
	v23 =	vmul.f32 v23, v5  }
0x138: {  	v25 =	vadd.f32 v25, v19;
	v37 =	vperm.xlane v35, v37;
	v24 =	vmul.f32 v24, v5  }
0x139: {  	v42 =	vmul.f32 $2.000000030e-01, v26;
	v32 =	vperm.xlane v35, v32;
	v20 =	vadd.f32 v20, v39  }
0x13a: {  	v41 =	vmul.f32 v22, v5;
	v22 =	vperm.xlane v35, v34;
	v21 =	vadd.f32 v28, v15  }
0x13b: {  	v26 =	vmax.f32 v26, v42;
	v28 =	vmul.f32 v32, v4;
	v32 =	vperm.xlane v33, v2  }
0x13c: {  	v35 =	vmul.f32 v38, v7;
	v7 =	vmov v13;
	v34 =	vmul.f32 v22, v4;
	v39 =	vpop (erf)  }
0x13d: {  	v22 =	vmul.f32 v37, v4;
	v13 =	vadd.f32 v27, v28;
	v8 =	vmul.f32 v39, v8;
	v27 =	vpop (erf)  }
0x13e: {  	v28 =	vmul.f32 v29, v4;
	v29 =	vadd.f32 v36, v34;
	v30 =	vmul.f32 v27, v30;
	[tilespmem:s28+$0x10] =	vst v35  }
0x13f: {  	v26 =	vmul.f32 v26, v6;
	v32 =	vadd.f32 v33, v32;
	v34 =	vadd.f32 v13, v41;
	[tilespmem:s26+$0x10] =	vst v38  }
0x140: {  	v9 =	vmul.f32 v40, v9;
	v29 =	vadd.f32 v29, v24;
	v24 =	vperm.xlane v20, v3;
	[tilespmem:s28+$0x0] =	vst v30  }
.Ltmp2:
0x141: {  	v25 =	vadd.f32 v25, v28;
	v28 =	vmul.f32 $2.000000030e-01, v34;
	v30 =	vperm.xlane v32, v3;
	v13 =	vmovc v31;
	[tilespmem:s28+$0xFFFFFFE0] =	vst v8;
	(pc) =	sbr.rel @p0 .LBB2_7-.Ltmp2, $4  }
0x142: {  	v35 =	vperm.xlane v26, v1;
	v31 =	vmul.f32 $2.000000030e-01, v29;
	v33 =	vadd.f32 v20, v24;
	v8 =	vmovc v14;
	[tilespmem:s28+$0xFFFFFFF0] =	vst v9;
	s28 =	smov.u32 s3;
	s3 =	smov.u32 s14  }
0x143: {  	v24 =	vadd.f32 v25, v23;
	v34 =	vmax.f32 v34, v28;
	v28 =	vadd.f32 v32, v30;
	[tilespmem:s26+$0x0] =	vst v27  }
0x144: {  	v26 =	vadd.f32 v26, v35;
	v29 =	vmax.f32 v29, v31;
	v20 =	vmul.f32 v34, v6;
	[tilespmem:s26+$0xFFFFFFF0] =	vst v40  }
0x145: {  	v14 =	vmovc v19;
	v9 =	vmovc v17;
	v25 =	vmul.f32 v29, v6;
	v27 =	vmax.f32 v33, $-6.000000000e+01;
	v23 =	vmax.f32 v28, $-6.000000000e+01;
	[tilespmem:s26+$0xFFFFFFE0] =	vst v39;
	s26 =	smov.u32 s31;
	s31 =	smov.u32 s16;
	s16 =	sadd.s32 $0x40, s16  }
0x146: {  	v12 =	vadd.f32 v21, v22;
	v16 =	vmul.f32 v16, v5;
	v17 =	vmul.f32 $2.000000030e-01, v24  }
0x147: {  	v38 =	vperm.xlane v26, v2;
	v39 =	vmin.f32 v27, $6.000000000e+01;
	v18 =	vmul.f32 $1.442695020e+00, v18  }
0x148: {  	v42 =	vperm.xlane v20, v1;
	v19 =	vperm.xlane v25, v1;
	v12 =	vadd.f32 v12, v16  }
0x149: {  	v23 =	vmin.f32 v23, $6.000000000e+01;
	v21 =	vmul.f32 $1.442695020e+00, v39;
	v17 =	vmax.f32 v24, v17  }
0x14a: {  	v17 =	vmul.f32 v17, v6;
	v41 =	vadd.f32 v25, v19;
	v40 =	vmul.f32 $2.000000030e-01, v12  }
0x14b: {  	v47 =	vmul.f32 $1.442695020e+00, v23;
	v16 =	vadd.f32 v26, v38;
	(erf) = vpow2.f32 v18  }
0x14c: {  	v44 =	vperm.xlane v17, v1;
	v25 =	vperm.xlane v41, v2;
	v12 =	vmax.f32 v12, v40  }
0x14d: {  	v19 =	vadd.f32 v20, v42;
	(erf) = vpow2.f32 v21;
	v12 =	vmul.f32 v12, v6  }
0x14e: {  	v43 =	vperm.xlane v16, v3;
	v17 =	vadd.f32 v17, v44;
	v18 =	vadd.f32 v41, v25  }
0x14f: {  	v46 =	vperm.xlane v19, v2;
	v45 =	vperm.xlane v12, v1  }
0x150: {  	v16 =	vadd.f32 v16, v43;
	v48 =	vperm.xlane v17, v2;
	v50 =	vperm.xlane v18, v3  }
0x151: {  	(erf) = vpow2.f32 v47;
	v19 =	vadd.f32 v19, v46;
	v12 =	vadd.f32 v12, v45  }
0x152: {  	v16 =	vmax.f32 v16, $-6.000000000e+01;
	v17 =	vadd.f32 v17, v48;
	v18 =	vadd.f32 v18, v50  }
0x153: {  	v16 =	vmin.f32 v16, $6.000000000e+01;
	v51 =	vperm.xlane v19, v3;
	v49 =	vperm.xlane v12, v2  }
0x154: {  	v16 =	vmul.f32 $1.442695020e+00, v16;
	v52 =	vperm.xlane v17, v3;
	v18 =	vmax.f32 v18, $-6.000000000e+01  }
0x155: {  	v53 =	vadd.f32 v19, v51;
	v18 =	vmin.f32 v18, $6.000000000e+01;
	v12 =	vadd.f32 v12, v49  }
0x156: {  	v17 =	vadd.f32 v17, v52;
	v18 =	vmul.f32 $1.442695020e+00, v18  }
0x157: {  	(erf) = vpow2.f32 v16;
	v16 =	vmax.f32 v53, $-6.000000000e+01;
	v54 =	vperm.xlane v12, v3  }
0x158: {  	v16 =	vmin.f32 v16, $6.000000000e+01;
	v17 =	vmax.f32 v17, $-6.000000000e+01;
	(erf) = vpow2.f32 v18  }
0x159: {  	v16 =	vmul.f32 $1.442695020e+00, v16;
	v17 =	vmin.f32 v17, $6.000000000e+01;
	v12 =	vadd.f32 v12, v54  }
0x15a: {  	v55 =	vpop (erf);
	v17 =	vmul.f32 $1.442695020e+00, v17  }
0x15b: {  	v56 =	vpop (erf);
	v7 =	vmul.f32 v55, v7;
	(erf) = vpow2.f32 v16;
	v12 =	vmax.f32 v12, $-6.000000000e+01  }
0x15c: {  	v57 =	vpop (erf);
	(erf) = vpow2.f32 v17;
	v12 =	vmin.f32 v12, $6.000000000e+01  }
0x15d: {  	[tilespmem:s28+$0x10] =	vst v7;
	v7 =	vmul.f32 v57, v8;
	v12 =	vmul.f32 $1.442695020e+00, v12  }
0x15e: {  	v8 =	vmul.f32 v56, v9;
	[tilespmem:s26+$0x10] =	vst v55  }
0x15f: {  	[tilespmem:s28+$0xFFFFFFE0] =	vst v7;
	(erf) = vpow2.f32 v12  }
0x160: {  	[tilespmem:s28+$0xFFFFFFF0] =	vst v8;
	v58 =	vpop (erf)  }
0x161: {  	[tilespmem:s26+$0xFFFFFFF0] =	vst v56;
	v10 =	vmul.f32 v58, v10;
	v7 =	vpop (erf)  }
0x162: {  	[tilespmem:s26+$0xFFFFFFE0] =	vst v57;
	v59 =	vmul.f32 v7, v13  }
0x163: {  	[tilespmem:s28+$0x0] =	vst v10  }
0x164: {  	v8 =	vpop (erf);
	[tilespmem:s3+$0x10] =	vst v59  }
0x165: {  	v60 =	vpop (erf);
	[tilespmem:s31+$0x10] =	vst v7;
	v7 =	vmul.f32 v8, v11  }
0x166: {  	[tilespmem:s26+$0x0] =	vst v58;
	v63 =	vmul.f32 v60, v14  }
0x167: {  	[tilespmem:s3+$0xFFFFFFF0] =	vst v7  }
0x168: {  	[tilespmem:s3+$0xFFFFFFE0] =	vst v63;
	v61 =	vpop (erf)  }
0x169: {  	s28 =	smul.u32 $0x640, s25;
	[tilespmem:s31+$0xFFFFFFF0] =	vst v8;
	v62 =	vmul.f32 v61, v15  }
0x16a: {  	[tilespmem:s31+$0xFFFFFFE0] =	vst v60  }
0x16b: {  	[tilespmem:s3+$0x0] =	vst v62;
	s3 =	sshrl.u32 s28, $0x2  }
0x16c: {  	s11 =	sadd.s32 $0xAF0, s0;
	[tilespmem:s31+$0x0] =	vst v61;
	s12 =	sadd.s32 $0x190, s3  }
0x16d: {  	[spmem:s1] =	stream.indirect.scatter.add.f32 [tilespmem:s11], [sflag:$0x2], $0x10, s12, s17, $0xb8;
	[tilespmem:$0x1FF70] =	vst v63  }
0x16e: {  	s29 =	sadd.s32 $0x3CF0, s0  }
0x16f: {  	[spmem:s2] =	stream.indirect.scatter.add.f32 [tilespmem:s29], [sflag:$0x2], $0x10, s12, s17, $0xb8;
	[tilespmem:$0x1FF70] =	vst v63  }
0x170: {  	s30 =	sadd.s32 $0xFF0, s0;
	s31 =	sadd.s32 $0x1E0, s3  }
0x171: {  	[spmem:s1] =	stream.indirect.scatter.add.f32 [tilespmem:s30], [sflag:$0x2], $0x10, s31, s17, $0xb8;
	[tilespmem:$0x1FF70] =	vst v63  }
0x172: {  	s14 =	sadd.s32 $0x41F0, s0  }
0x173: {  	[spmem:s2] =	stream.indirect.scatter.add.f32 [tilespmem:s14], [sflag:$0x2], $0x10, s31, s17, $0xb8;
	[tilespmem:$0x1FF70] =	vst v63  }
0x174: {  	s16 =	sadd.s32 $0x14F0, s0;
	s23 =	sadd.s32 $0x230, s3  }
0x175: {  	[spmem:s1] =	stream.indirect.scatter.add.f32 [tilespmem:s16], [sflag:$0x2], $0x10, s23, s17, $0xb8;
	[tilespmem:$0x1FF70] =	vst v63  }
0x176: {  	s25 =	sadd.s32 $0x46F0, s0  }
0x177: {  	[spmem:s2] =	stream.indirect.scatter.add.f32 [tilespmem:s25], [sflag:$0x2], $0x10, s23, s17, $0xb8;
	[tilespmem:$0x1FF70] =	vst v63  }
0x178: {  	s26 =	sadd.s32 $0x19F0, s0;
	s28 =	sadd.s32 $0x280, s3  }
0x179: {  	[spmem:s1] =	stream.indirect.scatter.add.f32 [tilespmem:s26], [sflag:$0x2], $0x10, s28, s17, $0xb8;
	[tilespmem:$0x1FF70] =	vst v63  }
0x17a: {  	p0 =	slt.u32 s24, $0x7D;
	s29 =	sadd.s32 $0x4BF0, s0  }
0x17b: {  	[spmem:s2] =	stream.indirect.scatter.add.f32 [tilespmem:s29], [sflag:$0x2], $0x10, s28, s17, $0xb8;
	[tilespmem:$0x1FF70] =	vst v63  }
.Ltmp3:
0x17c: {  	_ = 	snop;
	(pc) =	sbr.rel @p0 .LBB2_4-.Ltmp3, $4  }
0x17d: {  	s3 =	sadd.s32 $0x2D0, s3;
	s30 =	sadd.s32 $0x1EF0, s0  }
0x17e: {  	[spmem:s1] =	stream.indirect.scatter.add.f32 [tilespmem:s30], [sflag:$0x2], $0x10, s3, s17, $0xb8;
	[tilespmem:$0x1FF70] =	vst v63  }
0x17f: {  	s31 =	sadd.s32 $0x50F0, s0;
	s0 =	smov.u32 s24  }
0x180: {  	[spmem:s2] =	stream.indirect.scatter.add.f32 [tilespmem:s31], [sflag:$0x2], $0x10, s3, s17, $0xb8;
	[tilespmem:$0x1FF70] =	vst v63  }
0x181: {  	_ =	swait.ge [sflag:s22], $0x500  }
0x182: {  	[sflag:s22] =	ssyncset.done $0x0  }
0x183: {  	[sflag:s22] =	ssyncadd.s32 $0xFFFFFB00  }
0x184: {  	_ =	swait.ge [sflag:s22], $0x500  }
0x185: {  	[sflag:s22] =	ssyncset.done $0x0  }
0x186: {  	[sflag:s22] =	ssyncadd.s32 $0xFFFFFB00  }
0x187: {  	_ =	swait.ge [sflag:s22], $0x500  }
0x188: {  	[sflag:s22] =	ssyncset.done $0x0  }
0x189: {  	[sflag:s22] =	ssyncadd.s32 $0xFFFFFB00  }
0x18a: {  	_ =	swait.ge [sflag:s22], $0x500  }
0x18b: {  	[sflag:s22] =	ssyncset.done $0x0  }
0x18c: {  	[sflag:s22] =	ssyncadd.s32 $0xFFFFFB00  }
0x18d: {  	_ =	swait.ge [sflag:s22], $0x500  }
0x18e: {  	[sflag:s22] =	ssyncset.done $0x0  }
0x18f: {  	[sflag:s22] =	ssyncadd.s32 $0xFFFFFB00  }
0x190: {  	_ =	swait.ge [sflag:s22], $0x500  }
0x191: {  	[sflag:s22] =	ssyncset.done $0x0  }
0x192: {  	[sflag:s22] =	ssyncadd.s32 $0xFFFFFB00  }
0x193: {  	_ =	swait.ge [sflag:s22], $0x500  }
0x194: {  	[sflag:s22] =	ssyncset.done $0x0  }
0x195: {  	[sflag:s22] =	ssyncadd.s32 $0xFFFFFB00  }
0x196: {  	_ =	swait.ge [sflag:s22], $0x500  }
0x197: {  	[sflag:s22] =	ssyncset.done $0x0  }
0x198: {  	[sflag:s22] =	ssyncadd.s32 $0xFFFFFB00  }
0x199: {  	_ =	swait.ge [sflag:s22], $0x500  }
0x19a: {  	[sflag:s22] =	ssyncset.done $0x0  }
0x19b: {  	[sflag:s22] =	ssyncadd.s32 $0xFFFFFB00  }
0x19c: {  	_ =	swait.ge [sflag:s22], $0x500  }
0x19d: {  	[sflag:s22] =	ssyncset.done $0x0  }
0x19e: {  	[sflag:s22] =	ssyncadd.s32 $0xFFFFFB00  }
0x19f: {  	s0 =	stileid.u32;
	[bflag:$0x0] =	sbarrier.arrive $0xFFFF  }
0x1a0: {  	s0 =	sshll.u32 s0, $0x6;
	s12 =	rddreg [dreg:$0x15]  }
0x1a1: {  	s0 =	sor.u32 $0x1C03, s0;
	s11 =	rddreg [dreg:$0x8];
	s3 =	sshrl.u32 s12, $0x3  }
0x1a2: {  	[hbm:s11], [sflag:s0] =	dma.local [spmem:s3], $0x1900  }
0x1a3: {  	_ =	swait.ge [sflag:s13], $0x1900  }
0x1a4: {  	[sflag:s13] =	ssyncset.done $0x0;
	s14 =	rddreg [dreg:$0x16]  }
0x1a5: {  	s29 =	rddreg [dreg:$0x9];
	[sflag:s13] =	ssyncadd.s32 $0xFFFFE700;
	s28 =	sshrl.u32 s14, $0x3  }
0x1a6: {  	[hbm:s29], [sflag:s0] =	dma.local [spmem:s28], $0x1900  }
0x1a7: {  	_ =	swait.ge [sflag:s13], $0x1900  }
0x1a8: {  	s30 =	rddreg [dreg:$0x1c]  }
0x1a9: {  	s31 =	rddreg [dreg:$0xa];
	s3 =	sadd.s32 $0x1, s30  }
0x1aa: {  	p0 =	sne.s32 s3, s31  }
.Ltmp4:
0x1ab: {  	_ = 	snop;
	(pc) =	sbr.rel @p0 .LBB2_1-.Ltmp4, $3  }
0x1ac: {  	_ =	sdelay $0x1  }
0x1ad: {  	[sflag:s13] =	ssyncset.done $0x0  }
0x1ae: {  	[sflag:s13] =	ssyncadd.s32 $0xFFFFE700  }
0x1af: {  	_ =	sfence.sel $0x180000  }
0x1b0: {  	[bflag:$0x0] =	sbarrier.arrive $0xFFFF  }
0x1b1: {  	_ =	strace $0x9000004A  }
0x1b2: {  	s0 =	stileid.u32;
	[bflag:$0x2] =	sbarrier.arrive $0xFFFF  }
0x1b3: {  	p0 =	sne.s32 s0, $0x0;
	s0 =	rddreg [dreg:$0x3]  }
0x1b4: {  	s0 =	sadd.s32 @!p0 $0x100000, s0  }
0x1b5: {  	[sflag:s0] =	ssyncadd.tile.s32 @!p0 $0x1;
	_ =	shalt  }
.Lfunc_end2:
_tile_overlayer_lowered:
.L_overlay_start_2:
0x1b6: {  	(tag) =	ssettag $0x2  }
0x1b7: {  	s0 =	rddreg [dreg:$0x0];
	s2 =	stileid.u32  }
0x1b8: {  	s1 =	rddreg [dreg:$0x1];
	p0 =	sne.s32 s2, $0x0  }
0x1b9: {  	s3 =	rddreg [dreg:$0x2];
	[bflag:$0x3] =	sbarrier.arrive $0xFFFF;
	s2 =	simm.s32 @!p0 $0x1C03  }
0x1ba: {  	[timem:s3], [sflag:s2] =	dma.local @!p0 [hbm:s0], s1  }
0x1bb: {  	s0 =	simm.s32 @!p0 $0x3  }
0x1bc: {  	_ =	swait.ge @!p0 [sflag:s0], s1  }
0x1bd: {  	s1 =	ssub.s32 @!p0 $0x0, s1;
	[sflag:s0] =	ssyncset.done @!p0 $0x0  }
0x1be: {  	[sflag:s0] =	ssyncadd.s32 @!p0 s1  }
0x1bf: {  	[bflag:$0x3] =	sbarrier.arrive $0xFFFF  }
0x1c0: {  	_ =	shalt  }

// kernel: kernel.8.cloned.1.call-start
scs
__scs_entry_jumppad:
0x0: {  	(pc) =	sbr.rel $0x88, $3  }
0x1: {  	(tag) =	ssettag $0x0;
	lr =	simm.s32 $0x1  }
0x2: {  	[smem:$0x3F83] =	sst lr;
	_ =	strace $0xD0000000  }
0x3: {  	_ = 	snop  }
0x4: {  	_ = 	snop  }
0x5: {  	_ = 	snop  }
0x6: {  	_ = 	snop  }
0x7: {  	_ = 	snop  }
__scs_overlays_trampoline_lowered:
0x8: {  	[smem:$0x3F92] =	sst s0  }
0x9: {  	[smem:$0x3F93] =	sst s1  }
0xa: {  	[smem:$0x3F94] =	sst s2  }
0xb: {  	[smem:$0x3F95] =	sst s3  }
0xc: {  	[smem:$0x3F96] =	sst s4  }
0xd: {  	[smem:$0x3F97] =	sst s5  }
0xe: {  	[smem:$0x3F98] =	sst s6  }
0xf: {  	[smem:$0x3F99] =	sst s7  }
0x10: {  	[smem:$0x3F9A] =	sst s8  }
0x11: {  	[smem:$0x3F9B] =	sst s9;
	s0 =	simm.s32 @!p0 $0x0  }
0x12: {  	s1 =	sld [smem:$0x3F81];
	s0 =	simm.s32 @p0 $0x1  }
0x13: {  	[smem:$0x3F9C] =	sst s0;
	s0 =	simm.s32 @!p1 $0x0  }
0x14: {  	s2 =	sld [smem:$0x3F80];
	s0 =	simm.s32 @p1 $0x1  }
0x15: {  	[smem:$0x3F9D] =	sst s0;
	s0 =	simm.s32 @!p2 $0x0  }
0x16: {  	s3 =	sld [smem:$0x3FDB];
	s0 =	simm.s32 @p2 $0x1  }
0x17: {  	s4 =	simm.s32 $0x1BF5;
	[smem:$0x3F9F] =	sst s0  }
0x18: {  	s0 =	sld [smem:$0x3F82];
	_ =	swait.ge [sflag:s4], $0x0  }
0x19: {  	s7 =	sld [smem:$0x3F83]  }
0x1a: {  	s8 =	sadd.s32 $0xFFFFE003, lr  }
0x1b: {  	s9 =	sadd.s32 $0xFFFFFEF7, lr;
	s5 =	simm.s32 $0xFFFFFFFF;
	p2 =	slt.u32 s8, $0xFFFFF086  }
0x1c: {  	p1 =	slt.u32 s9, $0xF7A;
	s5 =	simm.s32 @!p2 $0x0  }
0x1d: {  	s5 =	simm.s32 @p1 $0x1;
	p0 =	seq.s32 s7, s2  }
0x1e: {  	s7 =	smul.u32 @!p0 $0xF7A, s2;
	p2 =	seq.s32 @!p0 s5, $0x0  }
0x1f: {  	s9 =	smul.u32 $0xF7A, s1;
	s8 =	simm.s32 @!p0 $0x1BF5;
	p2 =	por !p2, p0  }
0x20: {  	[sflag:s8] =	ssyncset.s32 @!p0 $0xFFFFF086;
	s6 =	sadd.s32 @!p0 s3, s7;
	s7 =	simm.s32 @!p0 $0x108  }
0x21: {  	s3 =	sadd.s32 s3, s9;
	s6 =	sadd.s32 @!p0 $0x88, s6;
	s7 =	simm.s32 @p2 $0x1082  }
0x22: {  	[simem:s7], [sflag:s8] =	dma.local @!p0 [hbm:s6], $0xF7A  }
0x23: {  	s9 =	sor.u32 $0xD0000000, s2;
	s6 =	simm.s32 $0x108;
	_ =	swait.ge @!p0 [sflag:s8], $0x0  }
0x24: {  	s3 =	sadd.s32 $0x88, s3;
	s6 =	simm.s32 @!p1 $0x1082;
	[sflag:s4] =	ssyncset.s32 $0xFFFFF086  }
0x25: {  	[simem:s6], [sflag:s4] =	dma.local [hbm:s3], $0xF7A  }
0x26: {  	[smem:$0x3F83] =	sst s1;
	(tag) =	ssettag s2;
	_ =	strace s9  }
0x27: {  	s1 =	sld [smem:$0x3F93]  }
0x28: {  	s2 =	sld [smem:$0x3F94]  }
0x29: {  	s4 =	sld [smem:$0x3F96]  }
0x2a: {  	p0 =	seq.s32 s5, $0x0;
	s5 =	sld [smem:$0x3F97]  }
0x2b: {  	s6 =	sld [smem:$0x3F98]  }
0x2c: {  	s7 =	sld [smem:$0x3F99]  }
0x2d: {  	s3 =	simm.s32 $0x108;
	s8 =	sld [smem:$0x3F9A]  }
0x2e: {  	s3 =	simm.s32 @!p0 $0x1082;
	s9 =	sld [smem:$0x3F9B]  }
0x2f: {  	lr =	sadd.s32 s0, s3;
	s0 =	sld [smem:$0x3F92]  }
0x30: {  	s3 =	sld [smem:$0x3F95]  }
0x31: {  	[smem:$0x3F9E] =	sst s10  }
0x32: {  	s10 =	sld [smem:$0x3F9C];
	_ =	sdelay $0x3  }
0x33: {  	p0 =	seq.s32 s10, $0x1;
	s10 =	sld [smem:$0x3F9E];
	_ =	sdelay $0x3  }
0x34: {  	[smem:$0x3F9E] =	sst s10  }
0x35: {  	s10 =	sld [smem:$0x3F9D];
	_ =	sdelay $0x3  }
0x36: {  	p1 =	seq.s32 s10, $0x1;
	s10 =	sld [smem:$0x3F9E];
	_ =	sdelay $0x3  }
0x37: {  	[smem:$0x3F9E] =	sst s10  }
0x38: {  	s10 =	sld [smem:$0x3F9F]  }
0x39: {  	_ = 	snop;
	(pc) =	sbr.ind lr, $3  }
0x3a: {  	_ = 	snop  }
0x3b: {  	_ = 	snop  }
0x3c: {  	p2 =	seq.s32 s10, $0x1;
	s10 =	sld [smem:$0x3F9E]  }
0x3d: {  	_ =	shalt  }
0x3e: {  	_ =	shalt  }
0x3f: {  	_ =	shalt  }
0x40: {  	_ =	shalt  }
0x41: {  	_ =	shalt  }
0x42: {  	_ =	shalt  }
0x43: {  	_ =	shalt  }
0x44: {  	_ =	shalt  }
0x45: {  	_ =	shalt  }
0x46: {  	_ =	shalt  }
0x47: {  	_ =	shalt  }
0x48: {  	_ =	shalt  }
0x49: {  	_ =	shalt  }
0x4a: {  	_ =	shalt  }
0x4b: {  	_ =	shalt  }
0x4c: {  	_ =	shalt  }
0x4d: {  	_ =	shalt  }
0x4e: {  	_ =	shalt  }
0x4f: {  	_ =	shalt  }
0x50: {  	_ =	shalt  }
0x51: {  	_ =	shalt  }
0x52: {  	_ =	shalt  }
0x53: {  	_ =	shalt  }
0x54: {  	_ =	shalt  }
0x55: {  	_ =	shalt  }
0x56: {  	_ =	shalt  }
0x57: {  	_ =	shalt  }
0x58: {  	_ =	shalt  }
0x59: {  	_ =	shalt  }
0x5a: {  	_ =	shalt  }
0x5b: {  	_ =	shalt  }
0x5c: {  	_ =	shalt  }
0x5d: {  	_ =	shalt  }
0x5e: {  	_ =	shalt  }
0x5f: {  	_ =	shalt  }
0x60: {  	_ =	shalt  }
0x61: {  	_ =	shalt  }
0x62: {  	_ =	shalt  }
0x63: {  	_ =	shalt  }
0x64: {  	_ =	shalt  }
0x65: {  	_ =	shalt  }
0x66: {  	_ =	shalt  }
0x67: {  	_ =	shalt  }
0x68: {  	_ =	shalt  }
0x69: {  	_ =	shalt  }
0x6a: {  	_ =	shalt  }
0x6b: {  	_ =	shalt  }
0x6c: {  	_ =	shalt  }
0x6d: {  	_ =	shalt  }
0x6e: {  	_ =	shalt  }
0x6f: {  	_ =	shalt  }
0x70: {  	_ =	shalt  }
0x71: {  	_ =	shalt  }
0x72: {  	_ =	shalt  }
0x73: {  	_ =	shalt  }
0x74: {  	_ =	shalt  }
0x75: {  	_ =	shalt  }
0x76: {  	_ =	shalt  }
0x77: {  	_ =	shalt  }
0x78: {  	_ =	shalt  }
0x79: {  	_ =	shalt  }
0x7a: {  	_ =	shalt  }
0x7b: {  	_ =	shalt  }
0x7c: {  	_ =	shalt  }
0x7d: {  	_ =	shalt  }
0x7e: {  	_ =	shalt  }
0x7f: {  	_ =	shalt  }
0x80: {  	_ =	shalt  }
0x81: {  	_ =	shalt  }
0x82: {  	_ =	shalt  }
0x83: {  	_ =	shalt  }
0x84: {  	_ =	shalt  }
0x85: {  	_ =	shalt  }
0x86: {  	_ =	shalt  }
0x87: {  	_ =	shalt  }
.Lfunc_end0:
.L_simem_size_0:
called_computation_lowered:
.L_overlay_start_0:
0x88: {  	s2 =	sld [smem:$0x3FD9]  }
0x89: {  	s3 =	sld [smem:$0x3FFE];
	_ =	sdelay $0x1  }
0x8a: {  	s1 =	srdreg.scid  }
0x8b: {  	s0 =	sand.u32 $0x1, s1  }
0x8c: {  	s17 =	sshll.u32 s0, $0xA;
	s2 =	sadd.s32 s3, s2  }
0x8d: {  	s2 =	sadd.s32 s2, s17  }
0x8e: {  	[smem:$0x3FAA] =	sst s2  }
0x8f: {  	_ = 	snop  }
0x90: {  	s2 =	sld [smem:$0x3FD0];
	(tm) =	ssettm $0x1  }
0x91: {  	s18 =	sld [smem:$0x3FFB];
	_ =	sdelay $0x3  }
0x92: {  	_ =	strace s18  }
0x93: {  	s3 =	sld [smem:$0x3FFC];
	_ =	sdelay $0x3  }
0x94: {  	_ =	strace s3  }
0x95: {  	s3 =	sld [smem:$0x3FFD];
	_ =	sdelay $0x3  }
0x96: {  	_ =	strace s3  }
0x97: {  	_ =	strace $0x8FFFFFFF  }
0x98: {  	s19 =	sld [smem:$0x3FDB];
	_ =	sdelay $0x1  }
0x99: {  	s4 =	simm.s32 $_scs_section_size  }
0x9a: {  	s5 =	simm.s32 $_size__tile_overlayer_lowered;
	s6 =	simm.s32 $_tile_overlayer_lowered  }
0x9b: {  	s22 =	simm.s32 $0x1BFF;
	s21 =	sshll.u32 s6, $0x1;
	s3 =	sadd.s32 s4, s19  }
0x9c: {  	s7 =	simm.s32 $0x0;
	s20 =	sshll.u32 s5, $0x1;
	s5 =	sadd.s32 s21, s3  }
0x9d: {  	[timem:s7], [sflag:s22] =	dma.local [hbm:s5], s20  }
0x9e: {  	_ =	swait.ge [sflag:s22], s20  }
0x9f: {  	s4 =	ssub.s32 $0x0, s20;
	[sflag:s22] =	ssyncset.done $0x0  }
0xa0: {  	[sflag:s22] =	ssyncadd.s32 s4;
	_ =	sdelay $0x1  }
0xa1: {  	s23 =	simm.s32 $0x1B8B  }
0xa2: {  	_ =	swait.ge [sflag:s23], $0x1  }
0xa3: {  	[sflag:s23] =	ssyncset.done $0x0  }
0xa4: {  	s25 =	simm.s32 $0x1B8E;
	s24 =	sld [smem:$0x3FFE];
	[sflag:s23] =	ssyncadd.s32 $0xFFFFFFFF  }
0xa5: {  	s26 =	simm.s32 $execute0_lowered;
	[smem:$0x3FD2] =	sst s25  }
0xa6: {  	s5 =	sshll.u32 s26, $0x1;
	_ =	strace $0x80000046;
	[dreg:$0x1] =	wrdreg $0xFFFFFFFF  }
0xa7: {  	s28 =	simm.s32 $_size_execute0_lowered;
	s3 =	sadd.s32 s3, s5;
	[dreg:$0x0] =	wrdreg $0x0  }
0xa8: {  	s5 =	sshll.u32 s28, $0x1;
	[dreg:$0x2] =	wrdreg s3  }
0xa9: {  	[dreg:$0x3] =	wrdreg s5  }
0xaa: {  	[dreg:$0x4] =	wrdreg $0xC0  }
0xab: {  	_ =	task [dreg:s7], $0x5FFFF  }
0xac: {  	[dreg:$0x1] =	wrdreg $0xFFFFFFFF  }
0xad: {  	[dreg:$0x0] =	wrdreg $0x60  }
0xae: {  	[dreg:$0x2] =	wrdreg s24  }
0xaf: {  	[dreg:$0x3] =	wrdreg s2  }
0xb0: {  	[dreg:$0x4] =	wrdreg $0x6F700  }
0xb1: {  	[dreg:$0x5] =	wrdreg $0x137700  }
0xb2: {  	[dreg:$0x6] =	wrdreg $0x9  }
0xb3: {  	_ =	task.clear_ibuf [dreg:s7], $0x7FFFF;
	_ =	strace $0x90000046  }
0xb4: {  	s29 =	simm.s32 $0x9;
	_ =	strace $0x80000048  }
0xb5: {  	_ =	swait.ge [sflag:s29], $0x1  }
0xb6: {  	[sflag:s29] =	ssyncadd.s32 $0xFFFFFFFF  }
0xb7: {  	_ =	strace $0x90000048  }
0xb8: {  	_ =	sfence  }
0xb9: {  	s30 =	sld [smem:$0x0];
	_ =	sdelay $0x2  }
0xba: {  	s31 =	sshll.u32 s1, $0xD;
	s1 =	sshrl.u32 s1, $0x2  }
0xbb: {  	s3 =	sand.u32 $0x4000, s31;
	s1 =	sadd.s32 s1, s30  }
0xbc: {  	s0 =	sor.u32 s3, s0;
	s1 =	sshll.u32 s1, $0x11  }
0xbd: {  	s0 =	sor.u32 s1, s0  }
0xbe: {  	s0 =	sadd.s32 $0x8F2B, s0  }
0xbf: {  	[sflag:s0] =	ssyncadd.remote.s32 $0x1  }
0xc0: {  	_ =	sfence.sel $0xFFFF  }
0xc1: {  	[dreg:$0x0] =	wrdreg $0xFFFFFFFF;
	(pc) =	sbr.abs _section_cstart, $3  }
0xc2: {  	[dreg:$0x1] =	wrdreg $0xFFFFFFFF  }
0xc3: {  	_ =	task.clear_ibuf [dreg:s7], $0x2FFFF;
	_ =	strace $0x9FFFFFFF  }
0xc4: {  	(tm) =	ssettm $0x7FFFFFFF  }
0xc5: {  	_ =	shalt  }
tec
execute0_lowered:
.L_overlay_start_1:
0x0: {  	(tag) =	ssettag $0x1  }
0x1: {  	s0 =	rddreg [dreg:$0x0]  }
0x2: {  	s2 =	rddreg [dreg:$0x2]  }
0x3: {  	s3 =	rddreg [dreg:$0x3];
	s5 =	simm.s32 $0x0;
	s1 =	srdreg.scid  }
0x4: {  	s7 =	stileid.u32;
	[smem:$0x7FF] =	sst s5  }
0x5: {  	s1 =	sand.u32 $0x1, s1;
	s4 =	smul.u32 $0xC800, s7;
	s6 =	sadd.s32 $0x7F000, s0  }
0x6: {  	s9 =	sshll.u32 s7, $0x1;
	s7 =	sadd.s32 $0x66000, s0;
	s8 =	sadd.s32 $0x35200, s0  }
0x7: {  	_ =	strace $0x80000047;
	s11 =	smul.u32 $0x190000, s1;
	s30 =	sadd.s32 $0x1900, s4  }
0x8: {  	s9 =	sor.u32 s1, s9;
	s15 =	sadd.s32 $0x3200, s4;
	s14 =	sadd.s32 s30, s3  }
0x9: {  	s16 =	sadd.s32 $0x4B00, s4;
	s17 =	sadd.s32 s15, s2;
	[dreg:$0xc] =	wrdreg s14  }
0xa: {  	s1 =	ssub.s32 $0x2, s1;
	s18 =	sadd.s32 s16, s2;
	[dreg:$0xd] =	wrdreg s17  }
0xb: {  	s20 =	sadd.s32 $0x6400, s4;
	s19 =	sadd.s32 s16, s3;
	[dreg:$0xf] =	wrdreg s18  }
0xc: {  	s21 =	sadd.s32 $0x7D00, s4;
	s22 =	sadd.s32 s20, s2;
	[dreg:$0x10] =	wrdreg s19  }
0xd: {  	s25 =	sshrl.u32 s1, $0x1;
	s23 =	sadd.s32 s21, s2;
	[dreg:$0x11] =	wrdreg s22  }
0xe: {  	s1 =	ssub.s32 s1, s25;
	s24 =	sadd.s32 s21, s3;
	[dreg:$0x13] =	wrdreg s23  }
0xf: {  	s13 =	smul.u32 $0x190, s9;
	s31 =	smax.u32 s1, $0x1;
	[dreg:$0x14] =	wrdreg s24  }
0x10: {  	s10 =	sadd.s32 $0x4400, s0;
	s1 =	sadd.s32 s30, s2;
	[dreg:$0xa] =	wrdreg s31  }
0x11: {  	s13 =	sshrl.u32 s13, $0x3;
	s14 =	sadd.s32 s4, s3;
	[dreg:$0xb] =	wrdreg s1  }
0x12: {  	s12 =	sadd.s32 s4, s11;
	s26 =	sadd.s32 s8, s13;
	[dreg:$0x16] =	wrdreg s14  }
0x13: {  	s11 =	sadd.s32 $0x98000, s0;
	s28 =	sadd.s32 s10, s13;
	[dreg:$0x5] =	wrdreg s26  }
0x14: {  	s12 =	sshrl.u32 s12, $0x3;
	s13 =	sadd.s32 s11, s13;
	[dreg:$0x6] =	wrdreg s28  }
0x15: {  	v0 =	vimm.s32 $0xEFCDAB89;
	v1 =	vimm.s32 $0x67452301;
	s0 =	sadd.s32 s12, s0;
	s12 =	sadd.s32 s4, s2;
	[dreg:$0x7] =	wrdreg s13  }
0x16: {  	v2 =	vimm.s32 $0xDCFE98BA;
	v3 =	vimm.s32 $0x54761032;
	s25 =	sadd.s32 $0x9600, s4;
	s29 =	sadd.s32 $0xF9C00, s0;
	[dreg:$0x15] =	wrdreg s12  }
0x17: {  	v4 =	vimm.s32 $0xBA98FEDC;
	v5 =	vimm.s32 $0x32107654;
	s21 =	simm.s32 $0x1;
	s0 =	sadd.s32 $0x112C00, s0;
	[dreg:$0x8] =	wrdreg s29  }
0x18: {  	v0 =	vunpack.c.l.s4.s8 v0;
	v1 =	vunpack.c.l.s4.s8 v1;
	v2 =	vunpack.c.l.s4.s8 v2;
	s17 =	simm.s32 $0x50;
	s28 =	sadd.s32 s25, s2;
	[dreg:$0x9] =	wrdreg s0  }
0x19: {  	v3 =	vunpack.c.l.s4.s8 v3;
	v4 =	vunpack.c.l.s4.s8 v4;
	v5 =	vunpack.c.l.s4.s8 v5;
	s18 =	simm.s32 $0xA0;
	s31 =	sadd.s32 $0x30D40, s13;
	[dreg:$0x17] =	wrdreg s28  }
0x1a: {  	v0 =	vunpack.c.0.s8.s32 v0;
	v1 =	vunpack.c.0.s8.s32 v1;
	v2 =	vunpack.c.0.s8.s32 v2;
	s26 =	sadd.s32 $0xAF00, s4;
	s0 =	sadd.s32 s15, s3;
	[dreg:$0x1b] =	wrdreg s31  }
0x1b: {  	v3 =	vunpack.c.0.s8.s32 v3;
	v4 =	vunpack.c.0.s8.s32 v4;
	v5 =	vunpack.c.0.s8.s32 v5;
	s19 =	simm.s32 $0xF0;
	s29 =	sadd.s32 s26, s2;
	[dreg:$0xe] =	wrdreg s0  }
0x1c: {  	v1 =	vcombine.low v1, v0;
	s22 =	simm.s32 $0x2;
	s30 =	sadd.s32 s26, s3;
	[dreg:$0x19] =	wrdreg s29  }
0x1d: {  	v2 =	vcombine.low v3, v2;
	v3 =	vcombine.low v5, v4;
	s1 =	simm.s32 $0x0;
	s0 =	sadd.s32 s20, s3;
	[dreg:$0x1a] =	wrdreg s30  }
0x1e: {  	v0 =	vimm.f32 $0.0e+00;
	s13 =	simm.s32 $0x3;
	[dreg:$0x12] =	wrdreg s0;
	s0 =	sadd.s32 s25, s3  }
0x1f: {  	v1 =	vand.u32 $0xF, v1;
	v2 =	vand.u32 $0xF, v2;
	v3 =	vand.u32 $0xF, v3;
	s15 =	simm.s32 $0xAF0;
	s20 =	simm.s32 $0x140;
	[dreg:$0x18] =	wrdreg s0  }
.LBB2_1:
0x20: {  	[dreg:$0x1c] =	wrdreg s1  }
0x21: {  	s0 =	rddreg [dreg:$0x1];
	s31 =	simm.s32 $0x6EF0  }
0x22: {  	[tilespmem:s31], [sflag:$0x3] =	stream.linear.gather [hbm4b:s0+s5], $0x80, $0x38;
	[tilespmem:$0x1FF70] =	vst v63  }
0x23: {  	_ =	swait.ge [sflag:s13], $0x80  }
0x24: {  	[sflag:s13] =	ssyncset.done $0x0  }
0x25: {  	[sflag:s13] =	ssyncadd.s32 $0xFFFFFF80  }
0x26: {  	v4 =	vld [tilespmem:$0x6EF0]  }
0x27: {  	v5 =	vld [tilespmem:$0x6F00]  }
0x28: {  	s1 =	simm.s32 $0x0;
	s0 =	simm.s32 $0x40;
	v6 =	vld [tilespmem:$0x6F10]  }
.LBB2_2:
0x29: {  	p0 =	sne.s32 s0, $0x63C0;
	[tilespmem:s1+$0xAF0] =	vst v0;
	s1 =	smov.u32 s0;
	s0 =	sadd.s32 $0x40, s0  }
.Ltmp0:
0x2a: {  	(pc) =	sbr.rel @p0 .LBB2_2-.Ltmp0, $2  }
0x2b: {  	_ =	sdelay $0x2  }
0x2c: {  	s1 =	sshra.s32 s1, $0x2  }
0x2d: {  	[tilespmem:s1+$0xAF0] =	vst v0  }
0x2e: {  	[spmem:s12] =	stream.linear.scatter [tilespmem:s15], [sflag:$0x3], $0x1900, $0x38;
	[tilespmem:$0x1FF70] =	vst v63  }
0x2f: {  	_ =	swait.ge [sflag:s13], $0x1900  }
0x30: {  	[sflag:s13] =	ssyncset.done $0x0  }
0x31: {  	[sflag:s13] =	ssyncadd.s32 $0xFFFFE700  }
0x32: {  	[spmem:s14] =	stream.linear.scatter [tilespmem:s15], [sflag:$0x3], $0x1900, $0x38;
	[tilespmem:$0x1FF70] =	vst v63  }
0x33: {  	_ =	swait.ge [sflag:s13], $0x1900  }
0x34: {  	[sflag:s13] =	ssyncset.done $0x0  }
0x35: {  	s0 =	rddreg [dreg:$0xb];
	[sflag:s13] =	ssyncadd.s32 $0xFFFFE700  }
0x36: {  	[spmem:s0] =	stream.linear.scatter [tilespmem:s15], [sflag:$0x3], $0x1900, $0x38;
	[tilespmem:$0x1FF70] =	vst v63  }
0x37: {  	_ =	swait.ge [sflag:s13], $0x1900  }
0x38: {  	[sflag:s13] =	ssyncset.done $0x0  }
0x39: {  	s24 =	rddreg [dreg:$0xc];
	[sflag:s13] =	ssyncadd.s32 $0xFFFFE700  }
0x3a: {  	[spmem:s24] =	stream.linear.scatter [tilespmem:s15], [sflag:$0x3], $0x1900, $0x38;
	[tilespmem:$0x1FF70] =	vst v63  }
0x3b: {  	_ =	swait.ge [sflag:s13], $0x1900  }
0x3c: {  	[sflag:s13] =	ssyncset.done $0x0  }
0x3d: {  	s25 =	rddreg [dreg:$0xd];
	[sflag:s13] =	ssyncadd.s32 $0xFFFFE700  }
0x3e: {  	[spmem:s25] =	stream.linear.scatter [tilespmem:s15], [sflag:$0x3], $0x1900, $0x38;
	[tilespmem:$0x1FF70] =	vst v63  }
0x3f: {  	_ =	swait.ge [sflag:s13], $0x1900  }
0x40: {  	[sflag:s13] =	ssyncset.done $0x0  }
0x41: {  	s26 =	rddreg [dreg:$0xe];
	[sflag:s13] =	ssyncadd.s32 $0xFFFFE700  }
0x42: {  	[spmem:s26] =	stream.linear.scatter [tilespmem:s15], [sflag:$0x3], $0x1900, $0x38;
	[tilespmem:$0x1FF70] =	vst v63  }
0x43: {  	_ =	swait.ge [sflag:s13], $0x1900  }
0x44: {  	[sflag:s13] =	ssyncset.done $0x0  }
0x45: {  	s28 =	rddreg [dreg:$0xf];
	[sflag:s13] =	ssyncadd.s32 $0xFFFFE700  }
0x46: {  	[spmem:s28] =	stream.linear.scatter [tilespmem:s15], [sflag:$0x3], $0x1900, $0x38;
	[tilespmem:$0x1FF70] =	vst v63  }
0x47: {  	_ =	swait.ge [sflag:s13], $0x1900  }
0x48: {  	[sflag:s13] =	ssyncset.done $0x0  }
0x49: {  	s29 =	rddreg [dreg:$0x10];
	[sflag:s13] =	ssyncadd.s32 $0xFFFFE700  }
0x4a: {  	[spmem:s29] =	stream.linear.scatter [tilespmem:s15], [sflag:$0x3], $0x1900, $0x38;
	[tilespmem:$0x1FF70] =	vst v63  }
0x4b: {  	_ =	swait.ge [sflag:s13], $0x1900  }
0x4c: {  	[sflag:s13] =	ssyncset.done $0x0  }
0x4d: {  	s30 =	rddreg [dreg:$0x11];
	[sflag:s13] =	ssyncadd.s32 $0xFFFFE700  }
0x4e: {  	[spmem:s30] =	stream.linear.scatter [tilespmem:s15], [sflag:$0x3], $0x1900, $0x38;
	[tilespmem:$0x1FF70] =	vst v63  }
0x4f: {  	_ =	swait.ge [sflag:s13], $0x1900  }
0x50: {  	[sflag:s13] =	ssyncset.done $0x0  }
0x51: {  	s31 =	rddreg [dreg:$0x12];
	[sflag:s13] =	ssyncadd.s32 $0xFFFFE700  }
0x52: {  	[spmem:s31] =	stream.linear.scatter [tilespmem:s15], [sflag:$0x3], $0x1900, $0x38;
	[tilespmem:$0x1FF70] =	vst v63  }
0x53: {  	_ =	swait.ge [sflag:s13], $0x1900  }
0x54: {  	[sflag:s13] =	ssyncset.done $0x0  }
0x55: {  	s1 =	rddreg [dreg:$0x13];
	[sflag:s13] =	ssyncadd.s32 $0xFFFFE700  }
0x56: {  	[spmem:s1] =	stream.linear.scatter [tilespmem:s15], [sflag:$0x3], $0x1900, $0x38;
	[tilespmem:$0x1FF70] =	vst v63  }
0x57: {  	_ =	swait.ge [sflag:s13], $0x1900  }
0x58: {  	[sflag:s13] =	ssyncset.done $0x0  }
0x59: {  	s4 =	rddreg [dreg:$0x14];
	[sflag:s13] =	ssyncadd.s32 $0xFFFFE700  }
0x5a: {  	[spmem:s4] =	stream.linear.scatter [tilespmem:s15], [sflag:$0x3], $0x1900, $0x38;
	[tilespmem:$0x1FF70] =	vst v63  }
0x5b: {  	_ =	swait.ge [sflag:s13], $0x1900  }
0x5c: {  	[sflag:s13] =	ssyncset.done $0x0  }
0x5d: {  	s12 =	rddreg [dreg:$0x17];
	[sflag:s13] =	ssyncadd.s32 $0xFFFFE700  }
0x5e: {  	[spmem:s12] =	stream.linear.scatter [tilespmem:s15], [sflag:$0x3], $0x1900, $0x38;
	[tilespmem:$0x1FF70] =	vst v63  }
0x5f: {  	_ =	swait.ge [sflag:s13], $0x1900  }
0x60: {  	[sflag:s13] =	ssyncset.done $0x0  }
0x61: {  	s14 =	rddreg [dreg:$0x18];
	[sflag:s13] =	ssyncadd.s32 $0xFFFFE700  }
0x62: {  	[spmem:s14] =	stream.linear.scatter [tilespmem:s15], [sflag:$0x3], $0x1900, $0x38;
	[tilespmem:$0x1FF70] =	vst v63  }
0x63: {  	_ =	swait.ge [sflag:s13], $0x1900  }
0x64: {  	[sflag:s13] =	ssyncset.done $0x0  }
0x65: {  	s16 =	rddreg [dreg:$0x19];
	[sflag:s13] =	ssyncadd.s32 $0xFFFFE700  }
0x66: {  	[spmem:s16] =	stream.linear.scatter [tilespmem:s15], [sflag:$0x3], $0x1900, $0x38;
	[tilespmem:$0x1FF70] =	vst v63  }
0x67: {  	_ =	swait.ge [sflag:s13], $0x1900  }
0x68: {  	[sflag:s13] =	ssyncset.done $0x0  }
0x69: {  	s23 =	rddreg [dreg:$0x1a];
	[sflag:s13] =	ssyncadd.s32 $0xFFFFE700  }
0x6a: {  	[spmem:s23] =	stream.linear.scatter [tilespmem:s15], [sflag:$0x3], $0x1900, $0x38;
	[tilespmem:$0x1FF70] =	vst v63  }
0x6b: {  	_ =	swait.ge [sflag:s13], $0x1900  }
0x6c: {  	[sflag:s13] =	ssyncset.done $0x0  }
0x6d: {  	[sflag:s13] =	ssyncadd.s32 $0xFFFFE700  }
0x6e: {  	[bflag:$0x0] =	sbarrier.arrive $0xFFFF  }
0x6f: {  	s0 =	simm.s32 $0x0;
	s24 =	rddreg [dreg:$0x5]  }
0x70: {  	[tilespmem:s0], [sflag:$0x3] =	stream.linear.gather [hbm4b:s24+s0], $0x190, $0x38;
	[tilespmem:$0x1FF70] =	vst v63  }
0x71: {  	_ =	swait.ge [sflag:s13], $0x190  }
0x72: {  	[sflag:s13] =	ssyncset.done $0x0  }
0x73: {  	s4 =	simm.s32 $0x190;
	s25 =	rddreg [dreg:$0x6];
	[sflag:s13] =	ssyncadd.s32 $0xFFFFFE70  }
0x74: {  	[tilespmem:s4], [sflag:$0x3] =	stream.linear.gather [hbm4b:s25+s0], $0x190, $0x38;
	[tilespmem:$0x1FF70] =	vst v63  }
0x75: {  	_ =	swait.ge [sflag:s13], $0x190  }
0x76: {  	[sflag:s13] =	ssyncset.done $0x0  }
0x77: {  	s28 =	simm.s32 $0x4B0;
	s26 =	rddreg [dreg:$0x7];
	[sflag:s13] =	ssyncadd.s32 $0xFFFFFE70  }
0x78: {  	[tilespmem:s28], [sflag:$0x1] =	stream.linear.gather [hbm4b:s26+s0], $0x190, $0x38;
	[tilespmem:$0x1FF70] =	vst v63  }
0x79: {  	s30 =	simm.s32 $0x7D0;
	s29 =	rddreg [dreg:$0x1b]  }
0x7a: {  	[tilespmem:s30], [sflag:$0x1] =	stream.linear.gather [hbm4b:s29+s0], $0x190, $0x38;
	[tilespmem:$0x1FF70] =	vst v63  }
0x7b: {  	_ = 	snop  }
0x7c: {  	[tilespmem:s15], [sflag:$0x1] =	stream.indirect.gather [hbm4b:s6+s17], $0x10, s0, s17, $0xb8;
	[tilespmem:$0x1FF70] =	vst v63  }
0x7d: {  	s31 =	simm.s32 $0x3CF0  }
0x7e: {  	[tilespmem:s31], [sflag:$0x1] =	stream.indirect.gather [hbm4b:s7+s17], $0x10, s4, s17, $0xb8;
	[tilespmem:$0x1FF70] =	vst v63  }
0x7f: {  	s4 =	simm.s32 $0xFF0  }
0x80: {  	[tilespmem:s4], [sflag:$0x1] =	stream.indirect.gather [hbm4b:s6+s17], $0x10, s17, s17, $0xb8;
	[tilespmem:$0x1FF70] =	vst v63  }
0x81: {  	s12 =	simm.s32 $0x1E0;
	s14 =	simm.s32 $0x41F0  }
0x82: {  	[tilespmem:s14], [sflag:$0x1] =	stream.indirect.gather [hbm4b:s7+s17], $0x10, s12, s17, $0xb8;
	[tilespmem:$0x1FF70] =	vst v63  }
0x83: {  	s16 =	simm.s32 $0x14F0  }
0x84: {  	[tilespmem:s16], [sflag:$0x1] =	stream.indirect.gather [hbm4b:s6+s17], $0x10, s18, s17, $0xb8;
	[tilespmem:$0x1FF70] =	vst v63  }
0x85: {  	s23 =	simm.s32 $0x230;
	s24 =	simm.s32 $0x46F0  }
0x86: {  	[tilespmem:s24], [sflag:$0x1] =	stream.indirect.gather [hbm4b:s7+s17], $0x10, s23, s17, $0xb8;
	[tilespmem:$0x1FF70] =	vst v63  }
0x87: {  	s25 =	simm.s32 $0x19F0  }
0x88: {  	[tilespmem:s25], [sflag:$0x1] =	stream.indirect.gather [hbm4b:s6+s17], $0x10, s19, s17, $0xb8;
	[tilespmem:$0x1FF70] =	vst v63  }
0x89: {  	s26 =	simm.s32 $0x280;
	s28 =	simm.s32 $0x4BF0  }
0x8a: {  	[tilespmem:s28], [sflag:$0x1] =	stream.indirect.gather [hbm4b:s7+s17], $0x10, s26, s17, $0xb8;
	[tilespmem:$0x1FF70] =	vst v63  }
0x8b: {  	s29 =	simm.s32 $0x1EF0  }
0x8c: {  	[tilespmem:s29], [sflag:$0x1] =	stream.indirect.gather [hbm4b:s6+s17], $0x10, s20, s17, $0xb8;
	[tilespmem:$0x1FF70] =	vst v63  }
0x8d: {  	s30 =	simm.s32 $0x2D0;
	s31 =	simm.s32 $0x50F0  }
0x8e: {  	[tilespmem:s31], [sflag:$0x1] =	stream.indirect.gather [hbm4b:s7+s17], $0x10, s30, s17, $0xb8;
	[tilespmem:$0x1FF70] =	vst v63  }
.LBB2_4:
0x8f: {  	_ =	swait.ge [sflag:s21], $0x190  }
0x90: {  	[sflag:s21] =	ssyncset.done $0x0  }
0x91: {  	[sflag:s21] =	ssyncadd.s32 $0xFFFFFE70  }
0x92: {  	_ =	swait.ge [sflag:s21], $0x190  }
0x93: {  	[sflag:s21] =	ssyncset.done $0x0  }
0x94: {  	[sflag:s21] =	ssyncadd.s32 $0xFFFFFE70  }
0x95: {  	_ =	swait.ge [sflag:s21], $0x500  }
0x96: {  	[sflag:s21] =	ssyncset.done $0x0  }
0x97: {  	[sflag:s21] =	ssyncadd.s32 $0xFFFFFB00  }
0x98: {  	_ =	swait.ge [sflag:s21], $0x500  }
0x99: {  	[sflag:s21] =	ssyncset.done $0x0  }
0x9a: {  	[sflag:s21] =	ssyncadd.s32 $0xFFFFFB00  }
0x9b: {  	_ =	swait.ge [sflag:s21], $0x500  }
0x9c: {  	[sflag:s21] =	ssyncset.done $0x0  }
0x9d: {  	[sflag:s21] =	ssyncadd.s32 $0xFFFFFB00  }
0x9e: {  	_ =	swait.ge [sflag:s21], $0x500  }
0x9f: {  	[sflag:s21] =	ssyncset.done $0x0  }
0xa0: {  	[sflag:s21] =	ssyncadd.s32 $0xFFFFFB00  }
0xa1: {  	_ =	swait.ge [sflag:s21], $0x500  }
0xa2: {  	[sflag:s21] =	ssyncset.done $0x0  }
0xa3: {  	[sflag:s21] =	ssyncadd.s32 $0xFFFFFB00  }
0xa4: {  	_ =	swait.ge [sflag:s21], $0x500  }
0xa5: {  	[sflag:s21] =	ssyncset.done $0x0  }
0xa6: {  	[sflag:s21] =	ssyncadd.s32 $0xFFFFFB00  }
0xa7: {  	_ =	swait.ge [sflag:s21], $0x500  }
0xa8: {  	[sflag:s21] =	ssyncset.done $0x0  }
0xa9: {  	[sflag:s21] =	ssyncadd.s32 $0xFFFFFB00  }
0xaa: {  	_ =	swait.ge [sflag:s21], $0x500  }
0xab: {  	[sflag:s21] =	ssyncset.done $0x0  }
0xac: {  	[sflag:s21] =	ssyncadd.s32 $0xFFFFFB00  }
0xad: {  	_ =	swait.ge [sflag:s21], $0x500  }
0xae: {  	[sflag:s21] =	ssyncset.done $0x0  }
0xaf: {  	[sflag:s21] =	ssyncadd.s32 $0xFFFFFB00  }
0xb0: {  	_ =	swait.ge [sflag:s21], $0x500  }
0xb1: {  	p0 =	seq.s32 s0, $0x0;
	[sflag:s21] =	ssyncset.done $0x0  }
0xb2: {  	s1 =	simm.s32 @!p0 $0x2;
	[sflag:s21] =	ssyncadd.s32 $0xFFFFFB00  }
0xb3: {  	_ =	swait.ge @!p0 [sflag:s1], $0x500  }
0xb4: {  	[sflag:s1] =	ssyncset.done @!p0 $0x0  }
0xb5: {  	[sflag:s1] =	ssyncadd.s32 @!p0 $0xFFFFFB00  }
0xb6: {  	_ =	swait.ge @!p0 [sflag:s1], $0x500  }
0xb7: {  	[sflag:s1] =	ssyncset.done @!p0 $0x0  }
0xb8: {  	[sflag:s1] =	ssyncadd.s32 @!p0 $0xFFFFFB00  }
0xb9: {  	_ =	swait.ge @!p0 [sflag:s1], $0x500  }
0xba: {  	[sflag:s1] =	ssyncset.done @!p0 $0x0  }
0xbb: {  	[sflag:s1] =	ssyncadd.s32 @!p0 $0xFFFFFB00  }
0xbc: {  	_ =	swait.ge @!p0 [sflag:s1], $0x500  }
0xbd: {  	[sflag:s1] =	ssyncset.done @!p0 $0x0  }
0xbe: {  	[sflag:s1] =	ssyncadd.s32 @!p0 $0xFFFFFB00  }
0xbf: {  	_ =	swait.ge @!p0 [sflag:s1], $0x500  }
0xc0: {  	[sflag:s1] =	ssyncset.done @!p0 $0x0  }
0xc1: {  	[sflag:s1] =	ssyncadd.s32 @!p0 $0xFFFFFB00  }
0xc2: {  	_ =	swait.ge @!p0 [sflag:s1], $0x500  }
0xc3: {  	[sflag:s1] =	ssyncset.done @!p0 $0x0  }
0xc4: {  	[sflag:s1] =	ssyncadd.s32 @!p0 $0xFFFFFB00  }
0xc5: {  	_ =	swait.ge @!p0 [sflag:s1], $0x500  }
0xc6: {  	[sflag:s1] =	ssyncset.done @!p0 $0x0  }
0xc7: {  	[sflag:s1] =	ssyncadd.s32 @!p0 $0xFFFFFB00  }
0xc8: {  	_ =	swait.ge @!p0 [sflag:s1], $0x500  }
0xc9: {  	[sflag:s1] =	ssyncset.done @!p0 $0x0  }
0xca: {  	p1 =	seq.s32 @!p0 s0, $0x7C;
	[sflag:s1] =	ssyncadd.s32 @!p0 $0xFFFFFB00  }
0xcb: {  	p1 =	por p0, !p1;
	_ =	swait.ge @!p0 [sflag:s1], $0x500  }
.Ltmp1:
0xcc: {  	[sflag:s1] =	ssyncset.done @!p0 $0x0;
	(pc) =	sbr.rel @!p1 .LBB2_6-.Ltmp1, $4  }
0xcd: {  	[sflag:s1] =	ssyncadd.s32 @!p0 $0xFFFFFB00  }
0xce: {  	_ =	swait.ge @!p0 [sflag:s1], $0x500  }
0xcf: {  	[sflag:s1] =	ssyncset.done @!p0 $0x0  }
0xd0: {  	s25 =	sand.u32 $0x1, s0;
	s24 =	simm.s32 @!p0 $0x7D;
	[sflag:s1] =	ssyncadd.s32 @!p0 $0xFFFFFB00  }
0xd1: {  	s24 =	sadd.s32 @!p0 $0x1, s0  }
0xd2: {  	s24 =	simm.s32 @p0 $0x1  }
0xd3: {  	s4 =	sshll.u32 s24, $0x5  }
0xd4: {  	s0 =	sor.u32 s9, s4  }
0xd5: {  	s0 =	smul.u32 $0x190, s0;
	_ =	sdelay $0x1  }
0xd6: {  	s0 =	sshrl.u32 s0, $0x3  }
0xd7: {  	s1 =	sxor.u32 $0x1, s25;
	s4 =	sadd.s32 s8, s0  }
0xd8: {  	[tilespmem:s5], [sflag:$0x3] =	stream.linear.gather [hbm4b:s4+s5], $0x190, $0x38;
	[tilespmem:$0x1FF70] =	vst v63  }
0xd9: {  	s4 =	smul.u32 $0x190, s1;
	_ =	swait.ge [sflag:s13], $0x190  }
0xda: {  	[sflag:s13] =	ssyncset.done $0x0  }
0xdb: {  	s16 =	sadd.s32 s10, s0;
	s14 =	sadd.s32 $0x190, s4;
	[sflag:s13] =	ssyncadd.s32 $0xFFFFFE70  }
0xdc: {  	[tilespmem:s14], [sflag:$0x3] =	stream.linear.gather [hbm4b:s16+s5], $0x190, $0x38;
	[tilespmem:$0x1FF70] =	vst v63  }
0xdd: {  	_ =	swait.ge [sflag:s13], $0x190  }
0xde: {  	[sflag:s13] =	ssyncset.done $0x0  }
0xdf: {  	s0 =	sadd.s32 s11, s0;
	s12 =	sadd.s32 $0x4B0, s4;
	[sflag:s13] =	ssyncadd.s32 $0xFFFFFE70  }
0xe0: {  	[tilespmem:s12], [sflag:$0x1] =	stream.linear.gather [hbm4b:s0+s5], $0x190, $0x38;
	[tilespmem:$0x1FF70] =	vst v63  }
0xe1: {  	s1 =	smul.u32 $0x1900, s1;
	s23 =	sadd.s32 $0x7D0, s4;
	s0 =	sadd.s32 $0x30D40, s0  }
0xe2: {  	[tilespmem:s23], [sflag:$0x1] =	stream.linear.gather [hbm4b:s0+s5], $0x190, $0x38;
	[tilespmem:$0x1FF70] =	vst v63  }
0xe3: {  	s26 =	sadd.s32 $0xAF0, s1  }
0xe4: {  	[tilespmem:s26], [sflag:$0x1] =	stream.indirect.gather [hbm4b:s6+s17], $0x10, s5, s17, $0xb8;
	[tilespmem:$0x1FF70] =	vst v63  }
0xe5: {  	s28 =	sadd.s32 $0x3CF0, s1  }
0xe6: {  	[tilespmem:s28], [sflag:$0x1] =	stream.indirect.gather [hbm4b:s7+s17], $0x10, s14, s17, $0xb8;
	[tilespmem:$0x1FF70] =	vst v63  }
0xe7: {  	s29 =	sadd.s32 $0xFF0, s1  }
0xe8: {  	[tilespmem:s29], [sflag:$0x1] =	stream.indirect.gather [hbm4b:s6+s17], $0x10, s17, s17, $0xb8;
	[tilespmem:$0x1FF70] =	vst v63  }
0xe9: {  	s30 =	sadd.s32 $0x41F0, s1;
	s31 =	sadd.s32 $0x1E0, s4  }
0xea: {  	[tilespmem:s30], [sflag:$0x1] =	stream.indirect.gather [hbm4b:s7+s17], $0x10, s31, s17, $0xb8;
	[tilespmem:$0x1FF70] =	vst v63  }
0xeb: {  	s12 =	sadd.s32 $0x14F0, s1  }
0xec: {  	[tilespmem:s12], [sflag:$0x1] =	stream.indirect.gather [hbm4b:s6+s17], $0x10, s18, s17, $0xb8;
	[tilespmem:$0x1FF70] =	vst v63  }
0xed: {  	s16 =	sadd.s32 $0x230, s4;
	s14 =	sadd.s32 $0x46F0, s1  }
0xee: {  	[tilespmem:s14], [sflag:$0x1] =	stream.indirect.gather [hbm4b:s7+s17], $0x10, s16, s17, $0xb8;
	[tilespmem:$0x1FF70] =	vst v63  }
0xef: {  	s23 =	sadd.s32 $0x19F0, s1  }
0xf0: {  	[tilespmem:s23], [sflag:$0x1] =	stream.indirect.gather [hbm4b:s6+s17], $0x10, s19, s17, $0xb8;
	[tilespmem:$0x1FF70] =	vst v63  }
0xf1: {  	s26 =	sadd.s32 $0x4BF0, s1;
	s28 =	sadd.s32 $0x280, s4  }
0xf2: {  	[tilespmem:s26], [sflag:$0x1] =	stream.indirect.gather [hbm4b:s7+s17], $0x10, s28, s17, $0xb8;
	[tilespmem:$0x1FF70] =	vst v63  }
0xf3: {  	s29 =	sadd.s32 $0x1EF0, s1  }
0xf4: {  	[tilespmem:s29], [sflag:$0x1] =	stream.indirect.gather [hbm4b:s6+s17], $0x10, s20, s17, $0xb8;
	[tilespmem:$0x1FF70] =	vst v63  }
0xf5: {  	s30 =	sadd.s32 $0x50F0, s1;
	s31 =	sadd.s32 $0x2D0, s4  }
0xf6: {  	[tilespmem:s30], [sflag:$0x1] =	stream.indirect.gather [hbm4b:s7+s17], $0x10, s31, s17, $0xb8;
	[tilespmem:$0x1FF70] =	vst v63  }
.LBB2_6:
0xf7: {  	s0 =	smul.u32 $0x190, s25;
	_ =	sdelay $0x1  }
0xf8: {  	s1 =	smul.u32 $0x6400, s25;
	v12 =	vmov s0;
	_ =	sdelay $0x1  }
0xf9: {  	s1 =	sshrl.u32 s1, $0x2  }
0xfa: {  	s12 =	simm.s32 $0x0;
	s28 =	sadd.s32 $0xB10, s1  }
0xfb: {  	s4 =	sand.u32 $0x1F0, s12;
	v7 =	vld [tilespmem:s28+$0x10]  }
0xfc: {  	s26 =	sadd.s32 $0x3D10, s1;
	v11 =	vld.idx.msk [tilespmem:v12+s4+$0x4B0 ss:$0x1], $0xffff  }
0xfd: {  	v10 =	vld [tilespmem:s26+$0x10]  }
0xfe: {  	s14 =	simm.s32 $0x3;
	v13 =	vld.idx.msk [tilespmem:v12+s4+$0x7D0 ss:$0x1], $0xffff  }
0xff: {  	s0 =	sand.u32 $0xF, s14  }
0x100: {  	v14 =	vmov s0  }
0x101: {  	v8 =	vld [tilespmem:s28+$0xFFFFFFE0];
	v15 =	vperm.xlane v11, v14  }
0x102: {  	v9 =	vld [tilespmem:s28+$0xFFFFFFF0]  }
0x103: {  	s16 =	simm.s32 $0x1;
	v16 =	vld [tilespmem:s26+$0xFFFFFFF0];
	v10 =	vadd.f32 v10, v7;
	v14 =	vperm.xlane v13, v14;
	v15 =	vmul.f32 v15, v4  }
0x104: {  	s0 =	sand.u32 $0xD, s16;
	v17 =	vld [tilespmem:s26+$0xFFFFFFE0]  }
0x105: {  	s23 =	sand.u32 $0xC, s12;
	v14 =	vmul.f32 v14, v5;
	v10 =	vadd.f32 v10, v15;
	v15 =	vmov s0  }
0x106: {  	v18 =	vmov s23;
	v19 =	vperm.xlane v11, v15  }
0x107: {  	v10 =	vadd.f32 v10, v14;
	v14 =	vperm.xlane v13, v15;
	v15 =	vperm.xlane v11, v18  }
0x108: {  	v16 =	vadd.f32 v16, v9;
	v18 =	vperm.xlane v13, v18;
	v19 =	vmul.f32 v19, v4  }
0x109: {  	v17 =	vadd.f32 v17, v8;
	v20 =	vmul.f32 $2.000000030e-01, v10;
	v15 =	vmul.f32 v15, v4  }
0x10a: {  	s29 =	simm.s32 $0x2;
	v21 =	vld [tilespmem:s26+$0x0];
	s4 =	simm.s32 $0x4;
	v14 =	vmul.f32 v14, v5;
	v16 =	vadd.f32 v16, v19  }
0x10b: {  	s30 =	sand.u32 $0x1F0, s4;
	s0 =	sand.u32 $0xE, s29;
	v18 =	vmul.f32 v18, v5;
	v19 =	vmax.f32 v10, v20;
	v10 =	vld [tilespmem:s28+$0x0];
	v15 =	vadd.f32 v17, v15  }
0x10c: {  	v22 =	vld.idx.msk [tilespmem:v12+s30+$0x7D0 ss:$0x1], $0xffff;
	v17 =	vmul.f32 v19, v6;
	v14 =	vadd.f32 v16, v14;
	v16 =	vmov s0  }
0x10d: {  	v15 =	vadd.f32 v15, v18;
	v19 =	vperm.xlane v11, v16  }
0x10e: {  	s29 =	sand.u32 $0xC, s4;
	v16 =	vperm.xlane v13, v16;
	v18 =	vperm.xlane v17, v1  }
0x10f: {  	v27 =	vld.idx.msk [tilespmem:v12+s30+$0x4B0 ss:$0x1], $0xffff;
	v26 =	vmov s29;
	v20 =	vmul.f32 $2.000000030e-01, v14;
	v13 =	vmul.f32 $2.000000030e-01, v15  }
0x110: {  	s16 =	simm.s32 $0x5;
	s14 =	sadd.s32 $0x40, s28;
	v19 =	vmul.f32 v19, v4;
	v17 =	vadd.f32 v17, v18;
	v18 =	vadd.f32 v21, v10  }
0x111: {  	s31 =	sadd.s32 $0x40, s26;
	s1 =	sand.u32 $0xD, s16;
	s16 =	simm.s32 $0x7;
	v30 =	vperm.xlane v22, v26;
	v14 =	vmax.f32 v14, v20;
	v15 =	vmax.f32 v15, v13;
	v13 =	vld [tilespmem:s14+$0x10]  }
0x112: {  	s23 =	sand.u32 $0xF, s16;
	v21 =	vperm.xlane v17, v2;
	v18 =	vadd.f32 v18, v19;
	v19 =	vmul.f32 v16, v5;
	v16 =	vld [tilespmem:s31+$0x10]  }
0x113: {  	s12 =	simm.s32 $0x6;
	v23 =	vmov s1;
	v25 =	vmov s23;
	v14 =	vmul.f32 v14, v6  }
0x114: {  	s30 =	sand.u32 $0xE, s12;
	v26 =	vperm.xlane v27, v26;
	v30 =	vmul.f32 v30, v5;
	v17 =	vadd.f32 v17, v21  }
0x115: {  	v31 =	vld [tilespmem:s31+$0xFFFFFFE0];
	v28 =	vmov s30;
	v15 =	vmul.f32 v15, v6;
	v21 =	vperm.xlane v14, v1  }
0x116: {  	v26 =	vmul.f32 v26, v4;
	v11 =	vld [tilespmem:s14+$0xFFFFFFF0];
	v19 =	vadd.f32 v18, v19;
	v29 =	vperm.xlane v17, v3  }
0x117: {  	v20 =	vld [tilespmem:s31+$0xFFFFFFF0];
	v24 =	vperm.xlane v15, v1;
	v21 =	vadd.f32 v14, v21;
	v34 =	vadd.f32 v16, v13  }
0x118: {  	v33 =	vld [tilespmem:s31+$0x0];
	v16 =	vperm.xlane v22, v28;
	v28 =	vperm.xlane v27, v28;
	v17 =	vadd.f32 v17, v29  }
0x119: {  	v14 =	vld [tilespmem:s14+$0xFFFFFFE0];
	v24 =	vadd.f32 v15, v24;
	v29 =	vperm.xlane v22, v23;
	v22 =	vperm.xlane v22, v25  }
0x11a: {  	v15 =	vld [tilespmem:s14+$0x0];
	v32 =	vperm.xlane v21, v2;
	v23 =	vperm.xlane v27, v23;
	v17 =	vmax.f32 v17, $-6.000000000e+01  }
0x11b: {  	v18 =	vmin.f32 v17, $6.000000000e+01;
	v17 =	vmul.f32 v22, v5;
	v22 =	vperm.xlane v27, v25  }
0x11c: {  	v20 =	vadd.f32 v20, v11;
	v63 =	vperm.xlane v24, v2;
	v23 =	vmul.f32 v23, v4  }
0x11d: {  	v61 =	vadd.f32 v21, v32;
	v27 =	vmul.f32 $2.000000030e-01, v19;
	v62 =	vmul.f32 v22, v4  }
0x11e: {  	v29 =	vmul.f32 v29, v5;
	v25 =	vadd.f32 v31, v14;
	v20 =	vadd.f32 v20, v23  }
0x11f: {  	v21 =	vadd.f32 v33, v15;
	v19 =	vmax.f32 v19, v27;
	v23 =	vadd.f32 v34, v62  }
0x120: {  	v22 =	vmul.f32 v28, v4;
	v27 =	vadd.f32 v24, v63;
	v20 =	vadd.f32 v20, v29  }
0x121: {  	v19 =	vmul.f32 v19, v6;
	v17 =	vadd.f32 v23, v17;
	v23 =	vperm.xlane v61, v3  }
0x122: {  	v24 =	vadd.f32 v25, v26;
	v26 =	vperm.xlane v27, v3;
	v25 =	vmul.f32 $2.000000030e-01, v20  }
0x123: {  	v28 =	vmul.f32 $2.000000030e-01, v17;
	v29 =	vadd.f32 v61, v23;
	v23 =	vperm.xlane v19, v1  }
0x124: {  	v24 =	vadd.f32 v24, v30;
	v27 =	vadd.f32 v27, v26;
	v20 =	vmax.f32 v20, v25  }
0x125: {  	v20 =	vmul.f32 v20, v6;
	v17 =	vmax.f32 v17, v28;
	v26 =	vadd.f32 v19, v23  }
0x126: {  	s16 =	sadd.s32 $0x40, s31;
	s1 =	smov.u32 s14;
	s0 =	smul.u32 $0x1900, s25;
	v23 =	vmax.f32 v27, $-6.000000000e+01;
	v27 =	vmax.f32 v29, $-6.000000000e+01;
	v25 =	vmul.f32 v17, v6  }
.LBB2_7:
0x127: {  	v28 =	vld [tilespmem:s16+$0x0];
	v29 =	vmul.f32 $2.000000030e-01, v24;
	v21 =	vadd.f32 v21, v22;
	s14 =	sadd.s32 $0x40, s14;
	v22 =	vperm.xlane v26, v2;
	v17 =	vmovc v11;
	v30 =	vmovc v10;
	s12 =	smov.u32 s4;
	s4 =	sadd.s32 $0x4, s4  }
0x128: {  	v11 =	vmin.f32 v27, $6.000000000e+01;
	v18 =	vmul.f32 $1.442695020e+00, v18;
	v10 =	vmovc v15;
	s29 =	sand.u32 $0x1F0, s4;
	v31 =	vld [tilespmem:s14+$0x10];
	p0 =	slt.u32 s4, $0x18C;
	v32 =	vperm.xlane v25, v1  }
0x129: {  	v19 =	vld [tilespmem:s14+$0xFFFFFFE0];
	v15 =	vmax.f32 v24, v29;
	v24 =	vmul.f32 $1.442695020e+00, v11;
	v22 =	vadd.f32 v26, v22  }
0x12a: {  	v26 =	vmul.f32 v16, v5;
	v11 =	vld [tilespmem:s14+$0xFFFFFFF0];
	v16 =	vadd.f32 v25, v32;
	(erf) = vpow2.f32 v18  }
0x12b: {  	s30 =	sadd.s32 $0x5, s12;
	v15 =	vmul.f32 v15, v6;
	v18 =	vld [tilespmem:s16+$0x10];
	v25 =	vperm.xlane v22, v3  }
0x12c: {  	v23 =	vmin.f32 v23, $6.000000000e+01;
	s23 =	sadd.s32 $0x7, s12;
	s30 =	sand.u32 $0xD, s30;
	v27 =	vld [tilespmem:s16+$0xFFFFFFF0];
	v29 =	vperm.xlane v16, v2;
	(erf) = vpow2.f32 v24  }
0x12d: {  	s23 =	sand.u32 $0xF, s23;
	v32 =	vmov s30;
	v33 =	vperm.xlane v15, v1;
	v24 =	vld.idx.msk [tilespmem:v12+s29+$0x7D0 ss:$0x1], $0xffff;
	v22 =	vadd.f32 v22, v25  }
0x12e: {  	s12 =	sadd.s32 $0x6, s12;
	v23 =	vmul.f32 $1.442695020e+00, v23;
	s30 =	sand.u32 $0xC, s4;
	v34 =	vmov s23;
	v25 =	vld [tilespmem:s16+$0xFFFFFFE0];
	v16 =	vadd.f32 v16, v29  }
0x12f: {  	v36 =	vperm.xlane v20, v1;
	s12 =	sand.u32 $0xE, s12;
	v29 =	vmov s30;
	v35 =	vld.idx.msk [tilespmem:v12+s29+$0x4B0 ss:$0x1], $0xffff;
	v22 =	vmax.f32 v22, $-6.000000000e+01  }
0x130: {  	v37 =	vmov s12;
	v39 =	vperm.xlane v16, v3;
	v22 =	vmin.f32 v22, $6.000000000e+01  }
0x131: {  	v20 =	vadd.f32 v20, v36;
	v27 =	vadd.f32 v27, v11;
	v22 =	vmul.f32 $1.442695020e+00, v22  }
0x132: {  	v33 =	vadd.f32 v15, v33;
	v16 =	vadd.f32 v16, v39;
	(erf) = vpow2.f32 v23  }
0x133: {  	v36 =	vadd.f32 v18, v31;
	v23 =	vperm.xlane v24, v29;
	(erf) = vpow2.f32 v22;
	v38 =	vpop (erf)  }
0x134: {  	v39 =	vperm.xlane v20, v2;
	v22 =	vperm.xlane v24, v32;
	v15 =	vld [tilespmem:s14+$0x0];
	v18 =	vmax.f32 v16, $-6.000000000e+01  }
0x135: {  	v16 =	vperm.xlane v24, v37;
	v24 =	vperm.xlane v24, v34;
	v18 =	vmin.f32 v18, $6.000000000e+01;
	v40 =	vpop (erf)  }
0x136: {  	v26 =	vadd.f32 v21, v26;
	v29 =	vperm.xlane v35, v29;
	v23 =	vmul.f32 v23, v5  }
0x137: {  	v25 =	vadd.f32 v25, v19;
	v37 =	vperm.xlane v35, v37;
	v24 =	vmul.f32 v24, v5  }
0x138: {  	v42 =	vmul.f32 $2.000000030e-01, v26;
	v32 =	vperm.xlane v35, v32;
	v20 =	vadd.f32 v20, v39  }
0x139: {  	v41 =	vmul.f32 v22, v5;
	v22 =	vperm.xlane v35, v34;
	v21 =	vadd.f32 v28, v15  }
0x13a: {  	v26 =	vmax.f32 v26, v42;
	v28 =	vmul.f32 v32, v4;
	v32 =	vperm.xlane v33, v2  }
0x13b: {  	v35 =	vmul.f32 v38, v7;
	v7 =	vmov v13;
	v34 =	vmul.f32 v22, v4;
	v39 =	vpop (erf)  }
0x13c: {  	v22 =	vmul.f32 v37, v4;
	v13 =	vadd.f32 v27, v28;
	v8 =	vmul.f32 v39, v8;
	v27 =	vpop (erf)  }
0x13d: {  	v28 =	vmul.f32 v29, v4;
	v29 =	vadd.f32 v36, v34;
	v30 =	vmul.f32 v27, v30;
	[tilespmem:s28+$0x10] =	vst v35  }
0x13e: {  	v26 =	vmul.f32 v26, v6;
	v32 =	vadd.f32 v33, v32;
	v34 =	vadd.f32 v13, v41;
	[tilespmem:s26+$0x10] =	vst v38  }
0x13f: {  	v9 =	vmul.f32 v40, v9;
	v29 =	vadd.f32 v29, v24;
	v24 =	vperm.xlane v20, v3;
	[tilespmem:s28+$0x0] =	vst v30  }
.Ltmp2:
0x140: {  	v25 =	vadd.f32 v25, v28;
	v28 =	vmul.f32 $2.000000030e-01, v34;
	v30 =	vperm.xlane v32, v3;
	v13 =	vmovc v31;
	[tilespmem:s28+$0xFFFFFFE0] =	vst v8;
	(pc) =	sbr.rel @p0 .LBB2_7-.Ltmp2, $4  }
0x141: {  	v35 =	vperm.xlane v26, v1;
	v31 =	vmul.f32 $2.000000030e-01, v29;
	v33 =	vadd.f32 v20, v24;
	v8 =	vmovc v14;
	[tilespmem:s28+$0xFFFFFFF0] =	vst v9;
	s28 =	smov.u32 s1;
	s1 =	smov.u32 s14  }
0x142: {  	v24 =	vadd.f32 v25, v23;
	v34 =	vmax.f32 v34, v28;
	v28 =	vadd.f32 v32, v30;
	[tilespmem:s26+$0x0] =	vst v27  }
0x143: {  	v26 =	vadd.f32 v26, v35;
	v29 =	vmax.f32 v29, v31;
	v20 =	vmul.f32 v34, v6;
	[tilespmem:s26+$0xFFFFFFF0] =	vst v40  }
0x144: {  	v14 =	vmovc v19;
	v9 =	vmovc v17;
	v25 =	vmul.f32 v29, v6;
	v27 =	vmax.f32 v33, $-6.000000000e+01;
	v23 =	vmax.f32 v28, $-6.000000000e+01;
	[tilespmem:s26+$0xFFFFFFE0] =	vst v39;
	s26 =	smov.u32 s31;
	s31 =	smov.u32 s16;
	s16 =	sadd.s32 $0x40, s16  }
0x145: {  	v12 =	vadd.f32 v21, v22;
	v16 =	vmul.f32 v16, v5;
	v17 =	vmul.f32 $2.000000030e-01, v24  }
0x146: {  	v38 =	vperm.xlane v26, v2;
	v39 =	vmin.f32 v27, $6.000000000e+01;
	v18 =	vmul.f32 $1.442695020e+00, v18  }
0x147: {  	v42 =	vperm.xlane v20, v1;
	v19 =	vperm.xlane v25, v1;
	v12 =	vadd.f32 v12, v16  }
0x148: {  	v23 =	vmin.f32 v23, $6.000000000e+01;
	v21 =	vmul.f32 $1.442695020e+00, v39;
	v17 =	vmax.f32 v24, v17  }
0x149: {  	v17 =	vmul.f32 v17, v6;
	v41 =	vadd.f32 v25, v19;
	v40 =	vmul.f32 $2.000000030e-01, v12  }
0x14a: {  	v47 =	vmul.f32 $1.442695020e+00, v23;
	v16 =	vadd.f32 v26, v38;
	(erf) = vpow2.f32 v18  }
0x14b: {  	v44 =	vperm.xlane v17, v1;
	v25 =	vperm.xlane v41, v2;
	v12 =	vmax.f32 v12, v40  }
0x14c: {  	v19 =	vadd.f32 v20, v42;
	(erf) = vpow2.f32 v21;
	v12 =	vmul.f32 v12, v6  }
0x14d: {  	v43 =	vperm.xlane v16, v3;
	v17 =	vadd.f32 v17, v44;
	v18 =	vadd.f32 v41, v25  }
0x14e: {  	v46 =	vperm.xlane v19, v2;
	v45 =	vperm.xlane v12, v1  }
0x14f: {  	v16 =	vadd.f32 v16, v43;
	v48 =	vperm.xlane v17, v2;
	v50 =	vperm.xlane v18, v3  }
0x150: {  	(erf) = vpow2.f32 v47;
	v19 =	vadd.f32 v19, v46;
	v12 =	vadd.f32 v12, v45  }
0x151: {  	v16 =	vmax.f32 v16, $-6.000000000e+01;
	v17 =	vadd.f32 v17, v48;
	v18 =	vadd.f32 v18, v50  }
0x152: {  	v16 =	vmin.f32 v16, $6.000000000e+01;
	v51 =	vperm.xlane v19, v3;
	v49 =	vperm.xlane v12, v2  }
0x153: {  	v16 =	vmul.f32 $1.442695020e+00, v16;
	v52 =	vperm.xlane v17, v3;
	v18 =	vmax.f32 v18, $-6.000000000e+01  }
0x154: {  	v53 =	vadd.f32 v19, v51;
	v18 =	vmin.f32 v18, $6.000000000e+01;
	v12 =	vadd.f32 v12, v49  }
0x155: {  	v17 =	vadd.f32 v17, v52;
	v18 =	vmul.f32 $1.442695020e+00, v18  }
0x156: {  	(erf) = vpow2.f32 v16;
	v16 =	vmax.f32 v53, $-6.000000000e+01;
	v54 =	vperm.xlane v12, v3  }
0x157: {  	v16 =	vmin.f32 v16, $6.000000000e+01;
	v17 =	vmax.f32 v17, $-6.000000000e+01;
	(erf) = vpow2.f32 v18  }
0x158: {  	v16 =	vmul.f32 $1.442695020e+00, v16;
	v17 =	vmin.f32 v17, $6.000000000e+01;
	v12 =	vadd.f32 v12, v54  }
0x159: {  	v55 =	vpop (erf);
	v17 =	vmul.f32 $1.442695020e+00, v17  }
0x15a: {  	v56 =	vpop (erf);
	v7 =	vmul.f32 v55, v7;
	(erf) = vpow2.f32 v16;
	v12 =	vmax.f32 v12, $-6.000000000e+01  }
0x15b: {  	v57 =	vpop (erf);
	(erf) = vpow2.f32 v17;
	v12 =	vmin.f32 v12, $6.000000000e+01  }
0x15c: {  	[tilespmem:s28+$0x10] =	vst v7;
	v7 =	vmul.f32 v57, v8;
	v12 =	vmul.f32 $1.442695020e+00, v12  }
0x15d: {  	v8 =	vmul.f32 v56, v9;
	[tilespmem:s26+$0x10] =	vst v55  }
0x15e: {  	[tilespmem:s28+$0xFFFFFFE0] =	vst v7;
	(erf) = vpow2.f32 v12  }
0x15f: {  	[tilespmem:s28+$0xFFFFFFF0] =	vst v8;
	v58 =	vpop (erf)  }
0x160: {  	[tilespmem:s26+$0xFFFFFFF0] =	vst v56;
	v10 =	vmul.f32 v58, v10;
	v7 =	vpop (erf)  }
0x161: {  	[tilespmem:s26+$0xFFFFFFE0] =	vst v57;
	v59 =	vmul.f32 v7, v13  }
0x162: {  	[tilespmem:s28+$0x0] =	vst v10  }
0x163: {  	v8 =	vpop (erf);
	[tilespmem:s1+$0x10] =	vst v59  }
0x164: {  	v60 =	vpop (erf);
	[tilespmem:s31+$0x10] =	vst v7;
	v7 =	vmul.f32 v8, v11  }
0x165: {  	[tilespmem:s26+$0x0] =	vst v58;
	v63 =	vmul.f32 v60, v14  }
0x166: {  	[tilespmem:s1+$0xFFFFFFF0] =	vst v7  }
0x167: {  	[tilespmem:s1+$0xFFFFFFE0] =	vst v63;
	v61 =	vpop (erf)  }
0x168: {  	s28 =	smul.u32 $0x640, s25;
	[tilespmem:s31+$0xFFFFFFF0] =	vst v8;
	v62 =	vmul.f32 v61, v15  }
0x169: {  	[tilespmem:s31+$0xFFFFFFE0] =	vst v60  }
0x16a: {  	[tilespmem:s1+$0x0] =	vst v62;
	s1 =	sshrl.u32 s28, $0x2  }
0x16b: {  	s4 =	sadd.s32 $0xAF0, s0;
	[tilespmem:s31+$0x0] =	vst v61;
	s12 =	sadd.s32 $0x190, s1  }
0x16c: {  	[spmem:s2] =	stream.indirect.scatter.add.f32 [tilespmem:s4], [sflag:$0x2], $0x10, s12, s17, $0xb8;
	[tilespmem:$0x1FF70] =	vst v63  }
0x16d: {  	s29 =	sadd.s32 $0x3CF0, s0  }
0x16e: {  	[spmem:s3] =	stream.indirect.scatter.add.f32 [tilespmem:s29], [sflag:$0x2], $0x10, s12, s17, $0xb8;
	[tilespmem:$0x1FF70] =	vst v63  }
0x16f: {  	s30 =	sadd.s32 $0xFF0, s0;
	s31 =	sadd.s32 $0x1E0, s1  }
0x170: {  	[spmem:s2] =	stream.indirect.scatter.add.f32 [tilespmem:s30], [sflag:$0x2], $0x10, s31, s17, $0xb8;
	[tilespmem:$0x1FF70] =	vst v63  }
0x171: {  	s14 =	sadd.s32 $0x41F0, s0  }
0x172: {  	[spmem:s3] =	stream.indirect.scatter.add.f32 [tilespmem:s14], [sflag:$0x2], $0x10, s31, s17, $0xb8;
	[tilespmem:$0x1FF70] =	vst v63  }
0x173: {  	s16 =	sadd.s32 $0x14F0, s0;
	s23 =	sadd.s32 $0x230, s1  }
0x174: {  	[spmem:s2] =	stream.indirect.scatter.add.f32 [tilespmem:s16], [sflag:$0x2], $0x10, s23, s17, $0xb8;
	[tilespmem:$0x1FF70] =	vst v63  }
0x175: {  	s25 =	sadd.s32 $0x46F0, s0  }
0x176: {  	[spmem:s3] =	stream.indirect.scatter.add.f32 [tilespmem:s25], [sflag:$0x2], $0x10, s23, s17, $0xb8;
	[tilespmem:$0x1FF70] =	vst v63  }
0x177: {  	s26 =	sadd.s32 $0x19F0, s0;
	s28 =	sadd.s32 $0x280, s1  }
0x178: {  	[spmem:s2] =	stream.indirect.scatter.add.f32 [tilespmem:s26], [sflag:$0x2], $0x10, s28, s17, $0xb8;
	[tilespmem:$0x1FF70] =	vst v63  }
0x179: {  	p0 =	slt.u32 s24, $0x7D;
	s29 =	sadd.s32 $0x4BF0, s0  }
0x17a: {  	[spmem:s3] =	stream.indirect.scatter.add.f32 [tilespmem:s29], [sflag:$0x2], $0x10, s28, s17, $0xb8;
	[tilespmem:$0x1FF70] =	vst v63  }
.Ltmp3:
0x17b: {  	_ = 	snop;
	(pc) =	sbr.rel @p0 .LBB2_4-.Ltmp3, $4  }
0x17c: {  	s1 =	sadd.s32 $0x2D0, s1;
	s30 =	sadd.s32 $0x1EF0, s0  }
0x17d: {  	[spmem:s2] =	stream.indirect.scatter.add.f32 [tilespmem:s30], [sflag:$0x2], $0x10, s1, s17, $0xb8;
	[tilespmem:$0x1FF70] =	vst v63  }
0x17e: {  	s31 =	sadd.s32 $0x50F0, s0;
	s0 =	smov.u32 s24  }
0x17f: {  	[spmem:s3] =	stream.indirect.scatter.add.f32 [tilespmem:s31], [sflag:$0x2], $0x10, s1, s17, $0xb8;
	[tilespmem:$0x1FF70] =	vst v63  }
0x180: {  	_ =	swait.ge [sflag:s22], $0x500  }
0x181: {  	[sflag:s22] =	ssyncset.done $0x0  }
0x182: {  	[sflag:s22] =	ssyncadd.s32 $0xFFFFFB00  }
0x183: {  	_ =	swait.ge [sflag:s22], $0x500  }
0x184: {  	[sflag:s22] =	ssyncset.done $0x0  }
0x185: {  	[sflag:s22] =	ssyncadd.s32 $0xFFFFFB00  }
0x186: {  	_ =	swait.ge [sflag:s22], $0x500  }
0x187: {  	[sflag:s22] =	ssyncset.done $0x0  }
0x188: {  	[sflag:s22] =	ssyncadd.s32 $0xFFFFFB00  }
0x189: {  	_ =	swait.ge [sflag:s22], $0x500  }
0x18a: {  	[sflag:s22] =	ssyncset.done $0x0  }
0x18b: {  	[sflag:s22] =	ssyncadd.s32 $0xFFFFFB00  }
0x18c: {  	_ =	swait.ge [sflag:s22], $0x500  }
0x18d: {  	[sflag:s22] =	ssyncset.done $0x0  }
0x18e: {  	[sflag:s22] =	ssyncadd.s32 $0xFFFFFB00  }
0x18f: {  	_ =	swait.ge [sflag:s22], $0x500  }
0x190: {  	[sflag:s22] =	ssyncset.done $0x0  }
0x191: {  	[sflag:s22] =	ssyncadd.s32 $0xFFFFFB00  }
0x192: {  	_ =	swait.ge [sflag:s22], $0x500  }
0x193: {  	[sflag:s22] =	ssyncset.done $0x0  }
0x194: {  	[sflag:s22] =	ssyncadd.s32 $0xFFFFFB00  }
0x195: {  	_ =	swait.ge [sflag:s22], $0x500  }
0x196: {  	[sflag:s22] =	ssyncset.done $0x0  }
0x197: {  	[sflag:s22] =	ssyncadd.s32 $0xFFFFFB00  }
0x198: {  	_ =	swait.ge [sflag:s22], $0x500  }
0x199: {  	[sflag:s22] =	ssyncset.done $0x0  }
0x19a: {  	[sflag:s22] =	ssyncadd.s32 $0xFFFFFB00  }
0x19b: {  	_ =	swait.ge [sflag:s22], $0x500  }
0x19c: {  	[sflag:s22] =	ssyncset.done $0x0  }
0x19d: {  	[sflag:s22] =	ssyncadd.s32 $0xFFFFFB00  }
0x19e: {  	s0 =	stileid.u32;
	[bflag:$0x0] =	sbarrier.arrive $0xFFFF  }
0x19f: {  	s0 =	sshll.u32 s0, $0x6;
	s12 =	rddreg [dreg:$0x15]  }
0x1a0: {  	s0 =	sor.u32 $0x1C03, s0;
	s4 =	rddreg [dreg:$0x8];
	s1 =	sshrl.u32 s12, $0x3  }
0x1a1: {  	[hbm:s4], [sflag:s0] =	dma.local [spmem:s1], $0x1900  }
0x1a2: {  	_ =	swait.ge [sflag:s13], $0x1900  }
0x1a3: {  	[sflag:s13] =	ssyncset.done $0x0;
	s14 =	rddreg [dreg:$0x16]  }
0x1a4: {  	s29 =	rddreg [dreg:$0x9];
	[sflag:s13] =	ssyncadd.s32 $0xFFFFE700;
	s28 =	sshrl.u32 s14, $0x3  }
0x1a5: {  	[hbm:s29], [sflag:s0] =	dma.local [spmem:s28], $0x1900  }
0x1a6: {  	_ =	swait.ge [sflag:s13], $0x1900  }
0x1a7: {  	s30 =	rddreg [dreg:$0x1c]  }
0x1a8: {  	s31 =	rddreg [dreg:$0xa];
	s1 =	sadd.s32 $0x1, s30  }
0x1a9: {  	p0 =	sne.s32 s1, s31  }
.Ltmp4:
0x1aa: {  	_ = 	snop;
	(pc) =	sbr.rel @p0 .LBB2_1-.Ltmp4, $3  }
0x1ab: {  	_ =	sdelay $0x1  }
0x1ac: {  	[sflag:s13] =	ssyncset.done $0x0  }
0x1ad: {  	[sflag:s13] =	ssyncadd.s32 $0xFFFFE700  }
0x1ae: {  	_ =	sfence.sel $0x180000  }
0x1af: {  	[bflag:$0x0] =	sbarrier.arrive $0xFFFF  }
0x1b0: {  	_ =	strace $0x90000047  }
0x1b1: {  	s0 =	stileid.u32;
	[bflag:$0x2] =	sbarrier.arrive $0xFFFF  }
0x1b2: {  	p0 =	sne.s32 s0, $0x0;
	s0 =	rddreg [dreg:$0x4]  }
0x1b3: {  	s0 =	sadd.s32 @!p0 $0x100000, s0  }
0x1b4: {  	[sflag:s0] =	ssyncadd.tile.s32 @!p0 $0x1;
	_ =	shalt  }
.Lfunc_end2:
_tile_overlayer_lowered:
.L_overlay_start_2:
0x1b5: {  	(tag) =	ssettag $0x2  }
0x1b6: {  	s0 =	rddreg [dreg:$0x0];
	s2 =	stileid.u32  }
0x1b7: {  	s1 =	rddreg [dreg:$0x1];
	p0 =	sne.s32 s2, $0x0  }
0x1b8: {  	s3 =	rddreg [dreg:$0x2];
	[bflag:$0x3] =	sbarrier.arrive $0xFFFF;
	s2 =	simm.s32 @!p0 $0x1C03  }
0x1b9: {  	[timem:s3], [sflag:s2] =	dma.local @!p0 [hbm:s0], s1  }
0x1ba: {  	s0 =	simm.s32 @!p0 $0x3  }
0x1bb: {  	_ =	swait.ge @!p0 [sflag:s0], s1  }
0x1bc: {  	s1 =	ssub.s32 @!p0 $0x0, s1;
	[sflag:s0] =	ssyncset.done @!p0 $0x0  }
0x1bd: {  	[sflag:s0] =	ssyncadd.s32 @!p0 s1  }
0x1be: {  	[bflag:$0x3] =	sbarrier.arrive $0xFFFF  }
0x1bf: {  	_ =	shalt  }

</sc_bundles>
